<compile_context>
chip_gen: v7x
topology: tpu7x:2x2x1
jax: 0.10.2.dev20260603
libtpu: 0.0.44.dev20260713+nightly
codegen_flags: <defaults>
</compile_context>

<pallas_src>
import functools

import jax
import jax.numpy as jnp
from jax import lax
from jax.experimental import pallas as pl
from jax.experimental.pallas import tpu as pltpu
from jax.experimental.pallas import tpu_sc as plsc

D = 64
NR = 6
C36 = NR * NR
L = 50
U = 20
LS = 20
EPS = 1e-10
BB = 256


def _make_sc_gather(B):
    info = plsc.get_sparse_core_info()
    nc, ns = info.num_cores, info.num_subcores
    nw = nc * ns
    bpw = B // nw
    mesh = plsc.VectorSubcoreMesh(core_axis_name="c", subcore_axis_name="s")

    @functools.partial(
        pl.kernel,
        mesh=mesh,
        out_type=[
            jax.ShapeDtypeStruct((B, 2 * D), jnp.float32),
            jax.ShapeDtypeStruct((B, 2 * D), jnp.float32),
        ],
        scratch_types=[
            pltpu.VMEM((bpw,), jnp.int32),
            pltpu.VMEM((bpw, 2 * D), jnp.float32),
            pltpu.SemaphoreType.DMA,
        ],
    )
    def gather2(user_hbm, uids_hbm, item_hbm, iids_hbm, pu_hbm, qi_hbm,
                idx_v, rows_v, sem):
        wid = lax.axis_index("s") * nc + lax.axis_index("c")
        base = wid * bpw
        pltpu.sync_copy(uids_hbm.at[pl.ds(base, bpw)], idx_v)
        pltpu.async_copy(user_hbm.at[idx_v], rows_v, sem).wait()
        pltpu.sync_copy(rows_v, pu_hbm.at[pl.ds(base, bpw)])
        pltpu.sync_copy(iids_hbm.at[pl.ds(base, bpw)], idx_v)
        pltpu.async_copy(item_hbm.at[idx_v], rows_v, sem).wait()
        pltpu.sync_copy(rows_v, qi_hbm.at[pl.ds(base, bpw)])

    return gather2


def _dot(a, b):
    return lax.dot_general(a, b, (((1,), (0,)), ((), ())),
                           precision=lax.Precision.DEFAULT,
                           preferred_element_type=jnp.float32)


def _scores(s1, t1, ab1, aw2, ab2, m):
    cols = []
    for c in range(C36):
        pre = jax.nn.relu(s1 + t1[c:c + 1, :] + ab1)
        cols.append(jnp.sum(pre * aw2, axis=1, keepdims=True))
    return jnp.concatenate(cols, axis=1) + ab2


def _countsT(pairs, n):
    m = pairs.shape[0]
    xT = jnp.transpose(pairs)
    iota = lax.broadcasted_iota(jnp.int32, (C36, m), 0)
    acc = jnp.zeros((C36, m), jnp.float32)
    for l in range(n):
        idr = xT[2 * l:2 * l + 1, :]
        code = jnp.where(idr > 0, idr * NR + xT[2 * l + 1:2 * l + 2, :], -1)
        acc = acc + (code == iota).astype(jnp.float32)
    return acc


def _half_select(rows2, par):
    sel = (par == 1)
    return jnp.where(sel, rows2[:, D:], rows2[:, :D])


def _tc_body(refs):
    (pu2, pu_par, qi2, qi_par, xi, xu, u6,
     ui_pairs, iu_pairs, s_pairs, jrow, segm, segmT,
     ug1, ug1b, ug2, ug2b, ua1, ua1b, ua2, ua2b, uag, uagb,
     ig1, ig1b, ig2, ig2b, ia1, ia1b, ia2, ia2b, iag, iagb,
     sg1, sg1b, sg2, sg2b, sa1, sa1b, sa2, sa2b, sag, sagb,
     r1, r1b, r2, r2b, rwa, r1bc, r2c, out) = refs

    def table(xcombo, g1, g1b, g2, g2b, a1):
        xia = _dot(jnp.tanh(_dot(xcombo, g1[...]) + g1b[...]), g2[...]) + g2b[...]
        t1 = _dot(xia, a1[...][:D, :])
        return xia, t1

    def branch(emb_rows, xcombo, pairs, nlist, g1, g1b, g2, g2b,
               a1, a1b, a2, a2b, ag, agb):
        xia, t1 = table(xcombo, g1, g1b, g2, g2b, a1)
        s1 = _dot(emb_rows, a1[...][D:, :])
        sc = _scores(s1, t1, a1b[...], a2[...], a2b[...], emb_rows.shape[0])
        w = jnp.transpose(_countsT(pairs, nlist)) * jnp.exp(sc)
        den = jnp.sum(w, axis=1, keepdims=True) + EPS
        h = _dot(w, xia) / den
        return jnp.tanh(_dot(h, ag[...]) + agb[...])

    pu = _half_select(pu2[...], pu_par[...])
    qi = _half_select(qi2[...], qi_par[...])
    h_iI = branch(pu, xi[...], ui_pairs[...], L,
                  ug1, ug1b, ug2, ug2b, ua1, ua1b, ua2, ua2b, uag, uagb)
    z_jU = branch(qi, xu[...], iu_pairs[...], L,
                  ig1, ig1b, ig2, ig2b, ia1, ia1b, ia2, ia2b, iag, iagb)

    xia_s, t1_s = table(xi[...], sg1, sg1b, sg2, sg2b, sa1)
    s1_s = _dot(u6[...], sa1[...][D:, :])
    exp_s = jnp.exp(_scores(s1_s, t1_s, sa1b[...], sa2[...], sa2b[...], NR))

    m = BB * U
    jc = jrow[...]
    cntT = _countsT(s_pairs[...], LS)
    oh6 = (jc == lax.broadcasted_iota(jnp.int32, (NR, m), 0)).astype(jnp.float32)
    egT = _dot(jnp.transpose(exp_s), oh6)
    w_sT = cntT * egT
    denT = jnp.sum(w_sT, axis=0, keepdims=True) + EPS
    hsT = _dot(jnp.transpose(xia_s), w_sT) / denT
    h_oIT = jnp.tanh(_dot(sag[...], hsT) + sagb[...])

    r1m = r1[...]
    r2row = r2[...]
    zr = _dot(z_jU, r1m[D:, :])
    r_ij = jnp.sum(jax.nn.relu(_dot(h_iI, r1m[:D, :]) + zr + r1b[...]) * r2row,
                   axis=1, keepdims=True) + r2b[...]

    zrepT = _dot(jnp.transpose(zr), segmT[...])
    pre_sT = jax.nn.relu(_dot(rwa[...], h_oIT) + zrepT + r1bc[...])
    r_allT = jnp.sum(pre_sT * r2c[...], axis=0, keepdims=True) + r2b[...]
    mskT = (jc > 0).astype(jnp.float32)
    pair2 = jnp.concatenate([r_allT * mskT, mskT], axis=0)
    sm = jnp.transpose(_dot(pair2, segm[...]))
    out[...] = r_ij + sm[:, 0:1] / (sm[:, 1:2] + EPS)


def _tc_specs(B):
    nb = B // BB

    def blk(i):
        return lambda b: (b, 0)

    def rep():
        return lambda b: (0, 0)

    in_specs = [
        pl.BlockSpec((BB, 2 * D), blk(0)),
        pl.BlockSpec((BB, 1), blk(0)),
        pl.BlockSpec((BB, 2 * D), blk(0)),
        pl.BlockSpec((BB, 1), blk(0)),
        pl.BlockSpec((C36, 2 * D), rep()),
        pl.BlockSpec((C36, 2 * D), rep()),
        pl.BlockSpec((NR, D), rep()),
        pl.BlockSpec((BB, 2 * L), blk(0)),
        pl.BlockSpec((BB, 2 * L), blk(0)),
        pl.BlockSpec((BB * U, 2 * LS), blk(0)),
        pl.BlockSpec((1, BB * U), lambda b: (0, b)),
        pl.BlockSpec((BB * U, BB), rep()),
        pl.BlockSpec((BB, BB * U), rep()),
    ]
    for gi in range(3):
        in_specs += [
            pl.BlockSpec((2 * D, D), rep()),
            pl.BlockSpec((1, D), rep()),
            pl.BlockSpec((D, D), rep()),
            pl.BlockSpec((1, D), rep()),
            pl.BlockSpec((2 * D, D), rep()),
            pl.BlockSpec((1, D), rep()),
            pl.BlockSpec((1, D), rep()),
            pl.BlockSpec((1, 1), rep()),
            pl.BlockSpec((D, D), rep()),
            pl.BlockSpec((D, 1) if gi == 2 else (1, D), rep()),
        ]
    in_specs += [
        pl.BlockSpec((2 * D, D), rep()),
        pl.BlockSpec((1, D), rep()),
        pl.BlockSpec((1, D), rep()),
        pl.BlockSpec((1, 1), rep()),
        pl.BlockSpec((D, D), rep()),
        pl.BlockSpec((D, 1), rep()),
        pl.BlockSpec((D, 1), rep()),
    ]
    out_spec = pl.BlockSpec((BB, 1), blk(0))
    return nb, in_specs, out_spec


def _tc_call(B, args):
    nb, in_specs, out_spec = _tc_specs(B)
    return pl.pallas_call(
        lambda *refs: _tc_body(refs),
        grid=(nb,),
        in_specs=in_specs,
        out_specs=out_spec,
        out_shape=jax.ShapeDtypeStruct((B, 1), jnp.float32),
    )(*args)


def _wgroup(blk, social=False):
    def wt(p):
        return p['W'].T
    def row(p):
        return p['b'].reshape(1, -1)
    g, a, ag = blk['g'], blk['att'], blk['aggre']
    if social:
        ag_w, ag_b = ag['W'], ag['b'].reshape(D, 1)
    else:
        ag_w, ag_b = wt(ag), row(ag)
    return [wt(g['l1']), row(g['l1']), wt(g['l2']), row(g['l2']),
            wt(a['l1']), row(a['l1']), a['l2']['W'].reshape(1, D),
            a['l2']['b'].reshape(1, 1), ag_w, ag_b]


def kernel(uids, iids, u_item_pad, u_user_pad, u_user_item_pad, i_user_pad, params):
    B = uids.shape[0]
    uids = uids.astype(jnp.int32)
    iids = iids.astype(jnp.int32)
    nu = params['user_emb'].shape[0]
    ni = params['item_emb'].shape[0]
    pu2, qi2 = _make_sc_gather(B)(
        params['user_emb'].reshape(nu // 2, 2 * D), uids // 2,
        params['item_emb'].reshape(ni // 2, 2 * D), iids // 2)
    pu_par = (uids % 2).reshape(B, 1)
    qi_par = (iids % 2).reshape(B, 1)

    item6 = params['item_emb'][:NR]
    user6 = params['user_emb'][:NR]
    rate6 = params['rate_emb'][:NR]
    c0 = jnp.repeat(jnp.arange(NR), NR)
    c1 = jnp.tile(jnp.arange(NR), NR)
    xi = jnp.concatenate([item6[c0], rate6[c1]], axis=1)
    xu = jnp.concatenate([user6[c0], rate6[c1]], axis=1)

    i32 = jnp.int32
    segm = (jnp.arange(BB * U)[:, None] // U
            == jnp.arange(BB)[None, :]).astype(jnp.float32)
    args = [pu2, pu_par, qi2, qi_par, xi, xu, user6,
            u_item_pad.astype(i32).reshape(B, 2 * L),
            i_user_pad.astype(i32).reshape(B, 2 * L),
            u_user_item_pad.astype(i32).reshape(B * U, 2 * LS),
            u_user_pad[:, :, 0].astype(i32).reshape(1, B * U),
            segm, segm.T]
    args += _wgroup(params['user'])
    args += _wgroup(params['item'])
    args += _wgroup(params['social'], social=True)
    rp = params['rate_pred']
    args += [rp['l1']['W'].T, rp['l1']['b'].reshape(1, D),
             rp['l2']['W'].reshape(1, D), rp['l2']['b'].reshape(1, 1),
             rp['l1']['W'][:, :D], rp['l1']['b'].reshape(D, 1),
             rp['l2']['W'].reshape(D, 1)]

    out = _tc_call(B, args)
    return out[:, 0]

# --- scband reference (transcript-rebuilt; emitter-appended) ---
"""Pipeline reference for scband-gdsrec-61323543052500 (READ-ONLY COPY).

The authoritative reference and input builder live on the scoring server;
editing this copy changes nothing except your own understanding.
"""

import jax, jax.numpy as jnp
import numpy as np

D = 64
NU = 100000
NI = 100000
NR = 6
EPS = 1e-10


def _linear(p, x):
    return x @ p['W'].T + p['b']


def _g_mlp(p, x):
    return _linear(p['l2'], jnp.tanh(_linear(p['l1'], x)))


def _att_mlp(p, x):
    return _linear(p['l2'], jax.nn.relu(_linear(p['l1'], x)))


def _aggre(p, x):
    return jnp.tanh(_linear(p, x))


def _lin_params(k, out_d, in_d):
    k1, k2 = jax.random.split(k)
    return {'W': jax.random.normal(k1, (out_d, in_d), dtype=jnp.float32) * 0.05,
            'b': jax.random.normal(k2, (out_d,), dtype=jnp.float32) * 0.01}


def _block(k):
    ks = jax.random.split(k, 5)
    return {'g': {'l1': _lin_params(ks[0], D, 2 * D), 'l2': _lin_params(ks[1], D, D)},
            'att': {'l1': _lin_params(ks[2], D, 2 * D), 'l2': _lin_params(ks[3], 1, D)},
            'aggre': _lin_params(ks[4], D, D)}


def setup_inputs(seed: int = 0):
    key = jax.random.key(seed)
    ks = jax.random.split(key, 16)
    B, L, U, Ls = 1024, 50, 20, 20
    uids = jax.random.randint(ks[0], (B,), 0, NU)
    iids = jax.random.randint(ks[1], (B,), 0, NI)
    u_item_pad = jax.random.randint(ks[2], (B, L, 2), 0, NR)
    u_user_pad = jax.random.randint(ks[3], (B, U, 2), 0, NR)
    u_user_item_pad = jax.random.randint(ks[4], (B, U, Ls, 2), 0, NR)
    i_user_pad = jax.random.randint(ks[5], (B, L, 2), 0, NR)
    params = {
        'user_emb': (jax.random.normal(ks[6], (NU, D), dtype=jnp.float32) * 0.05).at[0].set(0.0),
        'item_emb': (jax.random.normal(ks[7], (NI, D), dtype=jnp.float32) * 0.05).at[0].set(0.0),
        'rate_emb': (jax.random.normal(ks[8], (NR, D), dtype=jnp.float32) * 0.05).at[0].set(0.0),
        'user': _block(ks[9]),
        'item': _block(ks[10]),
        'social': _block(ks[11]),
        'rate_pred': {'l1': _lin_params(ks[12], D, 2 * D), 'l2': _lin_params(ks[13], 1, D)},
    }
    return {'uids': uids, 'iids': iids, 'u_item_pad': u_item_pad, 'u_user_pad': u_user_pad,
            'u_user_item_pad': u_user_item_pad, 'i_user_pad': i_user_pad, 'params': params}


def _user_model(params, uids, u_item_pad):
    blk = params['user']
    ids = u_item_pad[:, :, 0]
    q_a = jnp.take(params['item_emb'], ids, axis=0)
    mask_u = (ids > 0).astype(jnp.float32)
    er = jnp.take(params['rate_emb'], u_item_pad[:, :, 1], axis=0)
    x_ia = _g_mlp(blk['g'], jnp.concatenate([q_a, er], axis=2))
    p_i = mask_u[:, :, None] * jnp.take(params['user_emb'], uids, axis=0)[:, None, :]
    alpha = _att_mlp(blk['att'], jnp.concatenate([x_ia, p_i], axis=2))[:, :, 0]
    alpha = jnp.exp(alpha) * mask_u
    alpha = alpha / (jnp.sum(alpha, axis=1, keepdims=True) + EPS)
    return _aggre(blk['aggre'], jnp.sum(alpha[:, :, None] * x_ia, axis=1))


def _item_model(params, iids, i_user_pad):
    blk = params['item']
    ids = i_user_pad[:, :, 0]
    p_t = jnp.take(params['user_emb'], ids, axis=0)
    mask_i = (ids > 0).astype(jnp.float32)
    er = jnp.take(params['rate_emb'], i_user_pad[:, :, 1], axis=0)
    f_jt = _g_mlp(blk['g'], jnp.concatenate([p_t, er], axis=2))
    q_j = mask_i[:, :, None] * jnp.take(params['item_emb'], iids, axis=0)[:, None, :]
    miu = _att_mlp(blk['att'], jnp.concatenate([f_jt, q_j], axis=2))[:, :, 0]
    miu = jnp.exp(miu) * mask_i
    miu = miu / (jnp.sum(miu, axis=1, keepdims=True) + EPS)
    return _aggre(blk['aggre'], jnp.sum(miu[:, :, None] * f_jt, axis=1))


def _social_model(params, u_user_pad, u_user_item_pad):
    blk = params['social']
    ids = u_user_item_pad[:, :, :, 0]
    q_a_s = jnp.take(params['item_emb'], ids, axis=0)
    mask_s = (ids > 0).astype(jnp.float32)
    er = jnp.take(params['rate_emb'], u_user_item_pad[:, :, :, 1], axis=0)
    x_ia_s = _g_mlp(blk['g'], jnp.concatenate([q_a_s, er], axis=3))
    p_i_s = mask_s[:, :, :, None] * jnp.take(params['user_emb'], u_user_pad[:, :, 0], axis=0)[:, :, None, :]
    alpha_s = _att_mlp(blk['att'], jnp.concatenate([x_ia_s, p_i_s], axis=3))[:, :, :, 0]
    alpha_s = jnp.exp(alpha_s) * mask_s
    alpha_s = alpha_s / (jnp.sum(alpha_s, axis=2, keepdims=True) + EPS)
    h_oI_temp = jnp.sum(alpha_s[:, :, :, None] * x_ia_s, axis=2)
    return _aggre(blk['aggre'], h_oI_temp)


def _forward(params, uids, iids, u_item_pad, u_user_pad, u_user_item_pad, i_user_pad):
    h_iI = _user_model(params, uids, u_item_pad)
    z_jU = _item_model(params, iids, i_user_pad)
    h_oI = _social_model(params, u_user_pad, u_user_item_pad)
    rp = params['rate_pred']
    r_ij = _linear(rp['l2'], jax.nn.relu(_linear(rp['l1'], jnp.concatenate([h_iI, z_jU], axis=1))))[:, 0]
    mask_soc = (u_user_pad[:, :, 0] > 0).astype(jnp.float32)
    z_exp = jnp.broadcast_to(z_jU[:, None, :], h_oI.shape)
    r_soc = _linear(rp['l2'], jax.nn.relu(_linear(rp['l1'], jnp.concatenate([h_oI, z_exp], axis=2))))[:, :, 0]
    r_soc = jnp.sum(r_soc * mask_soc, axis=1) / (jnp.sum(mask_soc, axis=1) + EPS)
    return r_ij + r_soc


def reference(uids, iids, u_item_pad, u_user_pad, u_user_item_pad, i_user_pad, params):
    return _forward(params, uids, iids, u_item_pad, u_user_pad, u_user_item_pad, i_user_pad)

if __name__ == "__main__":
    import jax
    _d = setup_inputs()
    print(jax.jit(kernel)(*tuple(_d.values())))

</pallas_src>

<mosaic_0001>
#map = affine_map<(d0, d1) -> (0, 0)>
#map1 = affine_map<(d0, d1) -> (0)>
module attributes {stable_mosaic.version = 14 : i64} {
  func.func @gather2(%arg0: i32, %arg1: i32, %arg2: memref<50000x128xf32, #tpu.memory_space<hbm>>, %arg3: memref<1024xi32, #tpu.memory_space<hbm>>, %arg4: memref<50000x128xf32, #tpu.memory_space<hbm>>, %arg5: memref<1024xi32, #tpu.memory_space<hbm>>, %arg6: memref<1024x128xf32, #tpu.memory_space<hbm>>, %arg7: memref<1024x128xf32, #tpu.memory_space<hbm>>, %arg8: memref<32xi32, #tpu.memory_space<vmem>>, %arg9: memref<32x128xf32, #tpu.memory_space<vmem>>, %arg10: memref<!tpu.dma_semaphore, #tpu.memory_space<semaphore_mem>>) attributes {dimension_semantics = [#tpu.dimension_semantics<core_parallel>, #tpu.dimension_semantics<subcore_parallel>], iteration_bounds = array<i64: 2, 16>, scalar_prefetch = 0 : i64, scratch_operands = 3 : i64, tpu.core_type = #tpu.core_type<sc_vector_subcore>, window_params = [{transform_indices = #map}, {transform_indices = #map1}, {transform_indices = #map}, {transform_indices = #map1}, {transform_indices = #map}, {transform_indices = #map}]} {
    %mul3A = arith.constant 2 : i32
    %mul3A_0 = arith.muli %arg1, %mul3A : i32
    %add3A = arith.addi %mul3A_0, %arg0 : i32
    %mul3A_1 = arith.constant 32 : i32
    %mul3A_2 = arith.muli %add3A, %mul3A_1 : i32
    "tpu.region"() ({
      %run_scoped3A = tpu.sem_alloc : memref<!tpu.dma_semaphore, #tpu.memory_space<semaphore_mem>>
      %dma_start3A_13 = tpu.memref_slice %arg3[%mul3A_2] : memref<1024xi32, #tpu.memory_space<hbm>> -> memref<32xi32, #tpu.memory_space<hbm>>
      %dma_start3A_14 = tpu.memref_slice %arg3[%mul3A_2] : memref<1024xi32, #tpu.memory_space<hbm>> -> memref<32xi32, #tpu.memory_space<hbm>>
      tpu.enqueue_dma source(%dma_start3A_14 : memref<32xi32, #tpu.memory_space<hbm>>) target(%arg8 : memref<32xi32, #tpu.memory_space<vmem>>) target_semaphore(%run_scoped3A : memref<!tpu.dma_semaphore, #tpu.memory_space<semaphore_mem>>)
      %dma_wait3A_15 = tpu.memref_slice %arg3[%mul3A_2] : memref<1024xi32, #tpu.memory_space<hbm>> -> memref<32xi32, #tpu.memory_space<hbm>>
      %dma_wait3A_16 = tpu.memref_slice %arg3[%mul3A_2] : memref<1024xi32, #tpu.memory_space<hbm>> -> memref<32xi32, #tpu.memory_space<hbm>>
      tpu.wait_dma2 semaphore(%run_scoped3A : memref<!tpu.dma_semaphore, #tpu.memory_space<semaphore_mem>>) src(%dma_wait3A_16 : memref<32xi32, #tpu.memory_space<hbm>>) dst(%arg8 : memref<32xi32, #tpu.memory_space<vmem>>)
      tpu.yield
    }) : () -> ()
    %dma_start3A = arith.constant 0 : i32
    %dma_start3A_3 = arith.constant 0 : i32
    %dma_start3A_4 = tpu.memref_slice %arg2[%dma_start3A, %dma_start3A_3] : memref<50000x128xf32, #tpu.memory_space<hbm>> -> memref<50000x128xf32, #tpu.memory_space<hbm>>
    tpu.enqueue_indirect_dma source(%dma_start3A_4 : memref<50000x128xf32, #tpu.memory_space<hbm>>) target(%arg9 : memref<32x128xf32, #tpu.memory_space<vmem>>) offsets(%arg8 : memref<32xi32, #tpu.memory_space<vmem>>) semaphore(%arg10 : memref<!tpu.dma_semaphore, #tpu.memory_space<semaphore_mem>>)
    %dma_wait3A = arith.constant 0 : i32
    %dma_wait3A_5 = arith.constant 0 : i32
    %dma_wait3A_6 = tpu.memref_slice %arg2[%dma_wait3A, %dma_wait3A_5] : memref<50000x128xf32, #tpu.memory_space<hbm>> -> memref<50000x128xf32, #tpu.memory_space<hbm>>
    tpu.wait_indirect_dma semaphore(%arg10 : memref<!tpu.dma_semaphore, #tpu.memory_space<semaphore_mem>>) src(%dma_wait3A_6 : memref<50000x128xf32, #tpu.memory_space<hbm>>) dst(%arg9 : memref<32x128xf32, #tpu.memory_space<vmem>>)
    "tpu.region"() ({
      %run_scoped3A = tpu.sem_alloc : memref<!tpu.dma_semaphore, #tpu.memory_space<semaphore_mem>>
      %dma_start3A_13 = arith.constant 0 : i32
      %dma_start3A_14 = tpu.memref_slice %arg6[%mul3A_2, %dma_start3A_13] : memref<1024x128xf32, #tpu.memory_space<hbm>> -> memref<32x128xf32, #tpu.memory_space<hbm>>
      %dma_start3A_15 = arith.constant 0 : i32
      %dma_start3A_16 = tpu.memref_slice %arg6[%mul3A_2, %dma_start3A_15] : memref<1024x128xf32, #tpu.memory_space<hbm>> -> memref<32x128xf32, #tpu.memory_space<hbm>>
      tpu.enqueue_dma source(%arg9 : memref<32x128xf32, #tpu.memory_space<vmem>>) target(%dma_start3A_16 : memref<32x128xf32, #tpu.memory_space<hbm>>) target_semaphore(%run_scoped3A : memref<!tpu.dma_semaphore, #tpu.memory_space<semaphore_mem>>)
      %dma_wait3A_17 = arith.constant 0 : i32
      %dma_wait3A_18 = tpu.memref_slice %arg6[%mul3A_2, %dma_wait3A_17] : memref<1024x128xf32, #tpu.memory_space<hbm>> -> memref<32x128xf32, #tpu.memory_space<hbm>>
      %dma_wait3A_19 = arith.constant 0 : i32
      %dma_wait3A_20 = tpu.memref_slice %arg6[%mul3A_2, %dma_wait3A_19] : memref<1024x128xf32, #tpu.memory_space<hbm>> -> memref<32x128xf32, #tpu.memory_space<hbm>>
      tpu.wait_dma2 semaphore(%run_scoped3A : memref<!tpu.dma_semaphore, #tpu.memory_space<semaphore_mem>>) src(%arg9 : memref<32x128xf32, #tpu.memory_space<vmem>>) dst(%dma_wait3A_20 : memref<32x128xf32, #tpu.memory_space<hbm>>)
      tpu.yield
    }) : () -> ()
    "tpu.region"() ({
      %run_scoped3A = tpu.sem_alloc : memref<!tpu.dma_semaphore, #tpu.memory_space<semaphore_mem>>
      %dma_start3A_13 = tpu.memref_slice %arg5[%mul3A_2] : memref<1024xi32, #tpu.memory_space<hbm>> -> memref<32xi32, #tpu.memory_space<hbm>>
      %dma_start3A_14 = tpu.memref_slice %arg5[%mul3A_2] : memref<1024xi32, #tpu.memory_space<hbm>> -> memref<32xi32, #tpu.memory_space<hbm>>
      tpu.enqueue_dma source(%dma_start3A_14 : memref<32xi32, #tpu.memory_space<hbm>>) target(%arg8 : memref<32xi32, #tpu.memory_space<vmem>>) target_semaphore(%run_scoped3A : memref<!tpu.dma_semaphore, #tpu.memory_space<semaphore_mem>>)
      %dma_wait3A_15 = tpu.memref_slice %arg5[%mul3A_2] : memref<1024xi32, #tpu.memory_space<hbm>> -> memref<32xi32, #tpu.memory_space<hbm>>
      %dma_wait3A_16 = tpu.memref_slice %arg5[%mul3A_2] : memref<1024xi32, #tpu.memory_space<hbm>> -> memref<32xi32, #tpu.memory_space<hbm>>
      tpu.wait_dma2 semaphore(%run_scoped3A : memref<!tpu.dma_semaphore, #tpu.memory_space<semaphore_mem>>) src(%dma_wait3A_16 : memref<32xi32, #tpu.memory_space<hbm>>) dst(%arg8 : memref<32xi32, #tpu.memory_space<vmem>>)
      tpu.yield
    }) : () -> ()
    %dma_start3A_7 = arith.constant 0 : i32
    %dma_start3A_8 = arith.constant 0 : i32
    %dma_start3A_9 = tpu.memref_slice %arg4[%dma_start3A_7, %dma_start3A_8] : memref<50000x128xf32, #tpu.memory_space<hbm>> -> memref<50000x128xf32, #tpu.memory_space<hbm>>
    tpu.enqueue_indirect_dma source(%dma_start3A_9 : memref<50000x128xf32, #tpu.memory_space<hbm>>) target(%arg9 : memref<32x128xf32, #tpu.memory_space<vmem>>) offsets(%arg8 : memref<32xi32, #tpu.memory_space<vmem>>) semaphore(%arg10 : memref<!tpu.dma_semaphore, #tpu.memory_space<semaphore_mem>>)
    %dma_wait3A_10 = arith.constant 0 : i32
    %dma_wait3A_11 = arith.constant 0 : i32
    %dma_wait3A_12 = tpu.memref_slice %arg4[%dma_wait3A_10, %dma_wait3A_11] : memref<50000x128xf32, #tpu.memory_space<hbm>> -> memref<50000x128xf32, #tpu.memory_space<hbm>>
    tpu.wait_indirect_dma semaphore(%arg10 : memref<!tpu.dma_semaphore, #tpu.memory_space<semaphore_mem>>) src(%dma_wait3A_12 : memref<50000x128xf32, #tpu.memory_space<hbm>>) dst(%arg9 : memref<32x128xf32, #tpu.memory_space<vmem>>)
    "tpu.region"() ({
      %run_scoped3A = tpu.sem_alloc : memref<!tpu.dma_semaphore, #tpu.memory_space<semaphore_mem>>
      %dma_start3A_13 = arith.constant 0 : i32
      %dma_start3A_14 = tpu.memref_slice %arg7[%mul3A_2, %dma_start3A_13] : memref<1024x128xf32, #tpu.memory_space<hbm>> -> memref<32x128xf32, #tpu.memory_space<hbm>>
      %dma_start3A_15 = arith.constant 0 : i32
      %dma_start3A_16 = tpu.memref_slice %arg7[%mul3A_2, %dma_start3A_15] : memref<1024x128xf32, #tpu.memory_space<hbm>> -> memref<32x128xf32, #tpu.memory_space<hbm>>
      tpu.enqueue_dma source(%arg9 : memref<32x128xf32, #tpu.memory_space<vmem>>) target(%dma_start3A_16 : memref<32x128xf32, #tpu.memory_space<hbm>>) target_semaphore(%run_scoped3A : memref<!tpu.dma_semaphore, #tpu.memory_space<semaphore_mem>>)
      %dma_wait3A_17 = arith.constant 0 : i32
      %dma_wait3A_18 = tpu.memref_slice %arg7[%mul3A_2, %dma_wait3A_17] : memref<1024x128xf32, #tpu.memory_space<hbm>> -> memref<32x128xf32, #tpu.memory_space<hbm>>
      %dma_wait3A_19 = arith.constant 0 : i32
      %dma_wait3A_20 = tpu.memref_slice %arg7[%mul3A_2, %dma_wait3A_19] : memref<1024x128xf32, #tpu.memory_space<hbm>> -> memref<32x128xf32, #tpu.memory_space<hbm>>
      tpu.wait_dma2 semaphore(%run_scoped3A : memref<!tpu.dma_semaphore, #tpu.memory_space<semaphore_mem>>) src(%arg9 : memref<32x128xf32, #tpu.memory_space<vmem>>) dst(%dma_wait3A_20 : memref<32x128xf32, #tpu.memory_space<hbm>>)
      tpu.yield
    }) : () -> ()
    return
  }
}

module attributes {stable_mosaic.version = 14 : i64} {
  func.func @_lambda_(%arg0: i32, %arg1: memref<256x128xf32, #tpu.memory_space<vmem>>, %arg2: memref<256x1xi32, #tpu.memory_space<vmem>>, %arg3: memref<256x128xf32, #tpu.memory_space<vmem>>, %arg4: memref<256x1xi32, #tpu.memory_space<vmem>>, %arg5: memref<36x128xf32, #tpu.memory_space<vmem>>, %arg6: memref<36x128xf32, #tpu.memory_space<vmem>>, %arg7: memref<6x64xf32, #tpu.memory_space<vmem>>, %arg8: memref<256x100xi32, #tpu.memory_space<vmem>>, %arg9: memref<256x100xi32, #tpu.memory_space<vmem>>, %arg10: memref<5120x40xi32, #tpu.memory_space<vmem>>, %arg11: memref<1x5120xi32, #tpu.memory_space<vmem>>, %arg12: memref<5120x256xf32, #tpu.memory_space<vmem>>, %arg13: memref<256x5120xf32, #tpu.memory_space<vmem>>, %arg14: memref<128x64xf32, #tpu.memory_space<vmem>>, %arg15: memref<1x64xf32, #tpu.memory_space<vmem>>, %arg16: memref<64x64xf32, #tpu.memory_space<vmem>>, %arg17: memref<1x64xf32, #tpu.memory_space<vmem>>, %arg18: memref<128x64xf32, #tpu.memory_space<vmem>>, %arg19: memref<1x64xf32, #tpu.memory_space<vmem>>, %arg20: memref<1x64xf32, #tpu.memory_space<vmem>>, %arg21: memref<1x1xf32, #tpu.memory_space<vmem>>, %arg22: memref<64x64xf32, #tpu.memory_space<vmem>>, %arg23: memref<1x64xf32, #tpu.memory_space<vmem>>, %arg24: memref<128x64xf32, #tpu.memory_space<vmem>>, %arg25: memref<1x64xf32, #tpu.memory_space<vmem>>, %arg26: memref<64x64xf32, #tpu.memory_space<vmem>>, %arg27: memref<1x64xf32, #tpu.memory_space<vmem>>, %arg28: memref<128x64xf32, #tpu.memory_space<vmem>>, %arg29: memref<1x64xf32, #tpu.memory_space<vmem>>, %arg30: memref<1x64xf32, #tpu.memory_space<vmem>>, %arg31: memref<1x1xf32, #tpu.memory_space<vmem>>, %arg32: memref<64x64xf32, #tpu.memory_space<vmem>>, %arg33: memref<1x64xf32, #tpu.memory_space<vmem>>, %arg34: memref<128x64xf32, #tpu.memory_space<vmem>>, %arg35: memref<1x64xf32, #tpu.memory_space<vmem>>, %arg36: memref<64x64xf32, #tpu.memory_space<vmem>>, %arg37: memref<1x64xf32, #tpu.memory_space<vmem>>, %arg38: memref<128x64xf32, #tpu.memory_space<vmem>>, %arg39: memref<1x64xf32, #tpu.memory_space<vmem>>, %arg40: memref<1x64xf32, #tpu.memory_space<vmem>>, %arg41: memref<1x1xf32, #tpu.memory_space<vmem>>, %arg42: memref<64x64xf32, #tpu.memory_space<vmem>>, %arg43: memref<64x1xf32, #tpu.memory_space<vmem>>, %arg44: memref<128x64xf32, #tpu.memory_space<vmem>>, %arg45: memref<1x64xf32, #tpu.memory_space<vmem>>, %arg46: memref<1x64xf32, #tpu.memory_space<vmem>>, %arg47: memref<1x1xf32, #tpu.memory_space<vmem>>, %arg48: memref<64x64xf32, #tpu.memory_space<vmem>>, %arg49: memref<64x1xf32, #tpu.memory_space<vmem>>, %arg50: memref<64x1xf32, #tpu.memory_space<vmem>>, %arg51: memref<256x1xf32, #tpu.memory_space<vmem>>) attributes {dimension_semantics = [#tpu.dimension_semantics<arbitrary>], iteration_bounds = array<i64: 4>, scalar_prefetch = 0 : i64, scratch_operands = 0 : i64, tpu.core_type = #tpu.core_type<tc>, window_params = [{transform_indices = @transform_0, window_bounds = array<i64: 256, 128>}, {transform_indices = @transform_1, window_bounds = array<i64: 256, 1>}, {transform_indices = @transform_2, window_bounds = array<i64: 256, 128>}, {transform_indices = @transform_3, window_bounds = array<i64: 256, 1>}, {pipeline_mode = #tpu.pipeline_mode<synchronous>, transform_indices = @transform_4, window_bounds = array<i64: 36, 128>}, {pipeline_mode = #tpu.pipeline_mode<synchronous>, transform_indices = @transform_5, window_bounds = array<i64: 36, 128>}, {pipeline_mode = #tpu.pipeline_mode<synchronous>, transform_indices = @transform_6, window_bounds = array<i64: 6, 64>}, {transform_indices = @transform_7, window_bounds = array<i64: 256, 100>}, {transform_indices = @transform_8, window_bounds = array<i64: 256, 100>}, {transform_indices = @transform_9, window_bounds = array<i64: 5120, 40>}, {transform_indices = @transform_10, window_bounds = array<i64: 1, 5120>}, {pipeline_mode = #tpu.pipeline_mode<synchronous>, transform_indices = @transform_11, window_bounds = array<i64: 5120, 256>}, {pipeline_mode = #tpu.pipeline_mode<synchronous>, transform_indices = @transform_12, window_bounds = array<i64: 256, 5120>}, {pipeline_mode = #tpu.pipeline_mode<synchronous>, transform_indices = @transform_13, window_bounds = array<i64: 128, 64>}, {pipeline_mode = #tpu.pipeline_mode<synchronous>, transform_indices = @transform_14, window_bounds = array<i64: 1, 64>}, {pipeline_mode = #tpu.pipeline_mode<synchronous>, transform_indices = @transform_15, window_bounds = array<i64: 64, 64>}, {pipeline_mode = #tpu.pipeline_mode<synchronous>, transform_indices = @transform_16, window_bounds = array<i64: 1, 64>}, {pipeline_mode = #tpu.pipeline_mode<synchronous>, transform_indices = @transform_17, window_bounds = array<i64: 128, 64>}, {pipeline_mode = #tpu.pipeline_mode<synchronous>, transform_indices = @transform_18, window_bounds = array<i64: 1, 64>}, {pipeline_mode = #tpu.pipeline_mode<synchronous>, transform_indices = @transform_19, window_bounds = array<i64: 1, 64>}, {pipeline_mode = #tpu.pipeline_mode<synchronous>, transform_indices = @transform_20, window_bounds = array<i64: 1, 1>}, {pipeline_mode = #tpu.pipeline_mode<synchronous>, transform_indices = @transform_21, window_bounds = array<i64: 64, 64>}, {pipeline_mode = #tpu.pipeline_mode<synchronous>, transform_indices = @transform_22, window_bounds = array<i64: 1, 64>}, {pipeline_mode = #tpu.pipeline_mode<synchronous>, transform_indices = @transform_23, window_bounds = array<i64: 128, 64>}, {pipeline_mode = #tpu.pipeline_mode<synchronous>, transform_indices = @transform_24, window_bounds = array<i64: 1, 64>}, {pipeline_mode = #tpu.pipeline_mode<synchronous>, transform_indices = @transform_25, window_bounds = array<i64: 64, 64>}, {pipeline_mode = #tpu.pipeline_mode<synchronous>, transform_indices = @transform_26, window_bounds = array<i64: 1, 64>}, {pipeline_mode = #tpu.pipeline_mode<synchronous>, transform_indices = @transform_27, window_bounds = array<i64: 128, 64>}, {pipeline_mode = #tpu.pipeline_mode<synchronous>, transform_indices = @transform_28, window_bounds = array<i64: 1, 64>}, {pipeline_mode = #tpu.pipeline_mode<synchronous>, transform_indices = @transform_29, window_bounds = array<i64: 1, 64>}, {pipeline_mode = #tpu.pipeline_mode<synchronous>, transform_indices = @transform_30, window_bounds = array<i64: 1, 1>}, {pipeline_mode = #tpu.pipeline_mode<synchronous>, transform_indices = @transform_31, window_bounds = array<i64: 64, 64>}, {pipeline_mode = #tpu.pipeline_mode<synchronous>, transform_indices = @transform_32, window_bounds = array<i64: 1, 64>}, {pipeline_mode = #tpu.pipeline_mode<synchronous>, transform_indices = @transform_33, window_bounds = array<i64: 128, 64>}, {pipeline_mode = #tpu.pipeline_mode<synchronous>, transform_indices = @transform_34, window_bounds = array<i64: 1, 64>}, {pipeline_mode = #tpu.pipeline_mode<synchronous>, transform_indices = @transform_35, window_bounds = array<i64: 64, 64>}, {pipeline_mode = #tpu.pipeline_mode<synchronous>, transform_indices = @transform_36, window_bounds = array<i64: 1, 64>}, {pipeline_mode = #tpu.pipeline_mode<synchronous>, transform_indices = @transform_37, window_bounds = array<i64: 128, 64>}, {pipeline_mode = #tpu.pipeline_mode<synchronous>, transform_indices = @transform_38, window_bounds = array<i64: 1, 64>}, {pipeline_mode = #tpu.pipeline_mode<synchronous>, transform_indices = @transform_39, window_bounds = array<i64: 1, 64>}, {pipeline_mode = #tpu.pipeline_mode<synchronous>, transform_indices = @transform_40, window_bounds = array<i64: 1, 1>}, {pipeline_mode = #tpu.pipeline_mode<synchronous>, transform_indices = @transform_41, window_bounds = array<i64: 64, 64>}, {pipeline_mode = #tpu.pipeline_mode<synchronous>, transform_indices = @transform_42, window_bounds = array<i64: 64, 1>}, {pipeline_mode = #tpu.pipeline_mode<synchronous>, transform_indices = @transform_43, window_bounds = array<i64: 128, 64>}, {pipeline_mode = #tpu.pipeline_mode<synchronous>, transform_indices = @transform_44, window_bounds = array<i64: 1, 64>}, {pipeline_mode = #tpu.pipeline_mode<synchronous>, transform_indices = @transform_45, window_bounds = array<i64: 1, 64>}, {pipeline_mode = #tpu.pipeline_mode<synchronous>, transform_indices = @transform_46, window_bounds = array<i64: 1, 1>}, {pipeline_mode = #tpu.pipeline_mode<synchronous>, transform_indices = @transform_47, window_bounds = array<i64: 64, 64>}, {pipeline_mode = #tpu.pipeline_mode<synchronous>, transform_indices = @transform_48, window_bounds = array<i64: 64, 1>}, {pipeline_mode = #tpu.pipeline_mode<synchronous>, transform_indices = @transform_49, window_bounds = array<i64: 64, 1>}, {transform_indices = @transform_50, window_bounds = array<i64: 256, 1>}]} {
    %get3A = arith.constant 0 : index
    %get3A_0 = arith.constant 0 : index
    %get3A_1 = vector.load %arg1[%get3A, %get3A_0] : memref<256x128xf32, #tpu.memory_space<vmem>>, vector<256x128xf32>
    %get3A_2 = arith.constant 0 : index
    %get3A_3 = arith.constant 0 : index
    %get3A_4 = vector.load %arg2[%get3A_2, %get3A_3] : memref<256x1xi32, #tpu.memory_space<vmem>>, vector<256x1xi32>
    %eq3A = arith.constant 1 : i32
    %eq3A_5 = vector.broadcast %eq3A : i32 to vector<256x1xi32>
    %eq3A_6 = arith.cmpi eq, %get3A_4, %eq3A_5 : vector<256x1xi32>
    %slice3A = vector.extract_strided_slice %get3A_1 {offsets = [0, 64], sizes = [256, 64], strides = [1, 1]} : vector<256x128xf32> to vector<256x64xf32>
    %slice3A_7 = vector.extract_strided_slice %get3A_1 {offsets = [0, 0], sizes = [256, 64], strides = [1, 1]} : vector<256x128xf32> to vector<256x64xf32>
    %broadcast_in_dim3A = vector.shape_cast %eq3A_6 : vector<256x1xi1> to vector<256x1xi1>
    %broadcast_in_dim3A_8 = vector.broadcast %broadcast_in_dim3A : vector<256x1xi1> to vector<256x64xi1>
    %select_n3A = arith.select %broadcast_in_dim3A_8, %slice3A, %slice3A_7 : vector<256x64xi1>, vector<256x64xf32>
    %get3A_9 = arith.constant 0 : index
    %get3A_10 = arith.constant 0 : index
    %get3A_11 = vector.load %arg3[%get3A_9, %get3A_10] : memref<256x128xf32, #tpu.memory_space<vmem>>, vector<256x128xf32>
    %get3A_12 = arith.constant 0 : index
    %get3A_13 = arith.constant 0 : index
    %get3A_14 = vector.load %arg4[%get3A_12, %get3A_13] : memref<256x1xi32, #tpu.memory_space<vmem>>, vector<256x1xi32>
    %eq3A_15 = arith.constant 1 : i32
    %eq3A_16 = vector.broadcast %eq3A_15 : i32 to vector<256x1xi32>
    %eq3A_17 = arith.cmpi eq, %get3A_14, %eq3A_16 : vector<256x1xi32>
    %slice3A_18 = vector.extract_strided_slice %get3A_11 {offsets = [0, 64], sizes = [256, 64], strides = [1, 1]} : vector<256x128xf32> to vector<256x64xf32>
    %slice3A_19 = vector.extract_strided_slice %get3A_11 {offsets = [0, 0], sizes = [256, 64], strides = [1, 1]} : vector<256x128xf32> to vector<256x64xf32>
    %broadcast_in_dim3A_20 = vector.shape_cast %eq3A_17 : vector<256x1xi1> to vector<256x1xi1>
    %broadcast_in_dim3A_21 = vector.broadcast %broadcast_in_dim3A_20 : vector<256x1xi1> to vector<256x64xi1>
    %select_n3A_22 = arith.select %broadcast_in_dim3A_21, %slice3A_18, %slice3A_19 : vector<256x64xi1>, vector<256x64xf32>
    %get3A_23 = arith.constant 0 : index
    %get3A_24 = arith.constant 0 : index
    %get3A_25 = vector.load %arg5[%get3A_23, %get3A_24] : memref<36x128xf32, #tpu.memory_space<vmem>>, vector<36x128xf32>
    %get3A_26 = arith.constant 0 : index
    %get3A_27 = arith.constant 0 : index
    %get3A_28 = vector.load %arg8[%get3A_26, %get3A_27] : memref<256x100xi32, #tpu.memory_space<vmem>>, vector<256x100xi32>
    %get3A_29 = arith.constant 0 : index
    %get3A_30 = arith.constant 0 : index
    %get3A_31 = vector.load %arg14[%get3A_29, %get3A_30] : memref<128x64xf32, #tpu.memory_space<vmem>>, vector<128x64xf32>
    %dot_general3A = arith.constant dense<0.000000e+00> : vector<36x64xf32>
    %dot_general3A_32 = tpu.matmul %get3A_25, %get3A_31, %dot_general3A {dimension_numbers = #tpu.dot_dimension_numbers<[1], [0], [0], [1], [0, 0, 1, 1], [], []>, transpose_lhs_hint = false} : vector<36x128xf32>, vector<128x64xf32>, vector<36x64xf32> -> vector<36x64xf32>
    %get3A_33 = arith.constant 0 : index
    %get3A_34 = arith.constant 0 : index
    %get3A_35 = vector.load %arg15[%get3A_33, %get3A_34] : memref<1x64xf32, #tpu.memory_space<vmem>>, vector<1x64xf32>
    %add3A = vector.broadcast %get3A_35 : vector<1x64xf32> to vector<36x64xf32>
    %add3A_36 = arith.addf %dot_general3A_32, %add3A : vector<36x64xf32>
    %tanh3A = math.tanh %add3A_36 : vector<36x64xf32>
    %get3A_37 = arith.constant 0 : index
    %get3A_38 = arith.constant 0 : index
    %get3A_39 = vector.load %arg16[%get3A_37, %get3A_38] : memref<64x64xf32, #tpu.memory_space<vmem>>, vector<64x64xf32>
    %dot_general3A_40 = arith.constant dense<0.000000e+00> : vector<36x64xf32>
    %dot_general3A_41 = tpu.matmul %tanh3A, %get3A_39, %dot_general3A_40 {dimension_numbers = #tpu.dot_dimension_numbers<[1], [0], [0], [1], [0, 0, 1, 1], [], []>, transpose_lhs_hint = false} : vector<36x64xf32>, vector<64x64xf32>, vector<36x64xf32> -> vector<36x64xf32>
    %get3A_42 = arith.constant 0 : index
    %get3A_43 = arith.constant 0 : index
    %get3A_44 = vector.load %arg17[%get3A_42, %get3A_43] : memref<1x64xf32, #tpu.memory_space<vmem>>, vector<1x64xf32>
    %add3A_45 = vector.broadcast %get3A_44 : vector<1x64xf32> to vector<36x64xf32>
    %add3A_46 = arith.addf %dot_general3A_41, %add3A_45 : vector<36x64xf32>
    %get3A_47 = arith.constant 0 : index
    %get3A_48 = arith.constant 0 : index
    %get3A_49 = vector.load %arg18[%get3A_47, %get3A_48] : memref<128x64xf32, #tpu.memory_space<vmem>>, vector<128x64xf32>
    %slice3A_50 = vector.extract_strided_slice %get3A_49 {offsets = [0, 0], sizes = [64, 64], strides = [1, 1]} : vector<128x64xf32> to vector<64x64xf32>
    %dot_general3A_51 = arith.constant dense<0.000000e+00> : vector<36x64xf32>
    %dot_general3A_52 = tpu.matmul %add3A_46, %slice3A_50, %dot_general3A_51 {dimension_numbers = #tpu.dot_dimension_numbers<[1], [0], [0], [1], [0, 0, 1, 1], [], []>, transpose_lhs_hint = false} : vector<36x64xf32>, vector<64x64xf32>, vector<36x64xf32> -> vector<36x64xf32>
    %get3A_53 = arith.constant 0 : index
    %get3A_54 = arith.constant 0 : index
    %get3A_55 = vector.load %arg18[%get3A_53, %get3A_54] : memref<128x64xf32, #tpu.memory_space<vmem>>, vector<128x64xf32>
    %slice3A_56 = vector.extract_strided_slice %get3A_55 {offsets = [64, 0], sizes = [64, 64], strides = [1, 1]} : vector<128x64xf32> to vector<64x64xf32>
    %dot_general3A_57 = arith.constant dense<0.000000e+00> : vector<256x64xf32>
    %dot_general3A_58 = tpu.matmul %select_n3A, %slice3A_56, %dot_general3A_57 {dimension_numbers = #tpu.dot_dimension_numbers<[1], [0], [0], [1], [0, 0, 1, 1], [], []>, transpose_lhs_hint = false} : vector<256x64xf32>, vector<64x64xf32>, vector<256x64xf32> -> vector<256x64xf32>
    %get3A_59 = arith.constant 0 : index
    %get3A_60 = arith.constant 0 : index
    %get3A_61 = vector.load %arg19[%get3A_59, %get3A_60] : memref<1x64xf32, #tpu.memory_space<vmem>>, vector<1x64xf32>
    %get3A_62 = arith.constant 0 : index
    %get3A_63 = arith.constant 0 : index
    %get3A_64 = vector.load %arg20[%get3A_62, %get3A_63] : memref<1x64xf32, #tpu.memory_space<vmem>>, vector<1x64xf32>
    %get3A_65 = arith.constant 0 : index
    %get3A_66 = arith.constant 0 : index
    %get3A_67 = vector.load %arg21[%get3A_65, %get3A_66] : memref<1x1xf32, #tpu.memory_space<vmem>>, vector<1x1xf32>
    %slice3A_68 = vector.extract_strided_slice %dot_general3A_52 {offsets = [0, 0], sizes = [1, 64], strides = [1, 1]} : vector<36x64xf32> to vector<1x64xf32>
    %add3A_69 = vector.broadcast %slice3A_68 : vector<1x64xf32> to vector<256x64xf32>
    %add3A_70 = arith.addf %dot_general3A_58, %add3A_69 : vector<256x64xf32>
    %add3A_71 = vector.broadcast %get3A_61 : vector<1x64xf32> to vector<256x64xf32>
    %add3A_72 = arith.addf %add3A_70, %add3A_71 : vector<256x64xf32>
    %max3A = arith.constant 0.000000e+00 : f32
    %max3A_73 = vector.broadcast %max3A : f32 to vector<256x64xf32>
    %max3A_74 = arith.maximumf %add3A_72, %max3A_73 : vector<256x64xf32>
    %mul3A = vector.broadcast %get3A_64 : vector<1x64xf32> to vector<256x64xf32>
    %mul3A_75 = arith.mulf %max3A_74, %mul3A : vector<256x64xf32>
    %reduce_sum3A = arith.constant dense<0.000000e+00> : vector<256xf32>
    %reduce_sum3A_76 = vector.multi_reduction <add>, %mul3A_75, %reduce_sum3A [1] : vector<256x64xf32> to vector<256xf32>
    %broadcast_in_dim3A_77 = vector.shape_cast %reduce_sum3A_76 : vector<256xf32> to vector<256x1xf32>
    %slice3A_78 = vector.extract_strided_slice %dot_general3A_52 {offsets = [1, 0], sizes = [1, 64], strides = [1, 1]} : vector<36x64xf32> to vector<1x64xf32>
    %add3A_79 = vector.broadcast %slice3A_78 : vector<1x64xf32> to vector<256x64xf32>
    %add3A_80 = arith.addf %dot_general3A_58, %add3A_79 : vector<256x64xf32>
    %add3A_81 = vector.broadcast %get3A_61 : vector<1x64xf32> to vector<256x64xf32>
    %add3A_82 = arith.addf %add3A_80, %add3A_81 : vector<256x64xf32>
    %max3A_83 = arith.constant 0.000000e+00 : f32
    %max3A_84 = vector.broadcast %max3A_83 : f32 to vector<256x64xf32>
    %max3A_85 = arith.maximumf %add3A_82, %max3A_84 : vector<256x64xf32>
    %mul3A_86 = vector.broadcast %get3A_64 : vector<1x64xf32> to vector<256x64xf32>
    %mul3A_87 = arith.mulf %max3A_85, %mul3A_86 : vector<256x64xf32>
    %reduce_sum3A_88 = arith.constant dense<0.000000e+00> : vector<256xf32>
    %reduce_sum3A_89 = vector.multi_reduction <add>, %mul3A_87, %reduce_sum3A_88 [1] : vector<256x64xf32> to vector<256xf32>
    %broadcast_in_dim3A_90 = vector.shape_cast %reduce_sum3A_89 : vector<256xf32> to vector<256x1xf32>
    %slice3A_91 = vector.extract_strided_slice %dot_general3A_52 {offsets = [2, 0], sizes = [1, 64], strides = [1, 1]} : vector<36x64xf32> to vector<1x64xf32>
    %add3A_92 = vector.broadcast %slice3A_91 : vector<1x64xf32> to vector<256x64xf32>
    %add3A_93 = arith.addf %dot_general3A_58, %add3A_92 : vector<256x64xf32>
    %add3A_94 = vector.broadcast %get3A_61 : vector<1x64xf32> to vector<256x64xf32>
    %add3A_95 = arith.addf %add3A_93, %add3A_94 : vector<256x64xf32>
    %max3A_96 = arith.constant 0.000000e+00 : f32
    %max3A_97 = vector.broadcast %max3A_96 : f32 to vector<256x64xf32>
    %max3A_98 = arith.maximumf %add3A_95, %max3A_97 : vector<256x64xf32>
    %mul3A_99 = vector.broadcast %get3A_64 : vector<1x64xf32> to vector<256x64xf32>
    %mul3A_100 = arith.mulf %max3A_98, %mul3A_99 : vector<256x64xf32>
    %reduce_sum3A_101 = arith.constant dense<0.000000e+00> : vector<256xf32>
    %reduce_sum3A_102 = vector.multi_reduction <add>, %mul3A_100, %reduce_sum3A_101 [1] : vector<256x64xf32> to vector<256xf32>
    %broadcast_in_dim3A_103 = vector.shape_cast %reduce_sum3A_102 : vector<256xf32> to vector<256x1xf32>
    %slice3A_104 = vector.extract_strided_slice %dot_general3A_52 {offsets = [3, 0], sizes = [1, 64], strides = [1, 1]} : vector<36x64xf32> to vector<1x64xf32>
    %add3A_105 = vector.broadcast %slice3A_104 : vector<1x64xf32> to vector<256x64xf32>
    %add3A_106 = arith.addf %dot_general3A_58, %add3A_105 : vector<256x64xf32>
    %add3A_107 = vector.broadcast %get3A_61 : vector<1x64xf32> to vector<256x64xf32>
    %add3A_108 = arith.addf %add3A_106, %add3A_107 : vector<256x64xf32>
    %max3A_109 = arith.constant 0.000000e+00 : f32
    %max3A_110 = vector.broadcast %max3A_109 : f32 to vector<256x64xf32>
    %max3A_111 = arith.maximumf %add3A_108, %max3A_110 : vector<256x64xf32>
    %mul3A_112 = vector.broadcast %get3A_64 : vector<1x64xf32> to vector<256x64xf32>
    %mul3A_113 = arith.mulf %max3A_111, %mul3A_112 : vector<256x64xf32>
    %reduce_sum3A_114 = arith.constant dense<0.000000e+00> : vector<256xf32>
    %reduce_sum3A_115 = vector.multi_reduction <add>, %mul3A_113, %reduce_sum3A_114 [1] : vector<256x64xf32> to vector<256xf32>
    %broadcast_in_dim3A_116 = vector.shape_cast %reduce_sum3A_115 : vector<256xf32> to vector<256x1xf32>
    %slice3A_117 = vector.extract_strided_slice %dot_general3A_52 {offsets = [4, 0], sizes = [1, 64], strides = [1, 1]} : vector<36x64xf32> to vector<1x64xf32>
    %add3A_118 = vector.broadcast %slice3A_117 : vector<1x64xf32> to vector<256x64xf32>
    %add3A_119 = arith.addf %dot_general3A_58, %add3A_118 : vector<256x64xf32>
    %add3A_120 = vector.broadcast %get3A_61 : vector<1x64xf32> to vector<256x64xf32>
    %add3A_121 = arith.addf %add3A_119, %add3A_120 : vector<256x64xf32>
    %max3A_122 = arith.constant 0.000000e+00 : f32
    %max3A_123 = vector.broadcast %max3A_122 : f32 to vector<256x64xf32>
    %max3A_124 = arith.maximumf %add3A_121, %max3A_123 : vector<256x64xf32>
    %mul3A_125 = vector.broadcast %get3A_64 : vector<1x64xf32> to vector<256x64xf32>
    %mul3A_126 = arith.mulf %max3A_124, %mul3A_125 : vector<256x64xf32>
    %reduce_sum3A_127 = arith.constant dense<0.000000e+00> : vector<256xf32>
    %reduce_sum3A_128 = vector.multi_reduction <add>, %mul3A_126, %reduce_sum3A_127 [1] : vector<256x64xf32> to vector<256xf32>
    %broadcast_in_dim3A_129 = vector.shape_cast %reduce_sum3A_128 : vector<256xf32> to vector<256x1xf32>
    %slice3A_130 = vector.extract_strided_slice %dot_general3A_52 {offsets = [5, 0], sizes = [1, 64], strides = [1, 1]} : vector<36x64xf32> to vector<1x64xf32>
    %add3A_131 = vector.broadcast %slice3A_130 : vector<1x64xf32> to vector<256x64xf32>
    %add3A_132 = arith.addf %dot_general3A_58, %add3A_131 : vector<256x64xf32>
    %add3A_133 = vector.broadcast %get3A_61 : vector<1x64xf32> to vector<256x64xf32>
    %add3A_134 = arith.addf %add3A_132, %add3A_133 : vector<256x64xf32>
    %max3A_135 = arith.constant 0.000000e+00 : f32
    %max3A_136 = vector.broadcast %max3A_135 : f32 to vector<256x64xf32>
    %max3A_137 = arith.maximumf %add3A_134, %max3A_136 : vector<256x64xf32>
    %mul3A_138 = vector.broadcast %get3A_64 : vector<1x64xf32> to vector<256x64xf32>
    %mul3A_139 = arith.mulf %max3A_137, %mul3A_138 : vector<256x64xf32>
    %reduce_sum3A_140 = arith.constant dense<0.000000e+00> : vector<256xf32>
    %reduce_sum3A_141 = vector.multi_reduction <add>, %mul3A_139, %reduce_sum3A_140 [1] : vector<256x64xf32> to vector<256xf32>
    %broadcast_in_dim3A_142 = vector.shape_cast %reduce_sum3A_141 : vector<256xf32> to vector<256x1xf32>
    %slice3A_143 = vector.extract_strided_slice %dot_general3A_52 {offsets = [6, 0], sizes = [1, 64], strides = [1, 1]} : vector<36x64xf32> to vector<1x64xf32>
    %add3A_144 = vector.broadcast %slice3A_143 : vector<1x64xf32> to vector<256x64xf32>
    %add3A_145 = arith.addf %dot_general3A_58, %add3A_144 : vector<256x64xf32>
    %add3A_146 = vector.broadcast %get3A_61 : vector<1x64xf32> to vector<256x64xf32>
    %add3A_147 = arith.addf %add3A_145, %add3A_146 : vector<256x64xf32>
    %max3A_148 = arith.constant 0.000000e+00 : f32
    %max3A_149 = vector.broadcast %max3A_148 : f32 to vector<256x64xf32>
    %max3A_150 = arith.maximumf %add3A_147, %max3A_149 : vector<256x64xf32>
    %mul3A_151 = vector.broadcast %get3A_64 : vector<1x64xf32> to vector<256x64xf32>
    %mul3A_152 = arith.mulf %max3A_150, %mul3A_151 : vector<256x64xf32>
    %reduce_sum3A_153 = arith.constant dense<0.000000e+00> : vector<256xf32>
    %reduce_sum3A_154 = vector.multi_reduction <add>, %mul3A_152, %reduce_sum3A_153 [1] : vector<256x64xf32> to vector<256xf32>
    %broadcast_in_dim3A_155 = vector.shape_cast %reduce_sum3A_154 : vector<256xf32> to vector<256x1xf32>
    %slice3A_156 = vector.extract_strided_slice %dot_general3A_52 {offsets = [7, 0], sizes = [1, 64], strides = [1, 1]} : vector<36x64xf32> to vector<1x64xf32>
    %add3A_157 = vector.broadcast %slice3A_156 : vector<1x64xf32> to vector<256x64xf32>
    %add3A_158 = arith.addf %dot_general3A_58, %add3A_157 : vector<256x64xf32>
    %add3A_159 = vector.broadcast %get3A_61 : vector<1x64xf32> to vector<256x64xf32>
    %add3A_160 = arith.addf %add3A_158, %add3A_159 : vector<256x64xf32>
    %max3A_161 = arith.constant 0.000000e+00 : f32
    %max3A_162 = vector.broadcast %max3A_161 : f32 to vector<256x64xf32>
    %max3A_163 = arith.maximumf %add3A_160, %max3A_162 : vector<256x64xf32>
    %mul3A_164 = vector.broadcast %get3A_64 : vector<1x64xf32> to vector<256x64xf32>
    %mul3A_165 = arith.mulf %max3A_163, %mul3A_164 : vector<256x64xf32>
    %reduce_sum3A_166 = arith.constant dense<0.000000e+00> : vector<256xf32>
    %reduce_sum3A_167 = vector.multi_reduction <add>, %mul3A_165, %reduce_sum3A_166 [1] : vector<256x64xf32> to vector<256xf32>
    %broadcast_in_dim3A_168 = vector.shape_cast %reduce_sum3A_167 : vector<256xf32> to vector<256x1xf32>
    %slice3A_169 = vector.extract_strided_slice %dot_general3A_52 {offsets = [8, 0], sizes = [1, 64], strides = [1, 1]} : vector<36x64xf32> to vector<1x64xf32>
    %add3A_170 = vector.broadcast %slice3A_169 : vector<1x64xf32> to vector<256x64xf32>
    %add3A_171 = arith.addf %dot_general3A_58, %add3A_170 : vector<256x64xf32>
    %add3A_172 = vector.broadcast %get3A_61 : vector<1x64xf32> to vector<256x64xf32>
    %add3A_173 = arith.addf %add3A_171, %add3A_172 : vector<256x64xf32>
    %max3A_174 = arith.constant 0.000000e+00 : f32
    %max3A_175 = vector.broadcast %max3A_174 : f32 to vector<256x64xf32>
    %max3A_176 = arith.maximumf %add3A_173, %max3A_175 : vector<256x64xf32>
    %mul3A_177 = vector.broadcast %get3A_64 : vector<1x64xf32> to vector<256x64xf32>
    %mul3A_178 = arith.mulf %max3A_176, %mul3A_177 : vector<256x64xf32>
    %reduce_sum3A_179 = arith.constant dense<0.000000e+00> : vector<256xf32>
    %reduce_sum3A_180 = vector.multi_reduction <add>, %mul3A_178, %reduce_sum3A_179 [1] : vector<256x64xf32> to vector<256xf32>
    %broadcast_in_dim3A_181 = vector.shape_cast %reduce_sum3A_180 : vector<256xf32> to vector<256x1xf32>
    %slice3A_182 = vector.extract_strided_slice %dot_general3A_52 {offsets = [9, 0], sizes = [1, 64], strides = [1, 1]} : vector<36x64xf32> to vector<1x64xf32>
    %add3A_183 = vector.broadcast %slice3A_182 : vector<1x64xf32> to vector<256x64xf32>
    %add3A_184 = arith.addf %dot_general3A_58, %add3A_183 : vector<256x64xf32>
    %add3A_185 = vector.broadcast %get3A_61 : vector<1x64xf32> to vector<256x64xf32>
    %add3A_186 = arith.addf %add3A_184, %add3A_185 : vector<256x64xf32>
    %max3A_187 = arith.constant 0.000000e+00 : f32
    %max3A_188 = vector.broadcast %max3A_187 : f32 to vector<256x64xf32>
    %max3A_189 = arith.maximumf %add3A_186, %max3A_188 : vector<256x64xf32>
    %mul3A_190 = vector.broadcast %get3A_64 : vector<1x64xf32> to vector<256x64xf32>
    %mul3A_191 = arith.mulf %max3A_189, %mul3A_190 : vector<256x64xf32>
    %reduce_sum3A_192 = arith.constant dense<0.000000e+00> : vector<256xf32>
    %reduce_sum3A_193 = vector.multi_reduction <add>, %mul3A_191, %reduce_sum3A_192 [1] : vector<256x64xf32> to vector<256xf32>
    %broadcast_in_dim3A_194 = vector.shape_cast %reduce_sum3A_193 : vector<256xf32> to vector<256x1xf32>
    %slice3A_195 = vector.extract_strided_slice %dot_general3A_52 {offsets = [10, 0], sizes = [1, 64], strides = [1, 1]} : vector<36x64xf32> to vector<1x64xf32>
    %add3A_196 = vector.broadcast %slice3A_195 : vector<1x64xf32> to vector<256x64xf32>
    %add3A_197 = arith.addf %dot_general3A_58, %add3A_196 : vector<256x64xf32>
    %add3A_198 = vector.broadcast %get3A_61 : vector<1x64xf32> to vector<256x64xf32>
    %add3A_199 = arith.addf %add3A_197, %add3A_198 : vector<256x64xf32>
    %max3A_200 = arith.constant 0.000000e+00 : f32
    %max3A_201 = vector.broadcast %max3A_200 : f32 to vector<256x64xf32>
    %max3A_202 = arith.maximumf %add3A_199, %max3A_201 : vector<256x64xf32>
    %mul3A_203 = vector.broadcast %get3A_64 : vector<1x64xf32> to vector<256x64xf32>
    %mul3A_204 = arith.mulf %max3A_202, %mul3A_203 : vector<256x64xf32>
    %reduce_sum3A_205 = arith.constant dense<0.000000e+00> : vector<256xf32>
    %reduce_sum3A_206 = vector.multi_reduction <add>, %mul3A_204, %reduce_sum3A_205 [1] : vector<256x64xf32> to vector<256xf32>
    %broadcast_in_dim3A_207 = vector.shape_cast %reduce_sum3A_206 : vector<256xf32> to vector<256x1xf32>
    %slice3A_208 = vector.extract_strided_slice %dot_general3A_52 {offsets = [11, 0], sizes = [1, 64], strides = [1, 1]} : vector<36x64xf32> to vector<1x64xf32>
    %add3A_209 = vector.broadcast %slice3A_208 : vector<1x64xf32> to vector<256x64xf32>
    %add3A_210 = arith.addf %dot_general3A_58, %add3A_209 : vector<256x64xf32>
    %add3A_211 = vector.broadcast %get3A_61 : vector<1x64xf32> to vector<256x64xf32>
    %add3A_212 = arith.addf %add3A_210, %add3A_211 : vector<256x64xf32>
    %max3A_213 = arith.constant 0.000000e+00 : f32
    %max3A_214 = vector.broadcast %max3A_213 : f32 to vector<256x64xf32>
    %max3A_215 = arith.maximumf %add3A_212, %max3A_214 : vector<256x64xf32>
    %mul3A_216 = vector.broadcast %get3A_64 : vector<1x64xf32> to vector<256x64xf32>
    %mul3A_217 = arith.mulf %max3A_215, %mul3A_216 : vector<256x64xf32>
    %reduce_sum3A_218 = arith.constant dense<0.000000e+00> : vector<256xf32>
    %reduce_sum3A_219 = vector.multi_reduction <add>, %mul3A_217, %reduce_sum3A_218 [1] : vector<256x64xf32> to vector<256xf32>
    %broadcast_in_dim3A_220 = vector.shape_cast %reduce_sum3A_219 : vector<256xf32> to vector<256x1xf32>
    %slice3A_221 = vector.extract_strided_slice %dot_general3A_52 {offsets = [12, 0], sizes = [1, 64], strides = [1, 1]} : vector<36x64xf32> to vector<1x64xf32>
    %add3A_222 = vector.broadcast %slice3A_221 : vector<1x64xf32> to vector<256x64xf32>
    %add3A_223 = arith.addf %dot_general3A_58, %add3A_222 : vector<256x64xf32>
    %add3A_224 = vector.broadcast %get3A_61 : vector<1x64xf32> to vector<256x64xf32>
    %add3A_225 = arith.addf %add3A_223, %add3A_224 : vector<256x64xf32>
    %max3A_226 = arith.constant 0.000000e+00 : f32
    %max3A_227 = vector.broadcast %max3A_226 : f32 to vector<256x64xf32>
    %max3A_228 = arith.maximumf %add3A_225, %max3A_227 : vector<256x64xf32>
    %mul3A_229 = vector.broadcast %get3A_64 : vector<1x64xf32> to vector<256x64xf32>
    %mul3A_230 = arith.mulf %max3A_228, %mul3A_229 : vector<256x64xf32>
    %reduce_sum3A_231 = arith.constant dense<0.000000e+00> : vector<256xf32>
    %reduce_sum3A_232 = vector.multi_reduction <add>, %mul3A_230, %reduce_sum3A_231 [1] : vector<256x64xf32> to vector<256xf32>
    %broadcast_in_dim3A_233 = vector.shape_cast %reduce_sum3A_232 : vector<256xf32> to vector<256x1xf32>
    %slice3A_234 = vector.extract_strided_slice %dot_general3A_52 {offsets = [13, 0], sizes = [1, 64], strides = [1, 1]} : vector<36x64xf32> to vector<1x64xf32>
    %add3A_235 = vector.broadcast %slice3A_234 : vector<1x64xf32> to vector<256x64xf32>
    %add3A_236 = arith.addf %dot_general3A_58, %add3A_235 : vector<256x64xf32>
    %add3A_237 = vector.broadcast %get3A_61 : vector<1x64xf32> to vector<256x64xf32>
    %add3A_238 = arith.addf %add3A_236, %add3A_237 : vector<256x64xf32>
    %max3A_239 = arith.constant 0.000000e+00 : f32
    %max3A_240 = vector.broadcast %max3A_239 : f32 to vector<256x64xf32>
    %max3A_241 = arith.maximumf %add3A_238, %max3A_240 : vector<256x64xf32>
    %mul3A_242 = vector.broadcast %get3A_64 : vector<1x64xf32> to vector<256x64xf32>
    %mul3A_243 = arith.mulf %max3A_241, %mul3A_242 : vector<256x64xf32>
    %reduce_sum3A_244 = arith.constant dense<0.000000e+00> : vector<256xf32>
    %reduce_sum3A_245 = vector.multi_reduction <add>, %mul3A_243, %reduce_sum3A_244 [1] : vector<256x64xf32> to vector<256xf32>
    %broadcast_in_dim3A_246 = vector.shape_cast %reduce_sum3A_245 : vector<256xf32> to vector<256x1xf32>
    %slice3A_247 = vector.extract_strided_slice %dot_general3A_52 {offsets = [14, 0], sizes = [1, 64], strides = [1, 1]} : vector<36x64xf32> to vector<1x64xf32>
    %add3A_248 = vector.broadcast %slice3A_247 : vector<1x64xf32> to vector<256x64xf32>
    %add3A_249 = arith.addf %dot_general3A_58, %add3A_248 : vector<256x64xf32>
    %add3A_250 = vector.broadcast %get3A_61 : vector<1x64xf32> to vector<256x64xf32>
    %add3A_251 = arith.addf %add3A_249, %add3A_250 : vector<256x64xf32>
    %max3A_252 = arith.constant 0.000000e+00 : f32
    %max3A_253 = vector.broadcast %max3A_252 : f32 to vector<256x64xf32>
    %max3A_254 = arith.maximumf %add3A_251, %max3A_253 : vector<256x64xf32>
    %mul3A_255 = vector.broadcast %get3A_64 : vector<1x64xf32> to vector<256x64xf32>
    %mul3A_256 = arith.mulf %max3A_254, %mul3A_255 : vector<256x64xf32>
    %reduce_sum3A_257 = arith.constant dense<0.000000e+00> : vector<256xf32>
    %reduce_sum3A_258 = vector.multi_reduction <add>, %mul3A_256, %reduce_sum3A_257 [1] : vector<256x64xf32> to vector<256xf32>
    %broadcast_in_dim3A_259 = vector.shape_cast %reduce_sum3A_258 : vector<256xf32> to vector<256x1xf32>
    %slice3A_260 = vector.extract_strided_slice %dot_general3A_52 {offsets = [15, 0], sizes = [1, 64], strides = [1, 1]} : vector<36x64xf32> to vector<1x64xf32>
    %add3A_261 = vector.broadcast %slice3A_260 : vector<1x64xf32> to vector<256x64xf32>
    %add3A_262 = arith.addf %dot_general3A_58, %add3A_261 : vector<256x64xf32>
    %add3A_263 = vector.broadcast %get3A_61 : vector<1x64xf32> to vector<256x64xf32>
    %add3A_264 = arith.addf %add3A_262, %add3A_263 : vector<256x64xf32>
    %max3A_265 = arith.constant 0.000000e+00 : f32
    %max3A_266 = vector.broadcast %max3A_265 : f32 to vector<256x64xf32>
    %max3A_267 = arith.maximumf %add3A_264, %max3A_266 : vector<256x64xf32>
    %mul3A_268 = vector.broadcast %get3A_64 : vector<1x64xf32> to vector<256x64xf32>
    %mul3A_269 = arith.mulf %max3A_267, %mul3A_268 : vector<256x64xf32>
    %reduce_sum3A_270 = arith.constant dense<0.000000e+00> : vector<256xf32>
    %reduce_sum3A_271 = vector.multi_reduction <add>, %mul3A_269, %reduce_sum3A_270 [1] : vector<256x64xf32> to vector<256xf32>
    %broadcast_in_dim3A_272 = vector.shape_cast %reduce_sum3A_271 : vector<256xf32> to vector<256x1xf32>
    %slice3A_273 = vector.extract_strided_slice %dot_general3A_52 {offsets = [16, 0], sizes = [1, 64], strides = [1, 1]} : vector<36x64xf32> to vector<1x64xf32>
    %add3A_274 = vector.broadcast %slice3A_273 : vector<1x64xf32> to vector<256x64xf32>
    %add3A_275 = arith.addf %dot_general3A_58, %add3A_274 : vector<256x64xf32>
    %add3A_276 = vector.broadcast %get3A_61 : vector<1x64xf32> to vector<256x64xf32>
    %add3A_277 = arith.addf %add3A_275, %add3A_276 : vector<256x64xf32>
    %max3A_278 = arith.constant 0.000000e+00 : f32
    %max3A_279 = vector.broadcast %max3A_278 : f32 to vector<256x64xf32>
    %max3A_280 = arith.maximumf %add3A_277, %max3A_279 : vector<256x64xf32>
    %mul3A_281 = vector.broadcast %get3A_64 : vector<1x64xf32> to vector<256x64xf32>
    %mul3A_282 = arith.mulf %max3A_280, %mul3A_281 : vector<256x64xf32>
    %reduce_sum3A_283 = arith.constant dense<0.000000e+00> : vector<256xf32>
    %reduce_sum3A_284 = vector.multi_reduction <add>, %mul3A_282, %reduce_sum3A_283 [1] : vector<256x64xf32> to vector<256xf32>
    %broadcast_in_dim3A_285 = vector.shape_cast %reduce_sum3A_284 : vector<256xf32> to vector<256x1xf32>
    %slice3A_286 = vector.extract_strided_slice %dot_general3A_52 {offsets = [17, 0], sizes = [1, 64], strides = [1, 1]} : vector<36x64xf32> to vector<1x64xf32>
    %add3A_287 = vector.broadcast %slice3A_286 : vector<1x64xf32> to vector<256x64xf32>
    %add3A_288 = arith.addf %dot_general3A_58, %add3A_287 : vector<256x64xf32>
    %add3A_289 = vector.broadcast %get3A_61 : vector<1x64xf32> to vector<256x64xf32>
    %add3A_290 = arith.addf %add3A_288, %add3A_289 : vector<256x64xf32>
    %max3A_291 = arith.constant 0.000000e+00 : f32
    %max3A_292 = vector.broadcast %max3A_291 : f32 to vector<256x64xf32>
    %max3A_293 = arith.maximumf %add3A_290, %max3A_292 : vector<256x64xf32>
    %mul3A_294 = vector.broadcast %get3A_64 : vector<1x64xf32> to vector<256x64xf32>
    %mul3A_295 = arith.mulf %max3A_293, %mul3A_294 : vector<256x64xf32>
    %reduce_sum3A_296 = arith.constant dense<0.000000e+00> : vector<256xf32>
    %reduce_sum3A_297 = vector.multi_reduction <add>, %mul3A_295, %reduce_sum3A_296 [1] : vector<256x64xf32> to vector<256xf32>
    %broadcast_in_dim3A_298 = vector.shape_cast %reduce_sum3A_297 : vector<256xf32> to vector<256x1xf32>
    %slice3A_299 = vector.extract_strided_slice %dot_general3A_52 {offsets = [18, 0], sizes = [1, 64], strides = [1, 1]} : vector<36x64xf32> to vector<1x64xf32>
    %add3A_300 = vector.broadcast %slice3A_299 : vector<1x64xf32> to vector<256x64xf32>
    %add3A_301 = arith.addf %dot_general3A_58, %add3A_300 : vector<256x64xf32>
    %add3A_302 = vector.broadcast %get3A_61 : vector<1x64xf32> to vector<256x64xf32>
    %add3A_303 = arith.addf %add3A_301, %add3A_302 : vector<256x64xf32>
    %max3A_304 = arith.constant 0.000000e+00 : f32
    %max3A_305 = vector.broadcast %max3A_304 : f32 to vector<256x64xf32>
    %max3A_306 = arith.maximumf %add3A_303, %max3A_305 : vector<256x64xf32>
    %mul3A_307 = vector.broadcast %get3A_64 : vector<1x64xf32> to vector<256x64xf32>
    %mul3A_308 = arith.mulf %max3A_306, %mul3A_307 : vector<256x64xf32>
    %reduce_sum3A_309 = arith.constant dense<0.000000e+00> : vector<256xf32>
    %reduce_sum3A_310 = vector.multi_reduction <add>, %mul3A_308, %reduce_sum3A_309 [1] : vector<256x64xf32> to vector<256xf32>
    %broadcast_in_dim3A_311 = vector.shape_cast %reduce_sum3A_310 : vector<256xf32> to vector<256x1xf32>
    %slice3A_312 = vector.extract_strided_slice %dot_general3A_52 {offsets = [19, 0], sizes = [1, 64], strides = [1, 1]} : vector<36x64xf32> to vector<1x64xf32>
    %add3A_313 = vector.broadcast %slice3A_312 : vector<1x64xf32> to vector<256x64xf32>
    %add3A_314 = arith.addf %dot_general3A_58, %add3A_313 : vector<256x64xf32>
    %add3A_315 = vector.broadcast %get3A_61 : vector<1x64xf32> to vector<256x64xf32>
    %add3A_316 = arith.addf %add3A_314, %add3A_315 : vector<256x64xf32>
    %max3A_317 = arith.constant 0.000000e+00 : f32
    %max3A_318 = vector.broadcast %max3A_317 : f32 to vector<256x64xf32>
    %max3A_319 = arith.maximumf %add3A_316, %max3A_318 : vector<256x64xf32>
    %mul3A_320 = vector.broadcast %get3A_64 : vector<1x64xf32> to vector<256x64xf32>
    %mul3A_321 = arith.mulf %max3A_319, %mul3A_320 : vector<256x64xf32>
    %reduce_sum3A_322 = arith.constant dense<0.000000e+00> : vector<256xf32>
    %reduce_sum3A_323 = vector.multi_reduction <add>, %mul3A_321, %reduce_sum3A_322 [1] : vector<256x64xf32> to vector<256xf32>
    %broadcast_in_dim3A_324 = vector.shape_cast %reduce_sum3A_323 : vector<256xf32> to vector<256x1xf32>
    %slice3A_325 = vector.extract_strided_slice %dot_general3A_52 {offsets = [20, 0], sizes = [1, 64], strides = [1, 1]} : vector<36x64xf32> to vector<1x64xf32>
    %add3A_326 = vector.broadcast %slice3A_325 : vector<1x64xf32> to vector<256x64xf32>
    %add3A_327 = arith.addf %dot_general3A_58, %add3A_326 : vector<256x64xf32>
    %add3A_328 = vector.broadcast %get3A_61 : vector<1x64xf32> to vector<256x64xf32>
    %add3A_329 = arith.addf %add3A_327, %add3A_328 : vector<256x64xf32>
    %max3A_330 = arith.constant 0.000000e+00 : f32
    %max3A_331 = vector.broadcast %max3A_330 : f32 to vector<256x64xf32>
    %max3A_332 = arith.maximumf %add3A_329, %max3A_331 : vector<256x64xf32>
    %mul3A_333 = vector.broadcast %get3A_64 : vector<1x64xf32> to vector<256x64xf32>
    %mul3A_334 = arith.mulf %max3A_332, %mul3A_333 : vector<256x64xf32>
    %reduce_sum3A_335 = arith.constant dense<0.000000e+00> : vector<256xf32>
    %reduce_sum3A_336 = vector.multi_reduction <add>, %mul3A_334, %reduce_sum3A_335 [1] : vector<256x64xf32> to vector<256xf32>
    %broadcast_in_dim3A_337 = vector.shape_cast %reduce_sum3A_336 : vector<256xf32> to vector<256x1xf32>
    %slice3A_338 = vector.extract_strided_slice %dot_general3A_52 {offsets = [21, 0], sizes = [1, 64], strides = [1, 1]} : vector<36x64xf32> to vector<1x64xf32>
    %add3A_339 = vector.broadcast %slice3A_338 : vector<1x64xf32> to vector<256x64xf32>
    %add3A_340 = arith.addf %dot_general3A_58, %add3A_339 : vector<256x64xf32>
    %add3A_341 = vector.broadcast %get3A_61 : vector<1x64xf32> to vector<256x64xf32>
    %add3A_342 = arith.addf %add3A_340, %add3A_341 : vector<256x64xf32>
    %max3A_343 = arith.constant 0.000000e+00 : f32
    %max3A_344 = vector.broadcast %max3A_343 : f32 to vector<256x64xf32>
    %max3A_345 = arith.maximumf %add3A_342, %max3A_344 : vector<256x64xf32>
    %mul3A_346 = vector.broadcast %get3A_64 : vector<1x64xf32> to vector<256x64xf32>
    %mul3A_347 = arith.mulf %max3A_345, %mul3A_346 : vector<256x64xf32>
    %reduce_sum3A_348 = arith.constant dense<0.000000e+00> : vector<256xf32>
    %reduce_sum3A_349 = vector.multi_reduction <add>, %mul3A_347, %reduce_sum3A_348 [1] : vector<256x64xf32> to vector<256xf32>
    %broadcast_in_dim3A_350 = vector.shape_cast %reduce_sum3A_349 : vector<256xf32> to vector<256x1xf32>
    %slice3A_351 = vector.extract_strided_slice %dot_general3A_52 {offsets = [22, 0], sizes = [1, 64], strides = [1, 1]} : vector<36x64xf32> to vector<1x64xf32>
    %add3A_352 = vector.broadcast %slice3A_351 : vector<1x64xf32> to vector<256x64xf32>
    %add3A_353 = arith.addf %dot_general3A_58, %add3A_352 : vector<256x64xf32>
    %add3A_354 = vector.broadcast %get3A_61 : vector<1x64xf32> to vector<256x64xf32>
    %add3A_355 = arith.addf %add3A_353, %add3A_354 : vector<256x64xf32>
    %max3A_356 = arith.constant 0.000000e+00 : f32
    %max3A_357 = vector.broadcast %max3A_356 : f32 to vector<256x64xf32>
    %max3A_358 = arith.maximumf %add3A_355, %max3A_357 : vector<256x64xf32>
    %mul3A_359 = vector.broadcast %get3A_64 : vector<1x64xf32> to vector<256x64xf32>
    %mul3A_360 = arith.mulf %max3A_358, %mul3A_359 : vector<256x64xf32>
    %reduce_sum3A_361 = arith.constant dense<0.000000e+00> : vector<256xf32>
    %reduce_sum3A_362 = vector.multi_reduction <add>, %mul3A_360, %reduce_sum3A_361 [1] : vector<256x64xf32> to vector<256xf32>
    %broadcast_in_dim3A_363 = vector.shape_cast %reduce_sum3A_362 : vector<256xf32> to vector<256x1xf32>
    %slice3A_364 = vector.extract_strided_slice %dot_general3A_52 {offsets = [23, 0], sizes = [1, 64], strides = [1, 1]} : vector<36x64xf32> to vector<1x64xf32>
    %add3A_365 = vector.broadcast %slice3A_364 : vector<1x64xf32> to vector<256x64xf32>
    %add3A_366 = arith.addf %dot_general3A_58, %add3A_365 : vector<256x64xf32>
    %add3A_367 = vector.broadcast %get3A_61 : vector<1x64xf32> to vector<256x64xf32>
    %add3A_368 = arith.addf %add3A_366, %add3A_367 : vector<256x64xf32>
    %max3A_369 = arith.constant 0.000000e+00 : f32
    %max3A_370 = vector.broadcast %max3A_369 : f32 to vector<256x64xf32>
    %max3A_371 = arith.maximumf %add3A_368, %max3A_370 : vector<256x64xf32>
    %mul3A_372 = vector.broadcast %get3A_64 : vector<1x64xf32> to vector<256x64xf32>
    %mul3A_373 = arith.mulf %max3A_371, %mul3A_372 : vector<256x64xf32>
    %reduce_sum3A_374 = arith.constant dense<0.000000e+00> : vector<256xf32>
    %reduce_sum3A_375 = vector.multi_reduction <add>, %mul3A_373, %reduce_sum3A_374 [1] : vector<256x64xf32> to vector<256xf32>
    %broadcast_in_dim3A_376 = vector.shape_cast %reduce_sum3A_375 : vector<256xf32> to vector<256x1xf32>
    %slice3A_377 = vector.extract_strided_slice %dot_general3A_52 {offsets = [24, 0], sizes = [1, 64], strides = [1, 1]} : vector<36x64xf32> to vector<1x64xf32>
    %add3A_378 = vector.broadcast %slice3A_377 : vector<1x64xf32> to vector<256x64xf32>
    %add3A_379 = arith.addf %dot_general3A_58, %add3A_378 : vector<256x64xf32>
    %add3A_380 = vector.broadcast %get3A_61 : vector<1x64xf32> to vector<256x64xf32>
    %add3A_381 = arith.addf %add3A_379, %add3A_380 : vector<256x64xf32>
    %max3A_382 = arith.constant 0.000000e+00 : f32
    %max3A_383 = vector.broadcast %max3A_382 : f32 to vector<256x64xf32>
    %max3A_384 = arith.maximumf %add3A_381, %max3A_383 : vector<256x64xf32>
    %mul3A_385 = vector.broadcast %get3A_64 : vector<1x64xf32> to vector<256x64xf32>
    %mul3A_386 = arith.mulf %max3A_384, %mul3A_385 : vector<256x64xf32>
    %reduce_sum3A_387 = arith.constant dense<0.000000e+00> : vector<256xf32>
    %reduce_sum3A_388 = vector.multi_reduction <add>, %mul3A_386, %reduce_sum3A_387 [1] : vector<256x64xf32> to vector<256xf32>
    %broadcast_in_dim3A_389 = vector.shape_cast %reduce_sum3A_388 : vector<256xf32> to vector<256x1xf32>
    %slice3A_390 = vector.extract_strided_slice %dot_general3A_52 {offsets = [25, 0], sizes = [1, 64], strides = [1, 1]} : vector<36x64xf32> to vector<1x64xf32>
    %add3A_391 = vector.broadcast %slice3A_390 : vector<1x64xf32> to vector<256x64xf32>
    %add3A_392 = arith.addf %dot_general3A_58, %add3A_391 : vector<256x64xf32>
    %add3A_393 = vector.broadcast %get3A_61 : vector<1x64xf32> to vector<256x64xf32>
    %add3A_394 = arith.addf %add3A_392, %add3A_393 : vector<256x64xf32>
    %max3A_395 = arith.constant 0.000000e+00 : f32
    %max3A_396 = vector.broadcast %max3A_395 : f32 to vector<256x64xf32>
    %max3A_397 = arith.maximumf %add3A_394, %max3A_396 : vector<256x64xf32>
    %mul3A_398 = vector.broadcast %get3A_64 : vector<1x64xf32> to vector<256x64xf32>
    %mul3A_399 = arith.mulf %max3A_397, %mul3A_398 : vector<256x64xf32>
    %reduce_sum3A_400 = arith.constant dense<0.000000e+00> : vector<256xf32>
    %reduce_sum3A_401 = vector.multi_reduction <add>, %mul3A_399, %reduce_sum3A_400 [1] : vector<256x64xf32> to vector<256xf32>
    %broadcast_in_dim3A_402 = vector.shape_cast %reduce_sum3A_401 : vector<256xf32> to vector<256x1xf32>
    %slice3A_403 = vector.extract_strided_slice %dot_general3A_52 {offsets = [26, 0], sizes = [1, 64], strides = [1, 1]} : vector<36x64xf32> to vector<1x64xf32>
    %add3A_404 = vector.broadcast %slice3A_403 : vector<1x64xf32> to vector<256x64xf32>
    %add3A_405 = arith.addf %dot_general3A_58, %add3A_404 : vector<256x64xf32>
    %add3A_406 = vector.broadcast %get3A_61 : vector<1x64xf32> to vector<256x64xf32>
    %add3A_407 = arith.addf %add3A_405, %add3A_406 : vector<256x64xf32>
    %max3A_408 = arith.constant 0.000000e+00 : f32
    %max3A_409 = vector.broadcast %max3A_408 : f32 to vector<256x64xf32>
    %max3A_410 = arith.maximumf %add3A_407, %max3A_409 : vector<256x64xf32>
    %mul3A_411 = vector.broadcast %get3A_64 : vector<1x64xf32> to vector<256x64xf32>
    %mul3A_412 = arith.mulf %max3A_410, %mul3A_411 : vector<256x64xf32>
    %reduce_sum3A_413 = arith.constant dense<0.000000e+00> : vector<256xf32>
    %reduce_sum3A_414 = vector.multi_reduction <add>, %mul3A_412, %reduce_sum3A_413 [1] : vector<256x64xf32> to vector<256xf32>
    %broadcast_in_dim3A_415 = vector.shape_cast %reduce_sum3A_414 : vector<256xf32> to vector<256x1xf32>
    %slice3A_416 = vector.extract_strided_slice %dot_general3A_52 {offsets = [27, 0], sizes = [1, 64], strides = [1, 1]} : vector<36x64xf32> to vector<1x64xf32>
    %add3A_417 = vector.broadcast %slice3A_416 : vector<1x64xf32> to vector<256x64xf32>
    %add3A_418 = arith.addf %dot_general3A_58, %add3A_417 : vector<256x64xf32>
    %add3A_419 = vector.broadcast %get3A_61 : vector<1x64xf32> to vector<256x64xf32>
    %add3A_420 = arith.addf %add3A_418, %add3A_419 : vector<256x64xf32>
    %max3A_421 = arith.constant 0.000000e+00 : f32
    %max3A_422 = vector.broadcast %max3A_421 : f32 to vector<256x64xf32>
    %max3A_423 = arith.maximumf %add3A_420, %max3A_422 : vector<256x64xf32>
    %mul3A_424 = vector.broadcast %get3A_64 : vector<1x64xf32> to vector<256x64xf32>
    %mul3A_425 = arith.mulf %max3A_423, %mul3A_424 : vector<256x64xf32>
    %reduce_sum3A_426 = arith.constant dense<0.000000e+00> : vector<256xf32>
    %reduce_sum3A_427 = vector.multi_reduction <add>, %mul3A_425, %reduce_sum3A_426 [1] : vector<256x64xf32> to vector<256xf32>
    %broadcast_in_dim3A_428 = vector.shape_cast %reduce_sum3A_427 : vector<256xf32> to vector<256x1xf32>
    %slice3A_429 = vector.extract_strided_slice %dot_general3A_52 {offsets = [28, 0], sizes = [1, 64], strides = [1, 1]} : vector<36x64xf32> to vector<1x64xf32>
    %add3A_430 = vector.broadcast %slice3A_429 : vector<1x64xf32> to vector<256x64xf32>
    %add3A_431 = arith.addf %dot_general3A_58, %add3A_430 : vector<256x64xf32>
    %add3A_432 = vector.broadcast %get3A_61 : vector<1x64xf32> to vector<256x64xf32>
    %add3A_433 = arith.addf %add3A_431, %add3A_432 : vector<256x64xf32>
    %max3A_434 = arith.constant 0.000000e+00 : f32
    %max3A_435 = vector.broadcast %max3A_434 : f32 to vector<256x64xf32>
    %max3A_436 = arith.maximumf %add3A_433, %max3A_435 : vector<256x64xf32>
    %mul3A_437 = vector.broadcast %get3A_64 : vector<1x64xf32> to vector<256x64xf32>
    %mul3A_438 = arith.mulf %max3A_436, %mul3A_437 : vector<256x64xf32>
    %reduce_sum3A_439 = arith.constant dense<0.000000e+00> : vector<256xf32>
    %reduce_sum3A_440 = vector.multi_reduction <add>, %mul3A_438, %reduce_sum3A_439 [1] : vector<256x64xf32> to vector<256xf32>
    %broadcast_in_dim3A_441 = vector.shape_cast %reduce_sum3A_440 : vector<256xf32> to vector<256x1xf32>
    %slice3A_442 = vector.extract_strided_slice %dot_general3A_52 {offsets = [29, 0], sizes = [1, 64], strides = [1, 1]} : vector<36x64xf32> to vector<1x64xf32>
    %add3A_443 = vector.broadcast %slice3A_442 : vector<1x64xf32> to vector<256x64xf32>
    %add3A_444 = arith.addf %dot_general3A_58, %add3A_443 : vector<256x64xf32>
    %add3A_445 = vector.broadcast %get3A_61 : vector<1x64xf32> to vector<256x64xf32>
    %add3A_446 = arith.addf %add3A_444, %add3A_445 : vector<256x64xf32>
    %max3A_447 = arith.constant 0.000000e+00 : f32
    %max3A_448 = vector.broadcast %max3A_447 : f32 to vector<256x64xf32>
    %max3A_449 = arith.maximumf %add3A_446, %max3A_448 : vector<256x64xf32>
    %mul3A_450 = vector.broadcast %get3A_64 : vector<1x64xf32> to vector<256x64xf32>
    %mul3A_451 = arith.mulf %max3A_449, %mul3A_450 : vector<256x64xf32>
    %reduce_sum3A_452 = arith.constant dense<0.000000e+00> : vector<256xf32>
    %reduce_sum3A_453 = vector.multi_reduction <add>, %mul3A_451, %reduce_sum3A_452 [1] : vector<256x64xf32> to vector<256xf32>
    %broadcast_in_dim3A_454 = vector.shape_cast %reduce_sum3A_453 : vector<256xf32> to vector<256x1xf32>
    %slice3A_455 = vector.extract_strided_slice %dot_general3A_52 {offsets = [30, 0], sizes = [1, 64], strides = [1, 1]} : vector<36x64xf32> to vector<1x64xf32>
    %add3A_456 = vector.broadcast %slice3A_455 : vector<1x64xf32> to vector<256x64xf32>
    %add3A_457 = arith.addf %dot_general3A_58, %add3A_456 : vector<256x64xf32>
    %add3A_458 = vector.broadcast %get3A_61 : vector<1x64xf32> to vector<256x64xf32>
    %add3A_459 = arith.addf %add3A_457, %add3A_458 : vector<256x64xf32>
    %max3A_460 = arith.constant 0.000000e+00 : f32
    %max3A_461 = vector.broadcast %max3A_460 : f32 to vector<256x64xf32>
    %max3A_462 = arith.maximumf %add3A_459, %max3A_461 : vector<256x64xf32>
    %mul3A_463 = vector.broadcast %get3A_64 : vector<1x64xf32> to vector<256x64xf32>
    %mul3A_464 = arith.mulf %max3A_462, %mul3A_463 : vector<256x64xf32>
    %reduce_sum3A_465 = arith.constant dense<0.000000e+00> : vector<256xf32>
    %reduce_sum3A_466 = vector.multi_reduction <add>, %mul3A_464, %reduce_sum3A_465 [1] : vector<256x64xf32> to vector<256xf32>
    %broadcast_in_dim3A_467 = vector.shape_cast %reduce_sum3A_466 : vector<256xf32> to vector<256x1xf32>
    %slice3A_468 = vector.extract_strided_slice %dot_general3A_52 {offsets = [31, 0], sizes = [1, 64], strides = [1, 1]} : vector<36x64xf32> to vector<1x64xf32>
    %add3A_469 = vector.broadcast %slice3A_468 : vector<1x64xf32> to vector<256x64xf32>
    %add3A_470 = arith.addf %dot_general3A_58, %add3A_469 : vector<256x64xf32>
    %add3A_471 = vector.broadcast %get3A_61 : vector<1x64xf32> to vector<256x64xf32>
    %add3A_472 = arith.addf %add3A_470, %add3A_471 : vector<256x64xf32>
    %max3A_473 = arith.constant 0.000000e+00 : f32
    %max3A_474 = vector.broadcast %max3A_473 : f32 to vector<256x64xf32>
    %max3A_475 = arith.maximumf %add3A_472, %max3A_474 : vector<256x64xf32>
    %mul3A_476 = vector.broadcast %get3A_64 : vector<1x64xf32> to vector<256x64xf32>
    %mul3A_477 = arith.mulf %max3A_475, %mul3A_476 : vector<256x64xf32>
    %reduce_sum3A_478 = arith.constant dense<0.000000e+00> : vector<256xf32>
    %reduce_sum3A_479 = vector.multi_reduction <add>, %mul3A_477, %reduce_sum3A_478 [1] : vector<256x64xf32> to vector<256xf32>
    %broadcast_in_dim3A_480 = vector.shape_cast %reduce_sum3A_479 : vector<256xf32> to vector<256x1xf32>
    %slice3A_481 = vector.extract_strided_slice %dot_general3A_52 {offsets = [32, 0], sizes = [1, 64], strides = [1, 1]} : vector<36x64xf32> to vector<1x64xf32>
    %add3A_482 = vector.broadcast %slice3A_481 : vector<1x64xf32> to vector<256x64xf32>
    %add3A_483 = arith.addf %dot_general3A_58, %add3A_482 : vector<256x64xf32>
    %add3A_484 = vector.broadcast %get3A_61 : vector<1x64xf32> to vector<256x64xf32>
    %add3A_485 = arith.addf %add3A_483, %add3A_484 : vector<256x64xf32>
    %max3A_486 = arith.constant 0.000000e+00 : f32
    %max3A_487 = vector.broadcast %max3A_486 : f32 to vector<256x64xf32>
    %max3A_488 = arith.maximumf %add3A_485, %max3A_487 : vector<256x64xf32>
    %mul3A_489 = vector.broadcast %get3A_64 : vector<1x64xf32> to vector<256x64xf32>
    %mul3A_490 = arith.mulf %max3A_488, %mul3A_489 : vector<256x64xf32>
    %reduce_sum3A_491 = arith.constant dense<0.000000e+00> : vector<256xf32>
    %reduce_sum3A_492 = vector.multi_reduction <add>, %mul3A_490, %reduce_sum3A_491 [1] : vector<256x64xf32> to vector<256xf32>
    %broadcast_in_dim3A_493 = vector.shape_cast %reduce_sum3A_492 : vector<256xf32> to vector<256x1xf32>
    %slice3A_494 = vector.extract_strided_slice %dot_general3A_52 {offsets = [33, 0], sizes = [1, 64], strides = [1, 1]} : vector<36x64xf32> to vector<1x64xf32>
    %add3A_495 = vector.broadcast %slice3A_494 : vector<1x64xf32> to vector<256x64xf32>
    %add3A_496 = arith.addf %dot_general3A_58, %add3A_495 : vector<256x64xf32>
    %add3A_497 = vector.broadcast %get3A_61 : vector<1x64xf32> to vector<256x64xf32>
    %add3A_498 = arith.addf %add3A_496, %add3A_497 : vector<256x64xf32>
    %max3A_499 = arith.constant 0.000000e+00 : f32
    %max3A_500 = vector.broadcast %max3A_499 : f32 to vector<256x64xf32>
    %max3A_501 = arith.maximumf %add3A_498, %max3A_500 : vector<256x64xf32>
    %mul3A_502 = vector.broadcast %get3A_64 : vector<1x64xf32> to vector<256x64xf32>
    %mul3A_503 = arith.mulf %max3A_501, %mul3A_502 : vector<256x64xf32>
    %reduce_sum3A_504 = arith.constant dense<0.000000e+00> : vector<256xf32>
    %reduce_sum3A_505 = vector.multi_reduction <add>, %mul3A_503, %reduce_sum3A_504 [1] : vector<256x64xf32> to vector<256xf32>
    %broadcast_in_dim3A_506 = vector.shape_cast %reduce_sum3A_505 : vector<256xf32> to vector<256x1xf32>
    %slice3A_507 = vector.extract_strided_slice %dot_general3A_52 {offsets = [34, 0], sizes = [1, 64], strides = [1, 1]} : vector<36x64xf32> to vector<1x64xf32>
    %add3A_508 = vector.broadcast %slice3A_507 : vector<1x64xf32> to vector<256x64xf32>
    %add3A_509 = arith.addf %dot_general3A_58, %add3A_508 : vector<256x64xf32>
    %add3A_510 = vector.broadcast %get3A_61 : vector<1x64xf32> to vector<256x64xf32>
    %add3A_511 = arith.addf %add3A_509, %add3A_510 : vector<256x64xf32>
    %max3A_512 = arith.constant 0.000000e+00 : f32
    %max3A_513 = vector.broadcast %max3A_512 : f32 to vector<256x64xf32>
    %max3A_514 = arith.maximumf %add3A_511, %max3A_513 : vector<256x64xf32>
    %mul3A_515 = vector.broadcast %get3A_64 : vector<1x64xf32> to vector<256x64xf32>
    %mul3A_516 = arith.mulf %max3A_514, %mul3A_515 : vector<256x64xf32>
    %reduce_sum3A_517 = arith.constant dense<0.000000e+00> : vector<256xf32>
    %reduce_sum3A_518 = vector.multi_reduction <add>, %mul3A_516, %reduce_sum3A_517 [1] : vector<256x64xf32> to vector<256xf32>
    %broadcast_in_dim3A_519 = vector.shape_cast %reduce_sum3A_518 : vector<256xf32> to vector<256x1xf32>
    %slice3A_520 = vector.extract_strided_slice %dot_general3A_52 {offsets = [35, 0], sizes = [1, 64], strides = [1, 1]} : vector<36x64xf32> to vector<1x64xf32>
    %add3A_521 = vector.broadcast %slice3A_520 : vector<1x64xf32> to vector<256x64xf32>
    %add3A_522 = arith.addf %dot_general3A_58, %add3A_521 : vector<256x64xf32>
    %add3A_523 = vector.broadcast %get3A_61 : vector<1x64xf32> to vector<256x64xf32>
    %add3A_524 = arith.addf %add3A_522, %add3A_523 : vector<256x64xf32>
    %max3A_525 = arith.constant 0.000000e+00 : f32
    %max3A_526 = vector.broadcast %max3A_525 : f32 to vector<256x64xf32>
    %max3A_527 = arith.maximumf %add3A_524, %max3A_526 : vector<256x64xf32>
    %mul3A_528 = vector.broadcast %get3A_64 : vector<1x64xf32> to vector<256x64xf32>
    %mul3A_529 = arith.mulf %max3A_527, %mul3A_528 : vector<256x64xf32>
    %reduce_sum3A_530 = arith.constant dense<0.000000e+00> : vector<256xf32>
    %reduce_sum3A_531 = vector.multi_reduction <add>, %mul3A_529, %reduce_sum3A_530 [1] : vector<256x64xf32> to vector<256xf32>
    %broadcast_in_dim3A_532 = vector.shape_cast %reduce_sum3A_531 : vector<256xf32> to vector<256x1xf32>
    %concatenate3A = tpu.concatenate %broadcast_in_dim3A_77, %broadcast_in_dim3A_90, %broadcast_in_dim3A_103, %broadcast_in_dim3A_116, %broadcast_in_dim3A_129, %broadcast_in_dim3A_142, %broadcast_in_dim3A_155, %broadcast_in_dim3A_168, %broadcast_in_dim3A_181, %broadcast_in_dim3A_194, %broadcast_in_dim3A_207, %broadcast_in_dim3A_220, %broadcast_in_dim3A_233, %broadcast_in_dim3A_246, %broadcast_in_dim3A_259, %broadcast_in_dim3A_272, %broadcast_in_dim3A_285, %broadcast_in_dim3A_298, %broadcast_in_dim3A_311, %broadcast_in_dim3A_324, %broadcast_in_dim3A_337, %broadcast_in_dim3A_350, %broadcast_in_dim3A_363, %broadcast_in_dim3A_376, %broadcast_in_dim3A_389, %broadcast_in_dim3A_402, %broadcast_in_dim3A_415, %broadcast_in_dim3A_428, %broadcast_in_dim3A_441, %broadcast_in_dim3A_454, %broadcast_in_dim3A_467, %broadcast_in_dim3A_480, %broadcast_in_dim3A_493, %broadcast_in_dim3A_506, %broadcast_in_dim3A_519, %broadcast_in_dim3A_532 in 1 : vector<256x1xf32>, vector<256x1xf32>, vector<256x1xf32>, vector<256x1xf32>, vector<256x1xf32>, vector<256x1xf32>, vector<256x1xf32>, vector<256x1xf32>, vector<256x1xf32>, vector<256x1xf32>, vector<256x1xf32>, vector<256x1xf32>, vector<256x1xf32>, vector<256x1xf32>, vector<256x1xf32>, vector<256x1xf32>, vector<256x1xf32>, vector<256x1xf32>, vector<256x1xf32>, vector<256x1xf32>, vector<256x1xf32>, vector<256x1xf32>, vector<256x1xf32>, vector<256x1xf32>, vector<256x1xf32>, vector<256x1xf32>, vector<256x1xf32>, vector<256x1xf32>, vector<256x1xf32>, vector<256x1xf32>, vector<256x1xf32>, vector<256x1xf32>, vector<256x1xf32>, vector<256x1xf32>, vector<256x1xf32>, vector<256x1xf32> -> vector<256x36xf32>
    %add3A_533 = vector.broadcast %get3A_67 : vector<1x1xf32> to vector<256x36xf32>
    %add3A_534 = arith.addf %concatenate3A, %add3A_533 : vector<256x36xf32>
    %transpose3A = tpu.transpose %get3A_28, [1, 0] : vector<256x100xi32> -> vector<100x256xi32>
    %iota3A = tpu.iota {dimensions = array<i32: 0>} : vector<36x256xi32>
    %broadcast_in_dim3A_535 = arith.constant 0.000000e+00 : f32
    %broadcast_in_dim3A_536 = vector.broadcast %broadcast_in_dim3A_535 : f32 to vector<36x256xf32>
    %slice3A_537 = vector.extract_strided_slice %transpose3A {offsets = [0, 0], sizes = [1, 256], strides = [1, 1]} : vector<100x256xi32> to vector<1x256xi32>
    %gt3A = arith.constant 0 : i32
    %gt3A_538 = vector.broadcast %gt3A : i32 to vector<1x256xi32>
    %gt3A_539 = arith.cmpi sgt, %slice3A_537, %gt3A_538 : vector<1x256xi32>
    %mul3A_540 = arith.constant 6 : i32
    %mul3A_541 = vector.broadcast %mul3A_540 : i32 to vector<1x256xi32>
    %mul3A_542 = arith.muli %slice3A_537, %mul3A_541 : vector<1x256xi32>
    %slice3A_543 = vector.extract_strided_slice %transpose3A {offsets = [1, 0], sizes = [1, 256], strides = [1, 1]} : vector<100x256xi32> to vector<1x256xi32>
    %add3A_544 = arith.addi %mul3A_542, %slice3A_543 : vector<1x256xi32>
    %jit3A = arith.constant -1 : i32
    %broadcast_in_dim3A_545 = vector.broadcast %jit3A : i32 to vector<1x256xi32>
    %select_n3A_546 = arith.select %gt3A_539, %add3A_544, %broadcast_in_dim3A_545 : vector<1x256xi1>, vector<1x256xi32>
    %eq3A_547 = vector.broadcast %select_n3A_546 : vector<1x256xi32> to vector<36x256xi32>
    %eq3A_548 = arith.cmpi eq, %eq3A_547, %iota3A : vector<36x256xi32>
    %convert_element_type3A = arith.extui %eq3A_548 : vector<36x256xi1> to vector<36x256xi32>
    %convert_element_type3A_549 = arith.sitofp %convert_element_type3A : vector<36x256xi32> to vector<36x256xf32>
    %add3A_550 = arith.addf %broadcast_in_dim3A_536, %convert_element_type3A_549 : vector<36x256xf32>
    %slice3A_551 = vector.extract_strided_slice %transpose3A {offsets = [2, 0], sizes = [1, 256], strides = [1, 1]} : vector<100x256xi32> to vector<1x256xi32>
    %gt3A_552 = arith.constant 0 : i32
    %gt3A_553 = vector.broadcast %gt3A_552 : i32 to vector<1x256xi32>
    %gt3A_554 = arith.cmpi sgt, %slice3A_551, %gt3A_553 : vector<1x256xi32>
    %mul3A_555 = arith.constant 6 : i32
    %mul3A_556 = vector.broadcast %mul3A_555 : i32 to vector<1x256xi32>
    %mul3A_557 = arith.muli %slice3A_551, %mul3A_556 : vector<1x256xi32>
    %slice3A_558 = vector.extract_strided_slice %transpose3A {offsets = [3, 0], sizes = [1, 256], strides = [1, 1]} : vector<100x256xi32> to vector<1x256xi32>
    %add3A_559 = arith.addi %mul3A_557, %slice3A_558 : vector<1x256xi32>
    %jit3A_560 = arith.constant -1 : i32
    %broadcast_in_dim3A_561 = vector.broadcast %jit3A_560 : i32 to vector<1x256xi32>
    %select_n3A_562 = arith.select %gt3A_554, %add3A_559, %broadcast_in_dim3A_561 : vector<1x256xi1>, vector<1x256xi32>
    %eq3A_563 = vector.broadcast %select_n3A_562 : vector<1x256xi32> to vector<36x256xi32>
    %eq3A_564 = arith.cmpi eq, %eq3A_563, %iota3A : vector<36x256xi32>
    %convert_element_type3A_565 = arith.extui %eq3A_564 : vector<36x256xi1> to vector<36x256xi32>
    %convert_element_type3A_566 = arith.sitofp %convert_element_type3A_565 : vector<36x256xi32> to vector<36x256xf32>
    %add3A_567 = arith.addf %add3A_550, %convert_element_type3A_566 : vector<36x256xf32>
    %slice3A_568 = vector.extract_strided_slice %transpose3A {offsets = [4, 0], sizes = [1, 256], strides = [1, 1]} : vector<100x256xi32> to vector<1x256xi32>
    %gt3A_569 = arith.constant 0 : i32
    %gt3A_570 = vector.broadcast %gt3A_569 : i32 to vector<1x256xi32>
    %gt3A_571 = arith.cmpi sgt, %slice3A_568, %gt3A_570 : vector<1x256xi32>
    %mul3A_572 = arith.constant 6 : i32
    %mul3A_573 = vector.broadcast %mul3A_572 : i32 to vector<1x256xi32>
    %mul3A_574 = arith.muli %slice3A_568, %mul3A_573 : vector<1x256xi32>
    %slice3A_575 = vector.extract_strided_slice %transpose3A {offsets = [5, 0], sizes = [1, 256], strides = [1, 1]} : vector<100x256xi32> to vector<1x256xi32>
    %add3A_576 = arith.addi %mul3A_574, %slice3A_575 : vector<1x256xi32>
    %jit3A_577 = arith.constant -1 : i32
    %broadcast_in_dim3A_578 = vector.broadcast %jit3A_577 : i32 to vector<1x256xi32>
    %select_n3A_579 = arith.select %gt3A_571, %add3A_576, %broadcast_in_dim3A_578 : vector<1x256xi1>, vector<1x256xi32>
    %eq3A_580 = vector.broadcast %select_n3A_579 : vector<1x256xi32> to vector<36x256xi32>
    %eq3A_581 = arith.cmpi eq, %eq3A_580, %iota3A : vector<36x256xi32>
    %convert_element_type3A_582 = arith.extui %eq3A_581 : vector<36x256xi1> to vector<36x256xi32>
    %convert_element_type3A_583 = arith.sitofp %convert_element_type3A_582 : vector<36x256xi32> to vector<36x256xf32>
    %add3A_584 = arith.addf %add3A_567, %convert_element_type3A_583 : vector<36x256xf32>
    %slice3A_585 = vector.extract_strided_slice %transpose3A {offsets = [6, 0], sizes = [1, 256], strides = [1, 1]} : vector<100x256xi32> to vector<1x256xi32>
    %gt3A_586 = arith.constant 0 : i32
    %gt3A_587 = vector.broadcast %gt3A_586 : i32 to vector<1x256xi32>
    %gt3A_588 = arith.cmpi sgt, %slice3A_585, %gt3A_587 : vector<1x256xi32>
    %mul3A_589 = arith.constant 6 : i32
    %mul3A_590 = vector.broadcast %mul3A_589 : i32 to vector<1x256xi32>
    %mul3A_591 = arith.muli %slice3A_585, %mul3A_590 : vector<1x256xi32>
    %slice3A_592 = vector.extract_strided_slice %transpose3A {offsets = [7, 0], sizes = [1, 256], strides = [1, 1]} : vector<100x256xi32> to vector<1x256xi32>
    %add3A_593 = arith.addi %mul3A_591, %slice3A_592 : vector<1x256xi32>
    %jit3A_594 = arith.constant -1 : i32
    %broadcast_in_dim3A_595 = vector.broadcast %jit3A_594 : i32 to vector<1x256xi32>
    %select_n3A_596 = arith.select %gt3A_588, %add3A_593, %broadcast_in_dim3A_595 : vector<1x256xi1>, vector<1x256xi32>
    %eq3A_597 = vector.broadcast %select_n3A_596 : vector<1x256xi32> to vector<36x256xi32>
    %eq3A_598 = arith.cmpi eq, %eq3A_597, %iota3A : vector<36x256xi32>
    %convert_element_type3A_599 = arith.extui %eq3A_598 : vector<36x256xi1> to vector<36x256xi32>
    %convert_element_type3A_600 = arith.sitofp %convert_element_type3A_599 : vector<36x256xi32> to vector<36x256xf32>
    %add3A_601 = arith.addf %add3A_584, %convert_element_type3A_600 : vector<36x256xf32>
    %slice3A_602 = vector.extract_strided_slice %transpose3A {offsets = [8, 0], sizes = [1, 256], strides = [1, 1]} : vector<100x256xi32> to vector<1x256xi32>
    %gt3A_603 = arith.constant 0 : i32
    %gt3A_604 = vector.broadcast %gt3A_603 : i32 to vector<1x256xi32>
    %gt3A_605 = arith.cmpi sgt, %slice3A_602, %gt3A_604 : vector<1x256xi32>
    %mul3A_606 = arith.constant 6 : i32
    %mul3A_607 = vector.broadcast %mul3A_606 : i32 to vector<1x256xi32>
    %mul3A_608 = arith.muli %slice3A_602, %mul3A_607 : vector<1x256xi32>
    %slice3A_609 = vector.extract_strided_slice %transpose3A {offsets = [9, 0], sizes = [1, 256], strides = [1, 1]} : vector<100x256xi32> to vector<1x256xi32>
    %add3A_610 = arith.addi %mul3A_608, %slice3A_609 : vector<1x256xi32>
    %jit3A_611 = arith.constant -1 : i32
    %broadcast_in_dim3A_612 = vector.broadcast %jit3A_611 : i32 to vector<1x256xi32>
    %select_n3A_613 = arith.select %gt3A_605, %add3A_610, %broadcast_in_dim3A_612 : vector<1x256xi1>, vector<1x256xi32>
    %eq3A_614 = vector.broadcast %select_n3A_613 : vector<1x256xi32> to vector<36x256xi32>
    %eq3A_615 = arith.cmpi eq, %eq3A_614, %iota3A : vector<36x256xi32>
    %convert_element_type3A_616 = arith.extui %eq3A_615 : vector<36x256xi1> to vector<36x256xi32>
    %convert_element_type3A_617 = arith.sitofp %convert_element_type3A_616 : vector<36x256xi32> to vector<36x256xf32>
    %add3A_618 = arith.addf %add3A_601, %convert_element_type3A_617 : vector<36x256xf32>
    %slice3A_619 = vector.extract_strided_slice %transpose3A {offsets = [10, 0], sizes = [1, 256], strides = [1, 1]} : vector<100x256xi32> to vector<1x256xi32>
    %gt3A_620 = arith.constant 0 : i32
    %gt3A_621 = vector.broadcast %gt3A_620 : i32 to vector<1x256xi32>
    %gt3A_622 = arith.cmpi sgt, %slice3A_619, %gt3A_621 : vector<1x256xi32>
    %mul3A_623 = arith.constant 6 : i32
    %mul3A_624 = vector.broadcast %mul3A_623 : i32 to vector<1x256xi32>
    %mul3A_625 = arith.muli %slice3A_619, %mul3A_624 : vector<1x256xi32>
    %slice3A_626 = vector.extract_strided_slice %transpose3A {offsets = [11, 0], sizes = [1, 256], strides = [1, 1]} : vector<100x256xi32> to vector<1x256xi32>
    %add3A_627 = arith.addi %mul3A_625, %slice3A_626 : vector<1x256xi32>
    %jit3A_628 = arith.constant -1 : i32
    %broadcast_in_dim3A_629 = vector.broadcast %jit3A_628 : i32 to vector<1x256xi32>
    %select_n3A_630 = arith.select %gt3A_622, %add3A_627, %broadcast_in_dim3A_629 : vector<1x256xi1>, vector<1x256xi32>
    %eq3A_631 = vector.broadcast %select_n3A_630 : vector<1x256xi32> to vector<36x256xi32>
    %eq3A_632 = arith.cmpi eq, %eq3A_631, %iota3A : vector<36x256xi32>
    %convert_element_type3A_633 = arith.extui %eq3A_632 : vector<36x256xi1> to vector<36x256xi32>
    %convert_element_type3A_634 = arith.sitofp %convert_element_type3A_633 : vector<36x256xi32> to vector<36x256xf32>
    %add3A_635 = arith.addf %add3A_618, %convert_element_type3A_634 : vector<36x256xf32>
    %slice3A_636 = vector.extract_strided_slice %transpose3A {offsets = [12, 0], sizes = [1, 256], strides = [1, 1]} : vector<100x256xi32> to vector<1x256xi32>
    %gt3A_637 = arith.constant 0 : i32
    %gt3A_638 = vector.broadcast %gt3A_637 : i32 to vector<1x256xi32>
    %gt3A_639 = arith.cmpi sgt, %slice3A_636, %gt3A_638 : vector<1x256xi32>
    %mul3A_640 = arith.constant 6 : i32
    %mul3A_641 = vector.broadcast %mul3A_640 : i32 to vector<1x256xi32>
    %mul3A_642 = arith.muli %slice3A_636, %mul3A_641 : vector<1x256xi32>
    %slice3A_643 = vector.extract_strided_slice %transpose3A {offsets = [13, 0], sizes = [1, 256], strides = [1, 1]} : vector<100x256xi32> to vector<1x256xi32>
    %add3A_644 = arith.addi %mul3A_642, %slice3A_643 : vector<1x256xi32>
    %jit3A_645 = arith.constant -1 : i32
    %broadcast_in_dim3A_646 = vector.broadcast %jit3A_645 : i32 to vector<1x256xi32>
    %select_n3A_647 = arith.select %gt3A_639, %add3A_644, %broadcast_in_dim3A_646 : vector<1x256xi1>, vector<1x256xi32>
    %eq3A_648 = vector.broadcast %select_n3A_647 : vector<1x256xi32> to vector<36x256xi32>
    %eq3A_649 = arith.cmpi eq, %eq3A_648, %iota3A : vector<36x256xi32>
    %convert_element_type3A_650 = arith.extui %eq3A_649 : vector<36x256xi1> to vector<36x256xi32>
    %convert_element_type3A_651 = arith.sitofp %convert_element_type3A_650 : vector<36x256xi32> to vector<36x256xf32>
    %add3A_652 = arith.addf %add3A_635, %convert_element_type3A_651 : vector<36x256xf32>
    %slice3A_653 = vector.extract_strided_slice %transpose3A {offsets = [14, 0], sizes = [1, 256], strides = [1, 1]} : vector<100x256xi32> to vector<1x256xi32>
    %gt3A_654 = arith.constant 0 : i32
    %gt3A_655 = vector.broadcast %gt3A_654 : i32 to vector<1x256xi32>
    %gt3A_656 = arith.cmpi sgt, %slice3A_653, %gt3A_655 : vector<1x256xi32>
    %mul3A_657 = arith.constant 6 : i32
    %mul3A_658 = vector.broadcast %mul3A_657 : i32 to vector<1x256xi32>
    %mul3A_659 = arith.muli %slice3A_653, %mul3A_658 : vector<1x256xi32>
    %slice3A_660 = vector.extract_strided_slice %transpose3A {offsets = [15, 0], sizes = [1, 256], strides = [1, 1]} : vector<100x256xi32> to vector<1x256xi32>
    %add3A_661 = arith.addi %mul3A_659, %slice3A_660 : vector<1x256xi32>
    %jit3A_662 = arith.constant -1 : i32
    %broadcast_in_dim3A_663 = vector.broadcast %jit3A_662 : i32 to vector<1x256xi32>
    %select_n3A_664 = arith.select %gt3A_656, %add3A_661, %broadcast_in_dim3A_663 : vector<1x256xi1>, vector<1x256xi32>
    %eq3A_665 = vector.broadcast %select_n3A_664 : vector<1x256xi32> to vector<36x256xi32>
    %eq3A_666 = arith.cmpi eq, %eq3A_665, %iota3A : vector<36x256xi32>
    %convert_element_type3A_667 = arith.extui %eq3A_666 : vector<36x256xi1> to vector<36x256xi32>
    %convert_element_type3A_668 = arith.sitofp %convert_element_type3A_667 : vector<36x256xi32> to vector<36x256xf32>
    %add3A_669 = arith.addf %add3A_652, %convert_element_type3A_668 : vector<36x256xf32>
    %slice3A_670 = vector.extract_strided_slice %transpose3A {offsets = [16, 0], sizes = [1, 256], strides = [1, 1]} : vector<100x256xi32> to vector<1x256xi32>
    %gt3A_671 = arith.constant 0 : i32
    %gt3A_672 = vector.broadcast %gt3A_671 : i32 to vector<1x256xi32>
    %gt3A_673 = arith.cmpi sgt, %slice3A_670, %gt3A_672 : vector<1x256xi32>
    %mul3A_674 = arith.constant 6 : i32
    %mul3A_675 = vector.broadcast %mul3A_674 : i32 to vector<1x256xi32>
    %mul3A_676 = arith.muli %slice3A_670, %mul3A_675 : vector<1x256xi32>
    %slice3A_677 = vector.extract_strided_slice %transpose3A {offsets = [17, 0], sizes = [1, 256], strides = [1, 1]} : vector<100x256xi32> to vector<1x256xi32>
    %add3A_678 = arith.addi %mul3A_676, %slice3A_677 : vector<1x256xi32>
    %jit3A_679 = arith.constant -1 : i32
    %broadcast_in_dim3A_680 = vector.broadcast %jit3A_679 : i32 to vector<1x256xi32>
    %select_n3A_681 = arith.select %gt3A_673, %add3A_678, %broadcast_in_dim3A_680 : vector<1x256xi1>, vector<1x256xi32>
    %eq3A_682 = vector.broadcast %select_n3A_681 : vector<1x256xi32> to vector<36x256xi32>
    %eq3A_683 = arith.cmpi eq, %eq3A_682, %iota3A : vector<36x256xi32>
    %convert_element_type3A_684 = arith.extui %eq3A_683 : vector<36x256xi1> to vector<36x256xi32>
    %convert_element_type3A_685 = arith.sitofp %convert_element_type3A_684 : vector<36x256xi32> to vector<36x256xf32>
    %add3A_686 = arith.addf %add3A_669, %convert_element_type3A_685 : vector<36x256xf32>
    %slice3A_687 = vector.extract_strided_slice %transpose3A {offsets = [18, 0], sizes = [1, 256], strides = [1, 1]} : vector<100x256xi32> to vector<1x256xi32>
    %gt3A_688 = arith.constant 0 : i32
    %gt3A_689 = vector.broadcast %gt3A_688 : i32 to vector<1x256xi32>
    %gt3A_690 = arith.cmpi sgt, %slice3A_687, %gt3A_689 : vector<1x256xi32>
    %mul3A_691 = arith.constant 6 : i32
    %mul3A_692 = vector.broadcast %mul3A_691 : i32 to vector<1x256xi32>
    %mul3A_693 = arith.muli %slice3A_687, %mul3A_692 : vector<1x256xi32>
    %slice3A_694 = vector.extract_strided_slice %transpose3A {offsets = [19, 0], sizes = [1, 256], strides = [1, 1]} : vector<100x256xi32> to vector<1x256xi32>
    %add3A_695 = arith.addi %mul3A_693, %slice3A_694 : vector<1x256xi32>
    %jit3A_696 = arith.constant -1 : i32
    %broadcast_in_dim3A_697 = vector.broadcast %jit3A_696 : i32 to vector<1x256xi32>
    %select_n3A_698 = arith.select %gt3A_690, %add3A_695, %broadcast_in_dim3A_697 : vector<1x256xi1>, vector<1x256xi32>
    %eq3A_699 = vector.broadcast %select_n3A_698 : vector<1x256xi32> to vector<36x256xi32>
    %eq3A_700 = arith.cmpi eq, %eq3A_699, %iota3A : vector<36x256xi32>
    %convert_element_type3A_701 = arith.extui %eq3A_700 : vector<36x256xi1> to vector<36x256xi32>
    %convert_element_type3A_702 = arith.sitofp %convert_element_type3A_701 : vector<36x256xi32> to vector<36x256xf32>
    %add3A_703 = arith.addf %add3A_686, %convert_element_type3A_702 : vector<36x256xf32>
    %slice3A_704 = vector.extract_strided_slice %transpose3A {offsets = [20, 0], sizes = [1, 256], strides = [1, 1]} : vector<100x256xi32> to vector<1x256xi32>
    %gt3A_705 = arith.constant 0 : i32
    %gt3A_706 = vector.broadcast %gt3A_705 : i32 to vector<1x256xi32>
    %gt3A_707 = arith.cmpi sgt, %slice3A_704, %gt3A_706 : vector<1x256xi32>
    %mul3A_708 = arith.constant 6 : i32
    %mul3A_709 = vector.broadcast %mul3A_708 : i32 to vector<1x256xi32>
    %mul3A_710 = arith.muli %slice3A_704, %mul3A_709 : vector<1x256xi32>
    %slice3A_711 = vector.extract_strided_slice %transpose3A {offsets = [21, 0], sizes = [1, 256], strides = [1, 1]} : vector<100x256xi32> to vector<1x256xi32>
    %add3A_712 = arith.addi %mul3A_710, %slice3A_711 : vector<1x256xi32>
    %jit3A_713 = arith.constant -1 : i32
    %broadcast_in_dim3A_714 = vector.broadcast %jit3A_713 : i32 to vector<1x256xi32>
    %select_n3A_715 = arith.select %gt3A_707, %add3A_712, %broadcast_in_dim3A_714 : vector<1x256xi1>, vector<1x256xi32>
    %eq3A_716 = vector.broadcast %select_n3A_715 : vector<1x256xi32> to vector<36x256xi32>
    %eq3A_717 = arith.cmpi eq, %eq3A_716, %iota3A : vector<36x256xi32>
    %convert_element_type3A_718 = arith.extui %eq3A_717 : vector<36x256xi1> to vector<36x256xi32>
    %convert_element_type3A_719 = arith.sitofp %convert_element_type3A_718 : vector<36x256xi32> to vector<36x256xf32>
    %add3A_720 = arith.addf %add3A_703, %convert_element_type3A_719 : vector<36x256xf32>
    %slice3A_721 = vector.extract_strided_slice %transpose3A {offsets = [22, 0], sizes = [1, 256], strides = [1, 1]} : vector<100x256xi32> to vector<1x256xi32>
    %gt3A_722 = arith.constant 0 : i32
    %gt3A_723 = vector.broadcast %gt3A_722 : i32 to vector<1x256xi32>
    %gt3A_724 = arith.cmpi sgt, %slice3A_721, %gt3A_723 : vector<1x256xi32>
    %mul3A_725 = arith.constant 6 : i32
    %mul3A_726 = vector.broadcast %mul3A_725 : i32 to vector<1x256xi32>
    %mul3A_727 = arith.muli %slice3A_721, %mul3A_726 : vector<1x256xi32>
    %slice3A_728 = vector.extract_strided_slice %transpose3A {offsets = [23, 0], sizes = [1, 256], strides = [1, 1]} : vector<100x256xi32> to vector<1x256xi32>
    %add3A_729 = arith.addi %mul3A_727, %slice3A_728 : vector<1x256xi32>
    %jit3A_730 = arith.constant -1 : i32
    %broadcast_in_dim3A_731 = vector.broadcast %jit3A_730 : i32 to vector<1x256xi32>
    %select_n3A_732 = arith.select %gt3A_724, %add3A_729, %broadcast_in_dim3A_731 : vector<1x256xi1>, vector<1x256xi32>
    %eq3A_733 = vector.broadcast %select_n3A_732 : vector<1x256xi32> to vector<36x256xi32>
    %eq3A_734 = arith.cmpi eq, %eq3A_733, %iota3A : vector<36x256xi32>
    %convert_element_type3A_735 = arith.extui %eq3A_734 : vector<36x256xi1> to vector<36x256xi32>
    %convert_element_type3A_736 = arith.sitofp %convert_element_type3A_735 : vector<36x256xi32> to vector<36x256xf32>
    %add3A_737 = arith.addf %add3A_720, %convert_element_type3A_736 : vector<36x256xf32>
    %slice3A_738 = vector.extract_strided_slice %transpose3A {offsets = [24, 0], sizes = [1, 256], strides = [1, 1]} : vector<100x256xi32> to vector<1x256xi32>
    %gt3A_739 = arith.constant 0 : i32
    %gt3A_740 = vector.broadcast %gt3A_739 : i32 to vector<1x256xi32>
    %gt3A_741 = arith.cmpi sgt, %slice3A_738, %gt3A_740 : vector<1x256xi32>
    %mul3A_742 = arith.constant 6 : i32
    %mul3A_743 = vector.broadcast %mul3A_742 : i32 to vector<1x256xi32>
    %mul3A_744 = arith.muli %slice3A_738, %mul3A_743 : vector<1x256xi32>
    %slice3A_745 = vector.extract_strided_slice %transpose3A {offsets = [25, 0], sizes = [1, 256], strides = [1, 1]} : vector<100x256xi32> to vector<1x256xi32>
    %add3A_746 = arith.addi %mul3A_744, %slice3A_745 : vector<1x256xi32>
    %jit3A_747 = arith.constant -1 : i32
    %broadcast_in_dim3A_748 = vector.broadcast %jit3A_747 : i32 to vector<1x256xi32>
    %select_n3A_749 = arith.select %gt3A_741, %add3A_746, %broadcast_in_dim3A_748 : vector<1x256xi1>, vector<1x256xi32>
    %eq3A_750 = vector.broadcast %select_n3A_749 : vector<1x256xi32> to vector<36x256xi32>
    %eq3A_751 = arith.cmpi eq, %eq3A_750, %iota3A : vector<36x256xi32>
    %convert_element_type3A_752 = arith.extui %eq3A_751 : vector<36x256xi1> to vector<36x256xi32>
    %convert_element_type3A_753 = arith.sitofp %convert_element_type3A_752 : vector<36x256xi32> to vector<36x256xf32>
    %add3A_754 = arith.addf %add3A_737, %convert_element_type3A_753 : vector<36x256xf32>
    %slice3A_755 = vector.extract_strided_slice %transpose3A {offsets = [26, 0], sizes = [1, 256], strides = [1, 1]} : vector<100x256xi32> to vector<1x256xi32>
    %gt3A_756 = arith.constant 0 : i32
    %gt3A_757 = vector.broadcast %gt3A_756 : i32 to vector<1x256xi32>
    %gt3A_758 = arith.cmpi sgt, %slice3A_755, %gt3A_757 : vector<1x256xi32>
    %mul3A_759 = arith.constant 6 : i32
    %mul3A_760 = vector.broadcast %mul3A_759 : i32 to vector<1x256xi32>
    %mul3A_761 = arith.muli %slice3A_755, %mul3A_760 : vector<1x256xi32>
    %slice3A_762 = vector.extract_strided_slice %transpose3A {offsets = [27, 0], sizes = [1, 256], strides = [1, 1]} : vector<100x256xi32> to vector<1x256xi32>
    %add3A_763 = arith.addi %mul3A_761, %slice3A_762 : vector<1x256xi32>
    %jit3A_764 = arith.constant -1 : i32
    %broadcast_in_dim3A_765 = vector.broadcast %jit3A_764 : i32 to vector<1x256xi32>
    %select_n3A_766 = arith.select %gt3A_758, %add3A_763, %broadcast_in_dim3A_765 : vector<1x256xi1>, vector<1x256xi32>
    %eq3A_767 = vector.broadcast %select_n3A_766 : vector<1x256xi32> to vector<36x256xi32>
    %eq3A_768 = arith.cmpi eq, %eq3A_767, %iota3A : vector<36x256xi32>
    %convert_element_type3A_769 = arith.extui %eq3A_768 : vector<36x256xi1> to vector<36x256xi32>
    %convert_element_type3A_770 = arith.sitofp %convert_element_type3A_769 : vector<36x256xi32> to vector<36x256xf32>
    %add3A_771 = arith.addf %add3A_754, %convert_element_type3A_770 : vector<36x256xf32>
    %slice3A_772 = vector.extract_strided_slice %transpose3A {offsets = [28, 0], sizes = [1, 256], strides = [1, 1]} : vector<100x256xi32> to vector<1x256xi32>
    %gt3A_773 = arith.constant 0 : i32
    %gt3A_774 = vector.broadcast %gt3A_773 : i32 to vector<1x256xi32>
    %gt3A_775 = arith.cmpi sgt, %slice3A_772, %gt3A_774 : vector<1x256xi32>
    %mul3A_776 = arith.constant 6 : i32
    %mul3A_777 = vector.broadcast %mul3A_776 : i32 to vector<1x256xi32>
    %mul3A_778 = arith.muli %slice3A_772, %mul3A_777 : vector<1x256xi32>
    %slice3A_779 = vector.extract_strided_slice %transpose3A {offsets = [29, 0], sizes = [1, 256], strides = [1, 1]} : vector<100x256xi32> to vector<1x256xi32>
    %add3A_780 = arith.addi %mul3A_778, %slice3A_779 : vector<1x256xi32>
    %jit3A_781 = arith.constant -1 : i32
    %broadcast_in_dim3A_782 = vector.broadcast %jit3A_781 : i32 to vector<1x256xi32>
    %select_n3A_783 = arith.select %gt3A_775, %add3A_780, %broadcast_in_dim3A_782 : vector<1x256xi1>, vector<1x256xi32>
    %eq3A_784 = vector.broadcast %select_n3A_783 : vector<1x256xi32> to vector<36x256xi32>
    %eq3A_785 = arith.cmpi eq, %eq3A_784, %iota3A : vector<36x256xi32>
    %convert_element_type3A_786 = arith.extui %eq3A_785 : vector<36x256xi1> to vector<36x256xi32>
    %convert_element_type3A_787 = arith.sitofp %convert_element_type3A_786 : vector<36x256xi32> to vector<36x256xf32>
    %add3A_788 = arith.addf %add3A_771, %convert_element_type3A_787 : vector<36x256xf32>
    %slice3A_789 = vector.extract_strided_slice %transpose3A {offsets = [30, 0], sizes = [1, 256], strides = [1, 1]} : vector<100x256xi32> to vector<1x256xi32>
    %gt3A_790 = arith.constant 0 : i32
    %gt3A_791 = vector.broadcast %gt3A_790 : i32 to vector<1x256xi32>
    %gt3A_792 = arith.cmpi sgt, %slice3A_789, %gt3A_791 : vector<1x256xi32>
    %mul3A_793 = arith.constant 6 : i32
    %mul3A_794 = vector.broadcast %mul3A_793 : i32 to vector<1x256xi32>
    %mul3A_795 = arith.muli %slice3A_789, %mul3A_794 : vector<1x256xi32>
    %slice3A_796 = vector.extract_strided_slice %transpose3A {offsets = [31, 0], sizes = [1, 256], strides = [1, 1]} : vector<100x256xi32> to vector<1x256xi32>
    %add3A_797 = arith.addi %mul3A_795, %slice3A_796 : vector<1x256xi32>
    %jit3A_798 = arith.constant -1 : i32
    %broadcast_in_dim3A_799 = vector.broadcast %jit3A_798 : i32 to vector<1x256xi32>
    %select_n3A_800 = arith.select %gt3A_792, %add3A_797, %broadcast_in_dim3A_799 : vector<1x256xi1>, vector<1x256xi32>
    %eq3A_801 = vector.broadcast %select_n3A_800 : vector<1x256xi32> to vector<36x256xi32>
    %eq3A_802 = arith.cmpi eq, %eq3A_801, %iota3A : vector<36x256xi32>
    %convert_element_type3A_803 = arith.extui %eq3A_802 : vector<36x256xi1> to vector<36x256xi32>
    %convert_element_type3A_804 = arith.sitofp %convert_element_type3A_803 : vector<36x256xi32> to vector<36x256xf32>
    %add3A_805 = arith.addf %add3A_788, %convert_element_type3A_804 : vector<36x256xf32>
    %slice3A_806 = vector.extract_strided_slice %transpose3A {offsets = [32, 0], sizes = [1, 256], strides = [1, 1]} : vector<100x256xi32> to vector<1x256xi32>
    %gt3A_807 = arith.constant 0 : i32
    %gt3A_808 = vector.broadcast %gt3A_807 : i32 to vector<1x256xi32>
    %gt3A_809 = arith.cmpi sgt, %slice3A_806, %gt3A_808 : vector<1x256xi32>
    %mul3A_810 = arith.constant 6 : i32
    %mul3A_811 = vector.broadcast %mul3A_810 : i32 to vector<1x256xi32>
    %mul3A_812 = arith.muli %slice3A_806, %mul3A_811 : vector<1x256xi32>
    %slice3A_813 = vector.extract_strided_slice %transpose3A {offsets = [33, 0], sizes = [1, 256], strides = [1, 1]} : vector<100x256xi32> to vector<1x256xi32>
    %add3A_814 = arith.addi %mul3A_812, %slice3A_813 : vector<1x256xi32>
    %jit3A_815 = arith.constant -1 : i32
    %broadcast_in_dim3A_816 = vector.broadcast %jit3A_815 : i32 to vector<1x256xi32>
    %select_n3A_817 = arith.select %gt3A_809, %add3A_814, %broadcast_in_dim3A_816 : vector<1x256xi1>, vector<1x256xi32>
    %eq3A_818 = vector.broadcast %select_n3A_817 : vector<1x256xi32> to vector<36x256xi32>
    %eq3A_819 = arith.cmpi eq, %eq3A_818, %iota3A : vector<36x256xi32>
    %convert_element_type3A_820 = arith.extui %eq3A_819 : vector<36x256xi1> to vector<36x256xi32>
    %convert_element_type3A_821 = arith.sitofp %convert_element_type3A_820 : vector<36x256xi32> to vector<36x256xf32>
    %add3A_822 = arith.addf %add3A_805, %convert_element_type3A_821 : vector<36x256xf32>
    %slice3A_823 = vector.extract_strided_slice %transpose3A {offsets = [34, 0], sizes = [1, 256], strides = [1, 1]} : vector<100x256xi32> to vector<1x256xi32>
    %gt3A_824 = arith.constant 0 : i32
    %gt3A_825 = vector.broadcast %gt3A_824 : i32 to vector<1x256xi32>
    %gt3A_826 = arith.cmpi sgt, %slice3A_823, %gt3A_825 : vector<1x256xi32>
    %mul3A_827 = arith.constant 6 : i32
    %mul3A_828 = vector.broadcast %mul3A_827 : i32 to vector<1x256xi32>
    %mul3A_829 = arith.muli %slice3A_823, %mul3A_828 : vector<1x256xi32>
    %slice3A_830 = vector.extract_strided_slice %transpose3A {offsets = [35, 0], sizes = [1, 256], strides = [1, 1]} : vector<100x256xi32> to vector<1x256xi32>
    %add3A_831 = arith.addi %mul3A_829, %slice3A_830 : vector<1x256xi32>
    %jit3A_832 = arith.constant -1 : i32
    %broadcast_in_dim3A_833 = vector.broadcast %jit3A_832 : i32 to vector<1x256xi32>
    %select_n3A_834 = arith.select %gt3A_826, %add3A_831, %broadcast_in_dim3A_833 : vector<1x256xi1>, vector<1x256xi32>
    %eq3A_835 = vector.broadcast %select_n3A_834 : vector<1x256xi32> to vector<36x256xi32>
    %eq3A_836 = arith.cmpi eq, %eq3A_835, %iota3A : vector<36x256xi32>
    %convert_element_type3A_837 = arith.extui %eq3A_836 : vector<36x256xi1> to vector<36x256xi32>
    %convert_element_type3A_838 = arith.sitofp %convert_element_type3A_837 : vector<36x256xi32> to vector<36x256xf32>
    %add3A_839 = arith.addf %add3A_822, %convert_element_type3A_838 : vector<36x256xf32>
    %slice3A_840 = vector.extract_strided_slice %transpose3A {offsets = [36, 0], sizes = [1, 256], strides = [1, 1]} : vector<100x256xi32> to vector<1x256xi32>
    %gt3A_841 = arith.constant 0 : i32
    %gt3A_842 = vector.broadcast %gt3A_841 : i32 to vector<1x256xi32>
    %gt3A_843 = arith.cmpi sgt, %slice3A_840, %gt3A_842 : vector<1x256xi32>
    %mul3A_844 = arith.constant 6 : i32
    %mul3A_845 = vector.broadcast %mul3A_844 : i32 to vector<1x256xi32>
    %mul3A_846 = arith.muli %slice3A_840, %mul3A_845 : vector<1x256xi32>
    %slice3A_847 = vector.extract_strided_slice %transpose3A {offsets = [37, 0], sizes = [1, 256], strides = [1, 1]} : vector<100x256xi32> to vector<1x256xi32>
    %add3A_848 = arith.addi %mul3A_846, %slice3A_847 : vector<1x256xi32>
    %jit3A_849 = arith.constant -1 : i32
    %broadcast_in_dim3A_850 = vector.broadcast %jit3A_849 : i32 to vector<1x256xi32>
    %select_n3A_851 = arith.select %gt3A_843, %add3A_848, %broadcast_in_dim3A_850 : vector<1x256xi1>, vector<1x256xi32>
    %eq3A_852 = vector.broadcast %select_n3A_851 : vector<1x256xi32> to vector<36x256xi32>
    %eq3A_853 = arith.cmpi eq, %eq3A_852, %iota3A : vector<36x256xi32>
    %convert_element_type3A_854 = arith.extui %eq3A_853 : vector<36x256xi1> to vector<36x256xi32>
    %convert_element_type3A_855 = arith.sitofp %convert_element_type3A_854 : vector<36x256xi32> to vector<36x256xf32>
    %add3A_856 = arith.addf %add3A_839, %convert_element_type3A_855 : vector<36x256xf32>
    %slice3A_857 = vector.extract_strided_slice %transpose3A {offsets = [38, 0], sizes = [1, 256], strides = [1, 1]} : vector<100x256xi32> to vector<1x256xi32>
    %gt3A_858 = arith.constant 0 : i32
    %gt3A_859 = vector.broadcast %gt3A_858 : i32 to vector<1x256xi32>
    %gt3A_860 = arith.cmpi sgt, %slice3A_857, %gt3A_859 : vector<1x256xi32>
    %mul3A_861 = arith.constant 6 : i32
    %mul3A_862 = vector.broadcast %mul3A_861 : i32 to vector<1x256xi32>
    %mul3A_863 = arith.muli %slice3A_857, %mul3A_862 : vector<1x256xi32>
    %slice3A_864 = vector.extract_strided_slice %transpose3A {offsets = [39, 0], sizes = [1, 256], strides = [1, 1]} : vector<100x256xi32> to vector<1x256xi32>
    %add3A_865 = arith.addi %mul3A_863, %slice3A_864 : vector<1x256xi32>
    %jit3A_866 = arith.constant -1 : i32
    %broadcast_in_dim3A_867 = vector.broadcast %jit3A_866 : i32 to vector<1x256xi32>
    %select_n3A_868 = arith.select %gt3A_860, %add3A_865, %broadcast_in_dim3A_867 : vector<1x256xi1>, vector<1x256xi32>
    %eq3A_869 = vector.broadcast %select_n3A_868 : vector<1x256xi32> to vector<36x256xi32>
    %eq3A_870 = arith.cmpi eq, %eq3A_869, %iota3A : vector<36x256xi32>
    %convert_element_type3A_871 = arith.extui %eq3A_870 : vector<36x256xi1> to vector<36x256xi32>
    %convert_element_type3A_872 = arith.sitofp %convert_element_type3A_871 : vector<36x256xi32> to vector<36x256xf32>
    %add3A_873 = arith.addf %add3A_856, %convert_element_type3A_872 : vector<36x256xf32>
    %slice3A_874 = vector.extract_strided_slice %transpose3A {offsets = [40, 0], sizes = [1, 256], strides = [1, 1]} : vector<100x256xi32> to vector<1x256xi32>
    %gt3A_875 = arith.constant 0 : i32
    %gt3A_876 = vector.broadcast %gt3A_875 : i32 to vector<1x256xi32>
    %gt3A_877 = arith.cmpi sgt, %slice3A_874, %gt3A_876 : vector<1x256xi32>
    %mul3A_878 = arith.constant 6 : i32
    %mul3A_879 = vector.broadcast %mul3A_878 : i32 to vector<1x256xi32>
    %mul3A_880 = arith.muli %slice3A_874, %mul3A_879 : vector<1x256xi32>
    %slice3A_881 = vector.extract_strided_slice %transpose3A {offsets = [41, 0], sizes = [1, 256], strides = [1, 1]} : vector<100x256xi32> to vector<1x256xi32>
    %add3A_882 = arith.addi %mul3A_880, %slice3A_881 : vector<1x256xi32>
    %jit3A_883 = arith.constant -1 : i32
    %broadcast_in_dim3A_884 = vector.broadcast %jit3A_883 : i32 to vector<1x256xi32>
    %select_n3A_885 = arith.select %gt3A_877, %add3A_882, %broadcast_in_dim3A_884 : vector<1x256xi1>, vector<1x256xi32>
    %eq3A_886 = vector.broadcast %select_n3A_885 : vector<1x256xi32> to vector<36x256xi32>
    %eq3A_887 = arith.cmpi eq, %eq3A_886, %iota3A : vector<36x256xi32>
    %convert_element_type3A_888 = arith.extui %eq3A_887 : vector<36x256xi1> to vector<36x256xi32>
    %convert_element_type3A_889 = arith.sitofp %convert_element_type3A_888 : vector<36x256xi32> to vector<36x256xf32>
    %add3A_890 = arith.addf %add3A_873, %convert_element_type3A_889 : vector<36x256xf32>
    %slice3A_891 = vector.extract_strided_slice %transpose3A {offsets = [42, 0], sizes = [1, 256], strides = [1, 1]} : vector<100x256xi32> to vector<1x256xi32>
    %gt3A_892 = arith.constant 0 : i32
    %gt3A_893 = vector.broadcast %gt3A_892 : i32 to vector<1x256xi32>
    %gt3A_894 = arith.cmpi sgt, %slice3A_891, %gt3A_893 : vector<1x256xi32>
    %mul3A_895 = arith.constant 6 : i32
    %mul3A_896 = vector.broadcast %mul3A_895 : i32 to vector<1x256xi32>
    %mul3A_897 = arith.muli %slice3A_891, %mul3A_896 : vector<1x256xi32>
    %slice3A_898 = vector.extract_strided_slice %transpose3A {offsets = [43, 0], sizes = [1, 256], strides = [1, 1]} : vector<100x256xi32> to vector<1x256xi32>
    %add3A_899 = arith.addi %mul3A_897, %slice3A_898 : vector<1x256xi32>
    %jit3A_900 = arith.constant -1 : i32
    %broadcast_in_dim3A_901 = vector.broadcast %jit3A_900 : i32 to vector<1x256xi32>
    %select_n3A_902 = arith.select %gt3A_894, %add3A_899, %broadcast_in_dim3A_901 : vector<1x256xi1>, vector<1x256xi32>
    %eq3A_903 = vector.broadcast %select_n3A_902 : vector<1x256xi32> to vector<36x256xi32>
    %eq3A_904 = arith.cmpi eq, %eq3A_903, %iota3A : vector<36x256xi32>
    %convert_element_type3A_905 = arith.extui %eq3A_904 : vector<36x256xi1> to vector<36x256xi32>
    %convert_element_type3A_906 = arith.sitofp %convert_element_type3A_905 : vector<36x256xi32> to vector<36x256xf32>
    %add3A_907 = arith.addf %add3A_890, %convert_element_type3A_906 : vector<36x256xf32>
    %slice3A_908 = vector.extract_strided_slice %transpose3A {offsets = [44, 0], sizes = [1, 256], strides = [1, 1]} : vector<100x256xi32> to vector<1x256xi32>
    %gt3A_909 = arith.constant 0 : i32
    %gt3A_910 = vector.broadcast %gt3A_909 : i32 to vector<1x256xi32>
    %gt3A_911 = arith.cmpi sgt, %slice3A_908, %gt3A_910 : vector<1x256xi32>
    %mul3A_912 = arith.constant 6 : i32
    %mul3A_913 = vector.broadcast %mul3A_912 : i32 to vector<1x256xi32>
    %mul3A_914 = arith.muli %slice3A_908, %mul3A_913 : vector<1x256xi32>
    %slice3A_915 = vector.extract_strided_slice %transpose3A {offsets = [45, 0], sizes = [1, 256], strides = [1, 1]} : vector<100x256xi32> to vector<1x256xi32>
    %add3A_916 = arith.addi %mul3A_914, %slice3A_915 : vector<1x256xi32>
    %jit3A_917 = arith.constant -1 : i32
    %broadcast_in_dim3A_918 = vector.broadcast %jit3A_917 : i32 to vector<1x256xi32>
    %select_n3A_919 = arith.select %gt3A_911, %add3A_916, %broadcast_in_dim3A_918 : vector<1x256xi1>, vector<1x256xi32>
    %eq3A_920 = vector.broadcast %select_n3A_919 : vector<1x256xi32> to vector<36x256xi32>
    %eq3A_921 = arith.cmpi eq, %eq3A_920, %iota3A : vector<36x256xi32>
    %convert_element_type3A_922 = arith.extui %eq3A_921 : vector<36x256xi1> to vector<36x256xi32>
    %convert_element_type3A_923 = arith.sitofp %convert_element_type3A_922 : vector<36x256xi32> to vector<36x256xf32>
    %add3A_924 = arith.addf %add3A_907, %convert_element_type3A_923 : vector<36x256xf32>
    %slice3A_925 = vector.extract_strided_slice %transpose3A {offsets = [46, 0], sizes = [1, 256], strides = [1, 1]} : vector<100x256xi32> to vector<1x256xi32>
    %gt3A_926 = arith.constant 0 : i32
    %gt3A_927 = vector.broadcast %gt3A_926 : i32 to vector<1x256xi32>
    %gt3A_928 = arith.cmpi sgt, %slice3A_925, %gt3A_927 : vector<1x256xi32>
    %mul3A_929 = arith.constant 6 : i32
    %mul3A_930 = vector.broadcast %mul3A_929 : i32 to vector<1x256xi32>
    %mul3A_931 = arith.muli %slice3A_925, %mul3A_930 : vector<1x256xi32>
    %slice3A_932 = vector.extract_strided_slice %transpose3A {offsets = [47, 0], sizes = [1, 256], strides = [1, 1]} : vector<100x256xi32> to vector<1x256xi32>
    %add3A_933 = arith.addi %mul3A_931, %slice3A_932 : vector<1x256xi32>
    %jit3A_934 = arith.constant -1 : i32
    %broadcast_in_dim3A_935 = vector.broadcast %jit3A_934 : i32 to vector<1x256xi32>
    %select_n3A_936 = arith.select %gt3A_928, %add3A_933, %broadcast_in_dim3A_935 : vector<1x256xi1>, vector<1x256xi32>
    %eq3A_937 = vector.broadcast %select_n3A_936 : vector<1x256xi32> to vector<36x256xi32>
    %eq3A_938 = arith.cmpi eq, %eq3A_937, %iota3A : vector<36x256xi32>
    %convert_element_type3A_939 = arith.extui %eq3A_938 : vector<36x256xi1> to vector<36x256xi32>
    %convert_element_type3A_940 = arith.sitofp %convert_element_type3A_939 : vector<36x256xi32> to vector<36x256xf32>
    %add3A_941 = arith.addf %add3A_924, %convert_element_type3A_940 : vector<36x256xf32>
    %slice3A_942 = vector.extract_strided_slice %transpose3A {offsets = [48, 0], sizes = [1, 256], strides = [1, 1]} : vector<100x256xi32> to vector<1x256xi32>
    %gt3A_943 = arith.constant 0 : i32
    %gt3A_944 = vector.broadcast %gt3A_943 : i32 to vector<1x256xi32>
    %gt3A_945 = arith.cmpi sgt, %slice3A_942, %gt3A_944 : vector<1x256xi32>
    %mul3A_946 = arith.constant 6 : i32
    %mul3A_947 = vector.broadcast %mul3A_946 : i32 to vector<1x256xi32>
    %mul3A_948 = arith.muli %slice3A_942, %mul3A_947 : vector<1x256xi32>
    %slice3A_949 = vector.extract_strided_slice %transpose3A {offsets = [49, 0], sizes = [1, 256], strides = [1, 1]} : vector<100x256xi32> to vector<1x256xi32>
    %add3A_950 = arith.addi %mul3A_948, %slice3A_949 : vector<1x256xi32>
    %jit3A_951 = arith.constant -1 : i32
    %broadcast_in_dim3A_952 = vector.broadcast %jit3A_951 : i32 to vector<1x256xi32>
    %select_n3A_953 = arith.select %gt3A_945, %add3A_950, %broadcast_in_dim3A_952 : vector<1x256xi1>, vector<1x256xi32>
    %eq3A_954 = vector.broadcast %select_n3A_953 : vector<1x256xi32> to vector<36x256xi32>
    %eq3A_955 = arith.cmpi eq, %eq3A_954, %iota3A : vector<36x256xi32>
    %convert_element_type3A_956 = arith.extui %eq3A_955 : vector<36x256xi1> to vector<36x256xi32>
    %convert_element_type3A_957 = arith.sitofp %convert_element_type3A_956 : vector<36x256xi32> to vector<36x256xf32>
    %add3A_958 = arith.addf %add3A_941, %convert_element_type3A_957 : vector<36x256xf32>
    %slice3A_959 = vector.extract_strided_slice %transpose3A {offsets = [50, 0], sizes = [1, 256], strides = [1, 1]} : vector<100x256xi32> to vector<1x256xi32>
    %gt3A_960 = arith.constant 0 : i32
    %gt3A_961 = vector.broadcast %gt3A_960 : i32 to vector<1x256xi32>
    %gt3A_962 = arith.cmpi sgt, %slice3A_959, %gt3A_961 : vector<1x256xi32>
    %mul3A_963 = arith.constant 6 : i32
    %mul3A_964 = vector.broadcast %mul3A_963 : i32 to vector<1x256xi32>
    %mul3A_965 = arith.muli %slice3A_959, %mul3A_964 : vector<1x256xi32>
    %slice3A_966 = vector.extract_strided_slice %transpose3A {offsets = [51, 0], sizes = [1, 256], strides = [1, 1]} : vector<100x256xi32> to vector<1x256xi32>
    %add3A_967 = arith.addi %mul3A_965, %slice3A_966 : vector<1x256xi32>
    %jit3A_968 = arith.constant -1 : i32
    %broadcast_in_dim3A_969 = vector.broadcast %jit3A_968 : i32 to vector<1x256xi32>
    %select_n3A_970 = arith.select %gt3A_962, %add3A_967, %broadcast_in_dim3A_969 : vector<1x256xi1>, vector<1x256xi32>
    %eq3A_971 = vector.broadcast %select_n3A_970 : vector<1x256xi32> to vector<36x256xi32>
    %eq3A_972 = arith.cmpi eq, %eq3A_971, %iota3A : vector<36x256xi32>
    %convert_element_type3A_973 = arith.extui %eq3A_972 : vector<36x256xi1> to vector<36x256xi32>
    %convert_element_type3A_974 = arith.sitofp %convert_element_type3A_973 : vector<36x256xi32> to vector<36x256xf32>
    %add3A_975 = arith.addf %add3A_958, %convert_element_type3A_974 : vector<36x256xf32>
    %slice3A_976 = vector.extract_strided_slice %transpose3A {offsets = [52, 0], sizes = [1, 256], strides = [1, 1]} : vector<100x256xi32> to vector<1x256xi32>
    %gt3A_977 = arith.constant 0 : i32
    %gt3A_978 = vector.broadcast %gt3A_977 : i32 to vector<1x256xi32>
    %gt3A_979 = arith.cmpi sgt, %slice3A_976, %gt3A_978 : vector<1x256xi32>
    %mul3A_980 = arith.constant 6 : i32
    %mul3A_981 = vector.broadcast %mul3A_980 : i32 to vector<1x256xi32>
    %mul3A_982 = arith.muli %slice3A_976, %mul3A_981 : vector<1x256xi32>
    %slice3A_983 = vector.extract_strided_slice %transpose3A {offsets = [53, 0], sizes = [1, 256], strides = [1, 1]} : vector<100x256xi32> to vector<1x256xi32>
    %add3A_984 = arith.addi %mul3A_982, %slice3A_983 : vector<1x256xi32>
    %jit3A_985 = arith.constant -1 : i32
    %broadcast_in_dim3A_986 = vector.broadcast %jit3A_985 : i32 to vector<1x256xi32>
    %select_n3A_987 = arith.select %gt3A_979, %add3A_984, %broadcast_in_dim3A_986 : vector<1x256xi1>, vector<1x256xi32>
    %eq3A_988 = vector.broadcast %select_n3A_987 : vector<1x256xi32> to vector<36x256xi32>
    %eq3A_989 = arith.cmpi eq, %eq3A_988, %iota3A : vector<36x256xi32>
    %convert_element_type3A_990 = arith.extui %eq3A_989 : vector<36x256xi1> to vector<36x256xi32>
    %convert_element_type3A_991 = arith.sitofp %convert_element_type3A_990 : vector<36x256xi32> to vector<36x256xf32>
    %add3A_992 = arith.addf %add3A_975, %convert_element_type3A_991 : vector<36x256xf32>
    %slice3A_993 = vector.extract_strided_slice %transpose3A {offsets = [54, 0], sizes = [1, 256], strides = [1, 1]} : vector<100x256xi32> to vector<1x256xi32>
    %gt3A_994 = arith.constant 0 : i32
    %gt3A_995 = vector.broadcast %gt3A_994 : i32 to vector<1x256xi32>
    %gt3A_996 = arith.cmpi sgt, %slice3A_993, %gt3A_995 : vector<1x256xi32>
    %mul3A_997 = arith.constant 6 : i32
    %mul3A_998 = vector.broadcast %mul3A_997 : i32 to vector<1x256xi32>
    %mul3A_999 = arith.muli %slice3A_993, %mul3A_998 : vector<1x256xi32>
    %slice3A_1000 = vector.extract_strided_slice %transpose3A {offsets = [55, 0], sizes = [1, 256], strides = [1, 1]} : vector<100x256xi32> to vector<1x256xi32>
    %add3A_1001 = arith.addi %mul3A_999, %slice3A_1000 : vector<1x256xi32>
    %jit3A_1002 = arith.constant -1 : i32
    %broadcast_in_dim3A_1003 = vector.broadcast %jit3A_1002 : i32 to vector<1x256xi32>
    %select_n3A_1004 = arith.select %gt3A_996, %add3A_1001, %broadcast_in_dim3A_1003 : vector<1x256xi1>, vector<1x256xi32>
    %eq3A_1005 = vector.broadcast %select_n3A_1004 : vector<1x256xi32> to vector<36x256xi32>
    %eq3A_1006 = arith.cmpi eq, %eq3A_1005, %iota3A : vector<36x256xi32>
    %convert_element_type3A_1007 = arith.extui %eq3A_1006 : vector<36x256xi1> to vector<36x256xi32>
    %convert_element_type3A_1008 = arith.sitofp %convert_element_type3A_1007 : vector<36x256xi32> to vector<36x256xf32>
    %add3A_1009 = arith.addf %add3A_992, %convert_element_type3A_1008 : vector<36x256xf32>
    %slice3A_1010 = vector.extract_strided_slice %transpose3A {offsets = [56, 0], sizes = [1, 256], strides = [1, 1]} : vector<100x256xi32> to vector<1x256xi32>
    %gt3A_1011 = arith.constant 0 : i32
    %gt3A_1012 = vector.broadcast %gt3A_1011 : i32 to vector<1x256xi32>
    %gt3A_1013 = arith.cmpi sgt, %slice3A_1010, %gt3A_1012 : vector<1x256xi32>
    %mul3A_1014 = arith.constant 6 : i32
    %mul3A_1015 = vector.broadcast %mul3A_1014 : i32 to vector<1x256xi32>
    %mul3A_1016 = arith.muli %slice3A_1010, %mul3A_1015 : vector<1x256xi32>
    %slice3A_1017 = vector.extract_strided_slice %transpose3A {offsets = [57, 0], sizes = [1, 256], strides = [1, 1]} : vector<100x256xi32> to vector<1x256xi32>
    %add3A_1018 = arith.addi %mul3A_1016, %slice3A_1017 : vector<1x256xi32>
    %jit3A_1019 = arith.constant -1 : i32
    %broadcast_in_dim3A_1020 = vector.broadcast %jit3A_1019 : i32 to vector<1x256xi32>
    %select_n3A_1021 = arith.select %gt3A_1013, %add3A_1018, %broadcast_in_dim3A_1020 : vector<1x256xi1>, vector<1x256xi32>
    %eq3A_1022 = vector.broadcast %select_n3A_1021 : vector<1x256xi32> to vector<36x256xi32>
    %eq3A_1023 = arith.cmpi eq, %eq3A_1022, %iota3A : vector<36x256xi32>
    %convert_element_type3A_1024 = arith.extui %eq3A_1023 : vector<36x256xi1> to vector<36x256xi32>
    %convert_element_type3A_1025 = arith.sitofp %convert_element_type3A_1024 : vector<36x256xi32> to vector<36x256xf32>
    %add3A_1026 = arith.addf %add3A_1009, %convert_element_type3A_1025 : vector<36x256xf32>
    %slice3A_1027 = vector.extract_strided_slice %transpose3A {offsets = [58, 0], sizes = [1, 256], strides = [1, 1]} : vector<100x256xi32> to vector<1x256xi32>
    %gt3A_1028 = arith.constant 0 : i32
    %gt3A_1029 = vector.broadcast %gt3A_1028 : i32 to vector<1x256xi32>
    %gt3A_1030 = arith.cmpi sgt, %slice3A_1027, %gt3A_1029 : vector<1x256xi32>
    %mul3A_1031 = arith.constant 6 : i32
    %mul3A_1032 = vector.broadcast %mul3A_1031 : i32 to vector<1x256xi32>
    %mul3A_1033 = arith.muli %slice3A_1027, %mul3A_1032 : vector<1x256xi32>
    %slice3A_1034 = vector.extract_strided_slice %transpose3A {offsets = [59, 0], sizes = [1, 256], strides = [1, 1]} : vector<100x256xi32> to vector<1x256xi32>
    %add3A_1035 = arith.addi %mul3A_1033, %slice3A_1034 : vector<1x256xi32>
    %jit3A_1036 = arith.constant -1 : i32
    %broadcast_in_dim3A_1037 = vector.broadcast %jit3A_1036 : i32 to vector<1x256xi32>
    %select_n3A_1038 = arith.select %gt3A_1030, %add3A_1035, %broadcast_in_dim3A_1037 : vector<1x256xi1>, vector<1x256xi32>
    %eq3A_1039 = vector.broadcast %select_n3A_1038 : vector<1x256xi32> to vector<36x256xi32>
    %eq3A_1040 = arith.cmpi eq, %eq3A_1039, %iota3A : vector<36x256xi32>
    %convert_element_type3A_1041 = arith.extui %eq3A_1040 : vector<36x256xi1> to vector<36x256xi32>
    %convert_element_type3A_1042 = arith.sitofp %convert_element_type3A_1041 : vector<36x256xi32> to vector<36x256xf32>
    %add3A_1043 = arith.addf %add3A_1026, %convert_element_type3A_1042 : vector<36x256xf32>
    %slice3A_1044 = vector.extract_strided_slice %transpose3A {offsets = [60, 0], sizes = [1, 256], strides = [1, 1]} : vector<100x256xi32> to vector<1x256xi32>
    %gt3A_1045 = arith.constant 0 : i32
    %gt3A_1046 = vector.broadcast %gt3A_1045 : i32 to vector<1x256xi32>
    %gt3A_1047 = arith.cmpi sgt, %slice3A_1044, %gt3A_1046 : vector<1x256xi32>
    %mul3A_1048 = arith.constant 6 : i32
    %mul3A_1049 = vector.broadcast %mul3A_1048 : i32 to vector<1x256xi32>
    %mul3A_1050 = arith.muli %slice3A_1044, %mul3A_1049 : vector<1x256xi32>
    %slice3A_1051 = vector.extract_strided_slice %transpose3A {offsets = [61, 0], sizes = [1, 256], strides = [1, 1]} : vector<100x256xi32> to vector<1x256xi32>
    %add3A_1052 = arith.addi %mul3A_1050, %slice3A_1051 : vector<1x256xi32>
    %jit3A_1053 = arith.constant -1 : i32
    %broadcast_in_dim3A_1054 = vector.broadcast %jit3A_1053 : i32 to vector<1x256xi32>
    %select_n3A_1055 = arith.select %gt3A_1047, %add3A_1052, %broadcast_in_dim3A_1054 : vector<1x256xi1>, vector<1x256xi32>
    %eq3A_1056 = vector.broadcast %select_n3A_1055 : vector<1x256xi32> to vector<36x256xi32>
    %eq3A_1057 = arith.cmpi eq, %eq3A_1056, %iota3A : vector<36x256xi32>
    %convert_element_type3A_1058 = arith.extui %eq3A_1057 : vector<36x256xi1> to vector<36x256xi32>
    %convert_element_type3A_1059 = arith.sitofp %convert_element_type3A_1058 : vector<36x256xi32> to vector<36x256xf32>
    %add3A_1060 = arith.addf %add3A_1043, %convert_element_type3A_1059 : vector<36x256xf32>
    %slice3A_1061 = vector.extract_strided_slice %transpose3A {offsets = [62, 0], sizes = [1, 256], strides = [1, 1]} : vector<100x256xi32> to vector<1x256xi32>
    %gt3A_1062 = arith.constant 0 : i32
    %gt3A_1063 = vector.broadcast %gt3A_1062 : i32 to vector<1x256xi32>
    %gt3A_1064 = arith.cmpi sgt, %slice3A_1061, %gt3A_1063 : vector<1x256xi32>
    %mul3A_1065 = arith.constant 6 : i32
    %mul3A_1066 = vector.broadcast %mul3A_1065 : i32 to vector<1x256xi32>
    %mul3A_1067 = arith.muli %slice3A_1061, %mul3A_1066 : vector<1x256xi32>
    %slice3A_1068 = vector.extract_strided_slice %transpose3A {offsets = [63, 0], sizes = [1, 256], strides = [1, 1]} : vector<100x256xi32> to vector<1x256xi32>
    %add3A_1069 = arith.addi %mul3A_1067, %slice3A_1068 : vector<1x256xi32>
    %jit3A_1070 = arith.constant -1 : i32
    %broadcast_in_dim3A_1071 = vector.broadcast %jit3A_1070 : i32 to vector<1x256xi32>
    %select_n3A_1072 = arith.select %gt3A_1064, %add3A_1069, %broadcast_in_dim3A_1071 : vector<1x256xi1>, vector<1x256xi32>
    %eq3A_1073 = vector.broadcast %select_n3A_1072 : vector<1x256xi32> to vector<36x256xi32>
    %eq3A_1074 = arith.cmpi eq, %eq3A_1073, %iota3A : vector<36x256xi32>
    %convert_element_type3A_1075 = arith.extui %eq3A_1074 : vector<36x256xi1> to vector<36x256xi32>
    %convert_element_type3A_1076 = arith.sitofp %convert_element_type3A_1075 : vector<36x256xi32> to vector<36x256xf32>
    %add3A_1077 = arith.addf %add3A_1060, %convert_element_type3A_1076 : vector<36x256xf32>
    %slice3A_1078 = vector.extract_strided_slice %transpose3A {offsets = [64, 0], sizes = [1, 256], strides = [1, 1]} : vector<100x256xi32> to vector<1x256xi32>
    %gt3A_1079 = arith.constant 0 : i32
    %gt3A_1080 = vector.broadcast %gt3A_1079 : i32 to vector<1x256xi32>
    %gt3A_1081 = arith.cmpi sgt, %slice3A_1078, %gt3A_1080 : vector<1x256xi32>
    %mul3A_1082 = arith.constant 6 : i32
    %mul3A_1083 = vector.broadcast %mul3A_1082 : i32 to vector<1x256xi32>
    %mul3A_1084 = arith.muli %slice3A_1078, %mul3A_1083 : vector<1x256xi32>
    %slice3A_1085 = vector.extract_strided_slice %transpose3A {offsets = [65, 0], sizes = [1, 256], strides = [1, 1]} : vector<100x256xi32> to vector<1x256xi32>
    %add3A_1086 = arith.addi %mul3A_1084, %slice3A_1085 : vector<1x256xi32>
    %jit3A_1087 = arith.constant -1 : i32
    %broadcast_in_dim3A_1088 = vector.broadcast %jit3A_1087 : i32 to vector<1x256xi32>
    %select_n3A_1089 = arith.select %gt3A_1081, %add3A_1086, %broadcast_in_dim3A_1088 : vector<1x256xi1>, vector<1x256xi32>
    %eq3A_1090 = vector.broadcast %select_n3A_1089 : vector<1x256xi32> to vector<36x256xi32>
    %eq3A_1091 = arith.cmpi eq, %eq3A_1090, %iota3A : vector<36x256xi32>
    %convert_element_type3A_1092 = arith.extui %eq3A_1091 : vector<36x256xi1> to vector<36x256xi32>
    %convert_element_type3A_1093 = arith.sitofp %convert_element_type3A_1092 : vector<36x256xi32> to vector<36x256xf32>
    %add3A_1094 = arith.addf %add3A_1077, %convert_element_type3A_1093 : vector<36x256xf32>
    %slice3A_1095 = vector.extract_strided_slice %transpose3A {offsets = [66, 0], sizes = [1, 256], strides = [1, 1]} : vector<100x256xi32> to vector<1x256xi32>
    %gt3A_1096 = arith.constant 0 : i32
    %gt3A_1097 = vector.broadcast %gt3A_1096 : i32 to vector<1x256xi32>
    %gt3A_1098 = arith.cmpi sgt, %slice3A_1095, %gt3A_1097 : vector<1x256xi32>
    %mul3A_1099 = arith.constant 6 : i32
    %mul3A_1100 = vector.broadcast %mul3A_1099 : i32 to vector<1x256xi32>
    %mul3A_1101 = arith.muli %slice3A_1095, %mul3A_1100 : vector<1x256xi32>
    %slice3A_1102 = vector.extract_strided_slice %transpose3A {offsets = [67, 0], sizes = [1, 256], strides = [1, 1]} : vector<100x256xi32> to vector<1x256xi32>
    %add3A_1103 = arith.addi %mul3A_1101, %slice3A_1102 : vector<1x256xi32>
    %jit3A_1104 = arith.constant -1 : i32
    %broadcast_in_dim3A_1105 = vector.broadcast %jit3A_1104 : i32 to vector<1x256xi32>
    %select_n3A_1106 = arith.select %gt3A_1098, %add3A_1103, %broadcast_in_dim3A_1105 : vector<1x256xi1>, vector<1x256xi32>
    %eq3A_1107 = vector.broadcast %select_n3A_1106 : vector<1x256xi32> to vector<36x256xi32>
    %eq3A_1108 = arith.cmpi eq, %eq3A_1107, %iota3A : vector<36x256xi32>
    %convert_element_type3A_1109 = arith.extui %eq3A_1108 : vector<36x256xi1> to vector<36x256xi32>
    %convert_element_type3A_1110 = arith.sitofp %convert_element_type3A_1109 : vector<36x256xi32> to vector<36x256xf32>
    %add3A_1111 = arith.addf %add3A_1094, %convert_element_type3A_1110 : vector<36x256xf32>
    %slice3A_1112 = vector.extract_strided_slice %transpose3A {offsets = [68, 0], sizes = [1, 256], strides = [1, 1]} : vector<100x256xi32> to vector<1x256xi32>
    %gt3A_1113 = arith.constant 0 : i32
    %gt3A_1114 = vector.broadcast %gt3A_1113 : i32 to vector<1x256xi32>
    %gt3A_1115 = arith.cmpi sgt, %slice3A_1112, %gt3A_1114 : vector<1x256xi32>
    %mul3A_1116 = arith.constant 6 : i32
    %mul3A_1117 = vector.broadcast %mul3A_1116 : i32 to vector<1x256xi32>
    %mul3A_1118 = arith.muli %slice3A_1112, %mul3A_1117 : vector<1x256xi32>
    %slice3A_1119 = vector.extract_strided_slice %transpose3A {offsets = [69, 0], sizes = [1, 256], strides = [1, 1]} : vector<100x256xi32> to vector<1x256xi32>
    %add3A_1120 = arith.addi %mul3A_1118, %slice3A_1119 : vector<1x256xi32>
    %jit3A_1121 = arith.constant -1 : i32
    %broadcast_in_dim3A_1122 = vector.broadcast %jit3A_1121 : i32 to vector<1x256xi32>
    %select_n3A_1123 = arith.select %gt3A_1115, %add3A_1120, %broadcast_in_dim3A_1122 : vector<1x256xi1>, vector<1x256xi32>
    %eq3A_1124 = vector.broadcast %select_n3A_1123 : vector<1x256xi32> to vector<36x256xi32>
    %eq3A_1125 = arith.cmpi eq, %eq3A_1124, %iota3A : vector<36x256xi32>
    %convert_element_type3A_1126 = arith.extui %eq3A_1125 : vector<36x256xi1> to vector<36x256xi32>
    %convert_element_type3A_1127 = arith.sitofp %convert_element_type3A_1126 : vector<36x256xi32> to vector<36x256xf32>
    %add3A_1128 = arith.addf %add3A_1111, %convert_element_type3A_1127 : vector<36x256xf32>
    %slice3A_1129 = vector.extract_strided_slice %transpose3A {offsets = [70, 0], sizes = [1, 256], strides = [1, 1]} : vector<100x256xi32> to vector<1x256xi32>
    %gt3A_1130 = arith.constant 0 : i32
    %gt3A_1131 = vector.broadcast %gt3A_1130 : i32 to vector<1x256xi32>
    %gt3A_1132 = arith.cmpi sgt, %slice3A_1129, %gt3A_1131 : vector<1x256xi32>
    %mul3A_1133 = arith.constant 6 : i32
    %mul3A_1134 = vector.broadcast %mul3A_1133 : i32 to vector<1x256xi32>
    %mul3A_1135 = arith.muli %slice3A_1129, %mul3A_1134 : vector<1x256xi32>
    %slice3A_1136 = vector.extract_strided_slice %transpose3A {offsets = [71, 0], sizes = [1, 256], strides = [1, 1]} : vector<100x256xi32> to vector<1x256xi32>
    %add3A_1137 = arith.addi %mul3A_1135, %slice3A_1136 : vector<1x256xi32>
    %jit3A_1138 = arith.constant -1 : i32
    %broadcast_in_dim3A_1139 = vector.broadcast %jit3A_1138 : i32 to vector<1x256xi32>
    %select_n3A_1140 = arith.select %gt3A_1132, %add3A_1137, %broadcast_in_dim3A_1139 : vector<1x256xi1>, vector<1x256xi32>
    %eq3A_1141 = vector.broadcast %select_n3A_1140 : vector<1x256xi32> to vector<36x256xi32>
    %eq3A_1142 = arith.cmpi eq, %eq3A_1141, %iota3A : vector<36x256xi32>
    %convert_element_type3A_1143 = arith.extui %eq3A_1142 : vector<36x256xi1> to vector<36x256xi32>
    %convert_element_type3A_1144 = arith.sitofp %convert_element_type3A_1143 : vector<36x256xi32> to vector<36x256xf32>
    %add3A_1145 = arith.addf %add3A_1128, %convert_element_type3A_1144 : vector<36x256xf32>
    %slice3A_1146 = vector.extract_strided_slice %transpose3A {offsets = [72, 0], sizes = [1, 256], strides = [1, 1]} : vector<100x256xi32> to vector<1x256xi32>
    %gt3A_1147 = arith.constant 0 : i32
    %gt3A_1148 = vector.broadcast %gt3A_1147 : i32 to vector<1x256xi32>
    %gt3A_1149 = arith.cmpi sgt, %slice3A_1146, %gt3A_1148 : vector<1x256xi32>
    %mul3A_1150 = arith.constant 6 : i32
    %mul3A_1151 = vector.broadcast %mul3A_1150 : i32 to vector<1x256xi32>
    %mul3A_1152 = arith.muli %slice3A_1146, %mul3A_1151 : vector<1x256xi32>
    %slice3A_1153 = vector.extract_strided_slice %transpose3A {offsets = [73, 0], sizes = [1, 256], strides = [1, 1]} : vector<100x256xi32> to vector<1x256xi32>
    %add3A_1154 = arith.addi %mul3A_1152, %slice3A_1153 : vector<1x256xi32>
    %jit3A_1155 = arith.constant -1 : i32
    %broadcast_in_dim3A_1156 = vector.broadcast %jit3A_1155 : i32 to vector<1x256xi32>
    %select_n3A_1157 = arith.select %gt3A_1149, %add3A_1154, %broadcast_in_dim3A_1156 : vector<1x256xi1>, vector<1x256xi32>
    %eq3A_1158 = vector.broadcast %select_n3A_1157 : vector<1x256xi32> to vector<36x256xi32>
    %eq3A_1159 = arith.cmpi eq, %eq3A_1158, %iota3A : vector<36x256xi32>
    %convert_element_type3A_1160 = arith.extui %eq3A_1159 : vector<36x256xi1> to vector<36x256xi32>
    %convert_element_type3A_1161 = arith.sitofp %convert_element_type3A_1160 : vector<36x256xi32> to vector<36x256xf32>
    %add3A_1162 = arith.addf %add3A_1145, %convert_element_type3A_1161 : vector<36x256xf32>
    %slice3A_1163 = vector.extract_strided_slice %transpose3A {offsets = [74, 0], sizes = [1, 256], strides = [1, 1]} : vector<100x256xi32> to vector<1x256xi32>
    %gt3A_1164 = arith.constant 0 : i32
    %gt3A_1165 = vector.broadcast %gt3A_1164 : i32 to vector<1x256xi32>
    %gt3A_1166 = arith.cmpi sgt, %slice3A_1163, %gt3A_1165 : vector<1x256xi32>
    %mul3A_1167 = arith.constant 6 : i32
    %mul3A_1168 = vector.broadcast %mul3A_1167 : i32 to vector<1x256xi32>
    %mul3A_1169 = arith.muli %slice3A_1163, %mul3A_1168 : vector<1x256xi32>
    %slice3A_1170 = vector.extract_strided_slice %transpose3A {offsets = [75, 0], sizes = [1, 256], strides = [1, 1]} : vector<100x256xi32> to vector<1x256xi32>
    %add3A_1171 = arith.addi %mul3A_1169, %slice3A_1170 : vector<1x256xi32>
    %jit3A_1172 = arith.constant -1 : i32
    %broadcast_in_dim3A_1173 = vector.broadcast %jit3A_1172 : i32 to vector<1x256xi32>
    %select_n3A_1174 = arith.select %gt3A_1166, %add3A_1171, %broadcast_in_dim3A_1173 : vector<1x256xi1>, vector<1x256xi32>
    %eq3A_1175 = vector.broadcast %select_n3A_1174 : vector<1x256xi32> to vector<36x256xi32>
    %eq3A_1176 = arith.cmpi eq, %eq3A_1175, %iota3A : vector<36x256xi32>
    %convert_element_type3A_1177 = arith.extui %eq3A_1176 : vector<36x256xi1> to vector<36x256xi32>
    %convert_element_type3A_1178 = arith.sitofp %convert_element_type3A_1177 : vector<36x256xi32> to vector<36x256xf32>
    %add3A_1179 = arith.addf %add3A_1162, %convert_element_type3A_1178 : vector<36x256xf32>
    %slice3A_1180 = vector.extract_strided_slice %transpose3A {offsets = [76, 0], sizes = [1, 256], strides = [1, 1]} : vector<100x256xi32> to vector<1x256xi32>
    %gt3A_1181 = arith.constant 0 : i32
    %gt3A_1182 = vector.broadcast %gt3A_1181 : i32 to vector<1x256xi32>
    %gt3A_1183 = arith.cmpi sgt, %slice3A_1180, %gt3A_1182 : vector<1x256xi32>
    %mul3A_1184 = arith.constant 6 : i32
    %mul3A_1185 = vector.broadcast %mul3A_1184 : i32 to vector<1x256xi32>
    %mul3A_1186 = arith.muli %slice3A_1180, %mul3A_1185 : vector<1x256xi32>
    %slice3A_1187 = vector.extract_strided_slice %transpose3A {offsets = [77, 0], sizes = [1, 256], strides = [1, 1]} : vector<100x256xi32> to vector<1x256xi32>
    %add3A_1188 = arith.addi %mul3A_1186, %slice3A_1187 : vector<1x256xi32>
    %jit3A_1189 = arith.constant -1 : i32
    %broadcast_in_dim3A_1190 = vector.broadcast %jit3A_1189 : i32 to vector<1x256xi32>
    %select_n3A_1191 = arith.select %gt3A_1183, %add3A_1188, %broadcast_in_dim3A_1190 : vector<1x256xi1>, vector<1x256xi32>
    %eq3A_1192 = vector.broadcast %select_n3A_1191 : vector<1x256xi32> to vector<36x256xi32>
    %eq3A_1193 = arith.cmpi eq, %eq3A_1192, %iota3A : vector<36x256xi32>
    %convert_element_type3A_1194 = arith.extui %eq3A_1193 : vector<36x256xi1> to vector<36x256xi32>
    %convert_element_type3A_1195 = arith.sitofp %convert_element_type3A_1194 : vector<36x256xi32> to vector<36x256xf32>
    %add3A_1196 = arith.addf %add3A_1179, %convert_element_type3A_1195 : vector<36x256xf32>
    %slice3A_1197 = vector.extract_strided_slice %transpose3A {offsets = [78, 0], sizes = [1, 256], strides = [1, 1]} : vector<100x256xi32> to vector<1x256xi32>
    %gt3A_1198 = arith.constant 0 : i32
    %gt3A_1199 = vector.broadcast %gt3A_1198 : i32 to vector<1x256xi32>
    %gt3A_1200 = arith.cmpi sgt, %slice3A_1197, %gt3A_1199 : vector<1x256xi32>
    %mul3A_1201 = arith.constant 6 : i32
    %mul3A_1202 = vector.broadcast %mul3A_1201 : i32 to vector<1x256xi32>
    %mul3A_1203 = arith.muli %slice3A_1197, %mul3A_1202 : vector<1x256xi32>
    %slice3A_1204 = vector.extract_strided_slice %transpose3A {offsets = [79, 0], sizes = [1, 256], strides = [1, 1]} : vector<100x256xi32> to vector<1x256xi32>
    %add3A_1205 = arith.addi %mul3A_1203, %slice3A_1204 : vector<1x256xi32>
    %jit3A_1206 = arith.constant -1 : i32
    %broadcast_in_dim3A_1207 = vector.broadcast %jit3A_1206 : i32 to vector<1x256xi32>
    %select_n3A_1208 = arith.select %gt3A_1200, %add3A_1205, %broadcast_in_dim3A_1207 : vector<1x256xi1>, vector<1x256xi32>
    %eq3A_1209 = vector.broadcast %select_n3A_1208 : vector<1x256xi32> to vector<36x256xi32>
    %eq3A_1210 = arith.cmpi eq, %eq3A_1209, %iota3A : vector<36x256xi32>
    %convert_element_type3A_1211 = arith.extui %eq3A_1210 : vector<36x256xi1> to vector<36x256xi32>
    %convert_element_type3A_1212 = arith.sitofp %convert_element_type3A_1211 : vector<36x256xi32> to vector<36x256xf32>
    %add3A_1213 = arith.addf %add3A_1196, %convert_element_type3A_1212 : vector<36x256xf32>
    %slice3A_1214 = vector.extract_strided_slice %transpose3A {offsets = [80, 0], sizes = [1, 256], strides = [1, 1]} : vector<100x256xi32> to vector<1x256xi32>
    %gt3A_1215 = arith.constant 0 : i32
    %gt3A_1216 = vector.broadcast %gt3A_1215 : i32 to vector<1x256xi32>
    %gt3A_1217 = arith.cmpi sgt, %slice3A_1214, %gt3A_1216 : vector<1x256xi32>
    %mul3A_1218 = arith.constant 6 : i32
    %mul3A_1219 = vector.broadcast %mul3A_1218 : i32 to vector<1x256xi32>
    %mul3A_1220 = arith.muli %slice3A_1214, %mul3A_1219 : vector<1x256xi32>
    %slice3A_1221 = vector.extract_strided_slice %transpose3A {offsets = [81, 0], sizes = [1, 256], strides = [1, 1]} : vector<100x256xi32> to vector<1x256xi32>
    %add3A_1222 = arith.addi %mul3A_1220, %slice3A_1221 : vector<1x256xi32>
    %jit3A_1223 = arith.constant -1 : i32
    %broadcast_in_dim3A_1224 = vector.broadcast %jit3A_1223 : i32 to vector<1x256xi32>
    %select_n3A_1225 = arith.select %gt3A_1217, %add3A_1222, %broadcast_in_dim3A_1224 : vector<1x256xi1>, vector<1x256xi32>
    %eq3A_1226 = vector.broadcast %select_n3A_1225 : vector<1x256xi32> to vector<36x256xi32>
    %eq3A_1227 = arith.cmpi eq, %eq3A_1226, %iota3A : vector<36x256xi32>
    %convert_element_type3A_1228 = arith.extui %eq3A_1227 : vector<36x256xi1> to vector<36x256xi32>
    %convert_element_type3A_1229 = arith.sitofp %convert_element_type3A_1228 : vector<36x256xi32> to vector<36x256xf32>
    %add3A_1230 = arith.addf %add3A_1213, %convert_element_type3A_1229 : vector<36x256xf32>
    %slice3A_1231 = vector.extract_strided_slice %transpose3A {offsets = [82, 0], sizes = [1, 256], strides = [1, 1]} : vector<100x256xi32> to vector<1x256xi32>
    %gt3A_1232 = arith.constant 0 : i32
    %gt3A_1233 = vector.broadcast %gt3A_1232 : i32 to vector<1x256xi32>
    %gt3A_1234 = arith.cmpi sgt, %slice3A_1231, %gt3A_1233 : vector<1x256xi32>
    %mul3A_1235 = arith.constant 6 : i32
    %mul3A_1236 = vector.broadcast %mul3A_1235 : i32 to vector<1x256xi32>
    %mul3A_1237 = arith.muli %slice3A_1231, %mul3A_1236 : vector<1x256xi32>
    %slice3A_1238 = vector.extract_strided_slice %transpose3A {offsets = [83, 0], sizes = [1, 256], strides = [1, 1]} : vector<100x256xi32> to vector<1x256xi32>
    %add3A_1239 = arith.addi %mul3A_1237, %slice3A_1238 : vector<1x256xi32>
    %jit3A_1240 = arith.constant -1 : i32
    %broadcast_in_dim3A_1241 = vector.broadcast %jit3A_1240 : i32 to vector<1x256xi32>
    %select_n3A_1242 = arith.select %gt3A_1234, %add3A_1239, %broadcast_in_dim3A_1241 : vector<1x256xi1>, vector<1x256xi32>
    %eq3A_1243 = vector.broadcast %select_n3A_1242 : vector<1x256xi32> to vector<36x256xi32>
    %eq3A_1244 = arith.cmpi eq, %eq3A_1243, %iota3A : vector<36x256xi32>
    %convert_element_type3A_1245 = arith.extui %eq3A_1244 : vector<36x256xi1> to vector<36x256xi32>
    %convert_element_type3A_1246 = arith.sitofp %convert_element_type3A_1245 : vector<36x256xi32> to vector<36x256xf32>
    %add3A_1247 = arith.addf %add3A_1230, %convert_element_type3A_1246 : vector<36x256xf32>
    %slice3A_1248 = vector.extract_strided_slice %transpose3A {offsets = [84, 0], sizes = [1, 256], strides = [1, 1]} : vector<100x256xi32> to vector<1x256xi32>
    %gt3A_1249 = arith.constant 0 : i32
    %gt3A_1250 = vector.broadcast %gt3A_1249 : i32 to vector<1x256xi32>
    %gt3A_1251 = arith.cmpi sgt, %slice3A_1248, %gt3A_1250 : vector<1x256xi32>
    %mul3A_1252 = arith.constant 6 : i32
    %mul3A_1253 = vector.broadcast %mul3A_1252 : i32 to vector<1x256xi32>
    %mul3A_1254 = arith.muli %slice3A_1248, %mul3A_1253 : vector<1x256xi32>
    %slice3A_1255 = vector.extract_strided_slice %transpose3A {offsets = [85, 0], sizes = [1, 256], strides = [1, 1]} : vector<100x256xi32> to vector<1x256xi32>
    %add3A_1256 = arith.addi %mul3A_1254, %slice3A_1255 : vector<1x256xi32>
    %jit3A_1257 = arith.constant -1 : i32
    %broadcast_in_dim3A_1258 = vector.broadcast %jit3A_1257 : i32 to vector<1x256xi32>
    %select_n3A_1259 = arith.select %gt3A_1251, %add3A_1256, %broadcast_in_dim3A_1258 : vector<1x256xi1>, vector<1x256xi32>
    %eq3A_1260 = vector.broadcast %select_n3A_1259 : vector<1x256xi32> to vector<36x256xi32>
    %eq3A_1261 = arith.cmpi eq, %eq3A_1260, %iota3A : vector<36x256xi32>
    %convert_element_type3A_1262 = arith.extui %eq3A_1261 : vector<36x256xi1> to vector<36x256xi32>
    %convert_element_type3A_1263 = arith.sitofp %convert_element_type3A_1262 : vector<36x256xi32> to vector<36x256xf32>
    %add3A_1264 = arith.addf %add3A_1247, %convert_element_type3A_1263 : vector<36x256xf32>
    %slice3A_1265 = vector.extract_strided_slice %transpose3A {offsets = [86, 0], sizes = [1, 256], strides = [1, 1]} : vector<100x256xi32> to vector<1x256xi32>
    %gt3A_1266 = arith.constant 0 : i32
    %gt3A_1267 = vector.broadcast %gt3A_1266 : i32 to vector<1x256xi32>
    %gt3A_1268 = arith.cmpi sgt, %slice3A_1265, %gt3A_1267 : vector<1x256xi32>
    %mul3A_1269 = arith.constant 6 : i32
    %mul3A_1270 = vector.broadcast %mul3A_1269 : i32 to vector<1x256xi32>
    %mul3A_1271 = arith.muli %slice3A_1265, %mul3A_1270 : vector<1x256xi32>
    %slice3A_1272 = vector.extract_strided_slice %transpose3A {offsets = [87, 0], sizes = [1, 256], strides = [1, 1]} : vector<100x256xi32> to vector<1x256xi32>
    %add3A_1273 = arith.addi %mul3A_1271, %slice3A_1272 : vector<1x256xi32>
    %jit3A_1274 = arith.constant -1 : i32
    %broadcast_in_dim3A_1275 = vector.broadcast %jit3A_1274 : i32 to vector<1x256xi32>
    %select_n3A_1276 = arith.select %gt3A_1268, %add3A_1273, %broadcast_in_dim3A_1275 : vector<1x256xi1>, vector<1x256xi32>
    %eq3A_1277 = vector.broadcast %select_n3A_1276 : vector<1x256xi32> to vector<36x256xi32>
    %eq3A_1278 = arith.cmpi eq, %eq3A_1277, %iota3A : vector<36x256xi32>
    %convert_element_type3A_1279 = arith.extui %eq3A_1278 : vector<36x256xi1> to vector<36x256xi32>
    %convert_element_type3A_1280 = arith.sitofp %convert_element_type3A_1279 : vector<36x256xi32> to vector<36x256xf32>
    %add3A_1281 = arith.addf %add3A_1264, %convert_element_type3A_1280 : vector<36x256xf32>
    %slice3A_1282 = vector.extract_strided_slice %transpose3A {offsets = [88, 0], sizes = [1, 256], strides = [1, 1]} : vector<100x256xi32> to vector<1x256xi32>
    %gt3A_1283 = arith.constant 0 : i32
    %gt3A_1284 = vector.broadcast %gt3A_1283 : i32 to vector<1x256xi32>
    %gt3A_1285 = arith.cmpi sgt, %slice3A_1282, %gt3A_1284 : vector<1x256xi32>
    %mul3A_1286 = arith.constant 6 : i32
    %mul3A_1287 = vector.broadcast %mul3A_1286 : i32 to vector<1x256xi32>
    %mul3A_1288 = arith.muli %slice3A_1282, %mul3A_1287 : vector<1x256xi32>
    %slice3A_1289 = vector.extract_strided_slice %transpose3A {offsets = [89, 0], sizes = [1, 256], strides = [1, 1]} : vector<100x256xi32> to vector<1x256xi32>
    %add3A_1290 = arith.addi %mul3A_1288, %slice3A_1289 : vector<1x256xi32>
    %jit3A_1291 = arith.constant -1 : i32
    %broadcast_in_dim3A_1292 = vector.broadcast %jit3A_1291 : i32 to vector<1x256xi32>
    %select_n3A_1293 = arith.select %gt3A_1285, %add3A_1290, %broadcast_in_dim3A_1292 : vector<1x256xi1>, vector<1x256xi32>
    %eq3A_1294 = vector.broadcast %select_n3A_1293 : vector<1x256xi32> to vector<36x256xi32>
    %eq3A_1295 = arith.cmpi eq, %eq3A_1294, %iota3A : vector<36x256xi32>
    %convert_element_type3A_1296 = arith.extui %eq3A_1295 : vector<36x256xi1> to vector<36x256xi32>
    %convert_element_type3A_1297 = arith.sitofp %convert_element_type3A_1296 : vector<36x256xi32> to vector<36x256xf32>
    %add3A_1298 = arith.addf %add3A_1281, %convert_element_type3A_1297 : vector<36x256xf32>
    %slice3A_1299 = vector.extract_strided_slice %transpose3A {offsets = [90, 0], sizes = [1, 256], strides = [1, 1]} : vector<100x256xi32> to vector<1x256xi32>
    %gt3A_1300 = arith.constant 0 : i32
    %gt3A_1301 = vector.broadcast %gt3A_1300 : i32 to vector<1x256xi32>
    %gt3A_1302 = arith.cmpi sgt, %slice3A_1299, %gt3A_1301 : vector<1x256xi32>
    %mul3A_1303 = arith.constant 6 : i32
    %mul3A_1304 = vector.broadcast %mul3A_1303 : i32 to vector<1x256xi32>
    %mul3A_1305 = arith.muli %slice3A_1299, %mul3A_1304 : vector<1x256xi32>
    %slice3A_1306 = vector.extract_strided_slice %transpose3A {offsets = [91, 0], sizes = [1, 256], strides = [1, 1]} : vector<100x256xi32> to vector<1x256xi32>
    %add3A_1307 = arith.addi %mul3A_1305, %slice3A_1306 : vector<1x256xi32>
    %jit3A_1308 = arith.constant -1 : i32
    %broadcast_in_dim3A_1309 = vector.broadcast %jit3A_1308 : i32 to vector<1x256xi32>
    %select_n3A_1310 = arith.select %gt3A_1302, %add3A_1307, %broadcast_in_dim3A_1309 : vector<1x256xi1>, vector<1x256xi32>
    %eq3A_1311 = vector.broadcast %select_n3A_1310 : vector<1x256xi32> to vector<36x256xi32>
    %eq3A_1312 = arith.cmpi eq, %eq3A_1311, %iota3A : vector<36x256xi32>
    %convert_element_type3A_1313 = arith.extui %eq3A_1312 : vector<36x256xi1> to vector<36x256xi32>
    %convert_element_type3A_1314 = arith.sitofp %convert_element_type3A_1313 : vector<36x256xi32> to vector<36x256xf32>
    %add3A_1315 = arith.addf %add3A_1298, %convert_element_type3A_1314 : vector<36x256xf32>
    %slice3A_1316 = vector.extract_strided_slice %transpose3A {offsets = [92, 0], sizes = [1, 256], strides = [1, 1]} : vector<100x256xi32> to vector<1x256xi32>
    %gt3A_1317 = arith.constant 0 : i32
    %gt3A_1318 = vector.broadcast %gt3A_1317 : i32 to vector<1x256xi32>
    %gt3A_1319 = arith.cmpi sgt, %slice3A_1316, %gt3A_1318 : vector<1x256xi32>
    %mul3A_1320 = arith.constant 6 : i32
    %mul3A_1321 = vector.broadcast %mul3A_1320 : i32 to vector<1x256xi32>
    %mul3A_1322 = arith.muli %slice3A_1316, %mul3A_1321 : vector<1x256xi32>
    %slice3A_1323 = vector.extract_strided_slice %transpose3A {offsets = [93, 0], sizes = [1, 256], strides = [1, 1]} : vector<100x256xi32> to vector<1x256xi32>
    %add3A_1324 = arith.addi %mul3A_1322, %slice3A_1323 : vector<1x256xi32>
    %jit3A_1325 = arith.constant -1 : i32
    %broadcast_in_dim3A_1326 = vector.broadcast %jit3A_1325 : i32 to vector<1x256xi32>
    %select_n3A_1327 = arith.select %gt3A_1319, %add3A_1324, %broadcast_in_dim3A_1326 : vector<1x256xi1>, vector<1x256xi32>
    %eq3A_1328 = vector.broadcast %select_n3A_1327 : vector<1x256xi32> to vector<36x256xi32>
    %eq3A_1329 = arith.cmpi eq, %eq3A_1328, %iota3A : vector<36x256xi32>
    %convert_element_type3A_1330 = arith.extui %eq3A_1329 : vector<36x256xi1> to vector<36x256xi32>
    %convert_element_type3A_1331 = arith.sitofp %convert_element_type3A_1330 : vector<36x256xi32> to vector<36x256xf32>
    %add3A_1332 = arith.addf %add3A_1315, %convert_element_type3A_1331 : vector<36x256xf32>
    %slice3A_1333 = vector.extract_strided_slice %transpose3A {offsets = [94, 0], sizes = [1, 256], strides = [1, 1]} : vector<100x256xi32> to vector<1x256xi32>
    %gt3A_1334 = arith.constant 0 : i32
    %gt3A_1335 = vector.broadcast %gt3A_1334 : i32 to vector<1x256xi32>
    %gt3A_1336 = arith.cmpi sgt, %slice3A_1333, %gt3A_1335 : vector<1x256xi32>
    %mul3A_1337 = arith.constant 6 : i32
    %mul3A_1338 = vector.broadcast %mul3A_1337 : i32 to vector<1x256xi32>
    %mul3A_1339 = arith.muli %slice3A_1333, %mul3A_1338 : vector<1x256xi32>
    %slice3A_1340 = vector.extract_strided_slice %transpose3A {offsets = [95, 0], sizes = [1, 256], strides = [1, 1]} : vector<100x256xi32> to vector<1x256xi32>
    %add3A_1341 = arith.addi %mul3A_1339, %slice3A_1340 : vector<1x256xi32>
    %jit3A_1342 = arith.constant -1 : i32
    %broadcast_in_dim3A_1343 = vector.broadcast %jit3A_1342 : i32 to vector<1x256xi32>
    %select_n3A_1344 = arith.select %gt3A_1336, %add3A_1341, %broadcast_in_dim3A_1343 : vector<1x256xi1>, vector<1x256xi32>
    %eq3A_1345 = vector.broadcast %select_n3A_1344 : vector<1x256xi32> to vector<36x256xi32>
    %eq3A_1346 = arith.cmpi eq, %eq3A_1345, %iota3A : vector<36x256xi32>
    %convert_element_type3A_1347 = arith.extui %eq3A_1346 : vector<36x256xi1> to vector<36x256xi32>
    %convert_element_type3A_1348 = arith.sitofp %convert_element_type3A_1347 : vector<36x256xi32> to vector<36x256xf32>
    %add3A_1349 = arith.addf %add3A_1332, %convert_element_type3A_1348 : vector<36x256xf32>
    %slice3A_1350 = vector.extract_strided_slice %transpose3A {offsets = [96, 0], sizes = [1, 256], strides = [1, 1]} : vector<100x256xi32> to vector<1x256xi32>
    %gt3A_1351 = arith.constant 0 : i32
    %gt3A_1352 = vector.broadcast %gt3A_1351 : i32 to vector<1x256xi32>
    %gt3A_1353 = arith.cmpi sgt, %slice3A_1350, %gt3A_1352 : vector<1x256xi32>
    %mul3A_1354 = arith.constant 6 : i32
    %mul3A_1355 = vector.broadcast %mul3A_1354 : i32 to vector<1x256xi32>
    %mul3A_1356 = arith.muli %slice3A_1350, %mul3A_1355 : vector<1x256xi32>
    %slice3A_1357 = vector.extract_strided_slice %transpose3A {offsets = [97, 0], sizes = [1, 256], strides = [1, 1]} : vector<100x256xi32> to vector<1x256xi32>
    %add3A_1358 = arith.addi %mul3A_1356, %slice3A_1357 : vector<1x256xi32>
    %jit3A_1359 = arith.constant -1 : i32
    %broadcast_in_dim3A_1360 = vector.broadcast %jit3A_1359 : i32 to vector<1x256xi32>
    %select_n3A_1361 = arith.select %gt3A_1353, %add3A_1358, %broadcast_in_dim3A_1360 : vector<1x256xi1>, vector<1x256xi32>
    %eq3A_1362 = vector.broadcast %select_n3A_1361 : vector<1x256xi32> to vector<36x256xi32>
    %eq3A_1363 = arith.cmpi eq, %eq3A_1362, %iota3A : vector<36x256xi32>
    %convert_element_type3A_1364 = arith.extui %eq3A_1363 : vector<36x256xi1> to vector<36x256xi32>
    %convert_element_type3A_1365 = arith.sitofp %convert_element_type3A_1364 : vector<36x256xi32> to vector<36x256xf32>
    %add3A_1366 = arith.addf %add3A_1349, %convert_element_type3A_1365 : vector<36x256xf32>
    %slice3A_1367 = vector.extract_strided_slice %transpose3A {offsets = [98, 0], sizes = [1, 256], strides = [1, 1]} : vector<100x256xi32> to vector<1x256xi32>
    %gt3A_1368 = arith.constant 0 : i32
    %gt3A_1369 = vector.broadcast %gt3A_1368 : i32 to vector<1x256xi32>
    %gt3A_1370 = arith.cmpi sgt, %slice3A_1367, %gt3A_1369 : vector<1x256xi32>
    %mul3A_1371 = arith.constant 6 : i32
    %mul3A_1372 = vector.broadcast %mul3A_1371 : i32 to vector<1x256xi32>
    %mul3A_1373 = arith.muli %slice3A_1367, %mul3A_1372 : vector<1x256xi32>
    %slice3A_1374 = vector.extract_strided_slice %transpose3A {offsets = [99, 0], sizes = [1, 256], strides = [1, 1]} : vector<100x256xi32> to vector<1x256xi32>
    %add3A_1375 = arith.addi %mul3A_1373, %slice3A_1374 : vector<1x256xi32>
    %jit3A_1376 = arith.constant -1 : i32
    %broadcast_in_dim3A_1377 = vector.broadcast %jit3A_1376 : i32 to vector<1x256xi32>
    %select_n3A_1378 = arith.select %gt3A_1370, %add3A_1375, %broadcast_in_dim3A_1377 : vector<1x256xi1>, vector<1x256xi32>
    %eq3A_1379 = vector.broadcast %select_n3A_1378 : vector<1x256xi32> to vector<36x256xi32>
    %eq3A_1380 = arith.cmpi eq, %eq3A_1379, %iota3A : vector<36x256xi32>
    %convert_element_type3A_1381 = arith.extui %eq3A_1380 : vector<36x256xi1> to vector<36x256xi32>
    %convert_element_type3A_1382 = arith.sitofp %convert_element_type3A_1381 : vector<36x256xi32> to vector<36x256xf32>
    %add3A_1383 = arith.addf %add3A_1366, %convert_element_type3A_1382 : vector<36x256xf32>
    %transpose3A_1384 = tpu.transpose %add3A_1383, [1, 0] : vector<36x256xf32> -> vector<256x36xf32>
    %exp3A = math.exp %add3A_534 : vector<256x36xf32>
    %mul3A_1385 = arith.mulf %transpose3A_1384, %exp3A : vector<256x36xf32>
    %reduce_sum3A_1386 = arith.constant dense<0.000000e+00> : vector<256xf32>
    %reduce_sum3A_1387 = vector.multi_reduction <add>, %mul3A_1385, %reduce_sum3A_1386 [1] : vector<256x36xf32> to vector<256xf32>
    %broadcast_in_dim3A_1388 = vector.shape_cast %reduce_sum3A_1387 : vector<256xf32> to vector<256x1xf32>
    %add3A_1389 = arith.constant 1.000000e-10 : f32
    %add3A_1390 = vector.broadcast %add3A_1389 : f32 to vector<256x1xf32>
    %add3A_1391 = arith.addf %broadcast_in_dim3A_1388, %add3A_1390 : vector<256x1xf32>
    %dot_general3A_1392 = arith.constant dense<0.000000e+00> : vector<256x64xf32>
    %dot_general3A_1393 = tpu.matmul %mul3A_1385, %add3A_46, %dot_general3A_1392 {dimension_numbers = #tpu.dot_dimension_numbers<[1], [0], [0], [1], [0, 0, 1, 1], [], []>, transpose_lhs_hint = false} : vector<256x36xf32>, vector<36x64xf32>, vector<256x64xf32> -> vector<256x64xf32>
    %div3A = vector.broadcast %add3A_1391 : vector<256x1xf32> to vector<256x64xf32>
    %div3A_1394 = arith.divf %dot_general3A_1393, %div3A : vector<256x64xf32>
    %get3A_1395 = arith.constant 0 : index
    %get3A_1396 = arith.constant 0 : index
    %get3A_1397 = vector.load %arg22[%get3A_1395, %get3A_1396] : memref<64x64xf32, #tpu.memory_space<vmem>>, vector<64x64xf32>
    %dot_general3A_1398 = arith.constant dense<0.000000e+00> : vector<256x64xf32>
    %dot_general3A_1399 = tpu.matmul %div3A_1394, %get3A_1397, %dot_general3A_1398 {dimension_numbers = #tpu.dot_dimension_numbers<[1], [0], [0], [1], [0, 0, 1, 1], [], []>, transpose_lhs_hint = false} : vector<256x64xf32>, vector<64x64xf32>, vector<256x64xf32> -> vector<256x64xf32>
    %get3A_1400 = arith.constant 0 : index
    %get3A_1401 = arith.constant 0 : index
    %get3A_1402 = vector.load %arg23[%get3A_1400, %get3A_1401] : memref<1x64xf32, #tpu.memory_space<vmem>>, vector<1x64xf32>
    %add3A_1403 = vector.broadcast %get3A_1402 : vector<1x64xf32> to vector<256x64xf32>
    %add3A_1404 = arith.addf %dot_general3A_1399, %add3A_1403 : vector<256x64xf32>
    %tanh3A_1405 = math.tanh %add3A_1404 : vector<256x64xf32>
    %get3A_1406 = arith.constant 0 : index
    %get3A_1407 = arith.constant 0 : index
    %get3A_1408 = vector.load %arg6[%get3A_1406, %get3A_1407] : memref<36x128xf32, #tpu.memory_space<vmem>>, vector<36x128xf32>
    %get3A_1409 = arith.constant 0 : index
    %get3A_1410 = arith.constant 0 : index
    %get3A_1411 = vector.load %arg9[%get3A_1409, %get3A_1410] : memref<256x100xi32, #tpu.memory_space<vmem>>, vector<256x100xi32>
    %get3A_1412 = arith.constant 0 : index
    %get3A_1413 = arith.constant 0 : index
    %get3A_1414 = vector.load %arg24[%get3A_1412, %get3A_1413] : memref<128x64xf32, #tpu.memory_space<vmem>>, vector<128x64xf32>
    %dot_general3A_1415 = arith.constant dense<0.000000e+00> : vector<36x64xf32>
    %dot_general3A_1416 = tpu.matmul %get3A_1408, %get3A_1414, %dot_general3A_1415 {dimension_numbers = #tpu.dot_dimension_numbers<[1], [0], [0], [1], [0, 0, 1, 1], [], []>, transpose_lhs_hint = false} : vector<36x128xf32>, vector<128x64xf32>, vector<36x64xf32> -> vector<36x64xf32>
    %get3A_1417 = arith.constant 0 : index
    %get3A_1418 = arith.constant 0 : index
    %get3A_1419 = vector.load %arg25[%get3A_1417, %get3A_1418] : memref<1x64xf32, #tpu.memory_space<vmem>>, vector<1x64xf32>
    %add3A_1420 = vector.broadcast %get3A_1419 : vector<1x64xf32> to vector<36x64xf32>
    %add3A_1421 = arith.addf %dot_general3A_1416, %add3A_1420 : vector<36x64xf32>
    %tanh3A_1422 = math.tanh %add3A_1421 : vector<36x64xf32>
    %get3A_1423 = arith.constant 0 : index
    %get3A_1424 = arith.constant 0 : index
    %get3A_1425 = vector.load %arg26[%get3A_1423, %get3A_1424] : memref<64x64xf32, #tpu.memory_space<vmem>>, vector<64x64xf32>
    %dot_general3A_1426 = arith.constant dense<0.000000e+00> : vector<36x64xf32>
    %dot_general3A_1427 = tpu.matmul %tanh3A_1422, %get3A_1425, %dot_general3A_1426 {dimension_numbers = #tpu.dot_dimension_numbers<[1], [0], [0], [1], [0, 0, 1, 1], [], []>, transpose_lhs_hint = false} : vector<36x64xf32>, vector<64x64xf32>, vector<36x64xf32> -> vector<36x64xf32>
    %get3A_1428 = arith.constant 0 : index
    %get3A_1429 = arith.constant 0 : index
    %get3A_1430 = vector.load %arg27[%get3A_1428, %get3A_1429] : memref<1x64xf32, #tpu.memory_space<vmem>>, vector<1x64xf32>
    %add3A_1431 = vector.broadcast %get3A_1430 : vector<1x64xf32> to vector<36x64xf32>
    %add3A_1432 = arith.addf %dot_general3A_1427, %add3A_1431 : vector<36x64xf32>
    %get3A_1433 = arith.constant 0 : index
    %get3A_1434 = arith.constant 0 : index
    %get3A_1435 = vector.load %arg28[%get3A_1433, %get3A_1434] : memref<128x64xf32, #tpu.memory_space<vmem>>, vector<128x64xf32>
    %slice3A_1436 = vector.extract_strided_slice %get3A_1435 {offsets = [0, 0], sizes = [64, 64], strides = [1, 1]} : vector<128x64xf32> to vector<64x64xf32>
    %dot_general3A_1437 = arith.constant dense<0.000000e+00> : vector<36x64xf32>
    %dot_general3A_1438 = tpu.matmul %add3A_1432, %slice3A_1436, %dot_general3A_1437 {dimension_numbers = #tpu.dot_dimension_numbers<[1], [0], [0], [1], [0, 0, 1, 1], [], []>, transpose_lhs_hint = false} : vector<36x64xf32>, vector<64x64xf32>, vector<36x64xf32> -> vector<36x64xf32>
    %get3A_1439 = arith.constant 0 : index
    %get3A_1440 = arith.constant 0 : index
    %get3A_1441 = vector.load %arg28[%get3A_1439, %get3A_1440] : memref<128x64xf32, #tpu.memory_space<vmem>>, vector<128x64xf32>
    %slice3A_1442 = vector.extract_strided_slice %get3A_1441 {offsets = [64, 0], sizes = [64, 64], strides = [1, 1]} : vector<128x64xf32> to vector<64x64xf32>
    %dot_general3A_1443 = arith.constant dense<0.000000e+00> : vector<256x64xf32>
    %dot_general3A_1444 = tpu.matmul %select_n3A_22, %slice3A_1442, %dot_general3A_1443 {dimension_numbers = #tpu.dot_dimension_numbers<[1], [0], [0], [1], [0, 0, 1, 1], [], []>, transpose_lhs_hint = false} : vector<256x64xf32>, vector<64x64xf32>, vector<256x64xf32> -> vector<256x64xf32>
    %get3A_1445 = arith.constant 0 : index
    %get3A_1446 = arith.constant 0 : index
    %get3A_1447 = vector.load %arg29[%get3A_1445, %get3A_1446] : memref<1x64xf32, #tpu.memory_space<vmem>>, vector<1x64xf32>
    %get3A_1448 = arith.constant 0 : index
    %get3A_1449 = arith.constant 0 : index
    %get3A_1450 = vector.load %arg30[%get3A_1448, %get3A_1449] : memref<1x64xf32, #tpu.memory_space<vmem>>, vector<1x64xf32>
    %get3A_1451 = arith.constant 0 : index
    %get3A_1452 = arith.constant 0 : index
    %get3A_1453 = vector.load %arg31[%get3A_1451, %get3A_1452] : memref<1x1xf32, #tpu.memory_space<vmem>>, vector<1x1xf32>
    %slice3A_1454 = vector.extract_strided_slice %dot_general3A_1438 {offsets = [0, 0], sizes = [1, 64], strides = [1, 1]} : vector<36x64xf32> to vector<1x64xf32>
    %add3A_1455 = vector.broadcast %slice3A_1454 : vector<1x64xf32> to vector<256x64xf32>
    %add3A_1456 = arith.addf %dot_general3A_1444, %add3A_1455 : vector<256x64xf32>
    %add3A_1457 = vector.broadcast %get3A_1447 : vector<1x64xf32> to vector<256x64xf32>
    %add3A_1458 = arith.addf %add3A_1456, %add3A_1457 : vector<256x64xf32>
    %max3A_1459 = arith.constant 0.000000e+00 : f32
    %max3A_1460 = vector.broadcast %max3A_1459 : f32 to vector<256x64xf32>
    %max3A_1461 = arith.maximumf %add3A_1458, %max3A_1460 : vector<256x64xf32>
    %mul3A_1462 = vector.broadcast %get3A_1450 : vector<1x64xf32> to vector<256x64xf32>
    %mul3A_1463 = arith.mulf %max3A_1461, %mul3A_1462 : vector<256x64xf32>
    %reduce_sum3A_1464 = arith.constant dense<0.000000e+00> : vector<256xf32>
    %reduce_sum3A_1465 = vector.multi_reduction <add>, %mul3A_1463, %reduce_sum3A_1464 [1] : vector<256x64xf32> to vector<256xf32>
    %broadcast_in_dim3A_1466 = vector.shape_cast %reduce_sum3A_1465 : vector<256xf32> to vector<256x1xf32>
    %slice3A_1467 = vector.extract_strided_slice %dot_general3A_1438 {offsets = [1, 0], sizes = [1, 64], strides = [1, 1]} : vector<36x64xf32> to vector<1x64xf32>
    %add3A_1468 = vector.broadcast %slice3A_1467 : vector<1x64xf32> to vector<256x64xf32>
    %add3A_1469 = arith.addf %dot_general3A_1444, %add3A_1468 : vector<256x64xf32>
    %add3A_1470 = vector.broadcast %get3A_1447 : vector<1x64xf32> to vector<256x64xf32>
    %add3A_1471 = arith.addf %add3A_1469, %add3A_1470 : vector<256x64xf32>
    %max3A_1472 = arith.constant 0.000000e+00 : f32
    %max3A_1473 = vector.broadcast %max3A_1472 : f32 to vector<256x64xf32>
    %max3A_1474 = arith.maximumf %add3A_1471, %max3A_1473 : vector<256x64xf32>
    %mul3A_1475 = vector.broadcast %get3A_1450 : vector<1x64xf32> to vector<256x64xf32>
    %mul3A_1476 = arith.mulf %max3A_1474, %mul3A_1475 : vector<256x64xf32>
    %reduce_sum3A_1477 = arith.constant dense<0.000000e+00> : vector<256xf32>
    %reduce_sum3A_1478 = vector.multi_reduction <add>, %mul3A_1476, %reduce_sum3A_1477 [1] : vector<256x64xf32> to vector<256xf32>
    %broadcast_in_dim3A_1479 = vector.shape_cast %reduce_sum3A_1478 : vector<256xf32> to vector<256x1xf32>
    %slice3A_1480 = vector.extract_strided_slice %dot_general3A_1438 {offsets = [2, 0], sizes = [1, 64], strides = [1, 1]} : vector<36x64xf32> to vector<1x64xf32>
    %add3A_1481 = vector.broadcast %slice3A_1480 : vector<1x64xf32> to vector<256x64xf32>
    %add3A_1482 = arith.addf %dot_general3A_1444, %add3A_1481 : vector<256x64xf32>
    %add3A_1483 = vector.broadcast %get3A_1447 : vector<1x64xf32> to vector<256x64xf32>
    %add3A_1484 = arith.addf %add3A_1482, %add3A_1483 : vector<256x64xf32>
    %max3A_1485 = arith.constant 0.000000e+00 : f32
    %max3A_1486 = vector.broadcast %max3A_1485 : f32 to vector<256x64xf32>
    %max3A_1487 = arith.maximumf %add3A_1484, %max3A_1486 : vector<256x64xf32>
    %mul3A_1488 = vector.broadcast %get3A_1450 : vector<1x64xf32> to vector<256x64xf32>
    %mul3A_1489 = arith.mulf %max3A_1487, %mul3A_1488 : vector<256x64xf32>
    %reduce_sum3A_1490 = arith.constant dense<0.000000e+00> : vector<256xf32>
    %reduce_sum3A_1491 = vector.multi_reduction <add>, %mul3A_1489, %reduce_sum3A_1490 [1] : vector<256x64xf32> to vector<256xf32>
    %broadcast_in_dim3A_1492 = vector.shape_cast %reduce_sum3A_1491 : vector<256xf32> to vector<256x1xf32>
    %slice3A_1493 = vector.extract_strided_slice %dot_general3A_1438 {offsets = [3, 0], sizes = [1, 64], strides = [1, 1]} : vector<36x64xf32> to vector<1x64xf32>
    %add3A_1494 = vector.broadcast %slice3A_1493 : vector<1x64xf32> to vector<256x64xf32>
    %add3A_1495 = arith.addf %dot_general3A_1444, %add3A_1494 : vector<256x64xf32>
    %add3A_1496 = vector.broadcast %get3A_1447 : vector<1x64xf32> to vector<256x64xf32>
    %add3A_1497 = arith.addf %add3A_1495, %add3A_1496 : vector<256x64xf32>
    %max3A_1498 = arith.constant 0.000000e+00 : f32
    %max3A_1499 = vector.broadcast %max3A_1498 : f32 to vector<256x64xf32>
    %max3A_1500 = arith.maximumf %add3A_1497, %max3A_1499 : vector<256x64xf32>
    %mul3A_1501 = vector.broadcast %get3A_1450 : vector<1x64xf32> to vector<256x64xf32>
    %mul3A_1502 = arith.mulf %max3A_1500, %mul3A_1501 : vector<256x64xf32>
    %reduce_sum3A_1503 = arith.constant dense<0.000000e+00> : vector<256xf32>
    %reduce_sum3A_1504 = vector.multi_reduction <add>, %mul3A_1502, %reduce_sum3A_1503 [1] : vector<256x64xf32> to vector<256xf32>
    %broadcast_in_dim3A_1505 = vector.shape_cast %reduce_sum3A_1504 : vector<256xf32> to vector<256x1xf32>
    %slice3A_1506 = vector.extract_strided_slice %dot_general3A_1438 {offsets = [4, 0], sizes = [1, 64], strides = [1, 1]} : vector<36x64xf32> to vector<1x64xf32>
    %add3A_1507 = vector.broadcast %slice3A_1506 : vector<1x64xf32> to vector<256x64xf32>
    %add3A_1508 = arith.addf %dot_general3A_1444, %add3A_1507 : vector<256x64xf32>
    %add3A_1509 = vector.broadcast %get3A_1447 : vector<1x64xf32> to vector<256x64xf32>
    %add3A_1510 = arith.addf %add3A_1508, %add3A_1509 : vector<256x64xf32>
    %max3A_1511 = arith.constant 0.000000e+00 : f32
    %max3A_1512 = vector.broadcast %max3A_1511 : f32 to vector<256x64xf32>
    %max3A_1513 = arith.maximumf %add3A_1510, %max3A_1512 : vector<256x64xf32>
    %mul3A_1514 = vector.broadcast %get3A_1450 : vector<1x64xf32> to vector<256x64xf32>
    %mul3A_1515 = arith.mulf %max3A_1513, %mul3A_1514 : vector<256x64xf32>
    %reduce_sum3A_1516 = arith.constant dense<0.000000e+00> : vector<256xf32>
    %reduce_sum3A_1517 = vector.multi_reduction <add>, %mul3A_1515, %reduce_sum3A_1516 [1] : vector<256x64xf32> to vector<256xf32>
    %broadcast_in_dim3A_1518 = vector.shape_cast %reduce_sum3A_1517 : vector<256xf32> to vector<256x1xf32>
    %slice3A_1519 = vector.extract_strided_slice %dot_general3A_1438 {offsets = [5, 0], sizes = [1, 64], strides = [1, 1]} : vector<36x64xf32> to vector<1x64xf32>
    %add3A_1520 = vector.broadcast %slice3A_1519 : vector<1x64xf32> to vector<256x64xf32>
    %add3A_1521 = arith.addf %dot_general3A_1444, %add3A_1520 : vector<256x64xf32>
    %add3A_1522 = vector.broadcast %get3A_1447 : vector<1x64xf32> to vector<256x64xf32>
    %add3A_1523 = arith.addf %add3A_1521, %add3A_1522 : vector<256x64xf32>
    %max3A_1524 = arith.constant 0.000000e+00 : f32
    %max3A_1525 = vector.broadcast %max3A_1524 : f32 to vector<256x64xf32>
    %max3A_1526 = arith.maximumf %add3A_1523, %max3A_1525 : vector<256x64xf32>
    %mul3A_1527 = vector.broadcast %get3A_1450 : vector<1x64xf32> to vector<256x64xf32>
    %mul3A_1528 = arith.mulf %max3A_1526, %mul3A_1527 : vector<256x64xf32>
    %reduce_sum3A_1529 = arith.constant dense<0.000000e+00> : vector<256xf32>
    %reduce_sum3A_1530 = vector.multi_reduction <add>, %mul3A_1528, %reduce_sum3A_1529 [1] : vector<256x64xf32> to vector<256xf32>
    %broadcast_in_dim3A_1531 = vector.shape_cast %reduce_sum3A_1530 : vector<256xf32> to vector<256x1xf32>
    %slice3A_1532 = vector.extract_strided_slice %dot_general3A_1438 {offsets = [6, 0], sizes = [1, 64], strides = [1, 1]} : vector<36x64xf32> to vector<1x64xf32>
    %add3A_1533 = vector.broadcast %slice3A_1532 : vector<1x64xf32> to vector<256x64xf32>
    %add3A_1534 = arith.addf %dot_general3A_1444, %add3A_1533 : vector<256x64xf32>
    %add3A_1535 = vector.broadcast %get3A_1447 : vector<1x64xf32> to vector<256x64xf32>
    %add3A_1536 = arith.addf %add3A_1534, %add3A_1535 : vector<256x64xf32>
    %max3A_1537 = arith.constant 0.000000e+00 : f32
    %max3A_1538 = vector.broadcast %max3A_1537 : f32 to vector<256x64xf32>
    %max3A_1539 = arith.maximumf %add3A_1536, %max3A_1538 : vector<256x64xf32>
    %mul3A_1540 = vector.broadcast %get3A_1450 : vector<1x64xf32> to vector<256x64xf32>
    %mul3A_1541 = arith.mulf %max3A_1539, %mul3A_1540 : vector<256x64xf32>
    %reduce_sum3A_1542 = arith.constant dense<0.000000e+00> : vector<256xf32>
    %reduce_sum3A_1543 = vector.multi_reduction <add>, %mul3A_1541, %reduce_sum3A_1542 [1] : vector<256x64xf32> to vector<256xf32>
    %broadcast_in_dim3A_1544 = vector.shape_cast %reduce_sum3A_1543 : vector<256xf32> to vector<256x1xf32>
    %slice3A_1545 = vector.extract_strided_slice %dot_general3A_1438 {offsets = [7, 0], sizes = [1, 64], strides = [1, 1]} : vector<36x64xf32> to vector<1x64xf32>
    %add3A_1546 = vector.broadcast %slice3A_1545 : vector<1x64xf32> to vector<256x64xf32>
    %add3A_1547 = arith.addf %dot_general3A_1444, %add3A_1546 : vector<256x64xf32>
    %add3A_1548 = vector.broadcast %get3A_1447 : vector<1x64xf32> to vector<256x64xf32>
    %add3A_1549 = arith.addf %add3A_1547, %add3A_1548 : vector<256x64xf32>
    %max3A_1550 = arith.constant 0.000000e+00 : f32
    %max3A_1551 = vector.broadcast %max3A_1550 : f32 to vector<256x64xf32>
    %max3A_1552 = arith.maximumf %add3A_1549, %max3A_1551 : vector<256x64xf32>
    %mul3A_1553 = vector.broadcast %get3A_1450 : vector<1x64xf32> to vector<256x64xf32>
    %mul3A_1554 = arith.mulf %max3A_1552, %mul3A_1553 : vector<256x64xf32>
    %reduce_sum3A_1555 = arith.constant dense<0.000000e+00> : vector<256xf32>
    %reduce_sum3A_1556 = vector.multi_reduction <add>, %mul3A_1554, %reduce_sum3A_1555 [1] : vector<256x64xf32> to vector<256xf32>
    %broadcast_in_dim3A_1557 = vector.shape_cast %reduce_sum3A_1556 : vector<256xf32> to vector<256x1xf32>
    %slice3A_1558 = vector.extract_strided_slice %dot_general3A_1438 {offsets = [8, 0], sizes = [1, 64], strides = [1, 1]} : vector<36x64xf32> to vector<1x64xf32>
    %add3A_1559 = vector.broadcast %slice3A_1558 : vector<1x64xf32> to vector<256x64xf32>
    %add3A_1560 = arith.addf %dot_general3A_1444, %add3A_1559 : vector<256x64xf32>
    %add3A_1561 = vector.broadcast %get3A_1447 : vector<1x64xf32> to vector<256x64xf32>
    %add3A_1562 = arith.addf %add3A_1560, %add3A_1561 : vector<256x64xf32>
    %max3A_1563 = arith.constant 0.000000e+00 : f32
    %max3A_1564 = vector.broadcast %max3A_1563 : f32 to vector<256x64xf32>
    %max3A_1565 = arith.maximumf %add3A_1562, %max3A_1564 : vector<256x64xf32>
    %mul3A_1566 = vector.broadcast %get3A_1450 : vector<1x64xf32> to vector<256x64xf32>
    %mul3A_1567 = arith.mulf %max3A_1565, %mul3A_1566 : vector<256x64xf32>
    %reduce_sum3A_1568 = arith.constant dense<0.000000e+00> : vector<256xf32>
    %reduce_sum3A_1569 = vector.multi_reduction <add>, %mul3A_1567, %reduce_sum3A_1568 [1] : vector<256x64xf32> to vector<256xf32>
    %broadcast_in_dim3A_1570 = vector.shape_cast %reduce_sum3A_1569 : vector<256xf32> to vector<256x1xf32>
    %slice3A_1571 = vector.extract_strided_slice %dot_general3A_1438 {offsets = [9, 0], sizes = [1, 64], strides = [1, 1]} : vector<36x64xf32> to vector<1x64xf32>
    %add3A_1572 = vector.broadcast %slice3A_1571 : vector<1x64xf32> to vector<256x64xf32>
    %add3A_1573 = arith.addf %dot_general3A_1444, %add3A_1572 : vector<256x64xf32>
    %add3A_1574 = vector.broadcast %get3A_1447 : vector<1x64xf32> to vector<256x64xf32>
    %add3A_1575 = arith.addf %add3A_1573, %add3A_1574 : vector<256x64xf32>
    %max3A_1576 = arith.constant 0.000000e+00 : f32
    %max3A_1577 = vector.broadcast %max3A_1576 : f32 to vector<256x64xf32>
    %max3A_1578 = arith.maximumf %add3A_1575, %max3A_1577 : vector<256x64xf32>
    %mul3A_1579 = vector.broadcast %get3A_1450 : vector<1x64xf32> to vector<256x64xf32>
    %mul3A_1580 = arith.mulf %max3A_1578, %mul3A_1579 : vector<256x64xf32>
    %reduce_sum3A_1581 = arith.constant dense<0.000000e+00> : vector<256xf32>
    %reduce_sum3A_1582 = vector.multi_reduction <add>, %mul3A_1580, %reduce_sum3A_1581 [1] : vector<256x64xf32> to vector<256xf32>
    %broadcast_in_dim3A_1583 = vector.shape_cast %reduce_sum3A_1582 : vector<256xf32> to vector<256x1xf32>
    %slice3A_1584 = vector.extract_strided_slice %dot_general3A_1438 {offsets = [10, 0], sizes = [1, 64], strides = [1, 1]} : vector<36x64xf32> to vector<1x64xf32>
    %add3A_1585 = vector.broadcast %slice3A_1584 : vector<1x64xf32> to vector<256x64xf32>
    %add3A_1586 = arith.addf %dot_general3A_1444, %add3A_1585 : vector<256x64xf32>
    %add3A_1587 = vector.broadcast %get3A_1447 : vector<1x64xf32> to vector<256x64xf32>
    %add3A_1588 = arith.addf %add3A_1586, %add3A_1587 : vector<256x64xf32>
    %max3A_1589 = arith.constant 0.000000e+00 : f32
    %max3A_1590 = vector.broadcast %max3A_1589 : f32 to vector<256x64xf32>
    %max3A_1591 = arith.maximumf %add3A_1588, %max3A_1590 : vector<256x64xf32>
    %mul3A_1592 = vector.broadcast %get3A_1450 : vector<1x64xf32> to vector<256x64xf32>
    %mul3A_1593 = arith.mulf %max3A_1591, %mul3A_1592 : vector<256x64xf32>
    %reduce_sum3A_1594 = arith.constant dense<0.000000e+00> : vector<256xf32>
    %reduce_sum3A_1595 = vector.multi_reduction <add>, %mul3A_1593, %reduce_sum3A_1594 [1] : vector<256x64xf32> to vector<256xf32>
    %broadcast_in_dim3A_1596 = vector.shape_cast %reduce_sum3A_1595 : vector<256xf32> to vector<256x1xf32>
    %slice3A_1597 = vector.extract_strided_slice %dot_general3A_1438 {offsets = [11, 0], sizes = [1, 64], strides = [1, 1]} : vector<36x64xf32> to vector<1x64xf32>
    %add3A_1598 = vector.broadcast %slice3A_1597 : vector<1x64xf32> to vector<256x64xf32>
    %add3A_1599 = arith.addf %dot_general3A_1444, %add3A_1598 : vector<256x64xf32>
    %add3A_1600 = vector.broadcast %get3A_1447 : vector<1x64xf32> to vector<256x64xf32>
    %add3A_1601 = arith.addf %add3A_1599, %add3A_1600 : vector<256x64xf32>
    %max3A_1602 = arith.constant 0.000000e+00 : f32
    %max3A_1603 = vector.broadcast %max3A_1602 : f32 to vector<256x64xf32>
    %max3A_1604 = arith.maximumf %add3A_1601, %max3A_1603 : vector<256x64xf32>
    %mul3A_1605 = vector.broadcast %get3A_1450 : vector<1x64xf32> to vector<256x64xf32>
    %mul3A_1606 = arith.mulf %max3A_1604, %mul3A_1605 : vector<256x64xf32>
    %reduce_sum3A_1607 = arith.constant dense<0.000000e+00> : vector<256xf32>
    %reduce_sum3A_1608 = vector.multi_reduction <add>, %mul3A_1606, %reduce_sum3A_1607 [1] : vector<256x64xf32> to vector<256xf32>
    %broadcast_in_dim3A_1609 = vector.shape_cast %reduce_sum3A_1608 : vector<256xf32> to vector<256x1xf32>
    %slice3A_1610 = vector.extract_strided_slice %dot_general3A_1438 {offsets = [12, 0], sizes = [1, 64], strides = [1, 1]} : vector<36x64xf32> to vector<1x64xf32>
    %add3A_1611 = vector.broadcast %slice3A_1610 : vector<1x64xf32> to vector<256x64xf32>
    %add3A_1612 = arith.addf %dot_general3A_1444, %add3A_1611 : vector<256x64xf32>
    %add3A_1613 = vector.broadcast %get3A_1447 : vector<1x64xf32> to vector<256x64xf32>
    %add3A_1614 = arith.addf %add3A_1612, %add3A_1613 : vector<256x64xf32>
    %max3A_1615 = arith.constant 0.000000e+00 : f32
    %max3A_1616 = vector.broadcast %max3A_1615 : f32 to vector<256x64xf32>
    %max3A_1617 = arith.maximumf %add3A_1614, %max3A_1616 : vector<256x64xf32>
    %mul3A_1618 = vector.broadcast %get3A_1450 : vector<1x64xf32> to vector<256x64xf32>
    %mul3A_1619 = arith.mulf %max3A_1617, %mul3A_1618 : vector<256x64xf32>
    %reduce_sum3A_1620 = arith.constant dense<0.000000e+00> : vector<256xf32>
    %reduce_sum3A_1621 = vector.multi_reduction <add>, %mul3A_1619, %reduce_sum3A_1620 [1] : vector<256x64xf32> to vector<256xf32>
    %broadcast_in_dim3A_1622 = vector.shape_cast %reduce_sum3A_1621 : vector<256xf32> to vector<256x1xf32>
    %slice3A_1623 = vector.extract_strided_slice %dot_general3A_1438 {offsets = [13, 0], sizes = [1, 64], strides = [1, 1]} : vector<36x64xf32> to vector<1x64xf32>
    %add3A_1624 = vector.broadcast %slice3A_1623 : vector<1x64xf32> to vector<256x64xf32>
    %add3A_1625 = arith.addf %dot_general3A_1444, %add3A_1624 : vector<256x64xf32>
    %add3A_1626 = vector.broadcast %get3A_1447 : vector<1x64xf32> to vector<256x64xf32>
    %add3A_1627 = arith.addf %add3A_1625, %add3A_1626 : vector<256x64xf32>
    %max3A_1628 = arith.constant 0.000000e+00 : f32
    %max3A_1629 = vector.broadcast %max3A_1628 : f32 to vector<256x64xf32>
    %max3A_1630 = arith.maximumf %add3A_1627, %max3A_1629 : vector<256x64xf32>
    %mul3A_1631 = vector.broadcast %get3A_1450 : vector<1x64xf32> to vector<256x64xf32>
    %mul3A_1632 = arith.mulf %max3A_1630, %mul3A_1631 : vector<256x64xf32>
    %reduce_sum3A_1633 = arith.constant dense<0.000000e+00> : vector<256xf32>
    %reduce_sum3A_1634 = vector.multi_reduction <add>, %mul3A_1632, %reduce_sum3A_1633 [1] : vector<256x64xf32> to vector<256xf32>
    %broadcast_in_dim3A_1635 = vector.shape_cast %reduce_sum3A_1634 : vector<256xf32> to vector<256x1xf32>
    %slice3A_1636 = vector.extract_strided_slice %dot_general3A_1438 {offsets = [14, 0], sizes = [1, 64], strides = [1, 1]} : vector<36x64xf32> to vector<1x64xf32>
    %add3A_1637 = vector.broadcast %slice3A_1636 : vector<1x64xf32> to vector<256x64xf32>
    %add3A_1638 = arith.addf %dot_general3A_1444, %add3A_1637 : vector<256x64xf32>
    %add3A_1639 = vector.broadcast %get3A_1447 : vector<1x64xf32> to vector<256x64xf32>
    %add3A_1640 = arith.addf %add3A_1638, %add3A_1639 : vector<256x64xf32>
    %max3A_1641 = arith.constant 0.000000e+00 : f32
    %max3A_1642 = vector.broadcast %max3A_1641 : f32 to vector<256x64xf32>
    %max3A_1643 = arith.maximumf %add3A_1640, %max3A_1642 : vector<256x64xf32>
    %mul3A_1644 = vector.broadcast %get3A_1450 : vector<1x64xf32> to vector<256x64xf32>
    %mul3A_1645 = arith.mulf %max3A_1643, %mul3A_1644 : vector<256x64xf32>
    %reduce_sum3A_1646 = arith.constant dense<0.000000e+00> : vector<256xf32>
    %reduce_sum3A_1647 = vector.multi_reduction <add>, %mul3A_1645, %reduce_sum3A_1646 [1] : vector<256x64xf32> to vector<256xf32>
    %broadcast_in_dim3A_1648 = vector.shape_cast %reduce_sum3A_1647 : vector<256xf32> to vector<256x1xf32>
    %slice3A_1649 = vector.extract_strided_slice %dot_general3A_1438 {offsets = [15, 0], sizes = [1, 64], strides = [1, 1]} : vector<36x64xf32> to vector<1x64xf32>
    %add3A_1650 = vector.broadcast %slice3A_1649 : vector<1x64xf32> to vector<256x64xf32>
    %add3A_1651 = arith.addf %dot_general3A_1444, %add3A_1650 : vector<256x64xf32>
    %add3A_1652 = vector.broadcast %get3A_1447 : vector<1x64xf32> to vector<256x64xf32>
    %add3A_1653 = arith.addf %add3A_1651, %add3A_1652 : vector<256x64xf32>
    %max3A_1654 = arith.constant 0.000000e+00 : f32
    %max3A_1655 = vector.broadcast %max3A_1654 : f32 to vector<256x64xf32>
    %max3A_1656 = arith.maximumf %add3A_1653, %max3A_1655 : vector<256x64xf32>
    %mul3A_1657 = vector.broadcast %get3A_1450 : vector<1x64xf32> to vector<256x64xf32>
    %mul3A_1658 = arith.mulf %max3A_1656, %mul3A_1657 : vector<256x64xf32>
    %reduce_sum3A_1659 = arith.constant dense<0.000000e+00> : vector<256xf32>
    %reduce_sum3A_1660 = vector.multi_reduction <add>, %mul3A_1658, %reduce_sum3A_1659 [1] : vector<256x64xf32> to vector<256xf32>
    %broadcast_in_dim3A_1661 = vector.shape_cast %reduce_sum3A_1660 : vector<256xf32> to vector<256x1xf32>
    %slice3A_1662 = vector.extract_strided_slice %dot_general3A_1438 {offsets = [16, 0], sizes = [1, 64], strides = [1, 1]} : vector<36x64xf32> to vector<1x64xf32>
    %add3A_1663 = vector.broadcast %slice3A_1662 : vector<1x64xf32> to vector<256x64xf32>
    %add3A_1664 = arith.addf %dot_general3A_1444, %add3A_1663 : vector<256x64xf32>
    %add3A_1665 = vector.broadcast %get3A_1447 : vector<1x64xf32> to vector<256x64xf32>
    %add3A_1666 = arith.addf %add3A_1664, %add3A_1665 : vector<256x64xf32>
    %max3A_1667 = arith.constant 0.000000e+00 : f32
    %max3A_1668 = vector.broadcast %max3A_1667 : f32 to vector<256x64xf32>
    %max3A_1669 = arith.maximumf %add3A_1666, %max3A_1668 : vector<256x64xf32>
    %mul3A_1670 = vector.broadcast %get3A_1450 : vector<1x64xf32> to vector<256x64xf32>
    %mul3A_1671 = arith.mulf %max3A_1669, %mul3A_1670 : vector<256x64xf32>
    %reduce_sum3A_1672 = arith.constant dense<0.000000e+00> : vector<256xf32>
    %reduce_sum3A_1673 = vector.multi_reduction <add>, %mul3A_1671, %reduce_sum3A_1672 [1] : vector<256x64xf32> to vector<256xf32>
    %broadcast_in_dim3A_1674 = vector.shape_cast %reduce_sum3A_1673 : vector<256xf32> to vector<256x1xf32>
    %slice3A_1675 = vector.extract_strided_slice %dot_general3A_1438 {offsets = [17, 0], sizes = [1, 64], strides = [1, 1]} : vector<36x64xf32> to vector<1x64xf32>
    %add3A_1676 = vector.broadcast %slice3A_1675 : vector<1x64xf32> to vector<256x64xf32>
    %add3A_1677 = arith.addf %dot_general3A_1444, %add3A_1676 : vector<256x64xf32>
    %add3A_1678 = vector.broadcast %get3A_1447 : vector<1x64xf32> to vector<256x64xf32>
    %add3A_1679 = arith.addf %add3A_1677, %add3A_1678 : vector<256x64xf32>
    %max3A_1680 = arith.constant 0.000000e+00 : f32
    %max3A_1681 = vector.broadcast %max3A_1680 : f32 to vector<256x64xf32>
    %max3A_1682 = arith.maximumf %add3A_1679, %max3A_1681 : vector<256x64xf32>
    %mul3A_1683 = vector.broadcast %get3A_1450 : vector<1x64xf32> to vector<256x64xf32>
    %mul3A_1684 = arith.mulf %max3A_1682, %mul3A_1683 : vector<256x64xf32>
    %reduce_sum3A_1685 = arith.constant dense<0.000000e+00> : vector<256xf32>
    %reduce_sum3A_1686 = vector.multi_reduction <add>, %mul3A_1684, %reduce_sum3A_1685 [1] : vector<256x64xf32> to vector<256xf32>
    %broadcast_in_dim3A_1687 = vector.shape_cast %reduce_sum3A_1686 : vector<256xf32> to vector<256x1xf32>
    %slice3A_1688 = vector.extract_strided_slice %dot_general3A_1438 {offsets = [18, 0], sizes = [1, 64], strides = [1, 1]} : vector<36x64xf32> to vector<1x64xf32>
    %add3A_1689 = vector.broadcast %slice3A_1688 : vector<1x64xf32> to vector<256x64xf32>
    %add3A_1690 = arith.addf %dot_general3A_1444, %add3A_1689 : vector<256x64xf32>
    %add3A_1691 = vector.broadcast %get3A_1447 : vector<1x64xf32> to vector<256x64xf32>
    %add3A_1692 = arith.addf %add3A_1690, %add3A_1691 : vector<256x64xf32>
    %max3A_1693 = arith.constant 0.000000e+00 : f32
    %max3A_1694 = vector.broadcast %max3A_1693 : f32 to vector<256x64xf32>
    %max3A_1695 = arith.maximumf %add3A_1692, %max3A_1694 : vector<256x64xf32>
    %mul3A_1696 = vector.broadcast %get3A_1450 : vector<1x64xf32> to vector<256x64xf32>
    %mul3A_1697 = arith.mulf %max3A_1695, %mul3A_1696 : vector<256x64xf32>
    %reduce_sum3A_1698 = arith.constant dense<0.000000e+00> : vector<256xf32>
    %reduce_sum3A_1699 = vector.multi_reduction <add>, %mul3A_1697, %reduce_sum3A_1698 [1] : vector<256x64xf32> to vector<256xf32>
    %broadcast_in_dim3A_1700 = vector.shape_cast %reduce_sum3A_1699 : vector<256xf32> to vector<256x1xf32>
    %slice3A_1701 = vector.extract_strided_slice %dot_general3A_1438 {offsets = [19, 0], sizes = [1, 64], strides = [1, 1]} : vector<36x64xf32> to vector<1x64xf32>
    %add3A_1702 = vector.broadcast %slice3A_1701 : vector<1x64xf32> to vector<256x64xf32>
    %add3A_1703 = arith.addf %dot_general3A_1444, %add3A_1702 : vector<256x64xf32>
    %add3A_1704 = vector.broadcast %get3A_1447 : vector<1x64xf32> to vector<256x64xf32>
    %add3A_1705 = arith.addf %add3A_1703, %add3A_1704 : vector<256x64xf32>
    %max3A_1706 = arith.constant 0.000000e+00 : f32
    %max3A_1707 = vector.broadcast %max3A_1706 : f32 to vector<256x64xf32>
    %max3A_1708 = arith.maximumf %add3A_1705, %max3A_1707 : vector<256x64xf32>
    %mul3A_1709 = vector.broadcast %get3A_1450 : vector<1x64xf32> to vector<256x64xf32>
    %mul3A_1710 = arith.mulf %max3A_1708, %mul3A_1709 : vector<256x64xf32>
    %reduce_sum3A_1711 = arith.constant dense<0.000000e+00> : vector<256xf32>
    %reduce_sum3A_1712 = vector.multi_reduction <add>, %mul3A_1710, %reduce_sum3A_1711 [1] : vector<256x64xf32> to vector<256xf32>
    %broadcast_in_dim3A_1713 = vector.shape_cast %reduce_sum3A_1712 : vector<256xf32> to vector<256x1xf32>
    %slice3A_1714 = vector.extract_strided_slice %dot_general3A_1438 {offsets = [20, 0], sizes = [1, 64], strides = [1, 1]} : vector<36x64xf32> to vector<1x64xf32>
    %add3A_1715 = vector.broadcast %slice3A_1714 : vector<1x64xf32> to vector<256x64xf32>
    %add3A_1716 = arith.addf %dot_general3A_1444, %add3A_1715 : vector<256x64xf32>
    %add3A_1717 = vector.broadcast %get3A_1447 : vector<1x64xf32> to vector<256x64xf32>
    %add3A_1718 = arith.addf %add3A_1716, %add3A_1717 : vector<256x64xf32>
    %max3A_1719 = arith.constant 0.000000e+00 : f32
    %max3A_1720 = vector.broadcast %max3A_1719 : f32 to vector<256x64xf32>
    %max3A_1721 = arith.maximumf %add3A_1718, %max3A_1720 : vector<256x64xf32>
    %mul3A_1722 = vector.broadcast %get3A_1450 : vector<1x64xf32> to vector<256x64xf32>
    %mul3A_1723 = arith.mulf %max3A_1721, %mul3A_1722 : vector<256x64xf32>
    %reduce_sum3A_1724 = arith.constant dense<0.000000e+00> : vector<256xf32>
    %reduce_sum3A_1725 = vector.multi_reduction <add>, %mul3A_1723, %reduce_sum3A_1724 [1] : vector<256x64xf32> to vector<256xf32>
    %broadcast_in_dim3A_1726 = vector.shape_cast %reduce_sum3A_1725 : vector<256xf32> to vector<256x1xf32>
    %slice3A_1727 = vector.extract_strided_slice %dot_general3A_1438 {offsets = [21, 0], sizes = [1, 64], strides = [1, 1]} : vector<36x64xf32> to vector<1x64xf32>
    %add3A_1728 = vector.broadcast %slice3A_1727 : vector<1x64xf32> to vector<256x64xf32>
    %add3A_1729 = arith.addf %dot_general3A_1444, %add3A_1728 : vector<256x64xf32>
    %add3A_1730 = vector.broadcast %get3A_1447 : vector<1x64xf32> to vector<256x64xf32>
    %add3A_1731 = arith.addf %add3A_1729, %add3A_1730 : vector<256x64xf32>
    %max3A_1732 = arith.constant 0.000000e+00 : f32
    %max3A_1733 = vector.broadcast %max3A_1732 : f32 to vector<256x64xf32>
    %max3A_1734 = arith.maximumf %add3A_1731, %max3A_1733 : vector<256x64xf32>
    %mul3A_1735 = vector.broadcast %get3A_1450 : vector<1x64xf32> to vector<256x64xf32>
    %mul3A_1736 = arith.mulf %max3A_1734, %mul3A_1735 : vector<256x64xf32>
    %reduce_sum3A_1737 = arith.constant dense<0.000000e+00> : vector<256xf32>
    %reduce_sum3A_1738 = vector.multi_reduction <add>, %mul3A_1736, %reduce_sum3A_1737 [1] : vector<256x64xf32> to vector<256xf32>
    %broadcast_in_dim3A_1739 = vector.shape_cast %reduce_sum3A_1738 : vector<256xf32> to vector<256x1xf32>
    %slice3A_1740 = vector.extract_strided_slice %dot_general3A_1438 {offsets = [22, 0], sizes = [1, 64], strides = [1, 1]} : vector<36x64xf32> to vector<1x64xf32>
    %add3A_1741 = vector.broadcast %slice3A_1740 : vector<1x64xf32> to vector<256x64xf32>
    %add3A_1742 = arith.addf %dot_general3A_1444, %add3A_1741 : vector<256x64xf32>
    %add3A_1743 = vector.broadcast %get3A_1447 : vector<1x64xf32> to vector<256x64xf32>
    %add3A_1744 = arith.addf %add3A_1742, %add3A_1743 : vector<256x64xf32>
    %max3A_1745 = arith.constant 0.000000e+00 : f32
    %max3A_1746 = vector.broadcast %max3A_1745 : f32 to vector<256x64xf32>
    %max3A_1747 = arith.maximumf %add3A_1744, %max3A_1746 : vector<256x64xf32>
    %mul3A_1748 = vector.broadcast %get3A_1450 : vector<1x64xf32> to vector<256x64xf32>
    %mul3A_1749 = arith.mulf %max3A_1747, %mul3A_1748 : vector<256x64xf32>
    %reduce_sum3A_1750 = arith.constant dense<0.000000e+00> : vector<256xf32>
    %reduce_sum3A_1751 = vector.multi_reduction <add>, %mul3A_1749, %reduce_sum3A_1750 [1] : vector<256x64xf32> to vector<256xf32>
    %broadcast_in_dim3A_1752 = vector.shape_cast %reduce_sum3A_1751 : vector<256xf32> to vector<256x1xf32>
    %slice3A_1753 = vector.extract_strided_slice %dot_general3A_1438 {offsets = [23, 0], sizes = [1, 64], strides = [1, 1]} : vector<36x64xf32> to vector<1x64xf32>
    %add3A_1754 = vector.broadcast %slice3A_1753 : vector<1x64xf32> to vector<256x64xf32>
    %add3A_1755 = arith.addf %dot_general3A_1444, %add3A_1754 : vector<256x64xf32>
    %add3A_1756 = vector.broadcast %get3A_1447 : vector<1x64xf32> to vector<256x64xf32>
    %add3A_1757 = arith.addf %add3A_1755, %add3A_1756 : vector<256x64xf32>
    %max3A_1758 = arith.constant 0.000000e+00 : f32
    %max3A_1759 = vector.broadcast %max3A_1758 : f32 to vector<256x64xf32>
    %max3A_1760 = arith.maximumf %add3A_1757, %max3A_1759 : vector<256x64xf32>
    %mul3A_1761 = vector.broadcast %get3A_1450 : vector<1x64xf32> to vector<256x64xf32>
    %mul3A_1762 = arith.mulf %max3A_1760, %mul3A_1761 : vector<256x64xf32>
    %reduce_sum3A_1763 = arith.constant dense<0.000000e+00> : vector<256xf32>
    %reduce_sum3A_1764 = vector.multi_reduction <add>, %mul3A_1762, %reduce_sum3A_1763 [1] : vector<256x64xf32> to vector<256xf32>
    %broadcast_in_dim3A_1765 = vector.shape_cast %reduce_sum3A_1764 : vector<256xf32> to vector<256x1xf32>
    %slice3A_1766 = vector.extract_strided_slice %dot_general3A_1438 {offsets = [24, 0], sizes = [1, 64], strides = [1, 1]} : vector<36x64xf32> to vector<1x64xf32>
    %add3A_1767 = vector.broadcast %slice3A_1766 : vector<1x64xf32> to vector<256x64xf32>
    %add3A_1768 = arith.addf %dot_general3A_1444, %add3A_1767 : vector<256x64xf32>
    %add3A_1769 = vector.broadcast %get3A_1447 : vector<1x64xf32> to vector<256x64xf32>
    %add3A_1770 = arith.addf %add3A_1768, %add3A_1769 : vector<256x64xf32>
    %max3A_1771 = arith.constant 0.000000e+00 : f32
    %max3A_1772 = vector.broadcast %max3A_1771 : f32 to vector<256x64xf32>
    %max3A_1773 = arith.maximumf %add3A_1770, %max3A_1772 : vector<256x64xf32>
    %mul3A_1774 = vector.broadcast %get3A_1450 : vector<1x64xf32> to vector<256x64xf32>
    %mul3A_1775 = arith.mulf %max3A_1773, %mul3A_1774 : vector<256x64xf32>
    %reduce_sum3A_1776 = arith.constant dense<0.000000e+00> : vector<256xf32>
    %reduce_sum3A_1777 = vector.multi_reduction <add>, %mul3A_1775, %reduce_sum3A_1776 [1] : vector<256x64xf32> to vector<256xf32>
    %broadcast_in_dim3A_1778 = vector.shape_cast %reduce_sum3A_1777 : vector<256xf32> to vector<256x1xf32>
    %slice3A_1779 = vector.extract_strided_slice %dot_general3A_1438 {offsets = [25, 0], sizes = [1, 64], strides = [1, 1]} : vector<36x64xf32> to vector<1x64xf32>
    %add3A_1780 = vector.broadcast %slice3A_1779 : vector<1x64xf32> to vector<256x64xf32>
    %add3A_1781 = arith.addf %dot_general3A_1444, %add3A_1780 : vector<256x64xf32>
    %add3A_1782 = vector.broadcast %get3A_1447 : vector<1x64xf32> to vector<256x64xf32>
    %add3A_1783 = arith.addf %add3A_1781, %add3A_1782 : vector<256x64xf32>
    %max3A_1784 = arith.constant 0.000000e+00 : f32
    %max3A_1785 = vector.broadcast %max3A_1784 : f32 to vector<256x64xf32>
    %max3A_1786 = arith.maximumf %add3A_1783, %max3A_1785 : vector<256x64xf32>
    %mul3A_1787 = vector.broadcast %get3A_1450 : vector<1x64xf32> to vector<256x64xf32>
    %mul3A_1788 = arith.mulf %max3A_1786, %mul3A_1787 : vector<256x64xf32>
    %reduce_sum3A_1789 = arith.constant dense<0.000000e+00> : vector<256xf32>
    %reduce_sum3A_1790 = vector.multi_reduction <add>, %mul3A_1788, %reduce_sum3A_1789 [1] : vector<256x64xf32> to vector<256xf32>
    %broadcast_in_dim3A_1791 = vector.shape_cast %reduce_sum3A_1790 : vector<256xf32> to vector<256x1xf32>
    %slice3A_1792 = vector.extract_strided_slice %dot_general3A_1438 {offsets = [26, 0], sizes = [1, 64], strides = [1, 1]} : vector<36x64xf32> to vector<1x64xf32>
    %add3A_1793 = vector.broadcast %slice3A_1792 : vector<1x64xf32> to vector<256x64xf32>
    %add3A_1794 = arith.addf %dot_general3A_1444, %add3A_1793 : vector<256x64xf32>
    %add3A_1795 = vector.broadcast %get3A_1447 : vector<1x64xf32> to vector<256x64xf32>
    %add3A_1796 = arith.addf %add3A_1794, %add3A_1795 : vector<256x64xf32>
    %max3A_1797 = arith.constant 0.000000e+00 : f32
    %max3A_1798 = vector.broadcast %max3A_1797 : f32 to vector<256x64xf32>
    %max3A_1799 = arith.maximumf %add3A_1796, %max3A_1798 : vector<256x64xf32>
    %mul3A_1800 = vector.broadcast %get3A_1450 : vector<1x64xf32> to vector<256x64xf32>
    %mul3A_1801 = arith.mulf %max3A_1799, %mul3A_1800 : vector<256x64xf32>
    %reduce_sum3A_1802 = arith.constant dense<0.000000e+00> : vector<256xf32>
    %reduce_sum3A_1803 = vector.multi_reduction <add>, %mul3A_1801, %reduce_sum3A_1802 [1] : vector<256x64xf32> to vector<256xf32>
    %broadcast_in_dim3A_1804 = vector.shape_cast %reduce_sum3A_1803 : vector<256xf32> to vector<256x1xf32>
    %slice3A_1805 = vector.extract_strided_slice %dot_general3A_1438 {offsets = [27, 0], sizes = [1, 64], strides = [1, 1]} : vector<36x64xf32> to vector<1x64xf32>
    %add3A_1806 = vector.broadcast %slice3A_1805 : vector<1x64xf32> to vector<256x64xf32>
    %add3A_1807 = arith.addf %dot_general3A_1444, %add3A_1806 : vector<256x64xf32>
    %add3A_1808 = vector.broadcast %get3A_1447 : vector<1x64xf32> to vector<256x64xf32>
    %add3A_1809 = arith.addf %add3A_1807, %add3A_1808 : vector<256x64xf32>
    %max3A_1810 = arith.constant 0.000000e+00 : f32
    %max3A_1811 = vector.broadcast %max3A_1810 : f32 to vector<256x64xf32>
    %max3A_1812 = arith.maximumf %add3A_1809, %max3A_1811 : vector<256x64xf32>
    %mul3A_1813 = vector.broadcast %get3A_1450 : vector<1x64xf32> to vector<256x64xf32>
    %mul3A_1814 = arith.mulf %max3A_1812, %mul3A_1813 : vector<256x64xf32>
    %reduce_sum3A_1815 = arith.constant dense<0.000000e+00> : vector<256xf32>
    %reduce_sum3A_1816 = vector.multi_reduction <add>, %mul3A_1814, %reduce_sum3A_1815 [1] : vector<256x64xf32> to vector<256xf32>
    %broadcast_in_dim3A_1817 = vector.shape_cast %reduce_sum3A_1816 : vector<256xf32> to vector<256x1xf32>
    %slice3A_1818 = vector.extract_strided_slice %dot_general3A_1438 {offsets = [28, 0], sizes = [1, 64], strides = [1, 1]} : vector<36x64xf32> to vector<1x64xf32>
    %add3A_1819 = vector.broadcast %slice3A_1818 : vector<1x64xf32> to vector<256x64xf32>
    %add3A_1820 = arith.addf %dot_general3A_1444, %add3A_1819 : vector<256x64xf32>
    %add3A_1821 = vector.broadcast %get3A_1447 : vector<1x64xf32> to vector<256x64xf32>
    %add3A_1822 = arith.addf %add3A_1820, %add3A_1821 : vector<256x64xf32>
    %max3A_1823 = arith.constant 0.000000e+00 : f32
    %max3A_1824 = vector.broadcast %max3A_1823 : f32 to vector<256x64xf32>
    %max3A_1825 = arith.maximumf %add3A_1822, %max3A_1824 : vector<256x64xf32>
    %mul3A_1826 = vector.broadcast %get3A_1450 : vector<1x64xf32> to vector<256x64xf32>
    %mul3A_1827 = arith.mulf %max3A_1825, %mul3A_1826 : vector<256x64xf32>
    %reduce_sum3A_1828 = arith.constant dense<0.000000e+00> : vector<256xf32>
    %reduce_sum3A_1829 = vector.multi_reduction <add>, %mul3A_1827, %reduce_sum3A_1828 [1] : vector<256x64xf32> to vector<256xf32>
    %broadcast_in_dim3A_1830 = vector.shape_cast %reduce_sum3A_1829 : vector<256xf32> to vector<256x1xf32>
    %slice3A_1831 = vector.extract_strided_slice %dot_general3A_1438 {offsets = [29, 0], sizes = [1, 64], strides = [1, 1]} : vector<36x64xf32> to vector<1x64xf32>
    %add3A_1832 = vector.broadcast %slice3A_1831 : vector<1x64xf32> to vector<256x64xf32>
    %add3A_1833 = arith.addf %dot_general3A_1444, %add3A_1832 : vector<256x64xf32>
    %add3A_1834 = vector.broadcast %get3A_1447 : vector<1x64xf32> to vector<256x64xf32>
    %add3A_1835 = arith.addf %add3A_1833, %add3A_1834 : vector<256x64xf32>
    %max3A_1836 = arith.constant 0.000000e+00 : f32
    %max3A_1837 = vector.broadcast %max3A_1836 : f32 to vector<256x64xf32>
    %max3A_1838 = arith.maximumf %add3A_1835, %max3A_1837 : vector<256x64xf32>
    %mul3A_1839 = vector.broadcast %get3A_1450 : vector<1x64xf32> to vector<256x64xf32>
    %mul3A_1840 = arith.mulf %max3A_1838, %mul3A_1839 : vector<256x64xf32>
    %reduce_sum3A_1841 = arith.constant dense<0.000000e+00> : vector<256xf32>
    %reduce_sum3A_1842 = vector.multi_reduction <add>, %mul3A_1840, %reduce_sum3A_1841 [1] : vector<256x64xf32> to vector<256xf32>
    %broadcast_in_dim3A_1843 = vector.shape_cast %reduce_sum3A_1842 : vector<256xf32> to vector<256x1xf32>
    %slice3A_1844 = vector.extract_strided_slice %dot_general3A_1438 {offsets = [30, 0], sizes = [1, 64], strides = [1, 1]} : vector<36x64xf32> to vector<1x64xf32>
    %add3A_1845 = vector.broadcast %slice3A_1844 : vector<1x64xf32> to vector<256x64xf32>
    %add3A_1846 = arith.addf %dot_general3A_1444, %add3A_1845 : vector<256x64xf32>
    %add3A_1847 = vector.broadcast %get3A_1447 : vector<1x64xf32> to vector<256x64xf32>
    %add3A_1848 = arith.addf %add3A_1846, %add3A_1847 : vector<256x64xf32>
    %max3A_1849 = arith.constant 0.000000e+00 : f32
    %max3A_1850 = vector.broadcast %max3A_1849 : f32 to vector<256x64xf32>
    %max3A_1851 = arith.maximumf %add3A_1848, %max3A_1850 : vector<256x64xf32>
    %mul3A_1852 = vector.broadcast %get3A_1450 : vector<1x64xf32> to vector<256x64xf32>
    %mul3A_1853 = arith.mulf %max3A_1851, %mul3A_1852 : vector<256x64xf32>
    %reduce_sum3A_1854 = arith.constant dense<0.000000e+00> : vector<256xf32>
    %reduce_sum3A_1855 = vector.multi_reduction <add>, %mul3A_1853, %reduce_sum3A_1854 [1] : vector<256x64xf32> to vector<256xf32>
    %broadcast_in_dim3A_1856 = vector.shape_cast %reduce_sum3A_1855 : vector<256xf32> to vector<256x1xf32>
    %slice3A_1857 = vector.extract_strided_slice %dot_general3A_1438 {offsets = [31, 0], sizes = [1, 64], strides = [1, 1]} : vector<36x64xf32> to vector<1x64xf32>
    %add3A_1858 = vector.broadcast %slice3A_1857 : vector<1x64xf32> to vector<256x64xf32>
    %add3A_1859 = arith.addf %dot_general3A_1444, %add3A_1858 : vector<256x64xf32>
    %add3A_1860 = vector.broadcast %get3A_1447 : vector<1x64xf32> to vector<256x64xf32>
    %add3A_1861 = arith.addf %add3A_1859, %add3A_1860 : vector<256x64xf32>
    %max3A_1862 = arith.constant 0.000000e+00 : f32
    %max3A_1863 = vector.broadcast %max3A_1862 : f32 to vector<256x64xf32>
    %max3A_1864 = arith.maximumf %add3A_1861, %max3A_1863 : vector<256x64xf32>
    %mul3A_1865 = vector.broadcast %get3A_1450 : vector<1x64xf32> to vector<256x64xf32>
    %mul3A_1866 = arith.mulf %max3A_1864, %mul3A_1865 : vector<256x64xf32>
    %reduce_sum3A_1867 = arith.constant dense<0.000000e+00> : vector<256xf32>
    %reduce_sum3A_1868 = vector.multi_reduction <add>, %mul3A_1866, %reduce_sum3A_1867 [1] : vector<256x64xf32> to vector<256xf32>
    %broadcast_in_dim3A_1869 = vector.shape_cast %reduce_sum3A_1868 : vector<256xf32> to vector<256x1xf32>
    %slice3A_1870 = vector.extract_strided_slice %dot_general3A_1438 {offsets = [32, 0], sizes = [1, 64], strides = [1, 1]} : vector<36x64xf32> to vector<1x64xf32>
    %add3A_1871 = vector.broadcast %slice3A_1870 : vector<1x64xf32> to vector<256x64xf32>
    %add3A_1872 = arith.addf %dot_general3A_1444, %add3A_1871 : vector<256x64xf32>
    %add3A_1873 = vector.broadcast %get3A_1447 : vector<1x64xf32> to vector<256x64xf32>
    %add3A_1874 = arith.addf %add3A_1872, %add3A_1873 : vector<256x64xf32>
    %max3A_1875 = arith.constant 0.000000e+00 : f32
    %max3A_1876 = vector.broadcast %max3A_1875 : f32 to vector<256x64xf32>
    %max3A_1877 = arith.maximumf %add3A_1874, %max3A_1876 : vector<256x64xf32>
    %mul3A_1878 = vector.broadcast %get3A_1450 : vector<1x64xf32> to vector<256x64xf32>
    %mul3A_1879 = arith.mulf %max3A_1877, %mul3A_1878 : vector<256x64xf32>
    %reduce_sum3A_1880 = arith.constant dense<0.000000e+00> : vector<256xf32>
    %reduce_sum3A_1881 = vector.multi_reduction <add>, %mul3A_1879, %reduce_sum3A_1880 [1] : vector<256x64xf32> to vector<256xf32>
    %broadcast_in_dim3A_1882 = vector.shape_cast %reduce_sum3A_1881 : vector<256xf32> to vector<256x1xf32>
    %slice3A_1883 = vector.extract_strided_slice %dot_general3A_1438 {offsets = [33, 0], sizes = [1, 64], strides = [1, 1]} : vector<36x64xf32> to vector<1x64xf32>
    %add3A_1884 = vector.broadcast %slice3A_1883 : vector<1x64xf32> to vector<256x64xf32>
    %add3A_1885 = arith.addf %dot_general3A_1444, %add3A_1884 : vector<256x64xf32>
    %add3A_1886 = vector.broadcast %get3A_1447 : vector<1x64xf32> to vector<256x64xf32>
    %add3A_1887 = arith.addf %add3A_1885, %add3A_1886 : vector<256x64xf32>
    %max3A_1888 = arith.constant 0.000000e+00 : f32
    %max3A_1889 = vector.broadcast %max3A_1888 : f32 to vector<256x64xf32>
    %max3A_1890 = arith.maximumf %add3A_1887, %max3A_1889 : vector<256x64xf32>
    %mul3A_1891 = vector.broadcast %get3A_1450 : vector<1x64xf32> to vector<256x64xf32>
    %mul3A_1892 = arith.mulf %max3A_1890, %mul3A_1891 : vector<256x64xf32>
    %reduce_sum3A_1893 = arith.constant dense<0.000000e+00> : vector<256xf32>
    %reduce_sum3A_1894 = vector.multi_reduction <add>, %mul3A_1892, %reduce_sum3A_1893 [1] : vector<256x64xf32> to vector<256xf32>
    %broadcast_in_dim3A_1895 = vector.shape_cast %reduce_sum3A_1894 : vector<256xf32> to vector<256x1xf32>
    %slice3A_1896 = vector.extract_strided_slice %dot_general3A_1438 {offsets = [34, 0], sizes = [1, 64], strides = [1, 1]} : vector<36x64xf32> to vector<1x64xf32>
    %add3A_1897 = vector.broadcast %slice3A_1896 : vector<1x64xf32> to vector<256x64xf32>
    %add3A_1898 = arith.addf %dot_general3A_1444, %add3A_1897 : vector<256x64xf32>
    %add3A_1899 = vector.broadcast %get3A_1447 : vector<1x64xf32> to vector<256x64xf32>
    %add3A_1900 = arith.addf %add3A_1898, %add3A_1899 : vector<256x64xf32>
    %max3A_1901 = arith.constant 0.000000e+00 : f32
    %max3A_1902 = vector.broadcast %max3A_1901 : f32 to vector<256x64xf32>
    %max3A_1903 = arith.maximumf %add3A_1900, %max3A_1902 : vector<256x64xf32>
    %mul3A_1904 = vector.broadcast %get3A_1450 : vector<1x64xf32> to vector<256x64xf32>
    %mul3A_1905 = arith.mulf %max3A_1903, %mul3A_1904 : vector<256x64xf32>
    %reduce_sum3A_1906 = arith.constant dense<0.000000e+00> : vector<256xf32>
    %reduce_sum3A_1907 = vector.multi_reduction <add>, %mul3A_1905, %reduce_sum3A_1906 [1] : vector<256x64xf32> to vector<256xf32>
    %broadcast_in_dim3A_1908 = vector.shape_cast %reduce_sum3A_1907 : vector<256xf32> to vector<256x1xf32>
    %slice3A_1909 = vector.extract_strided_slice %dot_general3A_1438 {offsets = [35, 0], sizes = [1, 64], strides = [1, 1]} : vector<36x64xf32> to vector<1x64xf32>
    %add3A_1910 = vector.broadcast %slice3A_1909 : vector<1x64xf32> to vector<256x64xf32>
    %add3A_1911 = arith.addf %dot_general3A_1444, %add3A_1910 : vector<256x64xf32>
    %add3A_1912 = vector.broadcast %get3A_1447 : vector<1x64xf32> to vector<256x64xf32>
    %add3A_1913 = arith.addf %add3A_1911, %add3A_1912 : vector<256x64xf32>
    %max3A_1914 = arith.constant 0.000000e+00 : f32
    %max3A_1915 = vector.broadcast %max3A_1914 : f32 to vector<256x64xf32>
    %max3A_1916 = arith.maximumf %add3A_1913, %max3A_1915 : vector<256x64xf32>
    %mul3A_1917 = vector.broadcast %get3A_1450 : vector<1x64xf32> to vector<256x64xf32>
    %mul3A_1918 = arith.mulf %max3A_1916, %mul3A_1917 : vector<256x64xf32>
    %reduce_sum3A_1919 = arith.constant dense<0.000000e+00> : vector<256xf32>
    %reduce_sum3A_1920 = vector.multi_reduction <add>, %mul3A_1918, %reduce_sum3A_1919 [1] : vector<256x64xf32> to vector<256xf32>
    %broadcast_in_dim3A_1921 = vector.shape_cast %reduce_sum3A_1920 : vector<256xf32> to vector<256x1xf32>
    %concatenate3A_1922 = tpu.concatenate %broadcast_in_dim3A_1466, %broadcast_in_dim3A_1479, %broadcast_in_dim3A_1492, %broadcast_in_dim3A_1505, %broadcast_in_dim3A_1518, %broadcast_in_dim3A_1531, %broadcast_in_dim3A_1544, %broadcast_in_dim3A_1557, %broadcast_in_dim3A_1570, %broadcast_in_dim3A_1583, %broadcast_in_dim3A_1596, %broadcast_in_dim3A_1609, %broadcast_in_dim3A_1622, %broadcast_in_dim3A_1635, %broadcast_in_dim3A_1648, %broadcast_in_dim3A_1661, %broadcast_in_dim3A_1674, %broadcast_in_dim3A_1687, %broadcast_in_dim3A_1700, %broadcast_in_dim3A_1713, %broadcast_in_dim3A_1726, %broadcast_in_dim3A_1739, %broadcast_in_dim3A_1752, %broadcast_in_dim3A_1765, %broadcast_in_dim3A_1778, %broadcast_in_dim3A_1791, %broadcast_in_dim3A_1804, %broadcast_in_dim3A_1817, %broadcast_in_dim3A_1830, %broadcast_in_dim3A_1843, %broadcast_in_dim3A_1856, %broadcast_in_dim3A_1869, %broadcast_in_dim3A_1882, %broadcast_in_dim3A_1895, %broadcast_in_dim3A_1908, %broadcast_in_dim3A_1921 in 1 : vector<256x1xf32>, vector<256x1xf32>, vector<256x1xf32>, vector<256x1xf32>, vector<256x1xf32>, vector<256x1xf32>, vector<256x1xf32>, vector<256x1xf32>, vector<256x1xf32>, vector<256x1xf32>, vector<256x1xf32>, vector<256x1xf32>, vector<256x1xf32>, vector<256x1xf32>, vector<256x1xf32>, vector<256x1xf32>, vector<256x1xf32>, vector<256x1xf32>, vector<256x1xf32>, vector<256x1xf32>, vector<256x1xf32>, vector<256x1xf32>, vector<256x1xf32>, vector<256x1xf32>, vector<256x1xf32>, vector<256x1xf32>, vector<256x1xf32>, vector<256x1xf32>, vector<256x1xf32>, vector<256x1xf32>, vector<256x1xf32>, vector<256x1xf32>, vector<256x1xf32>, vector<256x1xf32>, vector<256x1xf32>, vector<256x1xf32> -> vector<256x36xf32>
    %add3A_1923 = vector.broadcast %get3A_1453 : vector<1x1xf32> to vector<256x36xf32>
    %add3A_1924 = arith.addf %concatenate3A_1922, %add3A_1923 : vector<256x36xf32>
    %transpose3A_1925 = tpu.transpose %get3A_1411, [1, 0] : vector<256x100xi32> -> vector<100x256xi32>
    %iota3A_1926 = tpu.iota {dimensions = array<i32: 0>} : vector<36x256xi32>
    %broadcast_in_dim3A_1927 = arith.constant 0.000000e+00 : f32
    %broadcast_in_dim3A_1928 = vector.broadcast %broadcast_in_dim3A_1927 : f32 to vector<36x256xf32>
    %slice3A_1929 = vector.extract_strided_slice %transpose3A_1925 {offsets = [0, 0], sizes = [1, 256], strides = [1, 1]} : vector<100x256xi32> to vector<1x256xi32>
    %gt3A_1930 = arith.constant 0 : i32
    %gt3A_1931 = vector.broadcast %gt3A_1930 : i32 to vector<1x256xi32>
    %gt3A_1932 = arith.cmpi sgt, %slice3A_1929, %gt3A_1931 : vector<1x256xi32>
    %mul3A_1933 = arith.constant 6 : i32
    %mul3A_1934 = vector.broadcast %mul3A_1933 : i32 to vector<1x256xi32>
    %mul3A_1935 = arith.muli %slice3A_1929, %mul3A_1934 : vector<1x256xi32>
    %slice3A_1936 = vector.extract_strided_slice %transpose3A_1925 {offsets = [1, 0], sizes = [1, 256], strides = [1, 1]} : vector<100x256xi32> to vector<1x256xi32>
    %add3A_1937 = arith.addi %mul3A_1935, %slice3A_1936 : vector<1x256xi32>
    %jit3A_1938 = arith.constant -1 : i32
    %broadcast_in_dim3A_1939 = vector.broadcast %jit3A_1938 : i32 to vector<1x256xi32>
    %select_n3A_1940 = arith.select %gt3A_1932, %add3A_1937, %broadcast_in_dim3A_1939 : vector<1x256xi1>, vector<1x256xi32>
    %eq3A_1941 = vector.broadcast %select_n3A_1940 : vector<1x256xi32> to vector<36x256xi32>
    %eq3A_1942 = arith.cmpi eq, %eq3A_1941, %iota3A_1926 : vector<36x256xi32>
    %convert_element_type3A_1943 = arith.extui %eq3A_1942 : vector<36x256xi1> to vector<36x256xi32>
    %convert_element_type3A_1944 = arith.sitofp %convert_element_type3A_1943 : vector<36x256xi32> to vector<36x256xf32>
    %add3A_1945 = arith.addf %broadcast_in_dim3A_1928, %convert_element_type3A_1944 : vector<36x256xf32>
    %slice3A_1946 = vector.extract_strided_slice %transpose3A_1925 {offsets = [2, 0], sizes = [1, 256], strides = [1, 1]} : vector<100x256xi32> to vector<1x256xi32>
    %gt3A_1947 = arith.constant 0 : i32
    %gt3A_1948 = vector.broadcast %gt3A_1947 : i32 to vector<1x256xi32>
    %gt3A_1949 = arith.cmpi sgt, %slice3A_1946, %gt3A_1948 : vector<1x256xi32>
    %mul3A_1950 = arith.constant 6 : i32
    %mul3A_1951 = vector.broadcast %mul3A_1950 : i32 to vector<1x256xi32>
    %mul3A_1952 = arith.muli %slice3A_1946, %mul3A_1951 : vector<1x256xi32>
    %slice3A_1953 = vector.extract_strided_slice %transpose3A_1925 {offsets = [3, 0], sizes = [1, 256], strides = [1, 1]} : vector<100x256xi32> to vector<1x256xi32>
    %add3A_1954 = arith.addi %mul3A_1952, %slice3A_1953 : vector<1x256xi32>
    %jit3A_1955 = arith.constant -1 : i32
    %broadcast_in_dim3A_1956 = vector.broadcast %jit3A_1955 : i32 to vector<1x256xi32>
    %select_n3A_1957 = arith.select %gt3A_1949, %add3A_1954, %broadcast_in_dim3A_1956 : vector<1x256xi1>, vector<1x256xi32>
    %eq3A_1958 = vector.broadcast %select_n3A_1957 : vector<1x256xi32> to vector<36x256xi32>
    %eq3A_1959 = arith.cmpi eq, %eq3A_1958, %iota3A_1926 : vector<36x256xi32>
    %convert_element_type3A_1960 = arith.extui %eq3A_1959 : vector<36x256xi1> to vector<36x256xi32>
    %convert_element_type3A_1961 = arith.sitofp %convert_element_type3A_1960 : vector<36x256xi32> to vector<36x256xf32>
    %add3A_1962 = arith.addf %add3A_1945, %convert_element_type3A_1961 : vector<36x256xf32>
    %slice3A_1963 = vector.extract_strided_slice %transpose3A_1925 {offsets = [4, 0], sizes = [1, 256], strides = [1, 1]} : vector<100x256xi32> to vector<1x256xi32>
    %gt3A_1964 = arith.constant 0 : i32
    %gt3A_1965 = vector.broadcast %gt3A_1964 : i32 to vector<1x256xi32>
    %gt3A_1966 = arith.cmpi sgt, %slice3A_1963, %gt3A_1965 : vector<1x256xi32>
    %mul3A_1967 = arith.constant 6 : i32
    %mul3A_1968 = vector.broadcast %mul3A_1967 : i32 to vector<1x256xi32>
    %mul3A_1969 = arith.muli %slice3A_1963, %mul3A_1968 : vector<1x256xi32>
    %slice3A_1970 = vector.extract_strided_slice %transpose3A_1925 {offsets = [5, 0], sizes = [1, 256], strides = [1, 1]} : vector<100x256xi32> to vector<1x256xi32>
    %add3A_1971 = arith.addi %mul3A_1969, %slice3A_1970 : vector<1x256xi32>
    %jit3A_1972 = arith.constant -1 : i32
    %broadcast_in_dim3A_1973 = vector.broadcast %jit3A_1972 : i32 to vector<1x256xi32>
    %select_n3A_1974 = arith.select %gt3A_1966, %add3A_1971, %broadcast_in_dim3A_1973 : vector<1x256xi1>, vector<1x256xi32>
    %eq3A_1975 = vector.broadcast %select_n3A_1974 : vector<1x256xi32> to vector<36x256xi32>
    %eq3A_1976 = arith.cmpi eq, %eq3A_1975, %iota3A_1926 : vector<36x256xi32>
    %convert_element_type3A_1977 = arith.extui %eq3A_1976 : vector<36x256xi1> to vector<36x256xi32>
    %convert_element_type3A_1978 = arith.sitofp %convert_element_type3A_1977 : vector<36x256xi32> to vector<36x256xf32>
    %add3A_1979 = arith.addf %add3A_1962, %convert_element_type3A_1978 : vector<36x256xf32>
    %slice3A_1980 = vector.extract_strided_slice %transpose3A_1925 {offsets = [6, 0], sizes = [1, 256], strides = [1, 1]} : vector<100x256xi32> to vector<1x256xi32>
    %gt3A_1981 = arith.constant 0 : i32
    %gt3A_1982 = vector.broadcast %gt3A_1981 : i32 to vector<1x256xi32>
    %gt3A_1983 = arith.cmpi sgt, %slice3A_1980, %gt3A_1982 : vector<1x256xi32>
    %mul3A_1984 = arith.constant 6 : i32
    %mul3A_1985 = vector.broadcast %mul3A_1984 : i32 to vector<1x256xi32>
    %mul3A_1986 = arith.muli %slice3A_1980, %mul3A_1985 : vector<1x256xi32>
    %slice3A_1987 = vector.extract_strided_slice %transpose3A_1925 {offsets = [7, 0], sizes = [1, 256], strides = [1, 1]} : vector<100x256xi32> to vector<1x256xi32>
    %add3A_1988 = arith.addi %mul3A_1986, %slice3A_1987 : vector<1x256xi32>
    %jit3A_1989 = arith.constant -1 : i32
    %broadcast_in_dim3A_1990 = vector.broadcast %jit3A_1989 : i32 to vector<1x256xi32>
    %select_n3A_1991 = arith.select %gt3A_1983, %add3A_1988, %broadcast_in_dim3A_1990 : vector<1x256xi1>, vector<1x256xi32>
    %eq3A_1992 = vector.broadcast %select_n3A_1991 : vector<1x256xi32> to vector<36x256xi32>
    %eq3A_1993 = arith.cmpi eq, %eq3A_1992, %iota3A_1926 : vector<36x256xi32>
    %convert_element_type3A_1994 = arith.extui %eq3A_1993 : vector<36x256xi1> to vector<36x256xi32>
    %convert_element_type3A_1995 = arith.sitofp %convert_element_type3A_1994 : vector<36x256xi32> to vector<36x256xf32>
    %add3A_1996 = arith.addf %add3A_1979, %convert_element_type3A_1995 : vector<36x256xf32>
    %slice3A_1997 = vector.extract_strided_slice %transpose3A_1925 {offsets = [8, 0], sizes = [1, 256], strides = [1, 1]} : vector<100x256xi32> to vector<1x256xi32>
    %gt3A_1998 = arith.constant 0 : i32
    %gt3A_1999 = vector.broadcast %gt3A_1998 : i32 to vector<1x256xi32>
    %gt3A_2000 = arith.cmpi sgt, %slice3A_1997, %gt3A_1999 : vector<1x256xi32>
    %mul3A_2001 = arith.constant 6 : i32
    %mul3A_2002 = vector.broadcast %mul3A_2001 : i32 to vector<1x256xi32>
    %mul3A_2003 = arith.muli %slice3A_1997, %mul3A_2002 : vector<1x256xi32>
    %slice3A_2004 = vector.extract_strided_slice %transpose3A_1925 {offsets = [9, 0], sizes = [1, 256], strides = [1, 1]} : vector<100x256xi32> to vector<1x256xi32>
    %add3A_2005 = arith.addi %mul3A_2003, %slice3A_2004 : vector<1x256xi32>
    %jit3A_2006 = arith.constant -1 : i32
    %broadcast_in_dim3A_2007 = vector.broadcast %jit3A_2006 : i32 to vector<1x256xi32>
    %select_n3A_2008 = arith.select %gt3A_2000, %add3A_2005, %broadcast_in_dim3A_2007 : vector<1x256xi1>, vector<1x256xi32>
    %eq3A_2009 = vector.broadcast %select_n3A_2008 : vector<1x256xi32> to vector<36x256xi32>
    %eq3A_2010 = arith.cmpi eq, %eq3A_2009, %iota3A_1926 : vector<36x256xi32>
    %convert_element_type3A_2011 = arith.extui %eq3A_2010 : vector<36x256xi1> to vector<36x256xi32>
    %convert_element_type3A_2012 = arith.sitofp %convert_element_type3A_2011 : vector<36x256xi32> to vector<36x256xf32>
    %add3A_2013 = arith.addf %add3A_1996, %convert_element_type3A_2012 : vector<36x256xf32>
    %slice3A_2014 = vector.extract_strided_slice %transpose3A_1925 {offsets = [10, 0], sizes = [1, 256], strides = [1, 1]} : vector<100x256xi32> to vector<1x256xi32>
    %gt3A_2015 = arith.constant 0 : i32
    %gt3A_2016 = vector.broadcast %gt3A_2015 : i32 to vector<1x256xi32>
    %gt3A_2017 = arith.cmpi sgt, %slice3A_2014, %gt3A_2016 : vector<1x256xi32>
    %mul3A_2018 = arith.constant 6 : i32
    %mul3A_2019 = vector.broadcast %mul3A_2018 : i32 to vector<1x256xi32>
    %mul3A_2020 = arith.muli %slice3A_2014, %mul3A_2019 : vector<1x256xi32>
    %slice3A_2021 = vector.extract_strided_slice %transpose3A_1925 {offsets = [11, 0], sizes = [1, 256], strides = [1, 1]} : vector<100x256xi32> to vector<1x256xi32>
    %add3A_2022 = arith.addi %mul3A_2020, %slice3A_2021 : vector<1x256xi32>
    %jit3A_2023 = arith.constant -1 : i32
    %broadcast_in_dim3A_2024 = vector.broadcast %jit3A_2023 : i32 to vector<1x256xi32>
    %select_n3A_2025 = arith.select %gt3A_2017, %add3A_2022, %broadcast_in_dim3A_2024 : vector<1x256xi1>, vector<1x256xi32>
    %eq3A_2026 = vector.broadcast %select_n3A_2025 : vector<1x256xi32> to vector<36x256xi32>
    %eq3A_2027 = arith.cmpi eq, %eq3A_2026, %iota3A_1926 : vector<36x256xi32>
    %convert_element_type3A_2028 = arith.extui %eq3A_2027 : vector<36x256xi1> to vector<36x256xi32>
    %convert_element_type3A_2029 = arith.sitofp %convert_element_type3A_2028 : vector<36x256xi32> to vector<36x256xf32>
    %add3A_2030 = arith.addf %add3A_2013, %convert_element_type3A_2029 : vector<36x256xf32>
    %slice3A_2031 = vector.extract_strided_slice %transpose3A_1925 {offsets = [12, 0], sizes = [1, 256], strides = [1, 1]} : vector<100x256xi32> to vector<1x256xi32>
    %gt3A_2032 = arith.constant 0 : i32
    %gt3A_2033 = vector.broadcast %gt3A_2032 : i32 to vector<1x256xi32>
    %gt3A_2034 = arith.cmpi sgt, %slice3A_2031, %gt3A_2033 : vector<1x256xi32>
    %mul3A_2035 = arith.constant 6 : i32
    %mul3A_2036 = vector.broadcast %mul3A_2035 : i32 to vector<1x256xi32>
    %mul3A_2037 = arith.muli %slice3A_2031, %mul3A_2036 : vector<1x256xi32>
    %slice3A_2038 = vector.extract_strided_slice %transpose3A_1925 {offsets = [13, 0], sizes = [1, 256], strides = [1, 1]} : vector<100x256xi32> to vector<1x256xi32>
    %add3A_2039 = arith.addi %mul3A_2037, %slice3A_2038 : vector<1x256xi32>
    %jit3A_2040 = arith.constant -1 : i32
    %broadcast_in_dim3A_2041 = vector.broadcast %jit3A_2040 : i32 to vector<1x256xi32>
    %select_n3A_2042 = arith.select %gt3A_2034, %add3A_2039, %broadcast_in_dim3A_2041 : vector<1x256xi1>, vector<1x256xi32>
    %eq3A_2043 = vector.broadcast %select_n3A_2042 : vector<1x256xi32> to vector<36x256xi32>
    %eq3A_2044 = arith.cmpi eq, %eq3A_2043, %iota3A_1926 : vector<36x256xi32>
    %convert_element_type3A_2045 = arith.extui %eq3A_2044 : vector<36x256xi1> to vector<36x256xi32>
    %convert_element_type3A_2046 = arith.sitofp %convert_element_type3A_2045 : vector<36x256xi32> to vector<36x256xf32>
    %add3A_2047 = arith.addf %add3A_2030, %convert_element_type3A_2046 : vector<36x256xf32>
    %slice3A_2048 = vector.extract_strided_slice %transpose3A_1925 {offsets = [14, 0], sizes = [1, 256], strides = [1, 1]} : vector<100x256xi32> to vector<1x256xi32>
    %gt3A_2049 = arith.constant 0 : i32
    %gt3A_2050 = vector.broadcast %gt3A_2049 : i32 to vector<1x256xi32>
    %gt3A_2051 = arith.cmpi sgt, %slice3A_2048, %gt3A_2050 : vector<1x256xi32>
    %mul3A_2052 = arith.constant 6 : i32
    %mul3A_2053 = vector.broadcast %mul3A_2052 : i32 to vector<1x256xi32>
    %mul3A_2054 = arith.muli %slice3A_2048, %mul3A_2053 : vector<1x256xi32>
    %slice3A_2055 = vector.extract_strided_slice %transpose3A_1925 {offsets = [15, 0], sizes = [1, 256], strides = [1, 1]} : vector<100x256xi32> to vector<1x256xi32>
    %add3A_2056 = arith.addi %mul3A_2054, %slice3A_2055 : vector<1x256xi32>
    %jit3A_2057 = arith.constant -1 : i32
    %broadcast_in_dim3A_2058 = vector.broadcast %jit3A_2057 : i32 to vector<1x256xi32>
    %select_n3A_2059 = arith.select %gt3A_2051, %add3A_2056, %broadcast_in_dim3A_2058 : vector<1x256xi1>, vector<1x256xi32>
    %eq3A_2060 = vector.broadcast %select_n3A_2059 : vector<1x256xi32> to vector<36x256xi32>
    %eq3A_2061 = arith.cmpi eq, %eq3A_2060, %iota3A_1926 : vector<36x256xi32>
    %convert_element_type3A_2062 = arith.extui %eq3A_2061 : vector<36x256xi1> to vector<36x256xi32>
    %convert_element_type3A_2063 = arith.sitofp %convert_element_type3A_2062 : vector<36x256xi32> to vector<36x256xf32>
    %add3A_2064 = arith.addf %add3A_2047, %convert_element_type3A_2063 : vector<36x256xf32>
    %slice3A_2065 = vector.extract_strided_slice %transpose3A_1925 {offsets = [16, 0], sizes = [1, 256], strides = [1, 1]} : vector<100x256xi32> to vector<1x256xi32>
    %gt3A_2066 = arith.constant 0 : i32
    %gt3A_2067 = vector.broadcast %gt3A_2066 : i32 to vector<1x256xi32>
    %gt3A_2068 = arith.cmpi sgt, %slice3A_2065, %gt3A_2067 : vector<1x256xi32>
    %mul3A_2069 = arith.constant 6 : i32
    %mul3A_2070 = vector.broadcast %mul3A_2069 : i32 to vector<1x256xi32>
    %mul3A_2071 = arith.muli %slice3A_2065, %mul3A_2070 : vector<1x256xi32>
    %slice3A_2072 = vector.extract_strided_slice %transpose3A_1925 {offsets = [17, 0], sizes = [1, 256], strides = [1, 1]} : vector<100x256xi32> to vector<1x256xi32>
    %add3A_2073 = arith.addi %mul3A_2071, %slice3A_2072 : vector<1x256xi32>
    %jit3A_2074 = arith.constant -1 : i32
    %broadcast_in_dim3A_2075 = vector.broadcast %jit3A_2074 : i32 to vector<1x256xi32>
    %select_n3A_2076 = arith.select %gt3A_2068, %add3A_2073, %broadcast_in_dim3A_2075 : vector<1x256xi1>, vector<1x256xi32>
    %eq3A_2077 = vector.broadcast %select_n3A_2076 : vector<1x256xi32> to vector<36x256xi32>
    %eq3A_2078 = arith.cmpi eq, %eq3A_2077, %iota3A_1926 : vector<36x256xi32>
    %convert_element_type3A_2079 = arith.extui %eq3A_2078 : vector<36x256xi1> to vector<36x256xi32>
    %convert_element_type3A_2080 = arith.sitofp %convert_element_type3A_2079 : vector<36x256xi32> to vector<36x256xf32>
    %add3A_2081 = arith.addf %add3A_2064, %convert_element_type3A_2080 : vector<36x256xf32>
    %slice3A_2082 = vector.extract_strided_slice %transpose3A_1925 {offsets = [18, 0], sizes = [1, 256], strides = [1, 1]} : vector<100x256xi32> to vector<1x256xi32>
    %gt3A_2083 = arith.constant 0 : i32
    %gt3A_2084 = vector.broadcast %gt3A_2083 : i32 to vector<1x256xi32>
    %gt3A_2085 = arith.cmpi sgt, %slice3A_2082, %gt3A_2084 : vector<1x256xi32>
    %mul3A_2086 = arith.constant 6 : i32
    %mul3A_2087 = vector.broadcast %mul3A_2086 : i32 to vector<1x256xi32>
    %mul3A_2088 = arith.muli %slice3A_2082, %mul3A_2087 : vector<1x256xi32>
    %slice3A_2089 = vector.extract_strided_slice %transpose3A_1925 {offsets = [19, 0], sizes = [1, 256], strides = [1, 1]} : vector<100x256xi32> to vector<1x256xi32>
    %add3A_2090 = arith.addi %mul3A_2088, %slice3A_2089 : vector<1x256xi32>
    %jit3A_2091 = arith.constant -1 : i32
    %broadcast_in_dim3A_2092 = vector.broadcast %jit3A_2091 : i32 to vector<1x256xi32>
    %select_n3A_2093 = arith.select %gt3A_2085, %add3A_2090, %broadcast_in_dim3A_2092 : vector<1x256xi1>, vector<1x256xi32>
    %eq3A_2094 = vector.broadcast %select_n3A_2093 : vector<1x256xi32> to vector<36x256xi32>
    %eq3A_2095 = arith.cmpi eq, %eq3A_2094, %iota3A_1926 : vector<36x256xi32>
    %convert_element_type3A_2096 = arith.extui %eq3A_2095 : vector<36x256xi1> to vector<36x256xi32>
    %convert_element_type3A_2097 = arith.sitofp %convert_element_type3A_2096 : vector<36x256xi32> to vector<36x256xf32>
    %add3A_2098 = arith.addf %add3A_2081, %convert_element_type3A_2097 : vector<36x256xf32>
    %slice3A_2099 = vector.extract_strided_slice %transpose3A_1925 {offsets = [20, 0], sizes = [1, 256], strides = [1, 1]} : vector<100x256xi32> to vector<1x256xi32>
    %gt3A_2100 = arith.constant 0 : i32
    %gt3A_2101 = vector.broadcast %gt3A_2100 : i32 to vector<1x256xi32>
    %gt3A_2102 = arith.cmpi sgt, %slice3A_2099, %gt3A_2101 : vector<1x256xi32>
    %mul3A_2103 = arith.constant 6 : i32
    %mul3A_2104 = vector.broadcast %mul3A_2103 : i32 to vector<1x256xi32>
    %mul3A_2105 = arith.muli %slice3A_2099, %mul3A_2104 : vector<1x256xi32>
    %slice3A_2106 = vector.extract_strided_slice %transpose3A_1925 {offsets = [21, 0], sizes = [1, 256], strides = [1, 1]} : vector<100x256xi32> to vector<1x256xi32>
    %add3A_2107 = arith.addi %mul3A_2105, %slice3A_2106 : vector<1x256xi32>
    %jit3A_2108 = arith.constant -1 : i32
    %broadcast_in_dim3A_2109 = vector.broadcast %jit3A_2108 : i32 to vector<1x256xi32>
    %select_n3A_2110 = arith.select %gt3A_2102, %add3A_2107, %broadcast_in_dim3A_2109 : vector<1x256xi1>, vector<1x256xi32>
    %eq3A_2111 = vector.broadcast %select_n3A_2110 : vector<1x256xi32> to vector<36x256xi32>
    %eq3A_2112 = arith.cmpi eq, %eq3A_2111, %iota3A_1926 : vector<36x256xi32>
    %convert_element_type3A_2113 = arith.extui %eq3A_2112 : vector<36x256xi1> to vector<36x256xi32>
    %convert_element_type3A_2114 = arith.sitofp %convert_element_type3A_2113 : vector<36x256xi32> to vector<36x256xf32>
    %add3A_2115 = arith.addf %add3A_2098, %convert_element_type3A_2114 : vector<36x256xf32>
    %slice3A_2116 = vector.extract_strided_slice %transpose3A_1925 {offsets = [22, 0], sizes = [1, 256], strides = [1, 1]} : vector<100x256xi32> to vector<1x256xi32>
    %gt3A_2117 = arith.constant 0 : i32
    %gt3A_2118 = vector.broadcast %gt3A_2117 : i32 to vector<1x256xi32>
    %gt3A_2119 = arith.cmpi sgt, %slice3A_2116, %gt3A_2118 : vector<1x256xi32>
    %mul3A_2120 = arith.constant 6 : i32
    %mul3A_2121 = vector.broadcast %mul3A_2120 : i32 to vector<1x256xi32>
    %mul3A_2122 = arith.muli %slice3A_2116, %mul3A_2121 : vector<1x256xi32>
    %slice3A_2123 = vector.extract_strided_slice %transpose3A_1925 {offsets = [23, 0], sizes = [1, 256], strides = [1, 1]} : vector<100x256xi32> to vector<1x256xi32>
    %add3A_2124 = arith.addi %mul3A_2122, %slice3A_2123 : vector<1x256xi32>
    %jit3A_2125 = arith.constant -1 : i32
    %broadcast_in_dim3A_2126 = vector.broadcast %jit3A_2125 : i32 to vector<1x256xi32>
    %select_n3A_2127 = arith.select %gt3A_2119, %add3A_2124, %broadcast_in_dim3A_2126 : vector<1x256xi1>, vector<1x256xi32>
    %eq3A_2128 = vector.broadcast %select_n3A_2127 : vector<1x256xi32> to vector<36x256xi32>
    %eq3A_2129 = arith.cmpi eq, %eq3A_2128, %iota3A_1926 : vector<36x256xi32>
    %convert_element_type3A_2130 = arith.extui %eq3A_2129 : vector<36x256xi1> to vector<36x256xi32>
    %convert_element_type3A_2131 = arith.sitofp %convert_element_type3A_2130 : vector<36x256xi32> to vector<36x256xf32>
    %add3A_2132 = arith.addf %add3A_2115, %convert_element_type3A_2131 : vector<36x256xf32>
    %slice3A_2133 = vector.extract_strided_slice %transpose3A_1925 {offsets = [24, 0], sizes = [1, 256], strides = [1, 1]} : vector<100x256xi32> to vector<1x256xi32>
    %gt3A_2134 = arith.constant 0 : i32
    %gt3A_2135 = vector.broadcast %gt3A_2134 : i32 to vector<1x256xi32>
    %gt3A_2136 = arith.cmpi sgt, %slice3A_2133, %gt3A_2135 : vector<1x256xi32>
    %mul3A_2137 = arith.constant 6 : i32
    %mul3A_2138 = vector.broadcast %mul3A_2137 : i32 to vector<1x256xi32>
    %mul3A_2139 = arith.muli %slice3A_2133, %mul3A_2138 : vector<1x256xi32>
    %slice3A_2140 = vector.extract_strided_slice %transpose3A_1925 {offsets = [25, 0], sizes = [1, 256], strides = [1, 1]} : vector<100x256xi32> to vector<1x256xi32>
    %add3A_2141 = arith.addi %mul3A_2139, %slice3A_2140 : vector<1x256xi32>
    %jit3A_2142 = arith.constant -1 : i32
    %broadcast_in_dim3A_2143 = vector.broadcast %jit3A_2142 : i32 to vector<1x256xi32>
    %select_n3A_2144 = arith.select %gt3A_2136, %add3A_2141, %broadcast_in_dim3A_2143 : vector<1x256xi1>, vector<1x256xi32>
    %eq3A_2145 = vector.broadcast %select_n3A_2144 : vector<1x256xi32> to vector<36x256xi32>
    %eq3A_2146 = arith.cmpi eq, %eq3A_2145, %iota3A_1926 : vector<36x256xi32>
    %convert_element_type3A_2147 = arith.extui %eq3A_2146 : vector<36x256xi1> to vector<36x256xi32>
    %convert_element_type3A_2148 = arith.sitofp %convert_element_type3A_2147 : vector<36x256xi32> to vector<36x256xf32>
    %add3A_2149 = arith.addf %add3A_2132, %convert_element_type3A_2148 : vector<36x256xf32>
    %slice3A_2150 = vector.extract_strided_slice %transpose3A_1925 {offsets = [26, 0], sizes = [1, 256], strides = [1, 1]} : vector<100x256xi32> to vector<1x256xi32>
    %gt3A_2151 = arith.constant 0 : i32
    %gt3A_2152 = vector.broadcast %gt3A_2151 : i32 to vector<1x256xi32>
    %gt3A_2153 = arith.cmpi sgt, %slice3A_2150, %gt3A_2152 : vector<1x256xi32>
    %mul3A_2154 = arith.constant 6 : i32
    %mul3A_2155 = vector.broadcast %mul3A_2154 : i32 to vector<1x256xi32>
    %mul3A_2156 = arith.muli %slice3A_2150, %mul3A_2155 : vector<1x256xi32>
    %slice3A_2157 = vector.extract_strided_slice %transpose3A_1925 {offsets = [27, 0], sizes = [1, 256], strides = [1, 1]} : vector<100x256xi32> to vector<1x256xi32>
    %add3A_2158 = arith.addi %mul3A_2156, %slice3A_2157 : vector<1x256xi32>
    %jit3A_2159 = arith.constant -1 : i32
    %broadcast_in_dim3A_2160 = vector.broadcast %jit3A_2159 : i32 to vector<1x256xi32>
    %select_n3A_2161 = arith.select %gt3A_2153, %add3A_2158, %broadcast_in_dim3A_2160 : vector<1x256xi1>, vector<1x256xi32>
    %eq3A_2162 = vector.broadcast %select_n3A_2161 : vector<1x256xi32> to vector<36x256xi32>
    %eq3A_2163 = arith.cmpi eq, %eq3A_2162, %iota3A_1926 : vector<36x256xi32>
    %convert_element_type3A_2164 = arith.extui %eq3A_2163 : vector<36x256xi1> to vector<36x256xi32>
    %convert_element_type3A_2165 = arith.sitofp %convert_element_type3A_2164 : vector<36x256xi32> to vector<36x256xf32>
    %add3A_2166 = arith.addf %add3A_2149, %convert_element_type3A_2165 : vector<36x256xf32>
    %slice3A_2167 = vector.extract_strided_slice %transpose3A_1925 {offsets = [28, 0], sizes = [1, 256], strides = [1, 1]} : vector<100x256xi32> to vector<1x256xi32>
    %gt3A_2168 = arith.constant 0 : i32
    %gt3A_2169 = vector.broadcast %gt3A_2168 : i32 to vector<1x256xi32>
    %gt3A_2170 = arith.cmpi sgt, %slice3A_2167, %gt3A_2169 : vector<1x256xi32>
    %mul3A_2171 = arith.constant 6 : i32
    %mul3A_2172 = vector.broadcast %mul3A_2171 : i32 to vector<1x256xi32>
    %mul3A_2173 = arith.muli %slice3A_2167, %mul3A_2172 : vector<1x256xi32>
    %slice3A_2174 = vector.extract_strided_slice %transpose3A_1925 {offsets = [29, 0], sizes = [1, 256], strides = [1, 1]} : vector<100x256xi32> to vector<1x256xi32>
    %add3A_2175 = arith.addi %mul3A_2173, %slice3A_2174 : vector<1x256xi32>
    %jit3A_2176 = arith.constant -1 : i32
    %broadcast_in_dim3A_2177 = vector.broadcast %jit3A_2176 : i32 to vector<1x256xi32>
    %select_n3A_2178 = arith.select %gt3A_2170, %add3A_2175, %broadcast_in_dim3A_2177 : vector<1x256xi1>, vector<1x256xi32>
    %eq3A_2179 = vector.broadcast %select_n3A_2178 : vector<1x256xi32> to vector<36x256xi32>
    %eq3A_2180 = arith.cmpi eq, %eq3A_2179, %iota3A_1926 : vector<36x256xi32>
    %convert_element_type3A_2181 = arith.extui %eq3A_2180 : vector<36x256xi1> to vector<36x256xi32>
    %convert_element_type3A_2182 = arith.sitofp %convert_element_type3A_2181 : vector<36x256xi32> to vector<36x256xf32>
    %add3A_2183 = arith.addf %add3A_2166, %convert_element_type3A_2182 : vector<36x256xf32>
    %slice3A_2184 = vector.extract_strided_slice %transpose3A_1925 {offsets = [30, 0], sizes = [1, 256], strides = [1, 1]} : vector<100x256xi32> to vector<1x256xi32>
    %gt3A_2185 = arith.constant 0 : i32
    %gt3A_2186 = vector.broadcast %gt3A_2185 : i32 to vector<1x256xi32>
    %gt3A_2187 = arith.cmpi sgt, %slice3A_2184, %gt3A_2186 : vector<1x256xi32>
    %mul3A_2188 = arith.constant 6 : i32
    %mul3A_2189 = vector.broadcast %mul3A_2188 : i32 to vector<1x256xi32>
    %mul3A_2190 = arith.muli %slice3A_2184, %mul3A_2189 : vector<1x256xi32>
    %slice3A_2191 = vector.extract_strided_slice %transpose3A_1925 {offsets = [31, 0], sizes = [1, 256], strides = [1, 1]} : vector<100x256xi32> to vector<1x256xi32>
    %add3A_2192 = arith.addi %mul3A_2190, %slice3A_2191 : vector<1x256xi32>
    %jit3A_2193 = arith.constant -1 : i32
    %broadcast_in_dim3A_2194 = vector.broadcast %jit3A_2193 : i32 to vector<1x256xi32>
    %select_n3A_2195 = arith.select %gt3A_2187, %add3A_2192, %broadcast_in_dim3A_2194 : vector<1x256xi1>, vector<1x256xi32>
    %eq3A_2196 = vector.broadcast %select_n3A_2195 : vector<1x256xi32> to vector<36x256xi32>
    %eq3A_2197 = arith.cmpi eq, %eq3A_2196, %iota3A_1926 : vector<36x256xi32>
    %convert_element_type3A_2198 = arith.extui %eq3A_2197 : vector<36x256xi1> to vector<36x256xi32>
    %convert_element_type3A_2199 = arith.sitofp %convert_element_type3A_2198 : vector<36x256xi32> to vector<36x256xf32>
    %add3A_2200 = arith.addf %add3A_2183, %convert_element_type3A_2199 : vector<36x256xf32>
    %slice3A_2201 = vector.extract_strided_slice %transpose3A_1925 {offsets = [32, 0], sizes = [1, 256], strides = [1, 1]} : vector<100x256xi32> to vector<1x256xi32>
    %gt3A_2202 = arith.constant 0 : i32
    %gt3A_2203 = vector.broadcast %gt3A_2202 : i32 to vector<1x256xi32>
    %gt3A_2204 = arith.cmpi sgt, %slice3A_2201, %gt3A_2203 : vector<1x256xi32>
    %mul3A_2205 = arith.constant 6 : i32
    %mul3A_2206 = vector.broadcast %mul3A_2205 : i32 to vector<1x256xi32>
    %mul3A_2207 = arith.muli %slice3A_2201, %mul3A_2206 : vector<1x256xi32>
    %slice3A_2208 = vector.extract_strided_slice %transpose3A_1925 {offsets = [33, 0], sizes = [1, 256], strides = [1, 1]} : vector<100x256xi32> to vector<1x256xi32>
    %add3A_2209 = arith.addi %mul3A_2207, %slice3A_2208 : vector<1x256xi32>
    %jit3A_2210 = arith.constant -1 : i32
    %broadcast_in_dim3A_2211 = vector.broadcast %jit3A_2210 : i32 to vector<1x256xi32>
    %select_n3A_2212 = arith.select %gt3A_2204, %add3A_2209, %broadcast_in_dim3A_2211 : vector<1x256xi1>, vector<1x256xi32>
    %eq3A_2213 = vector.broadcast %select_n3A_2212 : vector<1x256xi32> to vector<36x256xi32>
    %eq3A_2214 = arith.cmpi eq, %eq3A_2213, %iota3A_1926 : vector<36x256xi32>
    %convert_element_type3A_2215 = arith.extui %eq3A_2214 : vector<36x256xi1> to vector<36x256xi32>
    %convert_element_type3A_2216 = arith.sitofp %convert_element_type3A_2215 : vector<36x256xi32> to vector<36x256xf32>
    %add3A_2217 = arith.addf %add3A_2200, %convert_element_type3A_2216 : vector<36x256xf32>
    %slice3A_2218 = vector.extract_strided_slice %transpose3A_1925 {offsets = [34, 0], sizes = [1, 256], strides = [1, 1]} : vector<100x256xi32> to vector<1x256xi32>
    %gt3A_2219 = arith.constant 0 : i32
    %gt3A_2220 = vector.broadcast %gt3A_2219 : i32 to vector<1x256xi32>
    %gt3A_2221 = arith.cmpi sgt, %slice3A_2218, %gt3A_2220 : vector<1x256xi32>
    %mul3A_2222 = arith.constant 6 : i32
    %mul3A_2223 = vector.broadcast %mul3A_2222 : i32 to vector<1x256xi32>
    %mul3A_2224 = arith.muli %slice3A_2218, %mul3A_2223 : vector<1x256xi32>
    %slice3A_2225 = vector.extract_strided_slice %transpose3A_1925 {offsets = [35, 0], sizes = [1, 256], strides = [1, 1]} : vector<100x256xi32> to vector<1x256xi32>
    %add3A_2226 = arith.addi %mul3A_2224, %slice3A_2225 : vector<1x256xi32>
    %jit3A_2227 = arith.constant -1 : i32
    %broadcast_in_dim3A_2228 = vector.broadcast %jit3A_2227 : i32 to vector<1x256xi32>
    %select_n3A_2229 = arith.select %gt3A_2221, %add3A_2226, %broadcast_in_dim3A_2228 : vector<1x256xi1>, vector<1x256xi32>
    %eq3A_2230 = vector.broadcast %select_n3A_2229 : vector<1x256xi32> to vector<36x256xi32>
    %eq3A_2231 = arith.cmpi eq, %eq3A_2230, %iota3A_1926 : vector<36x256xi32>
    %convert_element_type3A_2232 = arith.extui %eq3A_2231 : vector<36x256xi1> to vector<36x256xi32>
    %convert_element_type3A_2233 = arith.sitofp %convert_element_type3A_2232 : vector<36x256xi32> to vector<36x256xf32>
    %add3A_2234 = arith.addf %add3A_2217, %convert_element_type3A_2233 : vector<36x256xf32>
    %slice3A_2235 = vector.extract_strided_slice %transpose3A_1925 {offsets = [36, 0], sizes = [1, 256], strides = [1, 1]} : vector<100x256xi32> to vector<1x256xi32>
    %gt3A_2236 = arith.constant 0 : i32
    %gt3A_2237 = vector.broadcast %gt3A_2236 : i32 to vector<1x256xi32>
    %gt3A_2238 = arith.cmpi sgt, %slice3A_2235, %gt3A_2237 : vector<1x256xi32>
    %mul3A_2239 = arith.constant 6 : i32
    %mul3A_2240 = vector.broadcast %mul3A_2239 : i32 to vector<1x256xi32>
    %mul3A_2241 = arith.muli %slice3A_2235, %mul3A_2240 : vector<1x256xi32>
    %slice3A_2242 = vector.extract_strided_slice %transpose3A_1925 {offsets = [37, 0], sizes = [1, 256], strides = [1, 1]} : vector<100x256xi32> to vector<1x256xi32>
    %add3A_2243 = arith.addi %mul3A_2241, %slice3A_2242 : vector<1x256xi32>
    %jit3A_2244 = arith.constant -1 : i32
    %broadcast_in_dim3A_2245 = vector.broadcast %jit3A_2244 : i32 to vector<1x256xi32>
    %select_n3A_2246 = arith.select %gt3A_2238, %add3A_2243, %broadcast_in_dim3A_2245 : vector<1x256xi1>, vector<1x256xi32>
    %eq3A_2247 = vector.broadcast %select_n3A_2246 : vector<1x256xi32> to vector<36x256xi32>
    %eq3A_2248 = arith.cmpi eq, %eq3A_2247, %iota3A_1926 : vector<36x256xi32>
    %convert_element_type3A_2249 = arith.extui %eq3A_2248 : vector<36x256xi1> to vector<36x256xi32>
    %convert_element_type3A_2250 = arith.sitofp %convert_element_type3A_2249 : vector<36x256xi32> to vector<36x256xf32>
    %add3A_2251 = arith.addf %add3A_2234, %convert_element_type3A_2250 : vector<36x256xf32>
    %slice3A_2252 = vector.extract_strided_slice %transpose3A_1925 {offsets = [38, 0], sizes = [1, 256], strides = [1, 1]} : vector<100x256xi32> to vector<1x256xi32>
    %gt3A_2253 = arith.constant 0 : i32
    %gt3A_2254 = vector.broadcast %gt3A_2253 : i32 to vector<1x256xi32>
    %gt3A_2255 = arith.cmpi sgt, %slice3A_2252, %gt3A_2254 : vector<1x256xi32>
    %mul3A_2256 = arith.constant 6 : i32
    %mul3A_2257 = vector.broadcast %mul3A_2256 : i32 to vector<1x256xi32>
    %mul3A_2258 = arith.muli %slice3A_2252, %mul3A_2257 : vector<1x256xi32>
    %slice3A_2259 = vector.extract_strided_slice %transpose3A_1925 {offsets = [39, 0], sizes = [1, 256], strides = [1, 1]} : vector<100x256xi32> to vector<1x256xi32>
    %add3A_2260 = arith.addi %mul3A_2258, %slice3A_2259 : vector<1x256xi32>
    %jit3A_2261 = arith.constant -1 : i32
    %broadcast_in_dim3A_2262 = vector.broadcast %jit3A_2261 : i32 to vector<1x256xi32>
    %select_n3A_2263 = arith.select %gt3A_2255, %add3A_2260, %broadcast_in_dim3A_2262 : vector<1x256xi1>, vector<1x256xi32>
    %eq3A_2264 = vector.broadcast %select_n3A_2263 : vector<1x256xi32> to vector<36x256xi32>
    %eq3A_2265 = arith.cmpi eq, %eq3A_2264, %iota3A_1926 : vector<36x256xi32>
    %convert_element_type3A_2266 = arith.extui %eq3A_2265 : vector<36x256xi1> to vector<36x256xi32>
    %convert_element_type3A_2267 = arith.sitofp %convert_element_type3A_2266 : vector<36x256xi32> to vector<36x256xf32>
    %add3A_2268 = arith.addf %add3A_2251, %convert_element_type3A_2267 : vector<36x256xf32>
    %slice3A_2269 = vector.extract_strided_slice %transpose3A_1925 {offsets = [40, 0], sizes = [1, 256], strides = [1, 1]} : vector<100x256xi32> to vector<1x256xi32>
    %gt3A_2270 = arith.constant 0 : i32
    %gt3A_2271 = vector.broadcast %gt3A_2270 : i32 to vector<1x256xi32>
    %gt3A_2272 = arith.cmpi sgt, %slice3A_2269, %gt3A_2271 : vector<1x256xi32>
    %mul3A_2273 = arith.constant 6 : i32
    %mul3A_2274 = vector.broadcast %mul3A_2273 : i32 to vector<1x256xi32>
    %mul3A_2275 = arith.muli %slice3A_2269, %mul3A_2274 : vector<1x256xi32>
    %slice3A_2276 = vector.extract_strided_slice %transpose3A_1925 {offsets = [41, 0], sizes = [1, 256], strides = [1, 1]} : vector<100x256xi32> to vector<1x256xi32>
    %add3A_2277 = arith.addi %mul3A_2275, %slice3A_2276 : vector<1x256xi32>
    %jit3A_2278 = arith.constant -1 : i32
    %broadcast_in_dim3A_2279 = vector.broadcast %jit3A_2278 : i32 to vector<1x256xi32>
    %select_n3A_2280 = arith.select %gt3A_2272, %add3A_2277, %broadcast_in_dim3A_2279 : vector<1x256xi1>, vector<1x256xi32>
    %eq3A_2281 = vector.broadcast %select_n3A_2280 : vector<1x256xi32> to vector<36x256xi32>
    %eq3A_2282 = arith.cmpi eq, %eq3A_2281, %iota3A_1926 : vector<36x256xi32>
    %convert_element_type3A_2283 = arith.extui %eq3A_2282 : vector<36x256xi1> to vector<36x256xi32>
    %convert_element_type3A_2284 = arith.sitofp %convert_element_type3A_2283 : vector<36x256xi32> to vector<36x256xf32>
    %add3A_2285 = arith.addf %add3A_2268, %convert_element_type3A_2284 : vector<36x256xf32>
    %slice3A_2286 = vector.extract_strided_slice %transpose3A_1925 {offsets = [42, 0], sizes = [1, 256], strides = [1, 1]} : vector<100x256xi32> to vector<1x256xi32>
    %gt3A_2287 = arith.constant 0 : i32
    %gt3A_2288 = vector.broadcast %gt3A_2287 : i32 to vector<1x256xi32>
    %gt3A_2289 = arith.cmpi sgt, %slice3A_2286, %gt3A_2288 : vector<1x256xi32>
    %mul3A_2290 = arith.constant 6 : i32
    %mul3A_2291 = vector.broadcast %mul3A_2290 : i32 to vector<1x256xi32>
    %mul3A_2292 = arith.muli %slice3A_2286, %mul3A_2291 : vector<1x256xi32>
    %slice3A_2293 = vector.extract_strided_slice %transpose3A_1925 {offsets = [43, 0], sizes = [1, 256], strides = [1, 1]} : vector<100x256xi32> to vector<1x256xi32>
    %add3A_2294 = arith.addi %mul3A_2292, %slice3A_2293 : vector<1x256xi32>
    %jit3A_2295 = arith.constant -1 : i32
    %broadcast_in_dim3A_2296 = vector.broadcast %jit3A_2295 : i32 to vector<1x256xi32>
    %select_n3A_2297 = arith.select %gt3A_2289, %add3A_2294, %broadcast_in_dim3A_2296 : vector<1x256xi1>, vector<1x256xi32>
    %eq3A_2298 = vector.broadcast %select_n3A_2297 : vector<1x256xi32> to vector<36x256xi32>
    %eq3A_2299 = arith.cmpi eq, %eq3A_2298, %iota3A_1926 : vector<36x256xi32>
    %convert_element_type3A_2300 = arith.extui %eq3A_2299 : vector<36x256xi1> to vector<36x256xi32>
    %convert_element_type3A_2301 = arith.sitofp %convert_element_type3A_2300 : vector<36x256xi32> to vector<36x256xf32>
    %add3A_2302 = arith.addf %add3A_2285, %convert_element_type3A_2301 : vector<36x256xf32>
    %slice3A_2303 = vector.extract_strided_slice %transpose3A_1925 {offsets = [44, 0], sizes = [1, 256], strides = [1, 1]} : vector<100x256xi32> to vector<1x256xi32>
    %gt3A_2304 = arith.constant 0 : i32
    %gt3A_2305 = vector.broadcast %gt3A_2304 : i32 to vector<1x256xi32>
    %gt3A_2306 = arith.cmpi sgt, %slice3A_2303, %gt3A_2305 : vector<1x256xi32>
    %mul3A_2307 = arith.constant 6 : i32
    %mul3A_2308 = vector.broadcast %mul3A_2307 : i32 to vector<1x256xi32>
    %mul3A_2309 = arith.muli %slice3A_2303, %mul3A_2308 : vector<1x256xi32>
    %slice3A_2310 = vector.extract_strided_slice %transpose3A_1925 {offsets = [45, 0], sizes = [1, 256], strides = [1, 1]} : vector<100x256xi32> to vector<1x256xi32>
    %add3A_2311 = arith.addi %mul3A_2309, %slice3A_2310 : vector<1x256xi32>
    %jit3A_2312 = arith.constant -1 : i32
    %broadcast_in_dim3A_2313 = vector.broadcast %jit3A_2312 : i32 to vector<1x256xi32>
    %select_n3A_2314 = arith.select %gt3A_2306, %add3A_2311, %broadcast_in_dim3A_2313 : vector<1x256xi1>, vector<1x256xi32>
    %eq3A_2315 = vector.broadcast %select_n3A_2314 : vector<1x256xi32> to vector<36x256xi32>
    %eq3A_2316 = arith.cmpi eq, %eq3A_2315, %iota3A_1926 : vector<36x256xi32>
    %convert_element_type3A_2317 = arith.extui %eq3A_2316 : vector<36x256xi1> to vector<36x256xi32>
    %convert_element_type3A_2318 = arith.sitofp %convert_element_type3A_2317 : vector<36x256xi32> to vector<36x256xf32>
    %add3A_2319 = arith.addf %add3A_2302, %convert_element_type3A_2318 : vector<36x256xf32>
    %slice3A_2320 = vector.extract_strided_slice %transpose3A_1925 {offsets = [46, 0], sizes = [1, 256], strides = [1, 1]} : vector<100x256xi32> to vector<1x256xi32>
    %gt3A_2321 = arith.constant 0 : i32
    %gt3A_2322 = vector.broadcast %gt3A_2321 : i32 to vector<1x256xi32>
    %gt3A_2323 = arith.cmpi sgt, %slice3A_2320, %gt3A_2322 : vector<1x256xi32>
    %mul3A_2324 = arith.constant 6 : i32
    %mul3A_2325 = vector.broadcast %mul3A_2324 : i32 to vector<1x256xi32>
    %mul3A_2326 = arith.muli %slice3A_2320, %mul3A_2325 : vector<1x256xi32>
    %slice3A_2327 = vector.extract_strided_slice %transpose3A_1925 {offsets = [47, 0], sizes = [1, 256], strides = [1, 1]} : vector<100x256xi32> to vector<1x256xi32>
    %add3A_2328 = arith.addi %mul3A_2326, %slice3A_2327 : vector<1x256xi32>
    %jit3A_2329 = arith.constant -1 : i32
    %broadcast_in_dim3A_2330 = vector.broadcast %jit3A_2329 : i32 to vector<1x256xi32>
    %select_n3A_2331 = arith.select %gt3A_2323, %add3A_2328, %broadcast_in_dim3A_2330 : vector<1x256xi1>, vector<1x256xi32>
    %eq3A_2332 = vector.broadcast %select_n3A_2331 : vector<1x256xi32> to vector<36x256xi32>
    %eq3A_2333 = arith.cmpi eq, %eq3A_2332, %iota3A_1926 : vector<36x256xi32>
    %convert_element_type3A_2334 = arith.extui %eq3A_2333 : vector<36x256xi1> to vector<36x256xi32>
    %convert_element_type3A_2335 = arith.sitofp %convert_element_type3A_2334 : vector<36x256xi32> to vector<36x256xf32>
    %add3A_2336 = arith.addf %add3A_2319, %convert_element_type3A_2335 : vector<36x256xf32>
    %slice3A_2337 = vector.extract_strided_slice %transpose3A_1925 {offsets = [48, 0], sizes = [1, 256], strides = [1, 1]} : vector<100x256xi32> to vector<1x256xi32>
    %gt3A_2338 = arith.constant 0 : i32
    %gt3A_2339 = vector.broadcast %gt3A_2338 : i32 to vector<1x256xi32>
    %gt3A_2340 = arith.cmpi sgt, %slice3A_2337, %gt3A_2339 : vector<1x256xi32>
    %mul3A_2341 = arith.constant 6 : i32
    %mul3A_2342 = vector.broadcast %mul3A_2341 : i32 to vector<1x256xi32>
    %mul3A_2343 = arith.muli %slice3A_2337, %mul3A_2342 : vector<1x256xi32>
    %slice3A_2344 = vector.extract_strided_slice %transpose3A_1925 {offsets = [49, 0], sizes = [1, 256], strides = [1, 1]} : vector<100x256xi32> to vector<1x256xi32>
    %add3A_2345 = arith.addi %mul3A_2343, %slice3A_2344 : vector<1x256xi32>
    %jit3A_2346 = arith.constant -1 : i32
    %broadcast_in_dim3A_2347 = vector.broadcast %jit3A_2346 : i32 to vector<1x256xi32>
    %select_n3A_2348 = arith.select %gt3A_2340, %add3A_2345, %broadcast_in_dim3A_2347 : vector<1x256xi1>, vector<1x256xi32>
    %eq3A_2349 = vector.broadcast %select_n3A_2348 : vector<1x256xi32> to vector<36x256xi32>
    %eq3A_2350 = arith.cmpi eq, %eq3A_2349, %iota3A_1926 : vector<36x256xi32>
    %convert_element_type3A_2351 = arith.extui %eq3A_2350 : vector<36x256xi1> to vector<36x256xi32>
    %convert_element_type3A_2352 = arith.sitofp %convert_element_type3A_2351 : vector<36x256xi32> to vector<36x256xf32>
    %add3A_2353 = arith.addf %add3A_2336, %convert_element_type3A_2352 : vector<36x256xf32>
    %slice3A_2354 = vector.extract_strided_slice %transpose3A_1925 {offsets = [50, 0], sizes = [1, 256], strides = [1, 1]} : vector<100x256xi32> to vector<1x256xi32>
    %gt3A_2355 = arith.constant 0 : i32
    %gt3A_2356 = vector.broadcast %gt3A_2355 : i32 to vector<1x256xi32>
    %gt3A_2357 = arith.cmpi sgt, %slice3A_2354, %gt3A_2356 : vector<1x256xi32>
    %mul3A_2358 = arith.constant 6 : i32
    %mul3A_2359 = vector.broadcast %mul3A_2358 : i32 to vector<1x256xi32>
    %mul3A_2360 = arith.muli %slice3A_2354, %mul3A_2359 : vector<1x256xi32>
    %slice3A_2361 = vector.extract_strided_slice %transpose3A_1925 {offsets = [51, 0], sizes = [1, 256], strides = [1, 1]} : vector<100x256xi32> to vector<1x256xi32>
    %add3A_2362 = arith.addi %mul3A_2360, %slice3A_2361 : vector<1x256xi32>
    %jit3A_2363 = arith.constant -1 : i32
    %broadcast_in_dim3A_2364 = vector.broadcast %jit3A_2363 : i32 to vector<1x256xi32>
    %select_n3A_2365 = arith.select %gt3A_2357, %add3A_2362, %broadcast_in_dim3A_2364 : vector<1x256xi1>, vector<1x256xi32>
    %eq3A_2366 = vector.broadcast %select_n3A_2365 : vector<1x256xi32> to vector<36x256xi32>
    %eq3A_2367 = arith.cmpi eq, %eq3A_2366, %iota3A_1926 : vector<36x256xi32>
    %convert_element_type3A_2368 = arith.extui %eq3A_2367 : vector<36x256xi1> to vector<36x256xi32>
    %convert_element_type3A_2369 = arith.sitofp %convert_element_type3A_2368 : vector<36x256xi32> to vector<36x256xf32>
    %add3A_2370 = arith.addf %add3A_2353, %convert_element_type3A_2369 : vector<36x256xf32>
    %slice3A_2371 = vector.extract_strided_slice %transpose3A_1925 {offsets = [52, 0], sizes = [1, 256], strides = [1, 1]} : vector<100x256xi32> to vector<1x256xi32>
    %gt3A_2372 = arith.constant 0 : i32
    %gt3A_2373 = vector.broadcast %gt3A_2372 : i32 to vector<1x256xi32>
    %gt3A_2374 = arith.cmpi sgt, %slice3A_2371, %gt3A_2373 : vector<1x256xi32>
    %mul3A_2375 = arith.constant 6 : i32
    %mul3A_2376 = vector.broadcast %mul3A_2375 : i32 to vector<1x256xi32>
    %mul3A_2377 = arith.muli %slice3A_2371, %mul3A_2376 : vector<1x256xi32>
    %slice3A_2378 = vector.extract_strided_slice %transpose3A_1925 {offsets = [53, 0], sizes = [1, 256], strides = [1, 1]} : vector<100x256xi32> to vector<1x256xi32>
    %add3A_2379 = arith.addi %mul3A_2377, %slice3A_2378 : vector<1x256xi32>
    %jit3A_2380 = arith.constant -1 : i32
    %broadcast_in_dim3A_2381 = vector.broadcast %jit3A_2380 : i32 to vector<1x256xi32>
    %select_n3A_2382 = arith.select %gt3A_2374, %add3A_2379, %broadcast_in_dim3A_2381 : vector<1x256xi1>, vector<1x256xi32>
    %eq3A_2383 = vector.broadcast %select_n3A_2382 : vector<1x256xi32> to vector<36x256xi32>
    %eq3A_2384 = arith.cmpi eq, %eq3A_2383, %iota3A_1926 : vector<36x256xi32>
    %convert_element_type3A_2385 = arith.extui %eq3A_2384 : vector<36x256xi1> to vector<36x256xi32>
    %convert_element_type3A_2386 = arith.sitofp %convert_element_type3A_2385 : vector<36x256xi32> to vector<36x256xf32>
    %add3A_2387 = arith.addf %add3A_2370, %convert_element_type3A_2386 : vector<36x256xf32>
    %slice3A_2388 = vector.extract_strided_slice %transpose3A_1925 {offsets = [54, 0], sizes = [1, 256], strides = [1, 1]} : vector<100x256xi32> to vector<1x256xi32>
    %gt3A_2389 = arith.constant 0 : i32
    %gt3A_2390 = vector.broadcast %gt3A_2389 : i32 to vector<1x256xi32>
    %gt3A_2391 = arith.cmpi sgt, %slice3A_2388, %gt3A_2390 : vector<1x256xi32>
    %mul3A_2392 = arith.constant 6 : i32
    %mul3A_2393 = vector.broadcast %mul3A_2392 : i32 to vector<1x256xi32>
    %mul3A_2394 = arith.muli %slice3A_2388, %mul3A_2393 : vector<1x256xi32>
    %slice3A_2395 = vector.extract_strided_slice %transpose3A_1925 {offsets = [55, 0], sizes = [1, 256], strides = [1, 1]} : vector<100x256xi32> to vector<1x256xi32>
    %add3A_2396 = arith.addi %mul3A_2394, %slice3A_2395 : vector<1x256xi32>
    %jit3A_2397 = arith.constant -1 : i32
    %broadcast_in_dim3A_2398 = vector.broadcast %jit3A_2397 : i32 to vector<1x256xi32>
    %select_n3A_2399 = arith.select %gt3A_2391, %add3A_2396, %broadcast_in_dim3A_2398 : vector<1x256xi1>, vector<1x256xi32>
    %eq3A_2400 = vector.broadcast %select_n3A_2399 : vector<1x256xi32> to vector<36x256xi32>
    %eq3A_2401 = arith.cmpi eq, %eq3A_2400, %iota3A_1926 : vector<36x256xi32>
    %convert_element_type3A_2402 = arith.extui %eq3A_2401 : vector<36x256xi1> to vector<36x256xi32>
    %convert_element_type3A_2403 = arith.sitofp %convert_element_type3A_2402 : vector<36x256xi32> to vector<36x256xf32>
    %add3A_2404 = arith.addf %add3A_2387, %convert_element_type3A_2403 : vector<36x256xf32>
    %slice3A_2405 = vector.extract_strided_slice %transpose3A_1925 {offsets = [56, 0], sizes = [1, 256], strides = [1, 1]} : vector<100x256xi32> to vector<1x256xi32>
    %gt3A_2406 = arith.constant 0 : i32
    %gt3A_2407 = vector.broadcast %gt3A_2406 : i32 to vector<1x256xi32>
    %gt3A_2408 = arith.cmpi sgt, %slice3A_2405, %gt3A_2407 : vector<1x256xi32>
    %mul3A_2409 = arith.constant 6 : i32
    %mul3A_2410 = vector.broadcast %mul3A_2409 : i32 to vector<1x256xi32>
    %mul3A_2411 = arith.muli %slice3A_2405, %mul3A_2410 : vector<1x256xi32>
    %slice3A_2412 = vector.extract_strided_slice %transpose3A_1925 {offsets = [57, 0], sizes = [1, 256], strides = [1, 1]} : vector<100x256xi32> to vector<1x256xi32>
    %add3A_2413 = arith.addi %mul3A_2411, %slice3A_2412 : vector<1x256xi32>
    %jit3A_2414 = arith.constant -1 : i32
    %broadcast_in_dim3A_2415 = vector.broadcast %jit3A_2414 : i32 to vector<1x256xi32>
    %select_n3A_2416 = arith.select %gt3A_2408, %add3A_2413, %broadcast_in_dim3A_2415 : vector<1x256xi1>, vector<1x256xi32>
    %eq3A_2417 = vector.broadcast %select_n3A_2416 : vector<1x256xi32> to vector<36x256xi32>
    %eq3A_2418 = arith.cmpi eq, %eq3A_2417, %iota3A_1926 : vector<36x256xi32>
    %convert_element_type3A_2419 = arith.extui %eq3A_2418 : vector<36x256xi1> to vector<36x256xi32>
    %convert_element_type3A_2420 = arith.sitofp %convert_element_type3A_2419 : vector<36x256xi32> to vector<36x256xf32>
    %add3A_2421 = arith.addf %add3A_2404, %convert_element_type3A_2420 : vector<36x256xf32>
    %slice3A_2422 = vector.extract_strided_slice %transpose3A_1925 {offsets = [58, 0], sizes = [1, 256], strides = [1, 1]} : vector<100x256xi32> to vector<1x256xi32>
    %gt3A_2423 = arith.constant 0 : i32
    %gt3A_2424 = vector.broadcast %gt3A_2423 : i32 to vector<1x256xi32>
    %gt3A_2425 = arith.cmpi sgt, %slice3A_2422, %gt3A_2424 : vector<1x256xi32>
    %mul3A_2426 = arith.constant 6 : i32
    %mul3A_2427 = vector.broadcast %mul3A_2426 : i32 to vector<1x256xi32>
    %mul3A_2428 = arith.muli %slice3A_2422, %mul3A_2427 : vector<1x256xi32>
    %slice3A_2429 = vector.extract_strided_slice %transpose3A_1925 {offsets = [59, 0], sizes = [1, 256], strides = [1, 1]} : vector<100x256xi32> to vector<1x256xi32>
    %add3A_2430 = arith.addi %mul3A_2428, %slice3A_2429 : vector<1x256xi32>
    %jit3A_2431 = arith.constant -1 : i32
    %broadcast_in_dim3A_2432 = vector.broadcast %jit3A_2431 : i32 to vector<1x256xi32>
    %select_n3A_2433 = arith.select %gt3A_2425, %add3A_2430, %broadcast_in_dim3A_2432 : vector<1x256xi1>, vector<1x256xi32>
    %eq3A_2434 = vector.broadcast %select_n3A_2433 : vector<1x256xi32> to vector<36x256xi32>
    %eq3A_2435 = arith.cmpi eq, %eq3A_2434, %iota3A_1926 : vector<36x256xi32>
    %convert_element_type3A_2436 = arith.extui %eq3A_2435 : vector<36x256xi1> to vector<36x256xi32>
    %convert_element_type3A_2437 = arith.sitofp %convert_element_type3A_2436 : vector<36x256xi32> to vector<36x256xf32>
    %add3A_2438 = arith.addf %add3A_2421, %convert_element_type3A_2437 : vector<36x256xf32>
    %slice3A_2439 = vector.extract_strided_slice %transpose3A_1925 {offsets = [60, 0], sizes = [1, 256], strides = [1, 1]} : vector<100x256xi32> to vector<1x256xi32>
    %gt3A_2440 = arith.constant 0 : i32
    %gt3A_2441 = vector.broadcast %gt3A_2440 : i32 to vector<1x256xi32>
    %gt3A_2442 = arith.cmpi sgt, %slice3A_2439, %gt3A_2441 : vector<1x256xi32>
    %mul3A_2443 = arith.constant 6 : i32
    %mul3A_2444 = vector.broadcast %mul3A_2443 : i32 to vector<1x256xi32>
    %mul3A_2445 = arith.muli %slice3A_2439, %mul3A_2444 : vector<1x256xi32>
    %slice3A_2446 = vector.extract_strided_slice %transpose3A_1925 {offsets = [61, 0], sizes = [1, 256], strides = [1, 1]} : vector<100x256xi32> to vector<1x256xi32>
    %add3A_2447 = arith.addi %mul3A_2445, %slice3A_2446 : vector<1x256xi32>
    %jit3A_2448 = arith.constant -1 : i32
    %broadcast_in_dim3A_2449 = vector.broadcast %jit3A_2448 : i32 to vector<1x256xi32>
    %select_n3A_2450 = arith.select %gt3A_2442, %add3A_2447, %broadcast_in_dim3A_2449 : vector<1x256xi1>, vector<1x256xi32>
    %eq3A_2451 = vector.broadcast %select_n3A_2450 : vector<1x256xi32> to vector<36x256xi32>
    %eq3A_2452 = arith.cmpi eq, %eq3A_2451, %iota3A_1926 : vector<36x256xi32>
    %convert_element_type3A_2453 = arith.extui %eq3A_2452 : vector<36x256xi1> to vector<36x256xi32>
    %convert_element_type3A_2454 = arith.sitofp %convert_element_type3A_2453 : vector<36x256xi32> to vector<36x256xf32>
    %add3A_2455 = arith.addf %add3A_2438, %convert_element_type3A_2454 : vector<36x256xf32>
    %slice3A_2456 = vector.extract_strided_slice %transpose3A_1925 {offsets = [62, 0], sizes = [1, 256], strides = [1, 1]} : vector<100x256xi32> to vector<1x256xi32>
    %gt3A_2457 = arith.constant 0 : i32
    %gt3A_2458 = vector.broadcast %gt3A_2457 : i32 to vector<1x256xi32>
    %gt3A_2459 = arith.cmpi sgt, %slice3A_2456, %gt3A_2458 : vector<1x256xi32>
    %mul3A_2460 = arith.constant 6 : i32
    %mul3A_2461 = vector.broadcast %mul3A_2460 : i32 to vector<1x256xi32>
    %mul3A_2462 = arith.muli %slice3A_2456, %mul3A_2461 : vector<1x256xi32>
    %slice3A_2463 = vector.extract_strided_slice %transpose3A_1925 {offsets = [63, 0], sizes = [1, 256], strides = [1, 1]} : vector<100x256xi32> to vector<1x256xi32>
    %add3A_2464 = arith.addi %mul3A_2462, %slice3A_2463 : vector<1x256xi32>
    %jit3A_2465 = arith.constant -1 : i32
    %broadcast_in_dim3A_2466 = vector.broadcast %jit3A_2465 : i32 to vector<1x256xi32>
    %select_n3A_2467 = arith.select %gt3A_2459, %add3A_2464, %broadcast_in_dim3A_2466 : vector<1x256xi1>, vector<1x256xi32>
    %eq3A_2468 = vector.broadcast %select_n3A_2467 : vector<1x256xi32> to vector<36x256xi32>
    %eq3A_2469 = arith.cmpi eq, %eq3A_2468, %iota3A_1926 : vector<36x256xi32>
    %convert_element_type3A_2470 = arith.extui %eq3A_2469 : vector<36x256xi1> to vector<36x256xi32>
    %convert_element_type3A_2471 = arith.sitofp %convert_element_type3A_2470 : vector<36x256xi32> to vector<36x256xf32>
    %add3A_2472 = arith.addf %add3A_2455, %convert_element_type3A_2471 : vector<36x256xf32>
    %slice3A_2473 = vector.extract_strided_slice %transpose3A_1925 {offsets = [64, 0], sizes = [1, 256], strides = [1, 1]} : vector<100x256xi32> to vector<1x256xi32>
    %gt3A_2474 = arith.constant 0 : i32
    %gt3A_2475 = vector.broadcast %gt3A_2474 : i32 to vector<1x256xi32>
    %gt3A_2476 = arith.cmpi sgt, %slice3A_2473, %gt3A_2475 : vector<1x256xi32>
    %mul3A_2477 = arith.constant 6 : i32
    %mul3A_2478 = vector.broadcast %mul3A_2477 : i32 to vector<1x256xi32>
    %mul3A_2479 = arith.muli %slice3A_2473, %mul3A_2478 : vector<1x256xi32>
    %slice3A_2480 = vector.extract_strided_slice %transpose3A_1925 {offsets = [65, 0], sizes = [1, 256], strides = [1, 1]} : vector<100x256xi32> to vector<1x256xi32>
    %add3A_2481 = arith.addi %mul3A_2479, %slice3A_2480 : vector<1x256xi32>
    %jit3A_2482 = arith.constant -1 : i32
    %broadcast_in_dim3A_2483 = vector.broadcast %jit3A_2482 : i32 to vector<1x256xi32>
    %select_n3A_2484 = arith.select %gt3A_2476, %add3A_2481, %broadcast_in_dim3A_2483 : vector<1x256xi1>, vector<1x256xi32>
    %eq3A_2485 = vector.broadcast %select_n3A_2484 : vector<1x256xi32> to vector<36x256xi32>
    %eq3A_2486 = arith.cmpi eq, %eq3A_2485, %iota3A_1926 : vector<36x256xi32>
    %convert_element_type3A_2487 = arith.extui %eq3A_2486 : vector<36x256xi1> to vector<36x256xi32>
    %convert_element_type3A_2488 = arith.sitofp %convert_element_type3A_2487 : vector<36x256xi32> to vector<36x256xf32>
    %add3A_2489 = arith.addf %add3A_2472, %convert_element_type3A_2488 : vector<36x256xf32>
    %slice3A_2490 = vector.extract_strided_slice %transpose3A_1925 {offsets = [66, 0], sizes = [1, 256], strides = [1, 1]} : vector<100x256xi32> to vector<1x256xi32>
    %gt3A_2491 = arith.constant 0 : i32
    %gt3A_2492 = vector.broadcast %gt3A_2491 : i32 to vector<1x256xi32>
    %gt3A_2493 = arith.cmpi sgt, %slice3A_2490, %gt3A_2492 : vector<1x256xi32>
    %mul3A_2494 = arith.constant 6 : i32
    %mul3A_2495 = vector.broadcast %mul3A_2494 : i32 to vector<1x256xi32>
    %mul3A_2496 = arith.muli %slice3A_2490, %mul3A_2495 : vector<1x256xi32>
    %slice3A_2497 = vector.extract_strided_slice %transpose3A_1925 {offsets = [67, 0], sizes = [1, 256], strides = [1, 1]} : vector<100x256xi32> to vector<1x256xi32>
    %add3A_2498 = arith.addi %mul3A_2496, %slice3A_2497 : vector<1x256xi32>
    %jit3A_2499 = arith.constant -1 : i32
    %broadcast_in_dim3A_2500 = vector.broadcast %jit3A_2499 : i32 to vector<1x256xi32>
    %select_n3A_2501 = arith.select %gt3A_2493, %add3A_2498, %broadcast_in_dim3A_2500 : vector<1x256xi1>, vector<1x256xi32>
    %eq3A_2502 = vector.broadcast %select_n3A_2501 : vector<1x256xi32> to vector<36x256xi32>
    %eq3A_2503 = arith.cmpi eq, %eq3A_2502, %iota3A_1926 : vector<36x256xi32>
    %convert_element_type3A_2504 = arith.extui %eq3A_2503 : vector<36x256xi1> to vector<36x256xi32>
    %convert_element_type3A_2505 = arith.sitofp %convert_element_type3A_2504 : vector<36x256xi32> to vector<36x256xf32>
    %add3A_2506 = arith.addf %add3A_2489, %convert_element_type3A_2505 : vector<36x256xf32>
    %slice3A_2507 = vector.extract_strided_slice %transpose3A_1925 {offsets = [68, 0], sizes = [1, 256], strides = [1, 1]} : vector<100x256xi32> to vector<1x256xi32>
    %gt3A_2508 = arith.constant 0 : i32
    %gt3A_2509 = vector.broadcast %gt3A_2508 : i32 to vector<1x256xi32>
    %gt3A_2510 = arith.cmpi sgt, %slice3A_2507, %gt3A_2509 : vector<1x256xi32>
    %mul3A_2511 = arith.constant 6 : i32
    %mul3A_2512 = vector.broadcast %mul3A_2511 : i32 to vector<1x256xi32>
    %mul3A_2513 = arith.muli %slice3A_2507, %mul3A_2512 : vector<1x256xi32>
    %slice3A_2514 = vector.extract_strided_slice %transpose3A_1925 {offsets = [69, 0], sizes = [1, 256], strides = [1, 1]} : vector<100x256xi32> to vector<1x256xi32>
    %add3A_2515 = arith.addi %mul3A_2513, %slice3A_2514 : vector<1x256xi32>
    %jit3A_2516 = arith.constant -1 : i32
    %broadcast_in_dim3A_2517 = vector.broadcast %jit3A_2516 : i32 to vector<1x256xi32>
    %select_n3A_2518 = arith.select %gt3A_2510, %add3A_2515, %broadcast_in_dim3A_2517 : vector<1x256xi1>, vector<1x256xi32>
    %eq3A_2519 = vector.broadcast %select_n3A_2518 : vector<1x256xi32> to vector<36x256xi32>
    %eq3A_2520 = arith.cmpi eq, %eq3A_2519, %iota3A_1926 : vector<36x256xi32>
    %convert_element_type3A_2521 = arith.extui %eq3A_2520 : vector<36x256xi1> to vector<36x256xi32>
    %convert_element_type3A_2522 = arith.sitofp %convert_element_type3A_2521 : vector<36x256xi32> to vector<36x256xf32>
    %add3A_2523 = arith.addf %add3A_2506, %convert_element_type3A_2522 : vector<36x256xf32>
    %slice3A_2524 = vector.extract_strided_slice %transpose3A_1925 {offsets = [70, 0], sizes = [1, 256], strides = [1, 1]} : vector<100x256xi32> to vector<1x256xi32>
    %gt3A_2525 = arith.constant 0 : i32
    %gt3A_2526 = vector.broadcast %gt3A_2525 : i32 to vector<1x256xi32>
    %gt3A_2527 = arith.cmpi sgt, %slice3A_2524, %gt3A_2526 : vector<1x256xi32>
    %mul3A_2528 = arith.constant 6 : i32
    %mul3A_2529 = vector.broadcast %mul3A_2528 : i32 to vector<1x256xi32>
    %mul3A_2530 = arith.muli %slice3A_2524, %mul3A_2529 : vector<1x256xi32>
    %slice3A_2531 = vector.extract_strided_slice %transpose3A_1925 {offsets = [71, 0], sizes = [1, 256], strides = [1, 1]} : vector<100x256xi32> to vector<1x256xi32>
    %add3A_2532 = arith.addi %mul3A_2530, %slice3A_2531 : vector<1x256xi32>
    %jit3A_2533 = arith.constant -1 : i32
    %broadcast_in_dim3A_2534 = vector.broadcast %jit3A_2533 : i32 to vector<1x256xi32>
    %select_n3A_2535 = arith.select %gt3A_2527, %add3A_2532, %broadcast_in_dim3A_2534 : vector<1x256xi1>, vector<1x256xi32>
    %eq3A_2536 = vector.broadcast %select_n3A_2535 : vector<1x256xi32> to vector<36x256xi32>
    %eq3A_2537 = arith.cmpi eq, %eq3A_2536, %iota3A_1926 : vector<36x256xi32>
    %convert_element_type3A_2538 = arith.extui %eq3A_2537 : vector<36x256xi1> to vector<36x256xi32>
    %convert_element_type3A_2539 = arith.sitofp %convert_element_type3A_2538 : vector<36x256xi32> to vector<36x256xf32>
    %add3A_2540 = arith.addf %add3A_2523, %convert_element_type3A_2539 : vector<36x256xf32>
    %slice3A_2541 = vector.extract_strided_slice %transpose3A_1925 {offsets = [72, 0], sizes = [1, 256], strides = [1, 1]} : vector<100x256xi32> to vector<1x256xi32>
    %gt3A_2542 = arith.constant 0 : i32
    %gt3A_2543 = vector.broadcast %gt3A_2542 : i32 to vector<1x256xi32>
    %gt3A_2544 = arith.cmpi sgt, %slice3A_2541, %gt3A_2543 : vector<1x256xi32>
    %mul3A_2545 = arith.constant 6 : i32
    %mul3A_2546 = vector.broadcast %mul3A_2545 : i32 to vector<1x256xi32>
    %mul3A_2547 = arith.muli %slice3A_2541, %mul3A_2546 : vector<1x256xi32>
    %slice3A_2548 = vector.extract_strided_slice %transpose3A_1925 {offsets = [73, 0], sizes = [1, 256], strides = [1, 1]} : vector<100x256xi32> to vector<1x256xi32>
    %add3A_2549 = arith.addi %mul3A_2547, %slice3A_2548 : vector<1x256xi32>
    %jit3A_2550 = arith.constant -1 : i32
    %broadcast_in_dim3A_2551 = vector.broadcast %jit3A_2550 : i32 to vector<1x256xi32>
    %select_n3A_2552 = arith.select %gt3A_2544, %add3A_2549, %broadcast_in_dim3A_2551 : vector<1x256xi1>, vector<1x256xi32>
    %eq3A_2553 = vector.broadcast %select_n3A_2552 : vector<1x256xi32> to vector<36x256xi32>
    %eq3A_2554 = arith.cmpi eq, %eq3A_2553, %iota3A_1926 : vector<36x256xi32>
    %convert_element_type3A_2555 = arith.extui %eq3A_2554 : vector<36x256xi1> to vector<36x256xi32>
    %convert_element_type3A_2556 = arith.sitofp %convert_element_type3A_2555 : vector<36x256xi32> to vector<36x256xf32>
    %add3A_2557 = arith.addf %add3A_2540, %convert_element_type3A_2556 : vector<36x256xf32>
    %slice3A_2558 = vector.extract_strided_slice %transpose3A_1925 {offsets = [74, 0], sizes = [1, 256], strides = [1, 1]} : vector<100x256xi32> to vector<1x256xi32>
    %gt3A_2559 = arith.constant 0 : i32
    %gt3A_2560 = vector.broadcast %gt3A_2559 : i32 to vector<1x256xi32>
    %gt3A_2561 = arith.cmpi sgt, %slice3A_2558, %gt3A_2560 : vector<1x256xi32>
    %mul3A_2562 = arith.constant 6 : i32
    %mul3A_2563 = vector.broadcast %mul3A_2562 : i32 to vector<1x256xi32>
    %mul3A_2564 = arith.muli %slice3A_2558, %mul3A_2563 : vector<1x256xi32>
    %slice3A_2565 = vector.extract_strided_slice %transpose3A_1925 {offsets = [75, 0], sizes = [1, 256], strides = [1, 1]} : vector<100x256xi32> to vector<1x256xi32>
    %add3A_2566 = arith.addi %mul3A_2564, %slice3A_2565 : vector<1x256xi32>
    %jit3A_2567 = arith.constant -1 : i32
    %broadcast_in_dim3A_2568 = vector.broadcast %jit3A_2567 : i32 to vector<1x256xi32>
    %select_n3A_2569 = arith.select %gt3A_2561, %add3A_2566, %broadcast_in_dim3A_2568 : vector<1x256xi1>, vector<1x256xi32>
    %eq3A_2570 = vector.broadcast %select_n3A_2569 : vector<1x256xi32> to vector<36x256xi32>
    %eq3A_2571 = arith.cmpi eq, %eq3A_2570, %iota3A_1926 : vector<36x256xi32>
    %convert_element_type3A_2572 = arith.extui %eq3A_2571 : vector<36x256xi1> to vector<36x256xi32>
    %convert_element_type3A_2573 = arith.sitofp %convert_element_type3A_2572 : vector<36x256xi32> to vector<36x256xf32>
    %add3A_2574 = arith.addf %add3A_2557, %convert_element_type3A_2573 : vector<36x256xf32>
    %slice3A_2575 = vector.extract_strided_slice %transpose3A_1925 {offsets = [76, 0], sizes = [1, 256], strides = [1, 1]} : vector<100x256xi32> to vector<1x256xi32>
    %gt3A_2576 = arith.constant 0 : i32
    %gt3A_2577 = vector.broadcast %gt3A_2576 : i32 to vector<1x256xi32>
    %gt3A_2578 = arith.cmpi sgt, %slice3A_2575, %gt3A_2577 : vector<1x256xi32>
    %mul3A_2579 = arith.constant 6 : i32
    %mul3A_2580 = vector.broadcast %mul3A_2579 : i32 to vector<1x256xi32>
    %mul3A_2581 = arith.muli %slice3A_2575, %mul3A_2580 : vector<1x256xi32>
    %slice3A_2582 = vector.extract_strided_slice %transpose3A_1925 {offsets = [77, 0], sizes = [1, 256], strides = [1, 1]} : vector<100x256xi32> to vector<1x256xi32>
    %add3A_2583 = arith.addi %mul3A_2581, %slice3A_2582 : vector<1x256xi32>
    %jit3A_2584 = arith.constant -1 : i32
    %broadcast_in_dim3A_2585 = vector.broadcast %jit3A_2584 : i32 to vector<1x256xi32>
    %select_n3A_2586 = arith.select %gt3A_2578, %add3A_2583, %broadcast_in_dim3A_2585 : vector<1x256xi1>, vector<1x256xi32>
    %eq3A_2587 = vector.broadcast %select_n3A_2586 : vector<1x256xi32> to vector<36x256xi32>
    %eq3A_2588 = arith.cmpi eq, %eq3A_2587, %iota3A_1926 : vector<36x256xi32>
    %convert_element_type3A_2589 = arith.extui %eq3A_2588 : vector<36x256xi1> to vector<36x256xi32>
    %convert_element_type3A_2590 = arith.sitofp %convert_element_type3A_2589 : vector<36x256xi32> to vector<36x256xf32>
    %add3A_2591 = arith.addf %add3A_2574, %convert_element_type3A_2590 : vector<36x256xf32>
    %slice3A_2592 = vector.extract_strided_slice %transpose3A_1925 {offsets = [78, 0], sizes = [1, 256], strides = [1, 1]} : vector<100x256xi32> to vector<1x256xi32>
    %gt3A_2593 = arith.constant 0 : i32
    %gt3A_2594 = vector.broadcast %gt3A_2593 : i32 to vector<1x256xi32>
    %gt3A_2595 = arith.cmpi sgt, %slice3A_2592, %gt3A_2594 : vector<1x256xi32>
    %mul3A_2596 = arith.constant 6 : i32
    %mul3A_2597 = vector.broadcast %mul3A_2596 : i32 to vector<1x256xi32>
    %mul3A_2598 = arith.muli %slice3A_2592, %mul3A_2597 : vector<1x256xi32>
    %slice3A_2599 = vector.extract_strided_slice %transpose3A_1925 {offsets = [79, 0], sizes = [1, 256], strides = [1, 1]} : vector<100x256xi32> to vector<1x256xi32>
    %add3A_2600 = arith.addi %mul3A_2598, %slice3A_2599 : vector<1x256xi32>
    %jit3A_2601 = arith.constant -1 : i32
    %broadcast_in_dim3A_2602 = vector.broadcast %jit3A_2601 : i32 to vector<1x256xi32>
    %select_n3A_2603 = arith.select %gt3A_2595, %add3A_2600, %broadcast_in_dim3A_2602 : vector<1x256xi1>, vector<1x256xi32>
    %eq3A_2604 = vector.broadcast %select_n3A_2603 : vector<1x256xi32> to vector<36x256xi32>
    %eq3A_2605 = arith.cmpi eq, %eq3A_2604, %iota3A_1926 : vector<36x256xi32>
    %convert_element_type3A_2606 = arith.extui %eq3A_2605 : vector<36x256xi1> to vector<36x256xi32>
    %convert_element_type3A_2607 = arith.sitofp %convert_element_type3A_2606 : vector<36x256xi32> to vector<36x256xf32>
    %add3A_2608 = arith.addf %add3A_2591, %convert_element_type3A_2607 : vector<36x256xf32>
    %slice3A_2609 = vector.extract_strided_slice %transpose3A_1925 {offsets = [80, 0], sizes = [1, 256], strides = [1, 1]} : vector<100x256xi32> to vector<1x256xi32>
    %gt3A_2610 = arith.constant 0 : i32
    %gt3A_2611 = vector.broadcast %gt3A_2610 : i32 to vector<1x256xi32>
    %gt3A_2612 = arith.cmpi sgt, %slice3A_2609, %gt3A_2611 : vector<1x256xi32>
    %mul3A_2613 = arith.constant 6 : i32
    %mul3A_2614 = vector.broadcast %mul3A_2613 : i32 to vector<1x256xi32>
    %mul3A_2615 = arith.muli %slice3A_2609, %mul3A_2614 : vector<1x256xi32>
    %slice3A_2616 = vector.extract_strided_slice %transpose3A_1925 {offsets = [81, 0], sizes = [1, 256], strides = [1, 1]} : vector<100x256xi32> to vector<1x256xi32>
    %add3A_2617 = arith.addi %mul3A_2615, %slice3A_2616 : vector<1x256xi32>
    %jit3A_2618 = arith.constant -1 : i32
    %broadcast_in_dim3A_2619 = vector.broadcast %jit3A_2618 : i32 to vector<1x256xi32>
    %select_n3A_2620 = arith.select %gt3A_2612, %add3A_2617, %broadcast_in_dim3A_2619 : vector<1x256xi1>, vector<1x256xi32>
    %eq3A_2621 = vector.broadcast %select_n3A_2620 : vector<1x256xi32> to vector<36x256xi32>
    %eq3A_2622 = arith.cmpi eq, %eq3A_2621, %iota3A_1926 : vector<36x256xi32>
    %convert_element_type3A_2623 = arith.extui %eq3A_2622 : vector<36x256xi1> to vector<36x256xi32>
    %convert_element_type3A_2624 = arith.sitofp %convert_element_type3A_2623 : vector<36x256xi32> to vector<36x256xf32>
    %add3A_2625 = arith.addf %add3A_2608, %convert_element_type3A_2624 : vector<36x256xf32>
    %slice3A_2626 = vector.extract_strided_slice %transpose3A_1925 {offsets = [82, 0], sizes = [1, 256], strides = [1, 1]} : vector<100x256xi32> to vector<1x256xi32>
    %gt3A_2627 = arith.constant 0 : i32
    %gt3A_2628 = vector.broadcast %gt3A_2627 : i32 to vector<1x256xi32>
    %gt3A_2629 = arith.cmpi sgt, %slice3A_2626, %gt3A_2628 : vector<1x256xi32>
    %mul3A_2630 = arith.constant 6 : i32
    %mul3A_2631 = vector.broadcast %mul3A_2630 : i32 to vector<1x256xi32>
    %mul3A_2632 = arith.muli %slice3A_2626, %mul3A_2631 : vector<1x256xi32>
    %slice3A_2633 = vector.extract_strided_slice %transpose3A_1925 {offsets = [83, 0], sizes = [1, 256], strides = [1, 1]} : vector<100x256xi32> to vector<1x256xi32>
    %add3A_2634 = arith.addi %mul3A_2632, %slice3A_2633 : vector<1x256xi32>
    %jit3A_2635 = arith.constant -1 : i32
    %broadcast_in_dim3A_2636 = vector.broadcast %jit3A_2635 : i32 to vector<1x256xi32>
    %select_n3A_2637 = arith.select %gt3A_2629, %add3A_2634, %broadcast_in_dim3A_2636 : vector<1x256xi1>, vector<1x256xi32>
    %eq3A_2638 = vector.broadcast %select_n3A_2637 : vector<1x256xi32> to vector<36x256xi32>
    %eq3A_2639 = arith.cmpi eq, %eq3A_2638, %iota3A_1926 : vector<36x256xi32>
    %convert_element_type3A_2640 = arith.extui %eq3A_2639 : vector<36x256xi1> to vector<36x256xi32>
    %convert_element_type3A_2641 = arith.sitofp %convert_element_type3A_2640 : vector<36x256xi32> to vector<36x256xf32>
    %add3A_2642 = arith.addf %add3A_2625, %convert_element_type3A_2641 : vector<36x256xf32>
    %slice3A_2643 = vector.extract_strided_slice %transpose3A_1925 {offsets = [84, 0], sizes = [1, 256], strides = [1, 1]} : vector<100x256xi32> to vector<1x256xi32>
    %gt3A_2644 = arith.constant 0 : i32
    %gt3A_2645 = vector.broadcast %gt3A_2644 : i32 to vector<1x256xi32>
    %gt3A_2646 = arith.cmpi sgt, %slice3A_2643, %gt3A_2645 : vector<1x256xi32>
    %mul3A_2647 = arith.constant 6 : i32
    %mul3A_2648 = vector.broadcast %mul3A_2647 : i32 to vector<1x256xi32>
    %mul3A_2649 = arith.muli %slice3A_2643, %mul3A_2648 : vector<1x256xi32>
    %slice3A_2650 = vector.extract_strided_slice %transpose3A_1925 {offsets = [85, 0], sizes = [1, 256], strides = [1, 1]} : vector<100x256xi32> to vector<1x256xi32>
    %add3A_2651 = arith.addi %mul3A_2649, %slice3A_2650 : vector<1x256xi32>
    %jit3A_2652 = arith.constant -1 : i32
    %broadcast_in_dim3A_2653 = vector.broadcast %jit3A_2652 : i32 to vector<1x256xi32>
    %select_n3A_2654 = arith.select %gt3A_2646, %add3A_2651, %broadcast_in_dim3A_2653 : vector<1x256xi1>, vector<1x256xi32>
    %eq3A_2655 = vector.broadcast %select_n3A_2654 : vector<1x256xi32> to vector<36x256xi32>
    %eq3A_2656 = arith.cmpi eq, %eq3A_2655, %iota3A_1926 : vector<36x256xi32>
    %convert_element_type3A_2657 = arith.extui %eq3A_2656 : vector<36x256xi1> to vector<36x256xi32>
    %convert_element_type3A_2658 = arith.sitofp %convert_element_type3A_2657 : vector<36x256xi32> to vector<36x256xf32>
    %add3A_2659 = arith.addf %add3A_2642, %convert_element_type3A_2658 : vector<36x256xf32>
    %slice3A_2660 = vector.extract_strided_slice %transpose3A_1925 {offsets = [86, 0], sizes = [1, 256], strides = [1, 1]} : vector<100x256xi32> to vector<1x256xi32>
    %gt3A_2661 = arith.constant 0 : i32
    %gt3A_2662 = vector.broadcast %gt3A_2661 : i32 to vector<1x256xi32>
    %gt3A_2663 = arith.cmpi sgt, %slice3A_2660, %gt3A_2662 : vector<1x256xi32>
    %mul3A_2664 = arith.constant 6 : i32
    %mul3A_2665 = vector.broadcast %mul3A_2664 : i32 to vector<1x256xi32>
    %mul3A_2666 = arith.muli %slice3A_2660, %mul3A_2665 : vector<1x256xi32>
    %slice3A_2667 = vector.extract_strided_slice %transpose3A_1925 {offsets = [87, 0], sizes = [1, 256], strides = [1, 1]} : vector<100x256xi32> to vector<1x256xi32>
    %add3A_2668 = arith.addi %mul3A_2666, %slice3A_2667 : vector<1x256xi32>
    %jit3A_2669 = arith.constant -1 : i32
    %broadcast_in_dim3A_2670 = vector.broadcast %jit3A_2669 : i32 to vector<1x256xi32>
    %select_n3A_2671 = arith.select %gt3A_2663, %add3A_2668, %broadcast_in_dim3A_2670 : vector<1x256xi1>, vector<1x256xi32>
    %eq3A_2672 = vector.broadcast %select_n3A_2671 : vector<1x256xi32> to vector<36x256xi32>
    %eq3A_2673 = arith.cmpi eq, %eq3A_2672, %iota3A_1926 : vector<36x256xi32>
    %convert_element_type3A_2674 = arith.extui %eq3A_2673 : vector<36x256xi1> to vector<36x256xi32>
    %convert_element_type3A_2675 = arith.sitofp %convert_element_type3A_2674 : vector<36x256xi32> to vector<36x256xf32>
    %add3A_2676 = arith.addf %add3A_2659, %convert_element_type3A_2675 : vector<36x256xf32>
    %slice3A_2677 = vector.extract_strided_slice %transpose3A_1925 {offsets = [88, 0], sizes = [1, 256], strides = [1, 1]} : vector<100x256xi32> to vector<1x256xi32>
    %gt3A_2678 = arith.constant 0 : i32
    %gt3A_2679 = vector.broadcast %gt3A_2678 : i32 to vector<1x256xi32>
    %gt3A_2680 = arith.cmpi sgt, %slice3A_2677, %gt3A_2679 : vector<1x256xi32>
    %mul3A_2681 = arith.constant 6 : i32
    %mul3A_2682 = vector.broadcast %mul3A_2681 : i32 to vector<1x256xi32>
    %mul3A_2683 = arith.muli %slice3A_2677, %mul3A_2682 : vector<1x256xi32>
    %slice3A_2684 = vector.extract_strided_slice %transpose3A_1925 {offsets = [89, 0], sizes = [1, 256], strides = [1, 1]} : vector<100x256xi32> to vector<1x256xi32>
    %add3A_2685 = arith.addi %mul3A_2683, %slice3A_2684 : vector<1x256xi32>
    %jit3A_2686 = arith.constant -1 : i32
    %broadcast_in_dim3A_2687 = vector.broadcast %jit3A_2686 : i32 to vector<1x256xi32>
    %select_n3A_2688 = arith.select %gt3A_2680, %add3A_2685, %broadcast_in_dim3A_2687 : vector<1x256xi1>, vector<1x256xi32>
    %eq3A_2689 = vector.broadcast %select_n3A_2688 : vector<1x256xi32> to vector<36x256xi32>
    %eq3A_2690 = arith.cmpi eq, %eq3A_2689, %iota3A_1926 : vector<36x256xi32>
    %convert_element_type3A_2691 = arith.extui %eq3A_2690 : vector<36x256xi1> to vector<36x256xi32>
    %convert_element_type3A_2692 = arith.sitofp %convert_element_type3A_2691 : vector<36x256xi32> to vector<36x256xf32>
    %add3A_2693 = arith.addf %add3A_2676, %convert_element_type3A_2692 : vector<36x256xf32>
    %slice3A_2694 = vector.extract_strided_slice %transpose3A_1925 {offsets = [90, 0], sizes = [1, 256], strides = [1, 1]} : vector<100x256xi32> to vector<1x256xi32>
    %gt3A_2695 = arith.constant 0 : i32
    %gt3A_2696 = vector.broadcast %gt3A_2695 : i32 to vector<1x256xi32>
    %gt3A_2697 = arith.cmpi sgt, %slice3A_2694, %gt3A_2696 : vector<1x256xi32>
    %mul3A_2698 = arith.constant 6 : i32
    %mul3A_2699 = vector.broadcast %mul3A_2698 : i32 to vector<1x256xi32>
    %mul3A_2700 = arith.muli %slice3A_2694, %mul3A_2699 : vector<1x256xi32>
    %slice3A_2701 = vector.extract_strided_slice %transpose3A_1925 {offsets = [91, 0], sizes = [1, 256], strides = [1, 1]} : vector<100x256xi32> to vector<1x256xi32>
    %add3A_2702 = arith.addi %mul3A_2700, %slice3A_2701 : vector<1x256xi32>
    %jit3A_2703 = arith.constant -1 : i32
    %broadcast_in_dim3A_2704 = vector.broadcast %jit3A_2703 : i32 to vector<1x256xi32>
    %select_n3A_2705 = arith.select %gt3A_2697, %add3A_2702, %broadcast_in_dim3A_2704 : vector<1x256xi1>, vector<1x256xi32>
    %eq3A_2706 = vector.broadcast %select_n3A_2705 : vector<1x256xi32> to vector<36x256xi32>
    %eq3A_2707 = arith.cmpi eq, %eq3A_2706, %iota3A_1926 : vector<36x256xi32>
    %convert_element_type3A_2708 = arith.extui %eq3A_2707 : vector<36x256xi1> to vector<36x256xi32>
    %convert_element_type3A_2709 = arith.sitofp %convert_element_type3A_2708 : vector<36x256xi32> to vector<36x256xf32>
    %add3A_2710 = arith.addf %add3A_2693, %convert_element_type3A_2709 : vector<36x256xf32>
    %slice3A_2711 = vector.extract_strided_slice %transpose3A_1925 {offsets = [92, 0], sizes = [1, 256], strides = [1, 1]} : vector<100x256xi32> to vector<1x256xi32>
    %gt3A_2712 = arith.constant 0 : i32
    %gt3A_2713 = vector.broadcast %gt3A_2712 : i32 to vector<1x256xi32>
    %gt3A_2714 = arith.cmpi sgt, %slice3A_2711, %gt3A_2713 : vector<1x256xi32>
    %mul3A_2715 = arith.constant 6 : i32
    %mul3A_2716 = vector.broadcast %mul3A_2715 : i32 to vector<1x256xi32>
    %mul3A_2717 = arith.muli %slice3A_2711, %mul3A_2716 : vector<1x256xi32>
    %slice3A_2718 = vector.extract_strided_slice %transpose3A_1925 {offsets = [93, 0], sizes = [1, 256], strides = [1, 1]} : vector<100x256xi32> to vector<1x256xi32>
    %add3A_2719 = arith.addi %mul3A_2717, %slice3A_2718 : vector<1x256xi32>
    %jit3A_2720 = arith.constant -1 : i32
    %broadcast_in_dim3A_2721 = vector.broadcast %jit3A_2720 : i32 to vector<1x256xi32>
    %select_n3A_2722 = arith.select %gt3A_2714, %add3A_2719, %broadcast_in_dim3A_2721 : vector<1x256xi1>, vector<1x256xi32>
    %eq3A_2723 = vector.broadcast %select_n3A_2722 : vector<1x256xi32> to vector<36x256xi32>
    %eq3A_2724 = arith.cmpi eq, %eq3A_2723, %iota3A_1926 : vector<36x256xi32>
    %convert_element_type3A_2725 = arith.extui %eq3A_2724 : vector<36x256xi1> to vector<36x256xi32>
    %convert_element_type3A_2726 = arith.sitofp %convert_element_type3A_2725 : vector<36x256xi32> to vector<36x256xf32>
    %add3A_2727 = arith.addf %add3A_2710, %convert_element_type3A_2726 : vector<36x256xf32>
    %slice3A_2728 = vector.extract_strided_slice %transpose3A_1925 {offsets = [94, 0], sizes = [1, 256], strides = [1, 1]} : vector<100x256xi32> to vector<1x256xi32>
    %gt3A_2729 = arith.constant 0 : i32
    %gt3A_2730 = vector.broadcast %gt3A_2729 : i32 to vector<1x256xi32>
    %gt3A_2731 = arith.cmpi sgt, %slice3A_2728, %gt3A_2730 : vector<1x256xi32>
    %mul3A_2732 = arith.constant 6 : i32
    %mul3A_2733 = vector.broadcast %mul3A_2732 : i32 to vector<1x256xi32>
    %mul3A_2734 = arith.muli %slice3A_2728, %mul3A_2733 : vector<1x256xi32>
    %slice3A_2735 = vector.extract_strided_slice %transpose3A_1925 {offsets = [95, 0], sizes = [1, 256], strides = [1, 1]} : vector<100x256xi32> to vector<1x256xi32>
    %add3A_2736 = arith.addi %mul3A_2734, %slice3A_2735 : vector<1x256xi32>
    %jit3A_2737 = arith.constant -1 : i32
    %broadcast_in_dim3A_2738 = vector.broadcast %jit3A_2737 : i32 to vector<1x256xi32>
    %select_n3A_2739 = arith.select %gt3A_2731, %add3A_2736, %broadcast_in_dim3A_2738 : vector<1x256xi1>, vector<1x256xi32>
    %eq3A_2740 = vector.broadcast %select_n3A_2739 : vector<1x256xi32> to vector<36x256xi32>
    %eq3A_2741 = arith.cmpi eq, %eq3A_2740, %iota3A_1926 : vector<36x256xi32>
    %convert_element_type3A_2742 = arith.extui %eq3A_2741 : vector<36x256xi1> to vector<36x256xi32>
    %convert_element_type3A_2743 = arith.sitofp %convert_element_type3A_2742 : vector<36x256xi32> to vector<36x256xf32>
    %add3A_2744 = arith.addf %add3A_2727, %convert_element_type3A_2743 : vector<36x256xf32>
    %slice3A_2745 = vector.extract_strided_slice %transpose3A_1925 {offsets = [96, 0], sizes = [1, 256], strides = [1, 1]} : vector<100x256xi32> to vector<1x256xi32>
    %gt3A_2746 = arith.constant 0 : i32
    %gt3A_2747 = vector.broadcast %gt3A_2746 : i32 to vector<1x256xi32>
    %gt3A_2748 = arith.cmpi sgt, %slice3A_2745, %gt3A_2747 : vector<1x256xi32>
    %mul3A_2749 = arith.constant 6 : i32
    %mul3A_2750 = vector.broadcast %mul3A_2749 : i32 to vector<1x256xi32>
    %mul3A_2751 = arith.muli %slice3A_2745, %mul3A_2750 : vector<1x256xi32>
    %slice3A_2752 = vector.extract_strided_slice %transpose3A_1925 {offsets = [97, 0], sizes = [1, 256], strides = [1, 1]} : vector<100x256xi32> to vector<1x256xi32>
    %add3A_2753 = arith.addi %mul3A_2751, %slice3A_2752 : vector<1x256xi32>
    %jit3A_2754 = arith.constant -1 : i32
    %broadcast_in_dim3A_2755 = vector.broadcast %jit3A_2754 : i32 to vector<1x256xi32>
    %select_n3A_2756 = arith.select %gt3A_2748, %add3A_2753, %broadcast_in_dim3A_2755 : vector<1x256xi1>, vector<1x256xi32>
    %eq3A_2757 = vector.broadcast %select_n3A_2756 : vector<1x256xi32> to vector<36x256xi32>
    %eq3A_2758 = arith.cmpi eq, %eq3A_2757, %iota3A_1926 : vector<36x256xi32>
    %convert_element_type3A_2759 = arith.extui %eq3A_2758 : vector<36x256xi1> to vector<36x256xi32>
    %convert_element_type3A_2760 = arith.sitofp %convert_element_type3A_2759 : vector<36x256xi32> to vector<36x256xf32>
    %add3A_2761 = arith.addf %add3A_2744, %convert_element_type3A_2760 : vector<36x256xf32>
    %slice3A_2762 = vector.extract_strided_slice %transpose3A_1925 {offsets = [98, 0], sizes = [1, 256], strides = [1, 1]} : vector<100x256xi32> to vector<1x256xi32>
    %gt3A_2763 = arith.constant 0 : i32
    %gt3A_2764 = vector.broadcast %gt3A_2763 : i32 to vector<1x256xi32>
    %gt3A_2765 = arith.cmpi sgt, %slice3A_2762, %gt3A_2764 : vector<1x256xi32>
    %mul3A_2766 = arith.constant 6 : i32
    %mul3A_2767 = vector.broadcast %mul3A_2766 : i32 to vector<1x256xi32>
    %mul3A_2768 = arith.muli %slice3A_2762, %mul3A_2767 : vector<1x256xi32>
    %slice3A_2769 = vector.extract_strided_slice %transpose3A_1925 {offsets = [99, 0], sizes = [1, 256], strides = [1, 1]} : vector<100x256xi32> to vector<1x256xi32>
    %add3A_2770 = arith.addi %mul3A_2768, %slice3A_2769 : vector<1x256xi32>
    %jit3A_2771 = arith.constant -1 : i32
    %broadcast_in_dim3A_2772 = vector.broadcast %jit3A_2771 : i32 to vector<1x256xi32>
    %select_n3A_2773 = arith.select %gt3A_2765, %add3A_2770, %broadcast_in_dim3A_2772 : vector<1x256xi1>, vector<1x256xi32>
    %eq3A_2774 = vector.broadcast %select_n3A_2773 : vector<1x256xi32> to vector<36x256xi32>
    %eq3A_2775 = arith.cmpi eq, %eq3A_2774, %iota3A_1926 : vector<36x256xi32>
    %convert_element_type3A_2776 = arith.extui %eq3A_2775 : vector<36x256xi1> to vector<36x256xi32>
    %convert_element_type3A_2777 = arith.sitofp %convert_element_type3A_2776 : vector<36x256xi32> to vector<36x256xf32>
    %add3A_2778 = arith.addf %add3A_2761, %convert_element_type3A_2777 : vector<36x256xf32>
    %transpose3A_2779 = tpu.transpose %add3A_2778, [1, 0] : vector<36x256xf32> -> vector<256x36xf32>
    %exp3A_2780 = math.exp %add3A_1924 : vector<256x36xf32>
    %mul3A_2781 = arith.mulf %transpose3A_2779, %exp3A_2780 : vector<256x36xf32>
    %reduce_sum3A_2782 = arith.constant dense<0.000000e+00> : vector<256xf32>
    %reduce_sum3A_2783 = vector.multi_reduction <add>, %mul3A_2781, %reduce_sum3A_2782 [1] : vector<256x36xf32> to vector<256xf32>
    %broadcast_in_dim3A_2784 = vector.shape_cast %reduce_sum3A_2783 : vector<256xf32> to vector<256x1xf32>
    %add3A_2785 = arith.constant 1.000000e-10 : f32
    %add3A_2786 = vector.broadcast %add3A_2785 : f32 to vector<256x1xf32>
    %add3A_2787 = arith.addf %broadcast_in_dim3A_2784, %add3A_2786 : vector<256x1xf32>
    %dot_general3A_2788 = arith.constant dense<0.000000e+00> : vector<256x64xf32>
    %dot_general3A_2789 = tpu.matmul %mul3A_2781, %add3A_1432, %dot_general3A_2788 {dimension_numbers = #tpu.dot_dimension_numbers<[1], [0], [0], [1], [0, 0, 1, 1], [], []>, transpose_lhs_hint = false} : vector<256x36xf32>, vector<36x64xf32>, vector<256x64xf32> -> vector<256x64xf32>
    %div3A_2790 = vector.broadcast %add3A_2787 : vector<256x1xf32> to vector<256x64xf32>
    %div3A_2791 = arith.divf %dot_general3A_2789, %div3A_2790 : vector<256x64xf32>
    %get3A_2792 = arith.constant 0 : index
    %get3A_2793 = arith.constant 0 : index
    %get3A_2794 = vector.load %arg32[%get3A_2792, %get3A_2793] : memref<64x64xf32, #tpu.memory_space<vmem>>, vector<64x64xf32>
    %dot_general3A_2795 = arith.constant dense<0.000000e+00> : vector<256x64xf32>
    %dot_general3A_2796 = tpu.matmul %div3A_2791, %get3A_2794, %dot_general3A_2795 {dimension_numbers = #tpu.dot_dimension_numbers<[1], [0], [0], [1], [0, 0, 1, 1], [], []>, transpose_lhs_hint = false} : vector<256x64xf32>, vector<64x64xf32>, vector<256x64xf32> -> vector<256x64xf32>
    %get3A_2797 = arith.constant 0 : index
    %get3A_2798 = arith.constant 0 : index
    %get3A_2799 = vector.load %arg33[%get3A_2797, %get3A_2798] : memref<1x64xf32, #tpu.memory_space<vmem>>, vector<1x64xf32>
    %add3A_2800 = vector.broadcast %get3A_2799 : vector<1x64xf32> to vector<256x64xf32>
    %add3A_2801 = arith.addf %dot_general3A_2796, %add3A_2800 : vector<256x64xf32>
    %tanh3A_2802 = math.tanh %add3A_2801 : vector<256x64xf32>
    %get3A_2803 = arith.constant 0 : index
    %get3A_2804 = arith.constant 0 : index
    %get3A_2805 = vector.load %arg5[%get3A_2803, %get3A_2804] : memref<36x128xf32, #tpu.memory_space<vmem>>, vector<36x128xf32>
    %get3A_2806 = arith.constant 0 : index
    %get3A_2807 = arith.constant 0 : index
    %get3A_2808 = vector.load %arg34[%get3A_2806, %get3A_2807] : memref<128x64xf32, #tpu.memory_space<vmem>>, vector<128x64xf32>
    %dot_general3A_2809 = arith.constant dense<0.000000e+00> : vector<36x64xf32>
    %dot_general3A_2810 = tpu.matmul %get3A_2805, %get3A_2808, %dot_general3A_2809 {dimension_numbers = #tpu.dot_dimension_numbers<[1], [0], [0], [1], [0, 0, 1, 1], [], []>, transpose_lhs_hint = false} : vector<36x128xf32>, vector<128x64xf32>, vector<36x64xf32> -> vector<36x64xf32>
    %get3A_2811 = arith.constant 0 : index
    %get3A_2812 = arith.constant 0 : index
    %get3A_2813 = vector.load %arg35[%get3A_2811, %get3A_2812] : memref<1x64xf32, #tpu.memory_space<vmem>>, vector<1x64xf32>
    %add3A_2814 = vector.broadcast %get3A_2813 : vector<1x64xf32> to vector<36x64xf32>
    %add3A_2815 = arith.addf %dot_general3A_2810, %add3A_2814 : vector<36x64xf32>
    %tanh3A_2816 = math.tanh %add3A_2815 : vector<36x64xf32>
    %get3A_2817 = arith.constant 0 : index
    %get3A_2818 = arith.constant 0 : index
    %get3A_2819 = vector.load %arg36[%get3A_2817, %get3A_2818] : memref<64x64xf32, #tpu.memory_space<vmem>>, vector<64x64xf32>
    %dot_general3A_2820 = arith.constant dense<0.000000e+00> : vector<36x64xf32>
    %dot_general3A_2821 = tpu.matmul %tanh3A_2816, %get3A_2819, %dot_general3A_2820 {dimension_numbers = #tpu.dot_dimension_numbers<[1], [0], [0], [1], [0, 0, 1, 1], [], []>, transpose_lhs_hint = false} : vector<36x64xf32>, vector<64x64xf32>, vector<36x64xf32> -> vector<36x64xf32>
    %get3A_2822 = arith.constant 0 : index
    %get3A_2823 = arith.constant 0 : index
    %get3A_2824 = vector.load %arg37[%get3A_2822, %get3A_2823] : memref<1x64xf32, #tpu.memory_space<vmem>>, vector<1x64xf32>
    %add3A_2825 = vector.broadcast %get3A_2824 : vector<1x64xf32> to vector<36x64xf32>
    %add3A_2826 = arith.addf %dot_general3A_2821, %add3A_2825 : vector<36x64xf32>
    %get3A_2827 = arith.constant 0 : index
    %get3A_2828 = arith.constant 0 : index
    %get3A_2829 = vector.load %arg38[%get3A_2827, %get3A_2828] : memref<128x64xf32, #tpu.memory_space<vmem>>, vector<128x64xf32>
    %slice3A_2830 = vector.extract_strided_slice %get3A_2829 {offsets = [0, 0], sizes = [64, 64], strides = [1, 1]} : vector<128x64xf32> to vector<64x64xf32>
    %dot_general3A_2831 = arith.constant dense<0.000000e+00> : vector<36x64xf32>
    %dot_general3A_2832 = tpu.matmul %add3A_2826, %slice3A_2830, %dot_general3A_2831 {dimension_numbers = #tpu.dot_dimension_numbers<[1], [0], [0], [1], [0, 0, 1, 1], [], []>, transpose_lhs_hint = false} : vector<36x64xf32>, vector<64x64xf32>, vector<36x64xf32> -> vector<36x64xf32>
    %get3A_2833 = arith.constant 0 : index
    %get3A_2834 = arith.constant 0 : index
    %get3A_2835 = vector.load %arg7[%get3A_2833, %get3A_2834] : memref<6x64xf32, #tpu.memory_space<vmem>>, vector<6x64xf32>
    %get3A_2836 = arith.constant 0 : index
    %get3A_2837 = arith.constant 0 : index
    %get3A_2838 = vector.load %arg38[%get3A_2836, %get3A_2837] : memref<128x64xf32, #tpu.memory_space<vmem>>, vector<128x64xf32>
    %slice3A_2839 = vector.extract_strided_slice %get3A_2838 {offsets = [64, 0], sizes = [64, 64], strides = [1, 1]} : vector<128x64xf32> to vector<64x64xf32>
    %dot_general3A_2840 = arith.constant dense<0.000000e+00> : vector<6x64xf32>
    %dot_general3A_2841 = tpu.matmul %get3A_2835, %slice3A_2839, %dot_general3A_2840 {dimension_numbers = #tpu.dot_dimension_numbers<[1], [0], [0], [1], [0, 0, 1, 1], [], []>, transpose_lhs_hint = false} : vector<6x64xf32>, vector<64x64xf32>, vector<6x64xf32> -> vector<6x64xf32>
    %get3A_2842 = arith.constant 0 : index
    %get3A_2843 = arith.constant 0 : index
    %get3A_2844 = vector.load %arg39[%get3A_2842, %get3A_2843] : memref<1x64xf32, #tpu.memory_space<vmem>>, vector<1x64xf32>
    %get3A_2845 = arith.constant 0 : index
    %get3A_2846 = arith.constant 0 : index
    %get3A_2847 = vector.load %arg40[%get3A_2845, %get3A_2846] : memref<1x64xf32, #tpu.memory_space<vmem>>, vector<1x64xf32>
    %get3A_2848 = arith.constant 0 : index
    %get3A_2849 = arith.constant 0 : index
    %get3A_2850 = vector.load %arg41[%get3A_2848, %get3A_2849] : memref<1x1xf32, #tpu.memory_space<vmem>>, vector<1x1xf32>
    %slice3A_2851 = vector.extract_strided_slice %dot_general3A_2832 {offsets = [0, 0], sizes = [1, 64], strides = [1, 1]} : vector<36x64xf32> to vector<1x64xf32>
    %add3A_2852 = vector.broadcast %slice3A_2851 : vector<1x64xf32> to vector<6x64xf32>
    %add3A_2853 = arith.addf %dot_general3A_2841, %add3A_2852 : vector<6x64xf32>
    %add3A_2854 = vector.broadcast %get3A_2844 : vector<1x64xf32> to vector<6x64xf32>
    %add3A_2855 = arith.addf %add3A_2853, %add3A_2854 : vector<6x64xf32>
    %max3A_2856 = arith.constant 0.000000e+00 : f32
    %max3A_2857 = vector.broadcast %max3A_2856 : f32 to vector<6x64xf32>
    %max3A_2858 = arith.maximumf %add3A_2855, %max3A_2857 : vector<6x64xf32>
    %mul3A_2859 = vector.broadcast %get3A_2847 : vector<1x64xf32> to vector<6x64xf32>
    %mul3A_2860 = arith.mulf %max3A_2858, %mul3A_2859 : vector<6x64xf32>
    %reduce_sum3A_2861 = arith.constant dense<0.000000e+00> : vector<6xf32>
    %reduce_sum3A_2862 = vector.multi_reduction <add>, %mul3A_2860, %reduce_sum3A_2861 [1] : vector<6x64xf32> to vector<6xf32>
    %broadcast_in_dim3A_2863 = vector.shape_cast %reduce_sum3A_2862 : vector<6xf32> to vector<6x1xf32>
    %slice3A_2864 = vector.extract_strided_slice %dot_general3A_2832 {offsets = [1, 0], sizes = [1, 64], strides = [1, 1]} : vector<36x64xf32> to vector<1x64xf32>
    %add3A_2865 = vector.broadcast %slice3A_2864 : vector<1x64xf32> to vector<6x64xf32>
    %add3A_2866 = arith.addf %dot_general3A_2841, %add3A_2865 : vector<6x64xf32>
    %add3A_2867 = vector.broadcast %get3A_2844 : vector<1x64xf32> to vector<6x64xf32>
    %add3A_2868 = arith.addf %add3A_2866, %add3A_2867 : vector<6x64xf32>
    %max3A_2869 = arith.constant 0.000000e+00 : f32
    %max3A_2870 = vector.broadcast %max3A_2869 : f32 to vector<6x64xf32>
    %max3A_2871 = arith.maximumf %add3A_2868, %max3A_2870 : vector<6x64xf32>
    %mul3A_2872 = vector.broadcast %get3A_2847 : vector<1x64xf32> to vector<6x64xf32>
    %mul3A_2873 = arith.mulf %max3A_2871, %mul3A_2872 : vector<6x64xf32>
    %reduce_sum3A_2874 = arith.constant dense<0.000000e+00> : vector<6xf32>
    %reduce_sum3A_2875 = vector.multi_reduction <add>, %mul3A_2873, %reduce_sum3A_2874 [1] : vector<6x64xf32> to vector<6xf32>
    %broadcast_in_dim3A_2876 = vector.shape_cast %reduce_sum3A_2875 : vector<6xf32> to vector<6x1xf32>
    %slice3A_2877 = vector.extract_strided_slice %dot_general3A_2832 {offsets = [2, 0], sizes = [1, 64], strides = [1, 1]} : vector<36x64xf32> to vector<1x64xf32>
    %add3A_2878 = vector.broadcast %slice3A_2877 : vector<1x64xf32> to vector<6x64xf32>
    %add3A_2879 = arith.addf %dot_general3A_2841, %add3A_2878 : vector<6x64xf32>
    %add3A_2880 = vector.broadcast %get3A_2844 : vector<1x64xf32> to vector<6x64xf32>
    %add3A_2881 = arith.addf %add3A_2879, %add3A_2880 : vector<6x64xf32>
    %max3A_2882 = arith.constant 0.000000e+00 : f32
    %max3A_2883 = vector.broadcast %max3A_2882 : f32 to vector<6x64xf32>
    %max3A_2884 = arith.maximumf %add3A_2881, %max3A_2883 : vector<6x64xf32>
    %mul3A_2885 = vector.broadcast %get3A_2847 : vector<1x64xf32> to vector<6x64xf32>
    %mul3A_2886 = arith.mulf %max3A_2884, %mul3A_2885 : vector<6x64xf32>
    %reduce_sum3A_2887 = arith.constant dense<0.000000e+00> : vector<6xf32>
    %reduce_sum3A_2888 = vector.multi_reduction <add>, %mul3A_2886, %reduce_sum3A_2887 [1] : vector<6x64xf32> to vector<6xf32>
    %broadcast_in_dim3A_2889 = vector.shape_cast %reduce_sum3A_2888 : vector<6xf32> to vector<6x1xf32>
    %slice3A_2890 = vector.extract_strided_slice %dot_general3A_2832 {offsets = [3, 0], sizes = [1, 64], strides = [1, 1]} : vector<36x64xf32> to vector<1x64xf32>
    %add3A_2891 = vector.broadcast %slice3A_2890 : vector<1x64xf32> to vector<6x64xf32>
    %add3A_2892 = arith.addf %dot_general3A_2841, %add3A_2891 : vector<6x64xf32>
    %add3A_2893 = vector.broadcast %get3A_2844 : vector<1x64xf32> to vector<6x64xf32>
    %add3A_2894 = arith.addf %add3A_2892, %add3A_2893 : vector<6x64xf32>
    %max3A_2895 = arith.constant 0.000000e+00 : f32
    %max3A_2896 = vector.broadcast %max3A_2895 : f32 to vector<6x64xf32>
    %max3A_2897 = arith.maximumf %add3A_2894, %max3A_2896 : vector<6x64xf32>
    %mul3A_2898 = vector.broadcast %get3A_2847 : vector<1x64xf32> to vector<6x64xf32>
    %mul3A_2899 = arith.mulf %max3A_2897, %mul3A_2898 : vector<6x64xf32>
    %reduce_sum3A_2900 = arith.constant dense<0.000000e+00> : vector<6xf32>
    %reduce_sum3A_2901 = vector.multi_reduction <add>, %mul3A_2899, %reduce_sum3A_2900 [1] : vector<6x64xf32> to vector<6xf32>
    %broadcast_in_dim3A_2902 = vector.shape_cast %reduce_sum3A_2901 : vector<6xf32> to vector<6x1xf32>
    %slice3A_2903 = vector.extract_strided_slice %dot_general3A_2832 {offsets = [4, 0], sizes = [1, 64], strides = [1, 1]} : vector<36x64xf32> to vector<1x64xf32>
    %add3A_2904 = vector.broadcast %slice3A_2903 : vector<1x64xf32> to vector<6x64xf32>
    %add3A_2905 = arith.addf %dot_general3A_2841, %add3A_2904 : vector<6x64xf32>
    %add3A_2906 = vector.broadcast %get3A_2844 : vector<1x64xf32> to vector<6x64xf32>
    %add3A_2907 = arith.addf %add3A_2905, %add3A_2906 : vector<6x64xf32>
    %max3A_2908 = arith.constant 0.000000e+00 : f32
    %max3A_2909 = vector.broadcast %max3A_2908 : f32 to vector<6x64xf32>
    %max3A_2910 = arith.maximumf %add3A_2907, %max3A_2909 : vector<6x64xf32>
    %mul3A_2911 = vector.broadcast %get3A_2847 : vector<1x64xf32> to vector<6x64xf32>
    %mul3A_2912 = arith.mulf %max3A_2910, %mul3A_2911 : vector<6x64xf32>
    %reduce_sum3A_2913 = arith.constant dense<0.000000e+00> : vector<6xf32>
    %reduce_sum3A_2914 = vector.multi_reduction <add>, %mul3A_2912, %reduce_sum3A_2913 [1] : vector<6x64xf32> to vector<6xf32>
    %broadcast_in_dim3A_2915 = vector.shape_cast %reduce_sum3A_2914 : vector<6xf32> to vector<6x1xf32>
    %slice3A_2916 = vector.extract_strided_slice %dot_general3A_2832 {offsets = [5, 0], sizes = [1, 64], strides = [1, 1]} : vector<36x64xf32> to vector<1x64xf32>
    %add3A_2917 = vector.broadcast %slice3A_2916 : vector<1x64xf32> to vector<6x64xf32>
    %add3A_2918 = arith.addf %dot_general3A_2841, %add3A_2917 : vector<6x64xf32>
    %add3A_2919 = vector.broadcast %get3A_2844 : vector<1x64xf32> to vector<6x64xf32>
    %add3A_2920 = arith.addf %add3A_2918, %add3A_2919 : vector<6x64xf32>
    %max3A_2921 = arith.constant 0.000000e+00 : f32
    %max3A_2922 = vector.broadcast %max3A_2921 : f32 to vector<6x64xf32>
    %max3A_2923 = arith.maximumf %add3A_2920, %max3A_2922 : vector<6x64xf32>
    %mul3A_2924 = vector.broadcast %get3A_2847 : vector<1x64xf32> to vector<6x64xf32>
    %mul3A_2925 = arith.mulf %max3A_2923, %mul3A_2924 : vector<6x64xf32>
    %reduce_sum3A_2926 = arith.constant dense<0.000000e+00> : vector<6xf32>
    %reduce_sum3A_2927 = vector.multi_reduction <add>, %mul3A_2925, %reduce_sum3A_2926 [1] : vector<6x64xf32> to vector<6xf32>
    %broadcast_in_dim3A_2928 = vector.shape_cast %reduce_sum3A_2927 : vector<6xf32> to vector<6x1xf32>
    %slice3A_2929 = vector.extract_strided_slice %dot_general3A_2832 {offsets = [6, 0], sizes = [1, 64], strides = [1, 1]} : vector<36x64xf32> to vector<1x64xf32>
    %add3A_2930 = vector.broadcast %slice3A_2929 : vector<1x64xf32> to vector<6x64xf32>
    %add3A_2931 = arith.addf %dot_general3A_2841, %add3A_2930 : vector<6x64xf32>
    %add3A_2932 = vector.broadcast %get3A_2844 : vector<1x64xf32> to vector<6x64xf32>
    %add3A_2933 = arith.addf %add3A_2931, %add3A_2932 : vector<6x64xf32>
    %max3A_2934 = arith.constant 0.000000e+00 : f32
    %max3A_2935 = vector.broadcast %max3A_2934 : f32 to vector<6x64xf32>
    %max3A_2936 = arith.maximumf %add3A_2933, %max3A_2935 : vector<6x64xf32>
    %mul3A_2937 = vector.broadcast %get3A_2847 : vector<1x64xf32> to vector<6x64xf32>
    %mul3A_2938 = arith.mulf %max3A_2936, %mul3A_2937 : vector<6x64xf32>
    %reduce_sum3A_2939 = arith.constant dense<0.000000e+00> : vector<6xf32>
    %reduce_sum3A_2940 = vector.multi_reduction <add>, %mul3A_2938, %reduce_sum3A_2939 [1] : vector<6x64xf32> to vector<6xf32>
    %broadcast_in_dim3A_2941 = vector.shape_cast %reduce_sum3A_2940 : vector<6xf32> to vector<6x1xf32>
    %slice3A_2942 = vector.extract_strided_slice %dot_general3A_2832 {offsets = [7, 0], sizes = [1, 64], strides = [1, 1]} : vector<36x64xf32> to vector<1x64xf32>
    %add3A_2943 = vector.broadcast %slice3A_2942 : vector<1x64xf32> to vector<6x64xf32>
    %add3A_2944 = arith.addf %dot_general3A_2841, %add3A_2943 : vector<6x64xf32>
    %add3A_2945 = vector.broadcast %get3A_2844 : vector<1x64xf32> to vector<6x64xf32>
    %add3A_2946 = arith.addf %add3A_2944, %add3A_2945 : vector<6x64xf32>
    %max3A_2947 = arith.constant 0.000000e+00 : f32
    %max3A_2948 = vector.broadcast %max3A_2947 : f32 to vector<6x64xf32>
    %max3A_2949 = arith.maximumf %add3A_2946, %max3A_2948 : vector<6x64xf32>
    %mul3A_2950 = vector.broadcast %get3A_2847 : vector<1x64xf32> to vector<6x64xf32>
    %mul3A_2951 = arith.mulf %max3A_2949, %mul3A_2950 : vector<6x64xf32>
    %reduce_sum3A_2952 = arith.constant dense<0.000000e+00> : vector<6xf32>
    %reduce_sum3A_2953 = vector.multi_reduction <add>, %mul3A_2951, %reduce_sum3A_2952 [1] : vector<6x64xf32> to vector<6xf32>
    %broadcast_in_dim3A_2954 = vector.shape_cast %reduce_sum3A_2953 : vector<6xf32> to vector<6x1xf32>
    %slice3A_2955 = vector.extract_strided_slice %dot_general3A_2832 {offsets = [8, 0], sizes = [1, 64], strides = [1, 1]} : vector<36x64xf32> to vector<1x64xf32>
    %add3A_2956 = vector.broadcast %slice3A_2955 : vector<1x64xf32> to vector<6x64xf32>
    %add3A_2957 = arith.addf %dot_general3A_2841, %add3A_2956 : vector<6x64xf32>
    %add3A_2958 = vector.broadcast %get3A_2844 : vector<1x64xf32> to vector<6x64xf32>
    %add3A_2959 = arith.addf %add3A_2957, %add3A_2958 : vector<6x64xf32>
    %max3A_2960 = arith.constant 0.000000e+00 : f32
    %max3A_2961 = vector.broadcast %max3A_2960 : f32 to vector<6x64xf32>
    %max3A_2962 = arith.maximumf %add3A_2959, %max3A_2961 : vector<6x64xf32>
    %mul3A_2963 = vector.broadcast %get3A_2847 : vector<1x64xf32> to vector<6x64xf32>
    %mul3A_2964 = arith.mulf %max3A_2962, %mul3A_2963 : vector<6x64xf32>
    %reduce_sum3A_2965 = arith.constant dense<0.000000e+00> : vector<6xf32>
    %reduce_sum3A_2966 = vector.multi_reduction <add>, %mul3A_2964, %reduce_sum3A_2965 [1] : vector<6x64xf32> to vector<6xf32>
    %broadcast_in_dim3A_2967 = vector.shape_cast %reduce_sum3A_2966 : vector<6xf32> to vector<6x1xf32>
    %slice3A_2968 = vector.extract_strided_slice %dot_general3A_2832 {offsets = [9, 0], sizes = [1, 64], strides = [1, 1]} : vector<36x64xf32> to vector<1x64xf32>
    %add3A_2969 = vector.broadcast %slice3A_2968 : vector<1x64xf32> to vector<6x64xf32>
    %add3A_2970 = arith.addf %dot_general3A_2841, %add3A_2969 : vector<6x64xf32>
    %add3A_2971 = vector.broadcast %get3A_2844 : vector<1x64xf32> to vector<6x64xf32>
    %add3A_2972 = arith.addf %add3A_2970, %add3A_2971 : vector<6x64xf32>
    %max3A_2973 = arith.constant 0.000000e+00 : f32
    %max3A_2974 = vector.broadcast %max3A_2973 : f32 to vector<6x64xf32>
    %max3A_2975 = arith.maximumf %add3A_2972, %max3A_2974 : vector<6x64xf32>
    %mul3A_2976 = vector.broadcast %get3A_2847 : vector<1x64xf32> to vector<6x64xf32>
    %mul3A_2977 = arith.mulf %max3A_2975, %mul3A_2976 : vector<6x64xf32>
    %reduce_sum3A_2978 = arith.constant dense<0.000000e+00> : vector<6xf32>
    %reduce_sum3A_2979 = vector.multi_reduction <add>, %mul3A_2977, %reduce_sum3A_2978 [1] : vector<6x64xf32> to vector<6xf32>
    %broadcast_in_dim3A_2980 = vector.shape_cast %reduce_sum3A_2979 : vector<6xf32> to vector<6x1xf32>
    %slice3A_2981 = vector.extract_strided_slice %dot_general3A_2832 {offsets = [10, 0], sizes = [1, 64], strides = [1, 1]} : vector<36x64xf32> to vector<1x64xf32>
    %add3A_2982 = vector.broadcast %slice3A_2981 : vector<1x64xf32> to vector<6x64xf32>
    %add3A_2983 = arith.addf %dot_general3A_2841, %add3A_2982 : vector<6x64xf32>
    %add3A_2984 = vector.broadcast %get3A_2844 : vector<1x64xf32> to vector<6x64xf32>
    %add3A_2985 = arith.addf %add3A_2983, %add3A_2984 : vector<6x64xf32>
    %max3A_2986 = arith.constant 0.000000e+00 : f32
    %max3A_2987 = vector.broadcast %max3A_2986 : f32 to vector<6x64xf32>
    %max3A_2988 = arith.maximumf %add3A_2985, %max3A_2987 : vector<6x64xf32>
    %mul3A_2989 = vector.broadcast %get3A_2847 : vector<1x64xf32> to vector<6x64xf32>
    %mul3A_2990 = arith.mulf %max3A_2988, %mul3A_2989 : vector<6x64xf32>
    %reduce_sum3A_2991 = arith.constant dense<0.000000e+00> : vector<6xf32>
    %reduce_sum3A_2992 = vector.multi_reduction <add>, %mul3A_2990, %reduce_sum3A_2991 [1] : vector<6x64xf32> to vector<6xf32>
    %broadcast_in_dim3A_2993 = vector.shape_cast %reduce_sum3A_2992 : vector<6xf32> to vector<6x1xf32>
    %slice3A_2994 = vector.extract_strided_slice %dot_general3A_2832 {offsets = [11, 0], sizes = [1, 64], strides = [1, 1]} : vector<36x64xf32> to vector<1x64xf32>
    %add3A_2995 = vector.broadcast %slice3A_2994 : vector<1x64xf32> to vector<6x64xf32>
    %add3A_2996 = arith.addf %dot_general3A_2841, %add3A_2995 : vector<6x64xf32>
    %add3A_2997 = vector.broadcast %get3A_2844 : vector<1x64xf32> to vector<6x64xf32>
    %add3A_2998 = arith.addf %add3A_2996, %add3A_2997 : vector<6x64xf32>
    %max3A_2999 = arith.constant 0.000000e+00 : f32
    %max3A_3000 = vector.broadcast %max3A_2999 : f32 to vector<6x64xf32>
    %max3A_3001 = arith.maximumf %add3A_2998, %max3A_3000 : vector<6x64xf32>
    %mul3A_3002 = vector.broadcast %get3A_2847 : vector<1x64xf32> to vector<6x64xf32>
    %mul3A_3003 = arith.mulf %max3A_3001, %mul3A_3002 : vector<6x64xf32>
    %reduce_sum3A_3004 = arith.constant dense<0.000000e+00> : vector<6xf32>
    %reduce_sum3A_3005 = vector.multi_reduction <add>, %mul3A_3003, %reduce_sum3A_3004 [1] : vector<6x64xf32> to vector<6xf32>
    %broadcast_in_dim3A_3006 = vector.shape_cast %reduce_sum3A_3005 : vector<6xf32> to vector<6x1xf32>
    %slice3A_3007 = vector.extract_strided_slice %dot_general3A_2832 {offsets = [12, 0], sizes = [1, 64], strides = [1, 1]} : vector<36x64xf32> to vector<1x64xf32>
    %add3A_3008 = vector.broadcast %slice3A_3007 : vector<1x64xf32> to vector<6x64xf32>
    %add3A_3009 = arith.addf %dot_general3A_2841, %add3A_3008 : vector<6x64xf32>
    %add3A_3010 = vector.broadcast %get3A_2844 : vector<1x64xf32> to vector<6x64xf32>
    %add3A_3011 = arith.addf %add3A_3009, %add3A_3010 : vector<6x64xf32>
    %max3A_3012 = arith.constant 0.000000e+00 : f32
    %max3A_3013 = vector.broadcast %max3A_3012 : f32 to vector<6x64xf32>
    %max3A_3014 = arith.maximumf %add3A_3011, %max3A_3013 : vector<6x64xf32>
    %mul3A_3015 = vector.broadcast %get3A_2847 : vector<1x64xf32> to vector<6x64xf32>
    %mul3A_3016 = arith.mulf %max3A_3014, %mul3A_3015 : vector<6x64xf32>
    %reduce_sum3A_3017 = arith.constant dense<0.000000e+00> : vector<6xf32>
    %reduce_sum3A_3018 = vector.multi_reduction <add>, %mul3A_3016, %reduce_sum3A_3017 [1] : vector<6x64xf32> to vector<6xf32>
    %broadcast_in_dim3A_3019 = vector.shape_cast %reduce_sum3A_3018 : vector<6xf32> to vector<6x1xf32>
    %slice3A_3020 = vector.extract_strided_slice %dot_general3A_2832 {offsets = [13, 0], sizes = [1, 64], strides = [1, 1]} : vector<36x64xf32> to vector<1x64xf32>
    %add3A_3021 = vector.broadcast %slice3A_3020 : vector<1x64xf32> to vector<6x64xf32>
    %add3A_3022 = arith.addf %dot_general3A_2841, %add3A_3021 : vector<6x64xf32>
    %add3A_3023 = vector.broadcast %get3A_2844 : vector<1x64xf32> to vector<6x64xf32>
    %add3A_3024 = arith.addf %add3A_3022, %add3A_3023 : vector<6x64xf32>
    %max3A_3025 = arith.constant 0.000000e+00 : f32
    %max3A_3026 = vector.broadcast %max3A_3025 : f32 to vector<6x64xf32>
    %max3A_3027 = arith.maximumf %add3A_3024, %max3A_3026 : vector<6x64xf32>
    %mul3A_3028 = vector.broadcast %get3A_2847 : vector<1x64xf32> to vector<6x64xf32>
    %mul3A_3029 = arith.mulf %max3A_3027, %mul3A_3028 : vector<6x64xf32>
    %reduce_sum3A_3030 = arith.constant dense<0.000000e+00> : vector<6xf32>
    %reduce_sum3A_3031 = vector.multi_reduction <add>, %mul3A_3029, %reduce_sum3A_3030 [1] : vector<6x64xf32> to vector<6xf32>
    %broadcast_in_dim3A_3032 = vector.shape_cast %reduce_sum3A_3031 : vector<6xf32> to vector<6x1xf32>
    %slice3A_3033 = vector.extract_strided_slice %dot_general3A_2832 {offsets = [14, 0], sizes = [1, 64], strides = [1, 1]} : vector<36x64xf32> to vector<1x64xf32>
    %add3A_3034 = vector.broadcast %slice3A_3033 : vector<1x64xf32> to vector<6x64xf32>
    %add3A_3035 = arith.addf %dot_general3A_2841, %add3A_3034 : vector<6x64xf32>
    %add3A_3036 = vector.broadcast %get3A_2844 : vector<1x64xf32> to vector<6x64xf32>
    %add3A_3037 = arith.addf %add3A_3035, %add3A_3036 : vector<6x64xf32>
    %max3A_3038 = arith.constant 0.000000e+00 : f32
    %max3A_3039 = vector.broadcast %max3A_3038 : f32 to vector<6x64xf32>
    %max3A_3040 = arith.maximumf %add3A_3037, %max3A_3039 : vector<6x64xf32>
    %mul3A_3041 = vector.broadcast %get3A_2847 : vector<1x64xf32> to vector<6x64xf32>
    %mul3A_3042 = arith.mulf %max3A_3040, %mul3A_3041 : vector<6x64xf32>
    %reduce_sum3A_3043 = arith.constant dense<0.000000e+00> : vector<6xf32>
    %reduce_sum3A_3044 = vector.multi_reduction <add>, %mul3A_3042, %reduce_sum3A_3043 [1] : vector<6x64xf32> to vector<6xf32>
    %broadcast_in_dim3A_3045 = vector.shape_cast %reduce_sum3A_3044 : vector<6xf32> to vector<6x1xf32>
    %slice3A_3046 = vector.extract_strided_slice %dot_general3A_2832 {offsets = [15, 0], sizes = [1, 64], strides = [1, 1]} : vector<36x64xf32> to vector<1x64xf32>
    %add3A_3047 = vector.broadcast %slice3A_3046 : vector<1x64xf32> to vector<6x64xf32>
    %add3A_3048 = arith.addf %dot_general3A_2841, %add3A_3047 : vector<6x64xf32>
    %add3A_3049 = vector.broadcast %get3A_2844 : vector<1x64xf32> to vector<6x64xf32>
    %add3A_3050 = arith.addf %add3A_3048, %add3A_3049 : vector<6x64xf32>
    %max3A_3051 = arith.constant 0.000000e+00 : f32
    %max3A_3052 = vector.broadcast %max3A_3051 : f32 to vector<6x64xf32>
    %max3A_3053 = arith.maximumf %add3A_3050, %max3A_3052 : vector<6x64xf32>
    %mul3A_3054 = vector.broadcast %get3A_2847 : vector<1x64xf32> to vector<6x64xf32>
    %mul3A_3055 = arith.mulf %max3A_3053, %mul3A_3054 : vector<6x64xf32>
    %reduce_sum3A_3056 = arith.constant dense<0.000000e+00> : vector<6xf32>
    %reduce_sum3A_3057 = vector.multi_reduction <add>, %mul3A_3055, %reduce_sum3A_3056 [1] : vector<6x64xf32> to vector<6xf32>
    %broadcast_in_dim3A_3058 = vector.shape_cast %reduce_sum3A_3057 : vector<6xf32> to vector<6x1xf32>
    %slice3A_3059 = vector.extract_strided_slice %dot_general3A_2832 {offsets = [16, 0], sizes = [1, 64], strides = [1, 1]} : vector<36x64xf32> to vector<1x64xf32>
    %add3A_3060 = vector.broadcast %slice3A_3059 : vector<1x64xf32> to vector<6x64xf32>
    %add3A_3061 = arith.addf %dot_general3A_2841, %add3A_3060 : vector<6x64xf32>
    %add3A_3062 = vector.broadcast %get3A_2844 : vector<1x64xf32> to vector<6x64xf32>
    %add3A_3063 = arith.addf %add3A_3061, %add3A_3062 : vector<6x64xf32>
    %max3A_3064 = arith.constant 0.000000e+00 : f32
    %max3A_3065 = vector.broadcast %max3A_3064 : f32 to vector<6x64xf32>
    %max3A_3066 = arith.maximumf %add3A_3063, %max3A_3065 : vector<6x64xf32>
    %mul3A_3067 = vector.broadcast %get3A_2847 : vector<1x64xf32> to vector<6x64xf32>
    %mul3A_3068 = arith.mulf %max3A_3066, %mul3A_3067 : vector<6x64xf32>
    %reduce_sum3A_3069 = arith.constant dense<0.000000e+00> : vector<6xf32>
    %reduce_sum3A_3070 = vector.multi_reduction <add>, %mul3A_3068, %reduce_sum3A_3069 [1] : vector<6x64xf32> to vector<6xf32>
    %broadcast_in_dim3A_3071 = vector.shape_cast %reduce_sum3A_3070 : vector<6xf32> to vector<6x1xf32>
    %slice3A_3072 = vector.extract_strided_slice %dot_general3A_2832 {offsets = [17, 0], sizes = [1, 64], strides = [1, 1]} : vector<36x64xf32> to vector<1x64xf32>
    %add3A_3073 = vector.broadcast %slice3A_3072 : vector<1x64xf32> to vector<6x64xf32>
    %add3A_3074 = arith.addf %dot_general3A_2841, %add3A_3073 : vector<6x64xf32>
    %add3A_3075 = vector.broadcast %get3A_2844 : vector<1x64xf32> to vector<6x64xf32>
    %add3A_3076 = arith.addf %add3A_3074, %add3A_3075 : vector<6x64xf32>
    %max3A_3077 = arith.constant 0.000000e+00 : f32
    %max3A_3078 = vector.broadcast %max3A_3077 : f32 to vector<6x64xf32>
    %max3A_3079 = arith.maximumf %add3A_3076, %max3A_3078 : vector<6x64xf32>
    %mul3A_3080 = vector.broadcast %get3A_2847 : vector<1x64xf32> to vector<6x64xf32>
    %mul3A_3081 = arith.mulf %max3A_3079, %mul3A_3080 : vector<6x64xf32>
    %reduce_sum3A_3082 = arith.constant dense<0.000000e+00> : vector<6xf32>
    %reduce_sum3A_3083 = vector.multi_reduction <add>, %mul3A_3081, %reduce_sum3A_3082 [1] : vector<6x64xf32> to vector<6xf32>
    %broadcast_in_dim3A_3084 = vector.shape_cast %reduce_sum3A_3083 : vector<6xf32> to vector<6x1xf32>
    %slice3A_3085 = vector.extract_strided_slice %dot_general3A_2832 {offsets = [18, 0], sizes = [1, 64], strides = [1, 1]} : vector<36x64xf32> to vector<1x64xf32>
    %add3A_3086 = vector.broadcast %slice3A_3085 : vector<1x64xf32> to vector<6x64xf32>
    %add3A_3087 = arith.addf %dot_general3A_2841, %add3A_3086 : vector<6x64xf32>
    %add3A_3088 = vector.broadcast %get3A_2844 : vector<1x64xf32> to vector<6x64xf32>
    %add3A_3089 = arith.addf %add3A_3087, %add3A_3088 : vector<6x64xf32>
    %max3A_3090 = arith.constant 0.000000e+00 : f32
    %max3A_3091 = vector.broadcast %max3A_3090 : f32 to vector<6x64xf32>
    %max3A_3092 = arith.maximumf %add3A_3089, %max3A_3091 : vector<6x64xf32>
    %mul3A_3093 = vector.broadcast %get3A_2847 : vector<1x64xf32> to vector<6x64xf32>
    %mul3A_3094 = arith.mulf %max3A_3092, %mul3A_3093 : vector<6x64xf32>
    %reduce_sum3A_3095 = arith.constant dense<0.000000e+00> : vector<6xf32>
    %reduce_sum3A_3096 = vector.multi_reduction <add>, %mul3A_3094, %reduce_sum3A_3095 [1] : vector<6x64xf32> to vector<6xf32>
    %broadcast_in_dim3A_3097 = vector.shape_cast %reduce_sum3A_3096 : vector<6xf32> to vector<6x1xf32>
    %slice3A_3098 = vector.extract_strided_slice %dot_general3A_2832 {offsets = [19, 0], sizes = [1, 64], strides = [1, 1]} : vector<36x64xf32> to vector<1x64xf32>
    %add3A_3099 = vector.broadcast %slice3A_3098 : vector<1x64xf32> to vector<6x64xf32>
    %add3A_3100 = arith.addf %dot_general3A_2841, %add3A_3099 : vector<6x64xf32>
    %add3A_3101 = vector.broadcast %get3A_2844 : vector<1x64xf32> to vector<6x64xf32>
    %add3A_3102 = arith.addf %add3A_3100, %add3A_3101 : vector<6x64xf32>
    %max3A_3103 = arith.constant 0.000000e+00 : f32
    %max3A_3104 = vector.broadcast %max3A_3103 : f32 to vector<6x64xf32>
    %max3A_3105 = arith.maximumf %add3A_3102, %max3A_3104 : vector<6x64xf32>
    %mul3A_3106 = vector.broadcast %get3A_2847 : vector<1x64xf32> to vector<6x64xf32>
    %mul3A_3107 = arith.mulf %max3A_3105, %mul3A_3106 : vector<6x64xf32>
    %reduce_sum3A_3108 = arith.constant dense<0.000000e+00> : vector<6xf32>
    %reduce_sum3A_3109 = vector.multi_reduction <add>, %mul3A_3107, %reduce_sum3A_3108 [1] : vector<6x64xf32> to vector<6xf32>
    %broadcast_in_dim3A_3110 = vector.shape_cast %reduce_sum3A_3109 : vector<6xf32> to vector<6x1xf32>
    %slice3A_3111 = vector.extract_strided_slice %dot_general3A_2832 {offsets = [20, 0], sizes = [1, 64], strides = [1, 1]} : vector<36x64xf32> to vector<1x64xf32>
    %add3A_3112 = vector.broadcast %slice3A_3111 : vector<1x64xf32> to vector<6x64xf32>
    %add3A_3113 = arith.addf %dot_general3A_2841, %add3A_3112 : vector<6x64xf32>
    %add3A_3114 = vector.broadcast %get3A_2844 : vector<1x64xf32> to vector<6x64xf32>
    %add3A_3115 = arith.addf %add3A_3113, %add3A_3114 : vector<6x64xf32>
    %max3A_3116 = arith.constant 0.000000e+00 : f32
    %max3A_3117 = vector.broadcast %max3A_3116 : f32 to vector<6x64xf32>
    %max3A_3118 = arith.maximumf %add3A_3115, %max3A_3117 : vector<6x64xf32>
    %mul3A_3119 = vector.broadcast %get3A_2847 : vector<1x64xf32> to vector<6x64xf32>
    %mul3A_3120 = arith.mulf %max3A_3118, %mul3A_3119 : vector<6x64xf32>
    %reduce_sum3A_3121 = arith.constant dense<0.000000e+00> : vector<6xf32>
    %reduce_sum3A_3122 = vector.multi_reduction <add>, %mul3A_3120, %reduce_sum3A_3121 [1] : vector<6x64xf32> to vector<6xf32>
    %broadcast_in_dim3A_3123 = vector.shape_cast %reduce_sum3A_3122 : vector<6xf32> to vector<6x1xf32>
    %slice3A_3124 = vector.extract_strided_slice %dot_general3A_2832 {offsets = [21, 0], sizes = [1, 64], strides = [1, 1]} : vector<36x64xf32> to vector<1x64xf32>
    %add3A_3125 = vector.broadcast %slice3A_3124 : vector<1x64xf32> to vector<6x64xf32>
    %add3A_3126 = arith.addf %dot_general3A_2841, %add3A_3125 : vector<6x64xf32>
    %add3A_3127 = vector.broadcast %get3A_2844 : vector<1x64xf32> to vector<6x64xf32>
    %add3A_3128 = arith.addf %add3A_3126, %add3A_3127 : vector<6x64xf32>
    %max3A_3129 = arith.constant 0.000000e+00 : f32
    %max3A_3130 = vector.broadcast %max3A_3129 : f32 to vector<6x64xf32>
    %max3A_3131 = arith.maximumf %add3A_3128, %max3A_3130 : vector<6x64xf32>
    %mul3A_3132 = vector.broadcast %get3A_2847 : vector<1x64xf32> to vector<6x64xf32>
    %mul3A_3133 = arith.mulf %max3A_3131, %mul3A_3132 : vector<6x64xf32>
    %reduce_sum3A_3134 = arith.constant dense<0.000000e+00> : vector<6xf32>
    %reduce_sum3A_3135 = vector.multi_reduction <add>, %mul3A_3133, %reduce_sum3A_3134 [1] : vector<6x64xf32> to vector<6xf32>
    %broadcast_in_dim3A_3136 = vector.shape_cast %reduce_sum3A_3135 : vector<6xf32> to vector<6x1xf32>
    %slice3A_3137 = vector.extract_strided_slice %dot_general3A_2832 {offsets = [22, 0], sizes = [1, 64], strides = [1, 1]} : vector<36x64xf32> to vector<1x64xf32>
    %add3A_3138 = vector.broadcast %slice3A_3137 : vector<1x64xf32> to vector<6x64xf32>
    %add3A_3139 = arith.addf %dot_general3A_2841, %add3A_3138 : vector<6x64xf32>
    %add3A_3140 = vector.broadcast %get3A_2844 : vector<1x64xf32> to vector<6x64xf32>
    %add3A_3141 = arith.addf %add3A_3139, %add3A_3140 : vector<6x64xf32>
    %max3A_3142 = arith.constant 0.000000e+00 : f32
    %max3A_3143 = vector.broadcast %max3A_3142 : f32 to vector<6x64xf32>
    %max3A_3144 = arith.maximumf %add3A_3141, %max3A_3143 : vector<6x64xf32>
    %mul3A_3145 = vector.broadcast %get3A_2847 : vector<1x64xf32> to vector<6x64xf32>
    %mul3A_3146 = arith.mulf %max3A_3144, %mul3A_3145 : vector<6x64xf32>
    %reduce_sum3A_3147 = arith.constant dense<0.000000e+00> : vector<6xf32>
    %reduce_sum3A_3148 = vector.multi_reduction <add>, %mul3A_3146, %reduce_sum3A_3147 [1] : vector<6x64xf32> to vector<6xf32>
    %broadcast_in_dim3A_3149 = vector.shape_cast %reduce_sum3A_3148 : vector<6xf32> to vector<6x1xf32>
    %slice3A_3150 = vector.extract_strided_slice %dot_general3A_2832 {offsets = [23, 0], sizes = [1, 64], strides = [1, 1]} : vector<36x64xf32> to vector<1x64xf32>
    %add3A_3151 = vector.broadcast %slice3A_3150 : vector<1x64xf32> to vector<6x64xf32>
    %add3A_3152 = arith.addf %dot_general3A_2841, %add3A_3151 : vector<6x64xf32>
    %add3A_3153 = vector.broadcast %get3A_2844 : vector<1x64xf32> to vector<6x64xf32>
    %add3A_3154 = arith.addf %add3A_3152, %add3A_3153 : vector<6x64xf32>
    %max3A_3155 = arith.constant 0.000000e+00 : f32
    %max3A_3156 = vector.broadcast %max3A_3155 : f32 to vector<6x64xf32>
    %max3A_3157 = arith.maximumf %add3A_3154, %max3A_3156 : vector<6x64xf32>
    %mul3A_3158 = vector.broadcast %get3A_2847 : vector<1x64xf32> to vector<6x64xf32>
    %mul3A_3159 = arith.mulf %max3A_3157, %mul3A_3158 : vector<6x64xf32>
    %reduce_sum3A_3160 = arith.constant dense<0.000000e+00> : vector<6xf32>
    %reduce_sum3A_3161 = vector.multi_reduction <add>, %mul3A_3159, %reduce_sum3A_3160 [1] : vector<6x64xf32> to vector<6xf32>
    %broadcast_in_dim3A_3162 = vector.shape_cast %reduce_sum3A_3161 : vector<6xf32> to vector<6x1xf32>
    %slice3A_3163 = vector.extract_strided_slice %dot_general3A_2832 {offsets = [24, 0], sizes = [1, 64], strides = [1, 1]} : vector<36x64xf32> to vector<1x64xf32>
    %add3A_3164 = vector.broadcast %slice3A_3163 : vector<1x64xf32> to vector<6x64xf32>
    %add3A_3165 = arith.addf %dot_general3A_2841, %add3A_3164 : vector<6x64xf32>
    %add3A_3166 = vector.broadcast %get3A_2844 : vector<1x64xf32> to vector<6x64xf32>
    %add3A_3167 = arith.addf %add3A_3165, %add3A_3166 : vector<6x64xf32>
    %max3A_3168 = arith.constant 0.000000e+00 : f32
    %max3A_3169 = vector.broadcast %max3A_3168 : f32 to vector<6x64xf32>
    %max3A_3170 = arith.maximumf %add3A_3167, %max3A_3169 : vector<6x64xf32>
    %mul3A_3171 = vector.broadcast %get3A_2847 : vector<1x64xf32> to vector<6x64xf32>
    %mul3A_3172 = arith.mulf %max3A_3170, %mul3A_3171 : vector<6x64xf32>
    %reduce_sum3A_3173 = arith.constant dense<0.000000e+00> : vector<6xf32>
    %reduce_sum3A_3174 = vector.multi_reduction <add>, %mul3A_3172, %reduce_sum3A_3173 [1] : vector<6x64xf32> to vector<6xf32>
    %broadcast_in_dim3A_3175 = vector.shape_cast %reduce_sum3A_3174 : vector<6xf32> to vector<6x1xf32>
    %slice3A_3176 = vector.extract_strided_slice %dot_general3A_2832 {offsets = [25, 0], sizes = [1, 64], strides = [1, 1]} : vector<36x64xf32> to vector<1x64xf32>
    %add3A_3177 = vector.broadcast %slice3A_3176 : vector<1x64xf32> to vector<6x64xf32>
    %add3A_3178 = arith.addf %dot_general3A_2841, %add3A_3177 : vector<6x64xf32>
    %add3A_3179 = vector.broadcast %get3A_2844 : vector<1x64xf32> to vector<6x64xf32>
    %add3A_3180 = arith.addf %add3A_3178, %add3A_3179 : vector<6x64xf32>
    %max3A_3181 = arith.constant 0.000000e+00 : f32
    %max3A_3182 = vector.broadcast %max3A_3181 : f32 to vector<6x64xf32>
    %max3A_3183 = arith.maximumf %add3A_3180, %max3A_3182 : vector<6x64xf32>
    %mul3A_3184 = vector.broadcast %get3A_2847 : vector<1x64xf32> to vector<6x64xf32>
    %mul3A_3185 = arith.mulf %max3A_3183, %mul3A_3184 : vector<6x64xf32>
    %reduce_sum3A_3186 = arith.constant dense<0.000000e+00> : vector<6xf32>
    %reduce_sum3A_3187 = vector.multi_reduction <add>, %mul3A_3185, %reduce_sum3A_3186 [1] : vector<6x64xf32> to vector<6xf32>
    %broadcast_in_dim3A_3188 = vector.shape_cast %reduce_sum3A_3187 : vector<6xf32> to vector<6x1xf32>
    %slice3A_3189 = vector.extract_strided_slice %dot_general3A_2832 {offsets = [26, 0], sizes = [1, 64], strides = [1, 1]} : vector<36x64xf32> to vector<1x64xf32>
    %add3A_3190 = vector.broadcast %slice3A_3189 : vector<1x64xf32> to vector<6x64xf32>
    %add3A_3191 = arith.addf %dot_general3A_2841, %add3A_3190 : vector<6x64xf32>
    %add3A_3192 = vector.broadcast %get3A_2844 : vector<1x64xf32> to vector<6x64xf32>
    %add3A_3193 = arith.addf %add3A_3191, %add3A_3192 : vector<6x64xf32>
    %max3A_3194 = arith.constant 0.000000e+00 : f32
    %max3A_3195 = vector.broadcast %max3A_3194 : f32 to vector<6x64xf32>
    %max3A_3196 = arith.maximumf %add3A_3193, %max3A_3195 : vector<6x64xf32>
    %mul3A_3197 = vector.broadcast %get3A_2847 : vector<1x64xf32> to vector<6x64xf32>
    %mul3A_3198 = arith.mulf %max3A_3196, %mul3A_3197 : vector<6x64xf32>
    %reduce_sum3A_3199 = arith.constant dense<0.000000e+00> : vector<6xf32>
    %reduce_sum3A_3200 = vector.multi_reduction <add>, %mul3A_3198, %reduce_sum3A_3199 [1] : vector<6x64xf32> to vector<6xf32>
    %broadcast_in_dim3A_3201 = vector.shape_cast %reduce_sum3A_3200 : vector<6xf32> to vector<6x1xf32>
    %slice3A_3202 = vector.extract_strided_slice %dot_general3A_2832 {offsets = [27, 0], sizes = [1, 64], strides = [1, 1]} : vector<36x64xf32> to vector<1x64xf32>
    %add3A_3203 = vector.broadcast %slice3A_3202 : vector<1x64xf32> to vector<6x64xf32>
    %add3A_3204 = arith.addf %dot_general3A_2841, %add3A_3203 : vector<6x64xf32>
    %add3A_3205 = vector.broadcast %get3A_2844 : vector<1x64xf32> to vector<6x64xf32>
    %add3A_3206 = arith.addf %add3A_3204, %add3A_3205 : vector<6x64xf32>
    %max3A_3207 = arith.constant 0.000000e+00 : f32
    %max3A_3208 = vector.broadcast %max3A_3207 : f32 to vector<6x64xf32>
    %max3A_3209 = arith.maximumf %add3A_3206, %max3A_3208 : vector<6x64xf32>
    %mul3A_3210 = vector.broadcast %get3A_2847 : vector<1x64xf32> to vector<6x64xf32>
    %mul3A_3211 = arith.mulf %max3A_3209, %mul3A_3210 : vector<6x64xf32>
    %reduce_sum3A_3212 = arith.constant dense<0.000000e+00> : vector<6xf32>
    %reduce_sum3A_3213 = vector.multi_reduction <add>, %mul3A_3211, %reduce_sum3A_3212 [1] : vector<6x64xf32> to vector<6xf32>
    %broadcast_in_dim3A_3214 = vector.shape_cast %reduce_sum3A_3213 : vector<6xf32> to vector<6x1xf32>
    %slice3A_3215 = vector.extract_strided_slice %dot_general3A_2832 {offsets = [28, 0], sizes = [1, 64], strides = [1, 1]} : vector<36x64xf32> to vector<1x64xf32>
    %add3A_3216 = vector.broadcast %slice3A_3215 : vector<1x64xf32> to vector<6x64xf32>
    %add3A_3217 = arith.addf %dot_general3A_2841, %add3A_3216 : vector<6x64xf32>
    %add3A_3218 = vector.broadcast %get3A_2844 : vector<1x64xf32> to vector<6x64xf32>
    %add3A_3219 = arith.addf %add3A_3217, %add3A_3218 : vector<6x64xf32>
    %max3A_3220 = arith.constant 0.000000e+00 : f32
    %max3A_3221 = vector.broadcast %max3A_3220 : f32 to vector<6x64xf32>
    %max3A_3222 = arith.maximumf %add3A_3219, %max3A_3221 : vector<6x64xf32>
    %mul3A_3223 = vector.broadcast %get3A_2847 : vector<1x64xf32> to vector<6x64xf32>
    %mul3A_3224 = arith.mulf %max3A_3222, %mul3A_3223 : vector<6x64xf32>
    %reduce_sum3A_3225 = arith.constant dense<0.000000e+00> : vector<6xf32>
    %reduce_sum3A_3226 = vector.multi_reduction <add>, %mul3A_3224, %reduce_sum3A_3225 [1] : vector<6x64xf32> to vector<6xf32>
    %broadcast_in_dim3A_3227 = vector.shape_cast %reduce_sum3A_3226 : vector<6xf32> to vector<6x1xf32>
    %slice3A_3228 = vector.extract_strided_slice %dot_general3A_2832 {offsets = [29, 0], sizes = [1, 64], strides = [1, 1]} : vector<36x64xf32> to vector<1x64xf32>
    %add3A_3229 = vector.broadcast %slice3A_3228 : vector<1x64xf32> to vector<6x64xf32>
    %add3A_3230 = arith.addf %dot_general3A_2841, %add3A_3229 : vector<6x64xf32>
    %add3A_3231 = vector.broadcast %get3A_2844 : vector<1x64xf32> to vector<6x64xf32>
    %add3A_3232 = arith.addf %add3A_3230, %add3A_3231 : vector<6x64xf32>
    %max3A_3233 = arith.constant 0.000000e+00 : f32
    %max3A_3234 = vector.broadcast %max3A_3233 : f32 to vector<6x64xf32>
    %max3A_3235 = arith.maximumf %add3A_3232, %max3A_3234 : vector<6x64xf32>
    %mul3A_3236 = vector.broadcast %get3A_2847 : vector<1x64xf32> to vector<6x64xf32>
    %mul3A_3237 = arith.mulf %max3A_3235, %mul3A_3236 : vector<6x64xf32>
    %reduce_sum3A_3238 = arith.constant dense<0.000000e+00> : vector<6xf32>
    %reduce_sum3A_3239 = vector.multi_reduction <add>, %mul3A_3237, %reduce_sum3A_3238 [1] : vector<6x64xf32> to vector<6xf32>
    %broadcast_in_dim3A_3240 = vector.shape_cast %reduce_sum3A_3239 : vector<6xf32> to vector<6x1xf32>
    %slice3A_3241 = vector.extract_strided_slice %dot_general3A_2832 {offsets = [30, 0], sizes = [1, 64], strides = [1, 1]} : vector<36x64xf32> to vector<1x64xf32>
    %add3A_3242 = vector.broadcast %slice3A_3241 : vector<1x64xf32> to vector<6x64xf32>
    %add3A_3243 = arith.addf %dot_general3A_2841, %add3A_3242 : vector<6x64xf32>
    %add3A_3244 = vector.broadcast %get3A_2844 : vector<1x64xf32> to vector<6x64xf32>
    %add3A_3245 = arith.addf %add3A_3243, %add3A_3244 : vector<6x64xf32>
    %max3A_3246 = arith.constant 0.000000e+00 : f32
    %max3A_3247 = vector.broadcast %max3A_3246 : f32 to vector<6x64xf32>
    %max3A_3248 = arith.maximumf %add3A_3245, %max3A_3247 : vector<6x64xf32>
    %mul3A_3249 = vector.broadcast %get3A_2847 : vector<1x64xf32> to vector<6x64xf32>
    %mul3A_3250 = arith.mulf %max3A_3248, %mul3A_3249 : vector<6x64xf32>
    %reduce_sum3A_3251 = arith.constant dense<0.000000e+00> : vector<6xf32>
    %reduce_sum3A_3252 = vector.multi_reduction <add>, %mul3A_3250, %reduce_sum3A_3251 [1] : vector<6x64xf32> to vector<6xf32>
    %broadcast_in_dim3A_3253 = vector.shape_cast %reduce_sum3A_3252 : vector<6xf32> to vector<6x1xf32>
    %slice3A_3254 = vector.extract_strided_slice %dot_general3A_2832 {offsets = [31, 0], sizes = [1, 64], strides = [1, 1]} : vector<36x64xf32> to vector<1x64xf32>
    %add3A_3255 = vector.broadcast %slice3A_3254 : vector<1x64xf32> to vector<6x64xf32>
    %add3A_3256 = arith.addf %dot_general3A_2841, %add3A_3255 : vector<6x64xf32>
    %add3A_3257 = vector.broadcast %get3A_2844 : vector<1x64xf32> to vector<6x64xf32>
    %add3A_3258 = arith.addf %add3A_3256, %add3A_3257 : vector<6x64xf32>
    %max3A_3259 = arith.constant 0.000000e+00 : f32
    %max3A_3260 = vector.broadcast %max3A_3259 : f32 to vector<6x64xf32>
    %max3A_3261 = arith.maximumf %add3A_3258, %max3A_3260 : vector<6x64xf32>
    %mul3A_3262 = vector.broadcast %get3A_2847 : vector<1x64xf32> to vector<6x64xf32>
    %mul3A_3263 = arith.mulf %max3A_3261, %mul3A_3262 : vector<6x64xf32>
    %reduce_sum3A_3264 = arith.constant dense<0.000000e+00> : vector<6xf32>
    %reduce_sum3A_3265 = vector.multi_reduction <add>, %mul3A_3263, %reduce_sum3A_3264 [1] : vector<6x64xf32> to vector<6xf32>
    %broadcast_in_dim3A_3266 = vector.shape_cast %reduce_sum3A_3265 : vector<6xf32> to vector<6x1xf32>
    %slice3A_3267 = vector.extract_strided_slice %dot_general3A_2832 {offsets = [32, 0], sizes = [1, 64], strides = [1, 1]} : vector<36x64xf32> to vector<1x64xf32>
    %add3A_3268 = vector.broadcast %slice3A_3267 : vector<1x64xf32> to vector<6x64xf32>
    %add3A_3269 = arith.addf %dot_general3A_2841, %add3A_3268 : vector<6x64xf32>
    %add3A_3270 = vector.broadcast %get3A_2844 : vector<1x64xf32> to vector<6x64xf32>
    %add3A_3271 = arith.addf %add3A_3269, %add3A_3270 : vector<6x64xf32>
    %max3A_3272 = arith.constant 0.000000e+00 : f32
    %max3A_3273 = vector.broadcast %max3A_3272 : f32 to vector<6x64xf32>
    %max3A_3274 = arith.maximumf %add3A_3271, %max3A_3273 : vector<6x64xf32>
    %mul3A_3275 = vector.broadcast %get3A_2847 : vector<1x64xf32> to vector<6x64xf32>
    %mul3A_3276 = arith.mulf %max3A_3274, %mul3A_3275 : vector<6x64xf32>
    %reduce_sum3A_3277 = arith.constant dense<0.000000e+00> : vector<6xf32>
    %reduce_sum3A_3278 = vector.multi_reduction <add>, %mul3A_3276, %reduce_sum3A_3277 [1] : vector<6x64xf32> to vector<6xf32>
    %broadcast_in_dim3A_3279 = vector.shape_cast %reduce_sum3A_3278 : vector<6xf32> to vector<6x1xf32>
    %slice3A_3280 = vector.extract_strided_slice %dot_general3A_2832 {offsets = [33, 0], sizes = [1, 64], strides = [1, 1]} : vector<36x64xf32> to vector<1x64xf32>
    %add3A_3281 = vector.broadcast %slice3A_3280 : vector<1x64xf32> to vector<6x64xf32>
    %add3A_3282 = arith.addf %dot_general3A_2841, %add3A_3281 : vector<6x64xf32>
    %add3A_3283 = vector.broadcast %get3A_2844 : vector<1x64xf32> to vector<6x64xf32>
    %add3A_3284 = arith.addf %add3A_3282, %add3A_3283 : vector<6x64xf32>
    %max3A_3285 = arith.constant 0.000000e+00 : f32
    %max3A_3286 = vector.broadcast %max3A_3285 : f32 to vector<6x64xf32>
    %max3A_3287 = arith.maximumf %add3A_3284, %max3A_3286 : vector<6x64xf32>
    %mul3A_3288 = vector.broadcast %get3A_2847 : vector<1x64xf32> to vector<6x64xf32>
    %mul3A_3289 = arith.mulf %max3A_3287, %mul3A_3288 : vector<6x64xf32>
    %reduce_sum3A_3290 = arith.constant dense<0.000000e+00> : vector<6xf32>
    %reduce_sum3A_3291 = vector.multi_reduction <add>, %mul3A_3289, %reduce_sum3A_3290 [1] : vector<6x64xf32> to vector<6xf32>
    %broadcast_in_dim3A_3292 = vector.shape_cast %reduce_sum3A_3291 : vector<6xf32> to vector<6x1xf32>
    %slice3A_3293 = vector.extract_strided_slice %dot_general3A_2832 {offsets = [34, 0], sizes = [1, 64], strides = [1, 1]} : vector<36x64xf32> to vector<1x64xf32>
    %add3A_3294 = vector.broadcast %slice3A_3293 : vector<1x64xf32> to vector<6x64xf32>
    %add3A_3295 = arith.addf %dot_general3A_2841, %add3A_3294 : vector<6x64xf32>
    %add3A_3296 = vector.broadcast %get3A_2844 : vector<1x64xf32> to vector<6x64xf32>
    %add3A_3297 = arith.addf %add3A_3295, %add3A_3296 : vector<6x64xf32>
    %max3A_3298 = arith.constant 0.000000e+00 : f32
    %max3A_3299 = vector.broadcast %max3A_3298 : f32 to vector<6x64xf32>
    %max3A_3300 = arith.maximumf %add3A_3297, %max3A_3299 : vector<6x64xf32>
    %mul3A_3301 = vector.broadcast %get3A_2847 : vector<1x64xf32> to vector<6x64xf32>
    %mul3A_3302 = arith.mulf %max3A_3300, %mul3A_3301 : vector<6x64xf32>
    %reduce_sum3A_3303 = arith.constant dense<0.000000e+00> : vector<6xf32>
    %reduce_sum3A_3304 = vector.multi_reduction <add>, %mul3A_3302, %reduce_sum3A_3303 [1] : vector<6x64xf32> to vector<6xf32>
    %broadcast_in_dim3A_3305 = vector.shape_cast %reduce_sum3A_3304 : vector<6xf32> to vector<6x1xf32>
    %slice3A_3306 = vector.extract_strided_slice %dot_general3A_2832 {offsets = [35, 0], sizes = [1, 64], strides = [1, 1]} : vector<36x64xf32> to vector<1x64xf32>
    %add3A_3307 = vector.broadcast %slice3A_3306 : vector<1x64xf32> to vector<6x64xf32>
    %add3A_3308 = arith.addf %dot_general3A_2841, %add3A_3307 : vector<6x64xf32>
    %add3A_3309 = vector.broadcast %get3A_2844 : vector<1x64xf32> to vector<6x64xf32>
    %add3A_3310 = arith.addf %add3A_3308, %add3A_3309 : vector<6x64xf32>
    %max3A_3311 = arith.constant 0.000000e+00 : f32
    %max3A_3312 = vector.broadcast %max3A_3311 : f32 to vector<6x64xf32>
    %max3A_3313 = arith.maximumf %add3A_3310, %max3A_3312 : vector<6x64xf32>
    %mul3A_3314 = vector.broadcast %get3A_2847 : vector<1x64xf32> to vector<6x64xf32>
    %mul3A_3315 = arith.mulf %max3A_3313, %mul3A_3314 : vector<6x64xf32>
    %reduce_sum3A_3316 = arith.constant dense<0.000000e+00> : vector<6xf32>
    %reduce_sum3A_3317 = vector.multi_reduction <add>, %mul3A_3315, %reduce_sum3A_3316 [1] : vector<6x64xf32> to vector<6xf32>
    %broadcast_in_dim3A_3318 = vector.shape_cast %reduce_sum3A_3317 : vector<6xf32> to vector<6x1xf32>
    %concatenate3A_3319 = tpu.concatenate %broadcast_in_dim3A_2863, %broadcast_in_dim3A_2876, %broadcast_in_dim3A_2889, %broadcast_in_dim3A_2902, %broadcast_in_dim3A_2915, %broadcast_in_dim3A_2928, %broadcast_in_dim3A_2941, %broadcast_in_dim3A_2954, %broadcast_in_dim3A_2967, %broadcast_in_dim3A_2980, %broadcast_in_dim3A_2993, %broadcast_in_dim3A_3006, %broadcast_in_dim3A_3019, %broadcast_in_dim3A_3032, %broadcast_in_dim3A_3045, %broadcast_in_dim3A_3058, %broadcast_in_dim3A_3071, %broadcast_in_dim3A_3084, %broadcast_in_dim3A_3097, %broadcast_in_dim3A_3110, %broadcast_in_dim3A_3123, %broadcast_in_dim3A_3136, %broadcast_in_dim3A_3149, %broadcast_in_dim3A_3162, %broadcast_in_dim3A_3175, %broadcast_in_dim3A_3188, %broadcast_in_dim3A_3201, %broadcast_in_dim3A_3214, %broadcast_in_dim3A_3227, %broadcast_in_dim3A_3240, %broadcast_in_dim3A_3253, %broadcast_in_dim3A_3266, %broadcast_in_dim3A_3279, %broadcast_in_dim3A_3292, %broadcast_in_dim3A_3305, %broadcast_in_dim3A_3318 in 1 : vector<6x1xf32>, vector<6x1xf32>, vector<6x1xf32>, vector<6x1xf32>, vector<6x1xf32>, vector<6x1xf32>, vector<6x1xf32>, vector<6x1xf32>, vector<6x1xf32>, vector<6x1xf32>, vector<6x1xf32>, vector<6x1xf32>, vector<6x1xf32>, vector<6x1xf32>, vector<6x1xf32>, vector<6x1xf32>, vector<6x1xf32>, vector<6x1xf32>, vector<6x1xf32>, vector<6x1xf32>, vector<6x1xf32>, vector<6x1xf32>, vector<6x1xf32>, vector<6x1xf32>, vector<6x1xf32>, vector<6x1xf32>, vector<6x1xf32>, vector<6x1xf32>, vector<6x1xf32>, vector<6x1xf32>, vector<6x1xf32>, vector<6x1xf32>, vector<6x1xf32>, vector<6x1xf32>, vector<6x1xf32>, vector<6x1xf32> -> vector<6x36xf32>
    %add3A_3320 = vector.broadcast %get3A_2850 : vector<1x1xf32> to vector<6x36xf32>
    %add3A_3321 = arith.addf %concatenate3A_3319, %add3A_3320 : vector<6x36xf32>
    %exp3A_3322 = math.exp %add3A_3321 : vector<6x36xf32>
    %get3A_3323 = arith.constant 0 : index
    %get3A_3324 = arith.constant 0 : index
    %get3A_3325 = vector.load %arg11[%get3A_3323, %get3A_3324] : memref<1x5120xi32, #tpu.memory_space<vmem>>, vector<1x5120xi32>
    %get3A_3326 = arith.constant 0 : index
    %get3A_3327 = arith.constant 0 : index
    %get3A_3328 = vector.load %arg10[%get3A_3326, %get3A_3327] : memref<5120x40xi32, #tpu.memory_space<vmem>>, vector<5120x40xi32>
    %transpose3A_3329 = tpu.transpose %get3A_3328, [1, 0] : vector<5120x40xi32> -> vector<40x5120xi32>
    %iota3A_3330 = tpu.iota {dimensions = array<i32: 0>} : vector<36x5120xi32>
    %broadcast_in_dim3A_3331 = arith.constant 0.000000e+00 : f32
    %broadcast_in_dim3A_3332 = vector.broadcast %broadcast_in_dim3A_3331 : f32 to vector<36x5120xf32>
    %slice3A_3333 = vector.extract_strided_slice %transpose3A_3329 {offsets = [0, 0], sizes = [1, 5120], strides = [1, 1]} : vector<40x5120xi32> to vector<1x5120xi32>
    %gt3A_3334 = arith.constant 0 : i32
    %gt3A_3335 = vector.broadcast %gt3A_3334 : i32 to vector<1x5120xi32>
    %gt3A_3336 = arith.cmpi sgt, %slice3A_3333, %gt3A_3335 : vector<1x5120xi32>
    %mul3A_3337 = arith.constant 6 : i32
    %mul3A_3338 = vector.broadcast %mul3A_3337 : i32 to vector<1x5120xi32>
    %mul3A_3339 = arith.muli %slice3A_3333, %mul3A_3338 : vector<1x5120xi32>
    %slice3A_3340 = vector.extract_strided_slice %transpose3A_3329 {offsets = [1, 0], sizes = [1, 5120], strides = [1, 1]} : vector<40x5120xi32> to vector<1x5120xi32>
    %add3A_3341 = arith.addi %mul3A_3339, %slice3A_3340 : vector<1x5120xi32>
    %jit3A_3342 = arith.constant -1 : i32
    %broadcast_in_dim3A_3343 = vector.broadcast %jit3A_3342 : i32 to vector<1x5120xi32>
    %select_n3A_3344 = arith.select %gt3A_3336, %add3A_3341, %broadcast_in_dim3A_3343 : vector<1x5120xi1>, vector<1x5120xi32>
    %eq3A_3345 = vector.broadcast %select_n3A_3344 : vector<1x5120xi32> to vector<36x5120xi32>
    %eq3A_3346 = arith.cmpi eq, %eq3A_3345, %iota3A_3330 : vector<36x5120xi32>
    %convert_element_type3A_3347 = arith.extui %eq3A_3346 : vector<36x5120xi1> to vector<36x5120xi32>
    %convert_element_type3A_3348 = arith.sitofp %convert_element_type3A_3347 : vector<36x5120xi32> to vector<36x5120xf32>
    %add3A_3349 = arith.addf %broadcast_in_dim3A_3332, %convert_element_type3A_3348 : vector<36x5120xf32>
    %slice3A_3350 = vector.extract_strided_slice %transpose3A_3329 {offsets = [2, 0], sizes = [1, 5120], strides = [1, 1]} : vector<40x5120xi32> to vector<1x5120xi32>
    %gt3A_3351 = arith.constant 0 : i32
    %gt3A_3352 = vector.broadcast %gt3A_3351 : i32 to vector<1x5120xi32>
    %gt3A_3353 = arith.cmpi sgt, %slice3A_3350, %gt3A_3352 : vector<1x5120xi32>
    %mul3A_3354 = arith.constant 6 : i32
    %mul3A_3355 = vector.broadcast %mul3A_3354 : i32 to vector<1x5120xi32>
    %mul3A_3356 = arith.muli %slice3A_3350, %mul3A_3355 : vector<1x5120xi32>
    %slice3A_3357 = vector.extract_strided_slice %transpose3A_3329 {offsets = [3, 0], sizes = [1, 5120], strides = [1, 1]} : vector<40x5120xi32> to vector<1x5120xi32>
    %add3A_3358 = arith.addi %mul3A_3356, %slice3A_3357 : vector<1x5120xi32>
    %jit3A_3359 = arith.constant -1 : i32
    %broadcast_in_dim3A_3360 = vector.broadcast %jit3A_3359 : i32 to vector<1x5120xi32>
    %select_n3A_3361 = arith.select %gt3A_3353, %add3A_3358, %broadcast_in_dim3A_3360 : vector<1x5120xi1>, vector<1x5120xi32>
    %eq3A_3362 = vector.broadcast %select_n3A_3361 : vector<1x5120xi32> to vector<36x5120xi32>
    %eq3A_3363 = arith.cmpi eq, %eq3A_3362, %iota3A_3330 : vector<36x5120xi32>
    %convert_element_type3A_3364 = arith.extui %eq3A_3363 : vector<36x5120xi1> to vector<36x5120xi32>
    %convert_element_type3A_3365 = arith.sitofp %convert_element_type3A_3364 : vector<36x5120xi32> to vector<36x5120xf32>
    %add3A_3366 = arith.addf %add3A_3349, %convert_element_type3A_3365 : vector<36x5120xf32>
    %slice3A_3367 = vector.extract_strided_slice %transpose3A_3329 {offsets = [4, 0], sizes = [1, 5120], strides = [1, 1]} : vector<40x5120xi32> to vector<1x5120xi32>
    %gt3A_3368 = arith.constant 0 : i32
    %gt3A_3369 = vector.broadcast %gt3A_3368 : i32 to vector<1x5120xi32>
    %gt3A_3370 = arith.cmpi sgt, %slice3A_3367, %gt3A_3369 : vector<1x5120xi32>
    %mul3A_3371 = arith.constant 6 : i32
    %mul3A_3372 = vector.broadcast %mul3A_3371 : i32 to vector<1x5120xi32>
    %mul3A_3373 = arith.muli %slice3A_3367, %mul3A_3372 : vector<1x5120xi32>
    %slice3A_3374 = vector.extract_strided_slice %transpose3A_3329 {offsets = [5, 0], sizes = [1, 5120], strides = [1, 1]} : vector<40x5120xi32> to vector<1x5120xi32>
    %add3A_3375 = arith.addi %mul3A_3373, %slice3A_3374 : vector<1x5120xi32>
    %jit3A_3376 = arith.constant -1 : i32
    %broadcast_in_dim3A_3377 = vector.broadcast %jit3A_3376 : i32 to vector<1x5120xi32>
    %select_n3A_3378 = arith.select %gt3A_3370, %add3A_3375, %broadcast_in_dim3A_3377 : vector<1x5120xi1>, vector<1x5120xi32>
    %eq3A_3379 = vector.broadcast %select_n3A_3378 : vector<1x5120xi32> to vector<36x5120xi32>
    %eq3A_3380 = arith.cmpi eq, %eq3A_3379, %iota3A_3330 : vector<36x5120xi32>
    %convert_element_type3A_3381 = arith.extui %eq3A_3380 : vector<36x5120xi1> to vector<36x5120xi32>
    %convert_element_type3A_3382 = arith.sitofp %convert_element_type3A_3381 : vector<36x5120xi32> to vector<36x5120xf32>
    %add3A_3383 = arith.addf %add3A_3366, %convert_element_type3A_3382 : vector<36x5120xf32>
    %slice3A_3384 = vector.extract_strided_slice %transpose3A_3329 {offsets = [6, 0], sizes = [1, 5120], strides = [1, 1]} : vector<40x5120xi32> to vector<1x5120xi32>
    %gt3A_3385 = arith.constant 0 : i32
    %gt3A_3386 = vector.broadcast %gt3A_3385 : i32 to vector<1x5120xi32>
    %gt3A_3387 = arith.cmpi sgt, %slice3A_3384, %gt3A_3386 : vector<1x5120xi32>
    %mul3A_3388 = arith.constant 6 : i32
    %mul3A_3389 = vector.broadcast %mul3A_3388 : i32 to vector<1x5120xi32>
    %mul3A_3390 = arith.muli %slice3A_3384, %mul3A_3389 : vector<1x5120xi32>
    %slice3A_3391 = vector.extract_strided_slice %transpose3A_3329 {offsets = [7, 0], sizes = [1, 5120], strides = [1, 1]} : vector<40x5120xi32> to vector<1x5120xi32>
    %add3A_3392 = arith.addi %mul3A_3390, %slice3A_3391 : vector<1x5120xi32>
    %jit3A_3393 = arith.constant -1 : i32
    %broadcast_in_dim3A_3394 = vector.broadcast %jit3A_3393 : i32 to vector<1x5120xi32>
    %select_n3A_3395 = arith.select %gt3A_3387, %add3A_3392, %broadcast_in_dim3A_3394 : vector<1x5120xi1>, vector<1x5120xi32>
    %eq3A_3396 = vector.broadcast %select_n3A_3395 : vector<1x5120xi32> to vector<36x5120xi32>
    %eq3A_3397 = arith.cmpi eq, %eq3A_3396, %iota3A_3330 : vector<36x5120xi32>
    %convert_element_type3A_3398 = arith.extui %eq3A_3397 : vector<36x5120xi1> to vector<36x5120xi32>
    %convert_element_type3A_3399 = arith.sitofp %convert_element_type3A_3398 : vector<36x5120xi32> to vector<36x5120xf32>
    %add3A_3400 = arith.addf %add3A_3383, %convert_element_type3A_3399 : vector<36x5120xf32>
    %slice3A_3401 = vector.extract_strided_slice %transpose3A_3329 {offsets = [8, 0], sizes = [1, 5120], strides = [1, 1]} : vector<40x5120xi32> to vector<1x5120xi32>
    %gt3A_3402 = arith.constant 0 : i32
    %gt3A_3403 = vector.broadcast %gt3A_3402 : i32 to vector<1x5120xi32>
    %gt3A_3404 = arith.cmpi sgt, %slice3A_3401, %gt3A_3403 : vector<1x5120xi32>
    %mul3A_3405 = arith.constant 6 : i32
    %mul3A_3406 = vector.broadcast %mul3A_3405 : i32 to vector<1x5120xi32>
    %mul3A_3407 = arith.muli %slice3A_3401, %mul3A_3406 : vector<1x5120xi32>
    %slice3A_3408 = vector.extract_strided_slice %transpose3A_3329 {offsets = [9, 0], sizes = [1, 5120], strides = [1, 1]} : vector<40x5120xi32> to vector<1x5120xi32>
    %add3A_3409 = arith.addi %mul3A_3407, %slice3A_3408 : vector<1x5120xi32>
    %jit3A_3410 = arith.constant -1 : i32
    %broadcast_in_dim3A_3411 = vector.broadcast %jit3A_3410 : i32 to vector<1x5120xi32>
    %select_n3A_3412 = arith.select %gt3A_3404, %add3A_3409, %broadcast_in_dim3A_3411 : vector<1x5120xi1>, vector<1x5120xi32>
    %eq3A_3413 = vector.broadcast %select_n3A_3412 : vector<1x5120xi32> to vector<36x5120xi32>
    %eq3A_3414 = arith.cmpi eq, %eq3A_3413, %iota3A_3330 : vector<36x5120xi32>
    %convert_element_type3A_3415 = arith.extui %eq3A_3414 : vector<36x5120xi1> to vector<36x5120xi32>
    %convert_element_type3A_3416 = arith.sitofp %convert_element_type3A_3415 : vector<36x5120xi32> to vector<36x5120xf32>
    %add3A_3417 = arith.addf %add3A_3400, %convert_element_type3A_3416 : vector<36x5120xf32>
    %slice3A_3418 = vector.extract_strided_slice %transpose3A_3329 {offsets = [10, 0], sizes = [1, 5120], strides = [1, 1]} : vector<40x5120xi32> to vector<1x5120xi32>
    %gt3A_3419 = arith.constant 0 : i32
    %gt3A_3420 = vector.broadcast %gt3A_3419 : i32 to vector<1x5120xi32>
    %gt3A_3421 = arith.cmpi sgt, %slice3A_3418, %gt3A_3420 : vector<1x5120xi32>
    %mul3A_3422 = arith.constant 6 : i32
    %mul3A_3423 = vector.broadcast %mul3A_3422 : i32 to vector<1x5120xi32>
    %mul3A_3424 = arith.muli %slice3A_3418, %mul3A_3423 : vector<1x5120xi32>
    %slice3A_3425 = vector.extract_strided_slice %transpose3A_3329 {offsets = [11, 0], sizes = [1, 5120], strides = [1, 1]} : vector<40x5120xi32> to vector<1x5120xi32>
    %add3A_3426 = arith.addi %mul3A_3424, %slice3A_3425 : vector<1x5120xi32>
    %jit3A_3427 = arith.constant -1 : i32
    %broadcast_in_dim3A_3428 = vector.broadcast %jit3A_3427 : i32 to vector<1x5120xi32>
    %select_n3A_3429 = arith.select %gt3A_3421, %add3A_3426, %broadcast_in_dim3A_3428 : vector<1x5120xi1>, vector<1x5120xi32>
    %eq3A_3430 = vector.broadcast %select_n3A_3429 : vector<1x5120xi32> to vector<36x5120xi32>
    %eq3A_3431 = arith.cmpi eq, %eq3A_3430, %iota3A_3330 : vector<36x5120xi32>
    %convert_element_type3A_3432 = arith.extui %eq3A_3431 : vector<36x5120xi1> to vector<36x5120xi32>
    %convert_element_type3A_3433 = arith.sitofp %convert_element_type3A_3432 : vector<36x5120xi32> to vector<36x5120xf32>
    %add3A_3434 = arith.addf %add3A_3417, %convert_element_type3A_3433 : vector<36x5120xf32>
    %slice3A_3435 = vector.extract_strided_slice %transpose3A_3329 {offsets = [12, 0], sizes = [1, 5120], strides = [1, 1]} : vector<40x5120xi32> to vector<1x5120xi32>
    %gt3A_3436 = arith.constant 0 : i32
    %gt3A_3437 = vector.broadcast %gt3A_3436 : i32 to vector<1x5120xi32>
    %gt3A_3438 = arith.cmpi sgt, %slice3A_3435, %gt3A_3437 : vector<1x5120xi32>
    %mul3A_3439 = arith.constant 6 : i32
    %mul3A_3440 = vector.broadcast %mul3A_3439 : i32 to vector<1x5120xi32>
    %mul3A_3441 = arith.muli %slice3A_3435, %mul3A_3440 : vector<1x5120xi32>
    %slice3A_3442 = vector.extract_strided_slice %transpose3A_3329 {offsets = [13, 0], sizes = [1, 5120], strides = [1, 1]} : vector<40x5120xi32> to vector<1x5120xi32>
    %add3A_3443 = arith.addi %mul3A_3441, %slice3A_3442 : vector<1x5120xi32>
    %jit3A_3444 = arith.constant -1 : i32
    %broadcast_in_dim3A_3445 = vector.broadcast %jit3A_3444 : i32 to vector<1x5120xi32>
    %select_n3A_3446 = arith.select %gt3A_3438, %add3A_3443, %broadcast_in_dim3A_3445 : vector<1x5120xi1>, vector<1x5120xi32>
    %eq3A_3447 = vector.broadcast %select_n3A_3446 : vector<1x5120xi32> to vector<36x5120xi32>
    %eq3A_3448 = arith.cmpi eq, %eq3A_3447, %iota3A_3330 : vector<36x5120xi32>
    %convert_element_type3A_3449 = arith.extui %eq3A_3448 : vector<36x5120xi1> to vector<36x5120xi32>
    %convert_element_type3A_3450 = arith.sitofp %convert_element_type3A_3449 : vector<36x5120xi32> to vector<36x5120xf32>
    %add3A_3451 = arith.addf %add3A_3434, %convert_element_type3A_3450 : vector<36x5120xf32>
    %slice3A_3452 = vector.extract_strided_slice %transpose3A_3329 {offsets = [14, 0], sizes = [1, 5120], strides = [1, 1]} : vector<40x5120xi32> to vector<1x5120xi32>
    %gt3A_3453 = arith.constant 0 : i32
    %gt3A_3454 = vector.broadcast %gt3A_3453 : i32 to vector<1x5120xi32>
    %gt3A_3455 = arith.cmpi sgt, %slice3A_3452, %gt3A_3454 : vector<1x5120xi32>
    %mul3A_3456 = arith.constant 6 : i32
    %mul3A_3457 = vector.broadcast %mul3A_3456 : i32 to vector<1x5120xi32>
    %mul3A_3458 = arith.muli %slice3A_3452, %mul3A_3457 : vector<1x5120xi32>
    %slice3A_3459 = vector.extract_strided_slice %transpose3A_3329 {offsets = [15, 0], sizes = [1, 5120], strides = [1, 1]} : vector<40x5120xi32> to vector<1x5120xi32>
    %add3A_3460 = arith.addi %mul3A_3458, %slice3A_3459 : vector<1x5120xi32>
    %jit3A_3461 = arith.constant -1 : i32
    %broadcast_in_dim3A_3462 = vector.broadcast %jit3A_3461 : i32 to vector<1x5120xi32>
    %select_n3A_3463 = arith.select %gt3A_3455, %add3A_3460, %broadcast_in_dim3A_3462 : vector<1x5120xi1>, vector<1x5120xi32>
    %eq3A_3464 = vector.broadcast %select_n3A_3463 : vector<1x5120xi32> to vector<36x5120xi32>
    %eq3A_3465 = arith.cmpi eq, %eq3A_3464, %iota3A_3330 : vector<36x5120xi32>
    %convert_element_type3A_3466 = arith.extui %eq3A_3465 : vector<36x5120xi1> to vector<36x5120xi32>
    %convert_element_type3A_3467 = arith.sitofp %convert_element_type3A_3466 : vector<36x5120xi32> to vector<36x5120xf32>
    %add3A_3468 = arith.addf %add3A_3451, %convert_element_type3A_3467 : vector<36x5120xf32>
    %slice3A_3469 = vector.extract_strided_slice %transpose3A_3329 {offsets = [16, 0], sizes = [1, 5120], strides = [1, 1]} : vector<40x5120xi32> to vector<1x5120xi32>
    %gt3A_3470 = arith.constant 0 : i32
    %gt3A_3471 = vector.broadcast %gt3A_3470 : i32 to vector<1x5120xi32>
    %gt3A_3472 = arith.cmpi sgt, %slice3A_3469, %gt3A_3471 : vector<1x5120xi32>
    %mul3A_3473 = arith.constant 6 : i32
    %mul3A_3474 = vector.broadcast %mul3A_3473 : i32 to vector<1x5120xi32>
    %mul3A_3475 = arith.muli %slice3A_3469, %mul3A_3474 : vector<1x5120xi32>
    %slice3A_3476 = vector.extract_strided_slice %transpose3A_3329 {offsets = [17, 0], sizes = [1, 5120], strides = [1, 1]} : vector<40x5120xi32> to vector<1x5120xi32>
    %add3A_3477 = arith.addi %mul3A_3475, %slice3A_3476 : vector<1x5120xi32>
    %jit3A_3478 = arith.constant -1 : i32
    %broadcast_in_dim3A_3479 = vector.broadcast %jit3A_3478 : i32 to vector<1x5120xi32>
    %select_n3A_3480 = arith.select %gt3A_3472, %add3A_3477, %broadcast_in_dim3A_3479 : vector<1x5120xi1>, vector<1x5120xi32>
    %eq3A_3481 = vector.broadcast %select_n3A_3480 : vector<1x5120xi32> to vector<36x5120xi32>
    %eq3A_3482 = arith.cmpi eq, %eq3A_3481, %iota3A_3330 : vector<36x5120xi32>
    %convert_element_type3A_3483 = arith.extui %eq3A_3482 : vector<36x5120xi1> to vector<36x5120xi32>
    %convert_element_type3A_3484 = arith.sitofp %convert_element_type3A_3483 : vector<36x5120xi32> to vector<36x5120xf32>
    %add3A_3485 = arith.addf %add3A_3468, %convert_element_type3A_3484 : vector<36x5120xf32>
    %slice3A_3486 = vector.extract_strided_slice %transpose3A_3329 {offsets = [18, 0], sizes = [1, 5120], strides = [1, 1]} : vector<40x5120xi32> to vector<1x5120xi32>
    %gt3A_3487 = arith.constant 0 : i32
    %gt3A_3488 = vector.broadcast %gt3A_3487 : i32 to vector<1x5120xi32>
    %gt3A_3489 = arith.cmpi sgt, %slice3A_3486, %gt3A_3488 : vector<1x5120xi32>
    %mul3A_3490 = arith.constant 6 : i32
    %mul3A_3491 = vector.broadcast %mul3A_3490 : i32 to vector<1x5120xi32>
    %mul3A_3492 = arith.muli %slice3A_3486, %mul3A_3491 : vector<1x5120xi32>
    %slice3A_3493 = vector.extract_strided_slice %transpose3A_3329 {offsets = [19, 0], sizes = [1, 5120], strides = [1, 1]} : vector<40x5120xi32> to vector<1x5120xi32>
    %add3A_3494 = arith.addi %mul3A_3492, %slice3A_3493 : vector<1x5120xi32>
    %jit3A_3495 = arith.constant -1 : i32
    %broadcast_in_dim3A_3496 = vector.broadcast %jit3A_3495 : i32 to vector<1x5120xi32>
    %select_n3A_3497 = arith.select %gt3A_3489, %add3A_3494, %broadcast_in_dim3A_3496 : vector<1x5120xi1>, vector<1x5120xi32>
    %eq3A_3498 = vector.broadcast %select_n3A_3497 : vector<1x5120xi32> to vector<36x5120xi32>
    %eq3A_3499 = arith.cmpi eq, %eq3A_3498, %iota3A_3330 : vector<36x5120xi32>
    %convert_element_type3A_3500 = arith.extui %eq3A_3499 : vector<36x5120xi1> to vector<36x5120xi32>
    %convert_element_type3A_3501 = arith.sitofp %convert_element_type3A_3500 : vector<36x5120xi32> to vector<36x5120xf32>
    %add3A_3502 = arith.addf %add3A_3485, %convert_element_type3A_3501 : vector<36x5120xf32>
    %slice3A_3503 = vector.extract_strided_slice %transpose3A_3329 {offsets = [20, 0], sizes = [1, 5120], strides = [1, 1]} : vector<40x5120xi32> to vector<1x5120xi32>
    %gt3A_3504 = arith.constant 0 : i32
    %gt3A_3505 = vector.broadcast %gt3A_3504 : i32 to vector<1x5120xi32>
    %gt3A_3506 = arith.cmpi sgt, %slice3A_3503, %gt3A_3505 : vector<1x5120xi32>
    %mul3A_3507 = arith.constant 6 : i32
    %mul3A_3508 = vector.broadcast %mul3A_3507 : i32 to vector<1x5120xi32>
    %mul3A_3509 = arith.muli %slice3A_3503, %mul3A_3508 : vector<1x5120xi32>
    %slice3A_3510 = vector.extract_strided_slice %transpose3A_3329 {offsets = [21, 0], sizes = [1, 5120], strides = [1, 1]} : vector<40x5120xi32> to vector<1x5120xi32>
    %add3A_3511 = arith.addi %mul3A_3509, %slice3A_3510 : vector<1x5120xi32>
    %jit3A_3512 = arith.constant -1 : i32
    %broadcast_in_dim3A_3513 = vector.broadcast %jit3A_3512 : i32 to vector<1x5120xi32>
    %select_n3A_3514 = arith.select %gt3A_3506, %add3A_3511, %broadcast_in_dim3A_3513 : vector<1x5120xi1>, vector<1x5120xi32>
    %eq3A_3515 = vector.broadcast %select_n3A_3514 : vector<1x5120xi32> to vector<36x5120xi32>
    %eq3A_3516 = arith.cmpi eq, %eq3A_3515, %iota3A_3330 : vector<36x5120xi32>
    %convert_element_type3A_3517 = arith.extui %eq3A_3516 : vector<36x5120xi1> to vector<36x5120xi32>
    %convert_element_type3A_3518 = arith.sitofp %convert_element_type3A_3517 : vector<36x5120xi32> to vector<36x5120xf32>
    %add3A_3519 = arith.addf %add3A_3502, %convert_element_type3A_3518 : vector<36x5120xf32>
    %slice3A_3520 = vector.extract_strided_slice %transpose3A_3329 {offsets = [22, 0], sizes = [1, 5120], strides = [1, 1]} : vector<40x5120xi32> to vector<1x5120xi32>
    %gt3A_3521 = arith.constant 0 : i32
    %gt3A_3522 = vector.broadcast %gt3A_3521 : i32 to vector<1x5120xi32>
    %gt3A_3523 = arith.cmpi sgt, %slice3A_3520, %gt3A_3522 : vector<1x5120xi32>
    %mul3A_3524 = arith.constant 6 : i32
    %mul3A_3525 = vector.broadcast %mul3A_3524 : i32 to vector<1x5120xi32>
    %mul3A_3526 = arith.muli %slice3A_3520, %mul3A_3525 : vector<1x5120xi32>
    %slice3A_3527 = vector.extract_strided_slice %transpose3A_3329 {offsets = [23, 0], sizes = [1, 5120], strides = [1, 1]} : vector<40x5120xi32> to vector<1x5120xi32>
    %add3A_3528 = arith.addi %mul3A_3526, %slice3A_3527 : vector<1x5120xi32>
    %jit3A_3529 = arith.constant -1 : i32
    %broadcast_in_dim3A_3530 = vector.broadcast %jit3A_3529 : i32 to vector<1x5120xi32>
    %select_n3A_3531 = arith.select %gt3A_3523, %add3A_3528, %broadcast_in_dim3A_3530 : vector<1x5120xi1>, vector<1x5120xi32>
    %eq3A_3532 = vector.broadcast %select_n3A_3531 : vector<1x5120xi32> to vector<36x5120xi32>
    %eq3A_3533 = arith.cmpi eq, %eq3A_3532, %iota3A_3330 : vector<36x5120xi32>
    %convert_element_type3A_3534 = arith.extui %eq3A_3533 : vector<36x5120xi1> to vector<36x5120xi32>
    %convert_element_type3A_3535 = arith.sitofp %convert_element_type3A_3534 : vector<36x5120xi32> to vector<36x5120xf32>
    %add3A_3536 = arith.addf %add3A_3519, %convert_element_type3A_3535 : vector<36x5120xf32>
    %slice3A_3537 = vector.extract_strided_slice %transpose3A_3329 {offsets = [24, 0], sizes = [1, 5120], strides = [1, 1]} : vector<40x5120xi32> to vector<1x5120xi32>
    %gt3A_3538 = arith.constant 0 : i32
    %gt3A_3539 = vector.broadcast %gt3A_3538 : i32 to vector<1x5120xi32>
    %gt3A_3540 = arith.cmpi sgt, %slice3A_3537, %gt3A_3539 : vector<1x5120xi32>
    %mul3A_3541 = arith.constant 6 : i32
    %mul3A_3542 = vector.broadcast %mul3A_3541 : i32 to vector<1x5120xi32>
    %mul3A_3543 = arith.muli %slice3A_3537, %mul3A_3542 : vector<1x5120xi32>
    %slice3A_3544 = vector.extract_strided_slice %transpose3A_3329 {offsets = [25, 0], sizes = [1, 5120], strides = [1, 1]} : vector<40x5120xi32> to vector<1x5120xi32>
    %add3A_3545 = arith.addi %mul3A_3543, %slice3A_3544 : vector<1x5120xi32>
    %jit3A_3546 = arith.constant -1 : i32
    %broadcast_in_dim3A_3547 = vector.broadcast %jit3A_3546 : i32 to vector<1x5120xi32>
    %select_n3A_3548 = arith.select %gt3A_3540, %add3A_3545, %broadcast_in_dim3A_3547 : vector<1x5120xi1>, vector<1x5120xi32>
    %eq3A_3549 = vector.broadcast %select_n3A_3548 : vector<1x5120xi32> to vector<36x5120xi32>
    %eq3A_3550 = arith.cmpi eq, %eq3A_3549, %iota3A_3330 : vector<36x5120xi32>
    %convert_element_type3A_3551 = arith.extui %eq3A_3550 : vector<36x5120xi1> to vector<36x5120xi32>
    %convert_element_type3A_3552 = arith.sitofp %convert_element_type3A_3551 : vector<36x5120xi32> to vector<36x5120xf32>
    %add3A_3553 = arith.addf %add3A_3536, %convert_element_type3A_3552 : vector<36x5120xf32>
    %slice3A_3554 = vector.extract_strided_slice %transpose3A_3329 {offsets = [26, 0], sizes = [1, 5120], strides = [1, 1]} : vector<40x5120xi32> to vector<1x5120xi32>
    %gt3A_3555 = arith.constant 0 : i32
    %gt3A_3556 = vector.broadcast %gt3A_3555 : i32 to vector<1x5120xi32>
    %gt3A_3557 = arith.cmpi sgt, %slice3A_3554, %gt3A_3556 : vector<1x5120xi32>
    %mul3A_3558 = arith.constant 6 : i32
    %mul3A_3559 = vector.broadcast %mul3A_3558 : i32 to vector<1x5120xi32>
    %mul3A_3560 = arith.muli %slice3A_3554, %mul3A_3559 : vector<1x5120xi32>
    %slice3A_3561 = vector.extract_strided_slice %transpose3A_3329 {offsets = [27, 0], sizes = [1, 5120], strides = [1, 1]} : vector<40x5120xi32> to vector<1x5120xi32>
    %add3A_3562 = arith.addi %mul3A_3560, %slice3A_3561 : vector<1x5120xi32>
    %jit3A_3563 = arith.constant -1 : i32
    %broadcast_in_dim3A_3564 = vector.broadcast %jit3A_3563 : i32 to vector<1x5120xi32>
    %select_n3A_3565 = arith.select %gt3A_3557, %add3A_3562, %broadcast_in_dim3A_3564 : vector<1x5120xi1>, vector<1x5120xi32>
    %eq3A_3566 = vector.broadcast %select_n3A_3565 : vector<1x5120xi32> to vector<36x5120xi32>
    %eq3A_3567 = arith.cmpi eq, %eq3A_3566, %iota3A_3330 : vector<36x5120xi32>
    %convert_element_type3A_3568 = arith.extui %eq3A_3567 : vector<36x5120xi1> to vector<36x5120xi32>
    %convert_element_type3A_3569 = arith.sitofp %convert_element_type3A_3568 : vector<36x5120xi32> to vector<36x5120xf32>
    %add3A_3570 = arith.addf %add3A_3553, %convert_element_type3A_3569 : vector<36x5120xf32>
    %slice3A_3571 = vector.extract_strided_slice %transpose3A_3329 {offsets = [28, 0], sizes = [1, 5120], strides = [1, 1]} : vector<40x5120xi32> to vector<1x5120xi32>
    %gt3A_3572 = arith.constant 0 : i32
    %gt3A_3573 = vector.broadcast %gt3A_3572 : i32 to vector<1x5120xi32>
    %gt3A_3574 = arith.cmpi sgt, %slice3A_3571, %gt3A_3573 : vector<1x5120xi32>
    %mul3A_3575 = arith.constant 6 : i32
    %mul3A_3576 = vector.broadcast %mul3A_3575 : i32 to vector<1x5120xi32>
    %mul3A_3577 = arith.muli %slice3A_3571, %mul3A_3576 : vector<1x5120xi32>
    %slice3A_3578 = vector.extract_strided_slice %transpose3A_3329 {offsets = [29, 0], sizes = [1, 5120], strides = [1, 1]} : vector<40x5120xi32> to vector<1x5120xi32>
    %add3A_3579 = arith.addi %mul3A_3577, %slice3A_3578 : vector<1x5120xi32>
    %jit3A_3580 = arith.constant -1 : i32
    %broadcast_in_dim3A_3581 = vector.broadcast %jit3A_3580 : i32 to vector<1x5120xi32>
    %select_n3A_3582 = arith.select %gt3A_3574, %add3A_3579, %broadcast_in_dim3A_3581 : vector<1x5120xi1>, vector<1x5120xi32>
    %eq3A_3583 = vector.broadcast %select_n3A_3582 : vector<1x5120xi32> to vector<36x5120xi32>
    %eq3A_3584 = arith.cmpi eq, %eq3A_3583, %iota3A_3330 : vector<36x5120xi32>
    %convert_element_type3A_3585 = arith.extui %eq3A_3584 : vector<36x5120xi1> to vector<36x5120xi32>
    %convert_element_type3A_3586 = arith.sitofp %convert_element_type3A_3585 : vector<36x5120xi32> to vector<36x5120xf32>
    %add3A_3587 = arith.addf %add3A_3570, %convert_element_type3A_3586 : vector<36x5120xf32>
    %slice3A_3588 = vector.extract_strided_slice %transpose3A_3329 {offsets = [30, 0], sizes = [1, 5120], strides = [1, 1]} : vector<40x5120xi32> to vector<1x5120xi32>
    %gt3A_3589 = arith.constant 0 : i32
    %gt3A_3590 = vector.broadcast %gt3A_3589 : i32 to vector<1x5120xi32>
    %gt3A_3591 = arith.cmpi sgt, %slice3A_3588, %gt3A_3590 : vector<1x5120xi32>
    %mul3A_3592 = arith.constant 6 : i32
    %mul3A_3593 = vector.broadcast %mul3A_3592 : i32 to vector<1x5120xi32>
    %mul3A_3594 = arith.muli %slice3A_3588, %mul3A_3593 : vector<1x5120xi32>
    %slice3A_3595 = vector.extract_strided_slice %transpose3A_3329 {offsets = [31, 0], sizes = [1, 5120], strides = [1, 1]} : vector<40x5120xi32> to vector<1x5120xi32>
    %add3A_3596 = arith.addi %mul3A_3594, %slice3A_3595 : vector<1x5120xi32>
    %jit3A_3597 = arith.constant -1 : i32
    %broadcast_in_dim3A_3598 = vector.broadcast %jit3A_3597 : i32 to vector<1x5120xi32>
    %select_n3A_3599 = arith.select %gt3A_3591, %add3A_3596, %broadcast_in_dim3A_3598 : vector<1x5120xi1>, vector<1x5120xi32>
    %eq3A_3600 = vector.broadcast %select_n3A_3599 : vector<1x5120xi32> to vector<36x5120xi32>
    %eq3A_3601 = arith.cmpi eq, %eq3A_3600, %iota3A_3330 : vector<36x5120xi32>
    %convert_element_type3A_3602 = arith.extui %eq3A_3601 : vector<36x5120xi1> to vector<36x5120xi32>
    %convert_element_type3A_3603 = arith.sitofp %convert_element_type3A_3602 : vector<36x5120xi32> to vector<36x5120xf32>
    %add3A_3604 = arith.addf %add3A_3587, %convert_element_type3A_3603 : vector<36x5120xf32>
    %slice3A_3605 = vector.extract_strided_slice %transpose3A_3329 {offsets = [32, 0], sizes = [1, 5120], strides = [1, 1]} : vector<40x5120xi32> to vector<1x5120xi32>
    %gt3A_3606 = arith.constant 0 : i32
    %gt3A_3607 = vector.broadcast %gt3A_3606 : i32 to vector<1x5120xi32>
    %gt3A_3608 = arith.cmpi sgt, %slice3A_3605, %gt3A_3607 : vector<1x5120xi32>
    %mul3A_3609 = arith.constant 6 : i32
    %mul3A_3610 = vector.broadcast %mul3A_3609 : i32 to vector<1x5120xi32>
    %mul3A_3611 = arith.muli %slice3A_3605, %mul3A_3610 : vector<1x5120xi32>
    %slice3A_3612 = vector.extract_strided_slice %transpose3A_3329 {offsets = [33, 0], sizes = [1, 5120], strides = [1, 1]} : vector<40x5120xi32> to vector<1x5120xi32>
    %add3A_3613 = arith.addi %mul3A_3611, %slice3A_3612 : vector<1x5120xi32>
    %jit3A_3614 = arith.constant -1 : i32
    %broadcast_in_dim3A_3615 = vector.broadcast %jit3A_3614 : i32 to vector<1x5120xi32>
    %select_n3A_3616 = arith.select %gt3A_3608, %add3A_3613, %broadcast_in_dim3A_3615 : vector<1x5120xi1>, vector<1x5120xi32>
    %eq3A_3617 = vector.broadcast %select_n3A_3616 : vector<1x5120xi32> to vector<36x5120xi32>
    %eq3A_3618 = arith.cmpi eq, %eq3A_3617, %iota3A_3330 : vector<36x5120xi32>
    %convert_element_type3A_3619 = arith.extui %eq3A_3618 : vector<36x5120xi1> to vector<36x5120xi32>
    %convert_element_type3A_3620 = arith.sitofp %convert_element_type3A_3619 : vector<36x5120xi32> to vector<36x5120xf32>
    %add3A_3621 = arith.addf %add3A_3604, %convert_element_type3A_3620 : vector<36x5120xf32>
    %slice3A_3622 = vector.extract_strided_slice %transpose3A_3329 {offsets = [34, 0], sizes = [1, 5120], strides = [1, 1]} : vector<40x5120xi32> to vector<1x5120xi32>
    %gt3A_3623 = arith.constant 0 : i32
    %gt3A_3624 = vector.broadcast %gt3A_3623 : i32 to vector<1x5120xi32>
    %gt3A_3625 = arith.cmpi sgt, %slice3A_3622, %gt3A_3624 : vector<1x5120xi32>
    %mul3A_3626 = arith.constant 6 : i32
    %mul3A_3627 = vector.broadcast %mul3A_3626 : i32 to vector<1x5120xi32>
    %mul3A_3628 = arith.muli %slice3A_3622, %mul3A_3627 : vector<1x5120xi32>
    %slice3A_3629 = vector.extract_strided_slice %transpose3A_3329 {offsets = [35, 0], sizes = [1, 5120], strides = [1, 1]} : vector<40x5120xi32> to vector<1x5120xi32>
    %add3A_3630 = arith.addi %mul3A_3628, %slice3A_3629 : vector<1x5120xi32>
    %jit3A_3631 = arith.constant -1 : i32
    %broadcast_in_dim3A_3632 = vector.broadcast %jit3A_3631 : i32 to vector<1x5120xi32>
    %select_n3A_3633 = arith.select %gt3A_3625, %add3A_3630, %broadcast_in_dim3A_3632 : vector<1x5120xi1>, vector<1x5120xi32>
    %eq3A_3634 = vector.broadcast %select_n3A_3633 : vector<1x5120xi32> to vector<36x5120xi32>
    %eq3A_3635 = arith.cmpi eq, %eq3A_3634, %iota3A_3330 : vector<36x5120xi32>
    %convert_element_type3A_3636 = arith.extui %eq3A_3635 : vector<36x5120xi1> to vector<36x5120xi32>
    %convert_element_type3A_3637 = arith.sitofp %convert_element_type3A_3636 : vector<36x5120xi32> to vector<36x5120xf32>
    %add3A_3638 = arith.addf %add3A_3621, %convert_element_type3A_3637 : vector<36x5120xf32>
    %slice3A_3639 = vector.extract_strided_slice %transpose3A_3329 {offsets = [36, 0], sizes = [1, 5120], strides = [1, 1]} : vector<40x5120xi32> to vector<1x5120xi32>
    %gt3A_3640 = arith.constant 0 : i32
    %gt3A_3641 = vector.broadcast %gt3A_3640 : i32 to vector<1x5120xi32>
    %gt3A_3642 = arith.cmpi sgt, %slice3A_3639, %gt3A_3641 : vector<1x5120xi32>
    %mul3A_3643 = arith.constant 6 : i32
    %mul3A_3644 = vector.broadcast %mul3A_3643 : i32 to vector<1x5120xi32>
    %mul3A_3645 = arith.muli %slice3A_3639, %mul3A_3644 : vector<1x5120xi32>
    %slice3A_3646 = vector.extract_strided_slice %transpose3A_3329 {offsets = [37, 0], sizes = [1, 5120], strides = [1, 1]} : vector<40x5120xi32> to vector<1x5120xi32>
    %add3A_3647 = arith.addi %mul3A_3645, %slice3A_3646 : vector<1x5120xi32>
    %jit3A_3648 = arith.constant -1 : i32
    %broadcast_in_dim3A_3649 = vector.broadcast %jit3A_3648 : i32 to vector<1x5120xi32>
    %select_n3A_3650 = arith.select %gt3A_3642, %add3A_3647, %broadcast_in_dim3A_3649 : vector<1x5120xi1>, vector<1x5120xi32>
    %eq3A_3651 = vector.broadcast %select_n3A_3650 : vector<1x5120xi32> to vector<36x5120xi32>
    %eq3A_3652 = arith.cmpi eq, %eq3A_3651, %iota3A_3330 : vector<36x5120xi32>
    %convert_element_type3A_3653 = arith.extui %eq3A_3652 : vector<36x5120xi1> to vector<36x5120xi32>
    %convert_element_type3A_3654 = arith.sitofp %convert_element_type3A_3653 : vector<36x5120xi32> to vector<36x5120xf32>
    %add3A_3655 = arith.addf %add3A_3638, %convert_element_type3A_3654 : vector<36x5120xf32>
    %slice3A_3656 = vector.extract_strided_slice %transpose3A_3329 {offsets = [38, 0], sizes = [1, 5120], strides = [1, 1]} : vector<40x5120xi32> to vector<1x5120xi32>
    %gt3A_3657 = arith.constant 0 : i32
    %gt3A_3658 = vector.broadcast %gt3A_3657 : i32 to vector<1x5120xi32>
    %gt3A_3659 = arith.cmpi sgt, %slice3A_3656, %gt3A_3658 : vector<1x5120xi32>
    %mul3A_3660 = arith.constant 6 : i32
    %mul3A_3661 = vector.broadcast %mul3A_3660 : i32 to vector<1x5120xi32>
    %mul3A_3662 = arith.muli %slice3A_3656, %mul3A_3661 : vector<1x5120xi32>
    %slice3A_3663 = vector.extract_strided_slice %transpose3A_3329 {offsets = [39, 0], sizes = [1, 5120], strides = [1, 1]} : vector<40x5120xi32> to vector<1x5120xi32>
    %add3A_3664 = arith.addi %mul3A_3662, %slice3A_3663 : vector<1x5120xi32>
    %jit3A_3665 = arith.constant -1 : i32
    %broadcast_in_dim3A_3666 = vector.broadcast %jit3A_3665 : i32 to vector<1x5120xi32>
    %select_n3A_3667 = arith.select %gt3A_3659, %add3A_3664, %broadcast_in_dim3A_3666 : vector<1x5120xi1>, vector<1x5120xi32>
    %eq3A_3668 = vector.broadcast %select_n3A_3667 : vector<1x5120xi32> to vector<36x5120xi32>
    %eq3A_3669 = arith.cmpi eq, %eq3A_3668, %iota3A_3330 : vector<36x5120xi32>
    %convert_element_type3A_3670 = arith.extui %eq3A_3669 : vector<36x5120xi1> to vector<36x5120xi32>
    %convert_element_type3A_3671 = arith.sitofp %convert_element_type3A_3670 : vector<36x5120xi32> to vector<36x5120xf32>
    %add3A_3672 = arith.addf %add3A_3655, %convert_element_type3A_3671 : vector<36x5120xf32>
    %iota3A_3673 = tpu.iota {dimensions = array<i32: 0>} : vector<6x5120xi32>
    %eq3A_3674 = vector.broadcast %get3A_3325 : vector<1x5120xi32> to vector<6x5120xi32>
    %eq3A_3675 = arith.cmpi eq, %eq3A_3674, %iota3A_3673 : vector<6x5120xi32>
    %convert_element_type3A_3676 = arith.extui %eq3A_3675 : vector<6x5120xi1> to vector<6x5120xi32>
    %convert_element_type3A_3677 = arith.sitofp %convert_element_type3A_3676 : vector<6x5120xi32> to vector<6x5120xf32>
    %transpose3A_3678 = tpu.transpose %exp3A_3322, [1, 0] : vector<6x36xf32> -> vector<36x6xf32>
    %dot_general3A_3679 = arith.constant dense<0.000000e+00> : vector<36x5120xf32>
    %dot_general3A_3680 = tpu.matmul %transpose3A_3678, %convert_element_type3A_3677, %dot_general3A_3679 {dimension_numbers = #tpu.dot_dimension_numbers<[1], [0], [0], [1], [0, 0, 1, 1], [], []>, transpose_lhs_hint = false} : vector<36x6xf32>, vector<6x5120xf32>, vector<36x5120xf32> -> vector<36x5120xf32>
    %mul3A_3681 = arith.mulf %add3A_3672, %dot_general3A_3680 : vector<36x5120xf32>
    %reduce_sum3A_3682 = arith.constant dense<0.000000e+00> : vector<5120xf32>
    %reduce_sum3A_3683 = vector.multi_reduction <add>, %mul3A_3681, %reduce_sum3A_3682 [0] : vector<36x5120xf32> to vector<5120xf32>
    %broadcast_in_dim3A_3684 = vector.shape_cast %reduce_sum3A_3683 : vector<5120xf32> to vector<1x5120xf32>
    %add3A_3685 = arith.constant 1.000000e-10 : f32
    %add3A_3686 = vector.broadcast %add3A_3685 : f32 to vector<1x5120xf32>
    %add3A_3687 = arith.addf %broadcast_in_dim3A_3684, %add3A_3686 : vector<1x5120xf32>
    %transpose3A_3688 = tpu.transpose %add3A_2826, [1, 0] : vector<36x64xf32> -> vector<64x36xf32>
    %dot_general3A_3689 = arith.constant dense<0.000000e+00> : vector<64x5120xf32>
    %dot_general3A_3690 = tpu.matmul %transpose3A_3688, %mul3A_3681, %dot_general3A_3689 {dimension_numbers = #tpu.dot_dimension_numbers<[1], [0], [0], [1], [0, 0, 1, 1], [], []>, transpose_lhs_hint = false} : vector<64x36xf32>, vector<36x5120xf32>, vector<64x5120xf32> -> vector<64x5120xf32>
    %div3A_3691 = vector.broadcast %add3A_3687 : vector<1x5120xf32> to vector<64x5120xf32>
    %div3A_3692 = arith.divf %dot_general3A_3690, %div3A_3691 : vector<64x5120xf32>
    %get3A_3693 = arith.constant 0 : index
    %get3A_3694 = arith.constant 0 : index
    %get3A_3695 = vector.load %arg42[%get3A_3693, %get3A_3694] : memref<64x64xf32, #tpu.memory_space<vmem>>, vector<64x64xf32>
    %dot_general3A_3696 = arith.constant dense<0.000000e+00> : vector<64x5120xf32>
    %dot_general3A_3697 = tpu.matmul %get3A_3695, %div3A_3692, %dot_general3A_3696 {dimension_numbers = #tpu.dot_dimension_numbers<[1], [0], [0], [1], [0, 0, 1, 1], [], []>, transpose_lhs_hint = false} : vector<64x64xf32>, vector<64x5120xf32>, vector<64x5120xf32> -> vector<64x5120xf32>
    %get3A_3698 = arith.constant 0 : index
    %get3A_3699 = arith.constant 0 : index
    %get3A_3700 = vector.load %arg43[%get3A_3698, %get3A_3699] : memref<64x1xf32, #tpu.memory_space<vmem>>, vector<64x1xf32>
    %add3A_3701 = vector.broadcast %get3A_3700 : vector<64x1xf32> to vector<64x5120xf32>
    %add3A_3702 = arith.addf %dot_general3A_3697, %add3A_3701 : vector<64x5120xf32>
    %tanh3A_3703 = math.tanh %add3A_3702 : vector<64x5120xf32>
    %get3A_3704 = arith.constant 0 : index
    %get3A_3705 = arith.constant 0 : index
    %get3A_3706 = vector.load %arg44[%get3A_3704, %get3A_3705] : memref<128x64xf32, #tpu.memory_space<vmem>>, vector<128x64xf32>
    %get3A_3707 = arith.constant 0 : index
    %get3A_3708 = arith.constant 0 : index
    %get3A_3709 = vector.load %arg46[%get3A_3707, %get3A_3708] : memref<1x64xf32, #tpu.memory_space<vmem>>, vector<1x64xf32>
    %slice3A_3710 = vector.extract_strided_slice %get3A_3706 {offsets = [64, 0], sizes = [64, 64], strides = [1, 1]} : vector<128x64xf32> to vector<64x64xf32>
    %dot_general3A_3711 = arith.constant dense<0.000000e+00> : vector<256x64xf32>
    %dot_general3A_3712 = tpu.matmul %tanh3A_2802, %slice3A_3710, %dot_general3A_3711 {dimension_numbers = #tpu.dot_dimension_numbers<[1], [0], [0], [1], [0, 0, 1, 1], [], []>, transpose_lhs_hint = false} : vector<256x64xf32>, vector<64x64xf32>, vector<256x64xf32> -> vector<256x64xf32>
    %slice3A_3713 = vector.extract_strided_slice %get3A_3706 {offsets = [0, 0], sizes = [64, 64], strides = [1, 1]} : vector<128x64xf32> to vector<64x64xf32>
    %dot_general3A_3714 = arith.constant dense<0.000000e+00> : vector<256x64xf32>
    %dot_general3A_3715 = tpu.matmul %tanh3A_1405, %slice3A_3713, %dot_general3A_3714 {dimension_numbers = #tpu.dot_dimension_numbers<[1], [0], [0], [1], [0, 0, 1, 1], [], []>, transpose_lhs_hint = false} : vector<256x64xf32>, vector<64x64xf32>, vector<256x64xf32> -> vector<256x64xf32>
    %add3A_3716 = arith.addf %dot_general3A_3715, %dot_general3A_3712 : vector<256x64xf32>
    %get3A_3717 = arith.constant 0 : index
    %get3A_3718 = arith.constant 0 : index
    %get3A_3719 = vector.load %arg45[%get3A_3717, %get3A_3718] : memref<1x64xf32, #tpu.memory_space<vmem>>, vector<1x64xf32>
    %add3A_3720 = vector.broadcast %get3A_3719 : vector<1x64xf32> to vector<256x64xf32>
    %add3A_3721 = arith.addf %add3A_3716, %add3A_3720 : vector<256x64xf32>
    %max3A_3722 = arith.constant 0.000000e+00 : f32
    %max3A_3723 = vector.broadcast %max3A_3722 : f32 to vector<256x64xf32>
    %max3A_3724 = arith.maximumf %add3A_3721, %max3A_3723 : vector<256x64xf32>
    %mul3A_3725 = vector.broadcast %get3A_3709 : vector<1x64xf32> to vector<256x64xf32>
    %mul3A_3726 = arith.mulf %max3A_3724, %mul3A_3725 : vector<256x64xf32>
    %reduce_sum3A_3727 = arith.constant dense<0.000000e+00> : vector<256xf32>
    %reduce_sum3A_3728 = vector.multi_reduction <add>, %mul3A_3726, %reduce_sum3A_3727 [1] : vector<256x64xf32> to vector<256xf32>
    %broadcast_in_dim3A_3729 = vector.shape_cast %reduce_sum3A_3728 : vector<256xf32> to vector<256x1xf32>
    %get3A_3730 = arith.constant 0 : index
    %get3A_3731 = arith.constant 0 : index
    %get3A_3732 = vector.load %arg47[%get3A_3730, %get3A_3731] : memref<1x1xf32, #tpu.memory_space<vmem>>, vector<1x1xf32>
    %add3A_3733 = vector.broadcast %get3A_3732 : vector<1x1xf32> to vector<256x1xf32>
    %add3A_3734 = arith.addf %broadcast_in_dim3A_3729, %add3A_3733 : vector<256x1xf32>
    %transpose3A_3735 = tpu.transpose %dot_general3A_3712, [1, 0] : vector<256x64xf32> -> vector<64x256xf32>
    %get3A_3736 = arith.constant 0 : index
    %get3A_3737 = arith.constant 0 : index
    %get3A_3738 = vector.load %arg13[%get3A_3736, %get3A_3737] : memref<256x5120xf32, #tpu.memory_space<vmem>>, vector<256x5120xf32>
    %dot_general3A_3739 = arith.constant dense<0.000000e+00> : vector<64x5120xf32>
    %dot_general3A_3740 = tpu.matmul %transpose3A_3735, %get3A_3738, %dot_general3A_3739 {dimension_numbers = #tpu.dot_dimension_numbers<[1], [0], [0], [1], [0, 0, 1, 1], [], []>, transpose_lhs_hint = false} : vector<64x256xf32>, vector<256x5120xf32>, vector<64x5120xf32> -> vector<64x5120xf32>
    %get3A_3741 = arith.constant 0 : index
    %get3A_3742 = arith.constant 0 : index
    %get3A_3743 = vector.load %arg48[%get3A_3741, %get3A_3742] : memref<64x64xf32, #tpu.memory_space<vmem>>, vector<64x64xf32>
    %dot_general3A_3744 = arith.constant dense<0.000000e+00> : vector<64x5120xf32>
    %dot_general3A_3745 = tpu.matmul %get3A_3743, %tanh3A_3703, %dot_general3A_3744 {dimension_numbers = #tpu.dot_dimension_numbers<[1], [0], [0], [1], [0, 0, 1, 1], [], []>, transpose_lhs_hint = false} : vector<64x64xf32>, vector<64x5120xf32>, vector<64x5120xf32> -> vector<64x5120xf32>
    %add3A_3746 = arith.addf %dot_general3A_3745, %dot_general3A_3740 : vector<64x5120xf32>
    %get3A_3747 = arith.constant 0 : index
    %get3A_3748 = arith.constant 0 : index
    %get3A_3749 = vector.load %arg49[%get3A_3747, %get3A_3748] : memref<64x1xf32, #tpu.memory_space<vmem>>, vector<64x1xf32>
    %add3A_3750 = vector.broadcast %get3A_3749 : vector<64x1xf32> to vector<64x5120xf32>
    %add3A_3751 = arith.addf %add3A_3746, %add3A_3750 : vector<64x5120xf32>
    %max3A_3752 = arith.constant 0.000000e+00 : f32
    %max3A_3753 = vector.broadcast %max3A_3752 : f32 to vector<64x5120xf32>
    %max3A_3754 = arith.maximumf %add3A_3751, %max3A_3753 : vector<64x5120xf32>
    %get3A_3755 = arith.constant 0 : index
    %get3A_3756 = arith.constant 0 : index
    %get3A_3757 = vector.load %arg50[%get3A_3755, %get3A_3756] : memref<64x1xf32, #tpu.memory_space<vmem>>, vector<64x1xf32>
    %mul3A_3758 = vector.broadcast %get3A_3757 : vector<64x1xf32> to vector<64x5120xf32>
    %mul3A_3759 = arith.mulf %max3A_3754, %mul3A_3758 : vector<64x5120xf32>
    %reduce_sum3A_3760 = arith.constant dense<0.000000e+00> : vector<5120xf32>
    %reduce_sum3A_3761 = vector.multi_reduction <add>, %mul3A_3759, %reduce_sum3A_3760 [0] : vector<64x5120xf32> to vector<5120xf32>
    %broadcast_in_dim3A_3762 = vector.shape_cast %reduce_sum3A_3761 : vector<5120xf32> to vector<1x5120xf32>
    %get3A_3763 = arith.constant 0 : index
    %get3A_3764 = arith.constant 0 : index
    %get3A_3765 = vector.load %arg47[%get3A_3763, %get3A_3764] : memref<1x1xf32, #tpu.memory_space<vmem>>, vector<1x1xf32>
    %add3A_3766 = vector.broadcast %get3A_3765 : vector<1x1xf32> to vector<1x5120xf32>
    %add3A_3767 = arith.addf %broadcast_in_dim3A_3762, %add3A_3766 : vector<1x5120xf32>
    %gt3A_3768 = arith.constant 0 : i32
    %gt3A_3769 = vector.broadcast %gt3A_3768 : i32 to vector<1x5120xi32>
    %gt3A_3770 = arith.cmpi sgt, %get3A_3325, %gt3A_3769 : vector<1x5120xi32>
    %convert_element_type3A_3771 = arith.extui %gt3A_3770 : vector<1x5120xi1> to vector<1x5120xi32>
    %convert_element_type3A_3772 = arith.sitofp %convert_element_type3A_3771 : vector<1x5120xi32> to vector<1x5120xf32>
    %mul3A_3773 = arith.mulf %add3A_3767, %convert_element_type3A_3772 : vector<1x5120xf32>
    %concatenate3A_3774 = tpu.concatenate %mul3A_3773, %convert_element_type3A_3772 in 0 : vector<1x5120xf32>, vector<1x5120xf32> -> vector<2x5120xf32>
    %get3A_3775 = arith.constant 0 : index
    %get3A_3776 = arith.constant 0 : index
    %get3A_3777 = vector.load %arg12[%get3A_3775, %get3A_3776] : memref<5120x256xf32, #tpu.memory_space<vmem>>, vector<5120x256xf32>
    %dot_general3A_3778 = arith.constant dense<0.000000e+00> : vector<2x256xf32>
    %dot_general3A_3779 = tpu.matmul %concatenate3A_3774, %get3A_3777, %dot_general3A_3778 {dimension_numbers = #tpu.dot_dimension_numbers<[1], [0], [0], [1], [0, 0, 1, 1], [], []>, transpose_lhs_hint = false} : vector<2x5120xf32>, vector<5120x256xf32>, vector<2x256xf32> -> vector<2x256xf32>
    %transpose3A_3780 = tpu.transpose %dot_general3A_3779, [1, 0] : vector<2x256xf32> -> vector<256x2xf32>
    %slice3A_3781 = vector.extract_strided_slice %transpose3A_3780 {offsets = [0, 0], sizes = [256, 1], strides = [1, 1]} : vector<256x2xf32> to vector<256x1xf32>
    %slice3A_3782 = vector.extract_strided_slice %transpose3A_3780 {offsets = [0, 1], sizes = [256, 1], strides = [1, 1]} : vector<256x2xf32> to vector<256x1xf32>
    %add3A_3783 = arith.constant 1.000000e-10 : f32
    %add3A_3784 = vector.broadcast %add3A_3783 : f32 to vector<256x1xf32>
    %add3A_3785 = arith.addf %slice3A_3782, %add3A_3784 : vector<256x1xf32>
    %div3A_3786 = arith.divf %slice3A_3781, %add3A_3785 : vector<256x1xf32>
    %add3A_3787 = arith.addf %add3A_3734, %div3A_3786 : vector<256x1xf32>
    %swap3A = arith.constant 0 : index
    %swap3A_3788 = arith.constant 0 : index
    %swap3A_3789 = vector.load %arg51[%swap3A, %swap3A_3788] : memref<256x1xf32, #tpu.memory_space<vmem>>, vector<256x1xf32>
    tpu.vector_store %arg51[%swap3A, %swap3A_3788], %add3A_3787 {strides = array<i32>} : memref<256x1xf32, #tpu.memory_space<vmem>>, vector<256x1xf32>,
    return
  }
  func.func @transform_0(%arg0: i32) -> (i32, i32) {
    %c0_i32 = arith.constant 0 : i32
    %c0_i32_0 = arith.constant 0 : i32
    return %arg0, %c0_i32 : i32, i32
  }
  func.func @transform_1(%arg0: i32) -> (i32, i32) {
    %c0_i32 = arith.constant 0 : i32
    %c0_i32_0 = arith.constant 0 : i32
    return %arg0, %c0_i32 : i32, i32
  }
  func.func @transform_2(%arg0: i32) -> (i32, i32) {
    %c0_i32 = arith.constant 0 : i32
    %c0_i32_0 = arith.constant 0 : i32
    return %arg0, %c0_i32 : i32, i32
  }
  func.func @transform_3(%arg0: i32) -> (i32, i32) {
    %c0_i32 = arith.constant 0 : i32
    %c0_i32_0 = arith.constant 0 : i32
    return %arg0, %c0_i32 : i32, i32
  }
  func.func @transform_4(%arg0: i32) -> (i32, i32) {
    %c0_i32 = arith.constant 0 : i32
    %c0_i32_0 = arith.constant 0 : i32
    %c0_i32_1 = arith.constant 0 : i32
    return %c0_i32, %c0_i32_0 : i32, i32
  }
  func.func @transform_5(%arg0: i32) -> (i32, i32) {
    %c0_i32 = arith.constant 0 : i32
    %c0_i32_0 = arith.constant 0 : i32
    %c0_i32_1 = arith.constant 0 : i32
    return %c0_i32, %c0_i32_0 : i32, i32
  }
  func.func @transform_6(%arg0: i32) -> (i32, i32) {
    %c0_i32 = arith.constant 0 : i32
    %c0_i32_0 = arith.constant 0 : i32
    %c0_i32_1 = arith.constant 0 : i32
    return %c0_i32, %c0_i32_0 : i32, i32
  }
  func.func @transform_7(%arg0: i32) -> (i32, i32) {
    %c0_i32 = arith.constant 0 : i32
    %c0_i32_0 = arith.constant 0 : i32
    return %arg0, %c0_i32 : i32, i32
  }
  func.func @transform_8(%arg0: i32) -> (i32, i32) {
    %c0_i32 = arith.constant 0 : i32
    %c0_i32_0 = arith.constant 0 : i32
    return %arg0, %c0_i32 : i32, i32
  }
  func.func @transform_9(%arg0: i32) -> (i32, i32) {
    %c0_i32 = arith.constant 0 : i32
    %c0_i32_0 = arith.constant 0 : i32
    return %arg0, %c0_i32 : i32, i32
  }
  func.func @transform_10(%arg0: i32) -> (i32, i32) {
    %c0_i32 = arith.constant 0 : i32
    %c0_i32_0 = arith.constant 0 : i32
    return %c0_i32, %arg0 : i32, i32
  }
  func.func @transform_11(%arg0: i32) -> (i32, i32) {
    %c0_i32 = arith.constant 0 : i32
    %c0_i32_0 = arith.constant 0 : i32
    %c0_i32_1 = arith.constant 0 : i32
    return %c0_i32, %c0_i32_0 : i32, i32
  }
  func.func @transform_12(%arg0: i32) -> (i32, i32) {
    %c0_i32 = arith.constant 0 : i32
    %c0_i32_0 = arith.constant 0 : i32
    %c0_i32_1 = arith.constant 0 : i32
    return %c0_i32, %c0_i32_0 : i32, i32
  }
  func.func @transform_13(%arg0: i32) -> (i32, i32) {
    %c0_i32 = arith.constant 0 : i32
    %c0_i32_0 = arith.constant 0 : i32
    %c0_i32_1 = arith.constant 0 : i32
    return %c0_i32, %c0_i32_0 : i32, i32
  }
  func.func @transform_14(%arg0: i32) -> (i32, i32) {
    %c0_i32 = arith.constant 0 : i32
    %c0_i32_0 = arith.constant 0 : i32
    %c0_i32_1 = arith.constant 0 : i32
    return %c0_i32, %c0_i32_0 : i32, i32
  }
  func.func @transform_15(%arg0: i32) -> (i32, i32) {
    %c0_i32 = arith.constant 0 : i32
    %c0_i32_0 = arith.constant 0 : i32
    %c0_i32_1 = arith.constant 0 : i32
    return %c0_i32, %c0_i32_0 : i32, i32
  }
  func.func @transform_16(%arg0: i32) -> (i32, i32) {
    %c0_i32 = arith.constant 0 : i32
    %c0_i32_0 = arith.constant 0 : i32
    %c0_i32_1 = arith.constant 0 : i32
    return %c0_i32, %c0_i32_0 : i32, i32
  }
  func.func @transform_17(%arg0: i32) -> (i32, i32) {
    %c0_i32 = arith.constant 0 : i32
    %c0_i32_0 = arith.constant 0 : i32
    %c0_i32_1 = arith.constant 0 : i32
    return %c0_i32, %c0_i32_0 : i32, i32
  }
  func.func @transform_18(%arg0: i32) -> (i32, i32) {
    %c0_i32 = arith.constant 0 : i32
    %c0_i32_0 = arith.constant 0 : i32
    %c0_i32_1 = arith.constant 0 : i32
    return %c0_i32, %c0_i32_0 : i32, i32
  }
  func.func @transform_19(%arg0: i32) -> (i32, i32) {
    %c0_i32 = arith.constant 0 : i32
    %c0_i32_0 = arith.constant 0 : i32
    %c0_i32_1 = arith.constant 0 : i32
    return %c0_i32, %c0_i32_0 : i32, i32
  }
  func.func @transform_20(%arg0: i32) -> (i32, i32) {
    %c0_i32 = arith.constant 0 : i32
    %c0_i32_0 = arith.constant 0 : i32
    %c0_i32_1 = arith.constant 0 : i32
    return %c0_i32, %c0_i32_0 : i32, i32
  }
  func.func @transform_21(%arg0: i32) -> (i32, i32) {
    %c0_i32 = arith.constant 0 : i32
    %c0_i32_0 = arith.constant 0 : i32
    %c0_i32_1 = arith.constant 0 : i32
    return %c0_i32, %c0_i32_0 : i32, i32
  }
  func.func @transform_22(%arg0: i32) -> (i32, i32) {
    %c0_i32 = arith.constant 0 : i32
    %c0_i32_0 = arith.constant 0 : i32
    %c0_i32_1 = arith.constant 0 : i32
    return %c0_i32, %c0_i32_0 : i32, i32
  }
  func.func @transform_23(%arg0: i32) -> (i32, i32) {
    %c0_i32 = arith.constant 0 : i32
    %c0_i32_0 = arith.constant 0 : i32
    %c0_i32_1 = arith.constant 0 : i32
    return %c0_i32, %c0_i32_0 : i32, i32
  }
  func.func @transform_24(%arg0: i32) -> (i32, i32) {
    %c0_i32 = arith.constant 0 : i32
    %c0_i32_0 = arith.constant 0 : i32
    %c0_i32_1 = arith.constant 0 : i32
    return %c0_i32, %c0_i32_0 : i32, i32
  }
  func.func @transform_25(%arg0: i32) -> (i32, i32) {
    %c0_i32 = arith.constant 0 : i32
    %c0_i32_0 = arith.constant 0 : i32
    %c0_i32_1 = arith.constant 0 : i32
    return %c0_i32, %c0_i32_0 : i32, i32
  }
  func.func @transform_26(%arg0: i32) -> (i32, i32) {
    %c0_i32 = arith.constant 0 : i32
    %c0_i32_0 = arith.constant 0 : i32
    %c0_i32_1 = arith.constant 0 : i32
    return %c0_i32, %c0_i32_0 : i32, i32
  }
  func.func @transform_27(%arg0: i32) -> (i32, i32) {
    %c0_i32 = arith.constant 0 : i32
    %c0_i32_0 = arith.constant 0 : i32
    %c0_i32_1 = arith.constant 0 : i32
    return %c0_i32, %c0_i32_0 : i32, i32
  }
  func.func @transform_28(%arg0: i32) -> (i32, i32) {
    %c0_i32 = arith.constant 0 : i32
    %c0_i32_0 = arith.constant 0 : i32
    %c0_i32_1 = arith.constant 0 : i32
    return %c0_i32, %c0_i32_0 : i32, i32
  }
  func.func @transform_29(%arg0: i32) -> (i32, i32) {
    %c0_i32 = arith.constant 0 : i32
    %c0_i32_0 = arith.constant 0 : i32
    %c0_i32_1 = arith.constant 0 : i32
    return %c0_i32, %c0_i32_0 : i32, i32
  }
  func.func @transform_30(%arg0: i32) -> (i32, i32) {
    %c0_i32 = arith.constant 0 : i32
    %c0_i32_0 = arith.constant 0 : i32
    %c0_i32_1 = arith.constant 0 : i32
    return %c0_i32, %c0_i32_0 : i32, i32
  }
  func.func @transform_31(%arg0: i32) -> (i32, i32) {
    %c0_i32 = arith.constant 0 : i32
    %c0_i32_0 = arith.constant 0 : i32
    %c0_i32_1 = arith.constant 0 : i32
    return %c0_i32, %c0_i32_0 : i32, i32
  }
  func.func @transform_32(%arg0: i32) -> (i32, i32) {
    %c0_i32 = arith.constant 0 : i32
    %c0_i32_0 = arith.constant 0 : i32
    %c0_i32_1 = arith.constant 0 : i32
    return %c0_i32, %c0_i32_0 : i32, i32
  }
  func.func @transform_33(%arg0: i32) -> (i32, i32) {
    %c0_i32 = arith.constant 0 : i32
    %c0_i32_0 = arith.constant 0 : i32
    %c0_i32_1 = arith.constant 0 : i32
    return %c0_i32, %c0_i32_0 : i32, i32
  }
  func.func @transform_34(%arg0: i32) -> (i32, i32) {
    %c0_i32 = arith.constant 0 : i32
    %c0_i32_0 = arith.constant 0 : i32
    %c0_i32_1 = arith.constant 0 : i32
    return %c0_i32, %c0_i32_0 : i32, i32
  }
  func.func @transform_35(%arg0: i32) -> (i32, i32) {
    %c0_i32 = arith.constant 0 : i32
    %c0_i32_0 = arith.constant 0 : i32
    %c0_i32_1 = arith.constant 0 : i32
    return %c0_i32, %c0_i32_0 : i32, i32
  }
  func.func @transform_36(%arg0: i32) -> (i32, i32) {
    %c0_i32 = arith.constant 0 : i32
    %c0_i32_0 = arith.constant 0 : i32
    %c0_i32_1 = arith.constant 0 : i32
    return %c0_i32, %c0_i32_0 : i32, i32
  }
  func.func @transform_37(%arg0: i32) -> (i32, i32) {
    %c0_i32 = arith.constant 0 : i32
    %c0_i32_0 = arith.constant 0 : i32
    %c0_i32_1 = arith.constant 0 : i32
    return %c0_i32, %c0_i32_0 : i32, i32
  }
  func.func @transform_38(%arg0: i32) -> (i32, i32) {
    %c0_i32 = arith.constant 0 : i32
    %c0_i32_0 = arith.constant 0 : i32
    %c0_i32_1 = arith.constant 0 : i32
    return %c0_i32, %c0_i32_0 : i32, i32
  }
  func.func @transform_39(%arg0: i32) -> (i32, i32) {
    %c0_i32 = arith.constant 0 : i32
    %c0_i32_0 = arith.constant 0 : i32
    %c0_i32_1 = arith.constant 0 : i32
    return %c0_i32, %c0_i32_0 : i32, i32
  }
  func.func @transform_40(%arg0: i32) -> (i32, i32) {
    %c0_i32 = arith.constant 0 : i32
    %c0_i32_0 = arith.constant 0 : i32
    %c0_i32_1 = arith.constant 0 : i32
    return %c0_i32, %c0_i32_0 : i32, i32
  }
  func.func @transform_41(%arg0: i32) -> (i32, i32) {
    %c0_i32 = arith.constant 0 : i32
    %c0_i32_0 = arith.constant 0 : i32
    %c0_i32_1 = arith.constant 0 : i32
    return %c0_i32, %c0_i32_0 : i32, i32
  }
  func.func @transform_42(%arg0: i32) -> (i32, i32) {
    %c0_i32 = arith.constant 0 : i32
    %c0_i32_0 = arith.constant 0 : i32
    %c0_i32_1 = arith.constant 0 : i32
    return %c0_i32, %c0_i32_0 : i32, i32
  }
  func.func @transform_43(%arg0: i32) -> (i32, i32) {
    %c0_i32 = arith.constant 0 : i32
    %c0_i32_0 = arith.constant 0 : i32
    %c0_i32_1 = arith.constant 0 : i32
    return %c0_i32, %c0_i32_0 : i32, i32
  }
  func.func @transform_44(%arg0: i32) -> (i32, i32) {
    %c0_i32 = arith.constant 0 : i32
    %c0_i32_0 = arith.constant 0 : i32
    %c0_i32_1 = arith.constant 0 : i32
    return %c0_i32, %c0_i32_0 : i32, i32
  }
  func.func @transform_45(%arg0: i32) -> (i32, i32) {
    %c0_i32 = arith.constant 0 : i32
    %c0_i32_0 = arith.constant 0 : i32
    %c0_i32_1 = arith.constant 0 : i32
    return %c0_i32, %c0_i32_0 : i32, i32
  }
  func.func @transform_46(%arg0: i32) -> (i32, i32) {
    %c0_i32 = arith.constant 0 : i32
    %c0_i32_0 = arith.constant 0 : i32
    %c0_i32_1 = arith.constant 0 : i32
    return %c0_i32, %c0_i32_0 : i32, i32
  }
  func.func @transform_47(%arg0: i32) -> (i32, i32) {
    %c0_i32 = arith.constant 0 : i32
    %c0_i32_0 = arith.constant 0 : i32
    %c0_i32_1 = arith.constant 0 : i32
    return %c0_i32, %c0_i32_0 : i32, i32
  }
  func.func @transform_48(%arg0: i32) -> (i32, i32) {
    %c0_i32 = arith.constant 0 : i32
    %c0_i32_0 = arith.constant 0 : i32
    %c0_i32_1 = arith.constant 0 : i32
    return %c0_i32, %c0_i32_0 : i32, i32
  }
  func.func @transform_49(%arg0: i32) -> (i32, i32) {
    %c0_i32 = arith.constant 0 : i32
    %c0_i32_0 = arith.constant 0 : i32
    %c0_i32_1 = arith.constant 0 : i32
    return %c0_i32, %c0_i32_0 : i32, i32
  }
  func.func @transform_50(%arg0: i32) -> (i32, i32) {
    %c0_i32 = arith.constant 0 : i32
    %c0_i32_0 = arith.constant 0 : i32
    return %arg0, %c0_i32 : i32, i32
  }
}

</mosaic_0001>

<sc_bundles>
// kernel: kernel.4.cloned.1.call-start
scs
__scs_entry_jumppad:
0x0: {  	(pc) =	sbr.rel $0x88, $3  }
0x1: {  	(tag) =	ssettag $0x0;
	lr =	simm.s32 $0x1  }
0x2: {  	[smem:$0x3F76] =	sst lr;
	_ =	strace $0xD0000000  }
0x3: {  	_ = 	snop  }
0x4: {  	_ = 	snop  }
0x5: {  	_ = 	snop  }
0x6: {  	_ = 	snop  }
0x7: {  	_ = 	snop  }
__scs_overlays_trampoline_lowered:
0x8: {  	[smem:$0x3F85] =	sst s0  }
0x9: {  	[smem:$0x3F86] =	sst s1  }
0xa: {  	[smem:$0x3F87] =	sst s2  }
0xb: {  	[smem:$0x3F88] =	sst s3  }
0xc: {  	[smem:$0x3F89] =	sst s4  }
0xd: {  	[smem:$0x3F8A] =	sst s5  }
0xe: {  	[smem:$0x3F8B] =	sst s6  }
0xf: {  	[smem:$0x3F8C] =	sst s7  }
0x10: {  	[smem:$0x3F8D] =	sst s8  }
0x11: {  	[smem:$0x3F8E] =	sst s9;
	s0 =	simm.s32 @!p0 $0x0  }
0x12: {  	s1 =	sld [smem:$0x3F74];
	s0 =	simm.s32 @p0 $0x1  }
0x13: {  	[smem:$0x3F8F] =	sst s0;
	s0 =	simm.s32 @!p1 $0x0  }
0x14: {  	s2 =	sld [smem:$0x3F73];
	s0 =	simm.s32 @p1 $0x1  }
0x15: {  	[smem:$0x3F90] =	sst s0;
	s0 =	simm.s32 @!p2 $0x0  }
0x16: {  	s3 =	sld [smem:$0x3FDB];
	s0 =	simm.s32 @p2 $0x1  }
0x17: {  	s4 =	simm.s32 $0x1BF5;
	[smem:$0x3F92] =	sst s0  }
0x18: {  	s0 =	sld [smem:$0x3F75];
	_ =	swait.ge [sflag:s4], $0x0  }
0x19: {  	s7 =	sld [smem:$0x3F76]  }
0x1a: {  	s8 =	sadd.s32 $0xFFFFE003, lr  }
0x1b: {  	s9 =	sadd.s32 $0xFFFFFEF7, lr;
	s5 =	simm.s32 $0xFFFFFFFF;
	p2 =	slt.u32 s8, $0xFFFFF086  }
0x1c: {  	p1 =	slt.u32 s9, $0xF7A;
	s5 =	simm.s32 @!p2 $0x0  }
0x1d: {  	s5 =	simm.s32 @p1 $0x1;
	p0 =	seq.s32 s7, s2  }
0x1e: {  	s7 =	smul.u32 @!p0 $0xF7A, s2;
	p2 =	seq.s32 @!p0 s5, $0x0  }
0x1f: {  	s9 =	smul.u32 $0xF7A, s1;
	s8 =	simm.s32 @!p0 $0x1BF5;
	p2 =	por !p2, p0  }
0x20: {  	[sflag:s8] =	ssyncset.s32 @!p0 $0xFFFFF086;
	s6 =	sadd.s32 @!p0 s3, s7;
	s7 =	simm.s32 @!p0 $0x108  }
0x21: {  	s3 =	sadd.s32 s3, s9;
	s6 =	sadd.s32 @!p0 $0x88, s6;
	s7 =	simm.s32 @p2 $0x1082  }
0x22: {  	[simem:s7], [sflag:s8] =	dma.local @!p0 [hbm:s6], $0xF7A  }
0x23: {  	s9 =	sor.u32 $0xD0000000, s2;
	s6 =	simm.s32 $0x108;
	_ =	swait.ge @!p0 [sflag:s8], $0x0  }
0x24: {  	s3 =	sadd.s32 $0x88, s3;
	s6 =	simm.s32 @!p1 $0x1082;
	[sflag:s4] =	ssyncset.s32 $0xFFFFF086  }
0x25: {  	[simem:s6], [sflag:s4] =	dma.local [hbm:s3], $0xF7A  }
0x26: {  	[smem:$0x3F76] =	sst s1;
	(tag) =	ssettag s2;
	_ =	strace s9  }
0x27: {  	s1 =	sld [smem:$0x3F86]  }
0x28: {  	s2 =	sld [smem:$0x3F87]  }
0x29: {  	s4 =	sld [smem:$0x3F89]  }
0x2a: {  	p0 =	seq.s32 s5, $0x0;
	s5 =	sld [smem:$0x3F8A]  }
0x2b: {  	s6 =	sld [smem:$0x3F8B]  }
0x2c: {  	s7 =	sld [smem:$0x3F8C]  }
0x2d: {  	s3 =	simm.s32 $0x108;
	s8 =	sld [smem:$0x3F8D]  }
0x2e: {  	s3 =	simm.s32 @!p0 $0x1082;
	s9 =	sld [smem:$0x3F8E]  }
0x2f: {  	lr =	sadd.s32 s0, s3;
	s0 =	sld [smem:$0x3F85]  }
0x30: {  	s3 =	sld [smem:$0x3F88]  }
0x31: {  	[smem:$0x3F91] =	sst s10  }
0x32: {  	s10 =	sld [smem:$0x3F8F];
	_ =	sdelay $0x3  }
0x33: {  	p0 =	seq.s32 s10, $0x1;
	s10 =	sld [smem:$0x3F91];
	_ =	sdelay $0x3  }
0x34: {  	[smem:$0x3F91] =	sst s10  }
0x35: {  	s10 =	sld [smem:$0x3F90];
	_ =	sdelay $0x3  }
0x36: {  	p1 =	seq.s32 s10, $0x1;
	s10 =	sld [smem:$0x3F91];
	_ =	sdelay $0x3  }
0x37: {  	[smem:$0x3F91] =	sst s10  }
0x38: {  	s10 =	sld [smem:$0x3F92]  }
0x39: {  	_ = 	snop;
	(pc) =	sbr.ind lr, $3  }
0x3a: {  	_ = 	snop  }
0x3b: {  	_ = 	snop  }
0x3c: {  	p2 =	seq.s32 s10, $0x1;
	s10 =	sld [smem:$0x3F91]  }
0x3d: {  	_ =	shalt  }
0x3e: {  	_ =	shalt  }
0x3f: {  	_ =	shalt  }
0x40: {  	_ =	shalt  }
0x41: {  	_ =	shalt  }
0x42: {  	_ =	shalt  }
0x43: {  	_ =	shalt  }
0x44: {  	_ =	shalt  }
0x45: {  	_ =	shalt  }
0x46: {  	_ =	shalt  }
0x47: {  	_ =	shalt  }
0x48: {  	_ =	shalt  }
0x49: {  	_ =	shalt  }
0x4a: {  	_ =	shalt  }
0x4b: {  	_ =	shalt  }
0x4c: {  	_ =	shalt  }
0x4d: {  	_ =	shalt  }
0x4e: {  	_ =	shalt  }
0x4f: {  	_ =	shalt  }
0x50: {  	_ =	shalt  }
0x51: {  	_ =	shalt  }
0x52: {  	_ =	shalt  }
0x53: {  	_ =	shalt  }
0x54: {  	_ =	shalt  }
0x55: {  	_ =	shalt  }
0x56: {  	_ =	shalt  }
0x57: {  	_ =	shalt  }
0x58: {  	_ =	shalt  }
0x59: {  	_ =	shalt  }
0x5a: {  	_ =	shalt  }
0x5b: {  	_ =	shalt  }
0x5c: {  	_ =	shalt  }
0x5d: {  	_ =	shalt  }
0x5e: {  	_ =	shalt  }
0x5f: {  	_ =	shalt  }
0x60: {  	_ =	shalt  }
0x61: {  	_ =	shalt  }
0x62: {  	_ =	shalt  }
0x63: {  	_ =	shalt  }
0x64: {  	_ =	shalt  }
0x65: {  	_ =	shalt  }
0x66: {  	_ =	shalt  }
0x67: {  	_ =	shalt  }
0x68: {  	_ =	shalt  }
0x69: {  	_ =	shalt  }
0x6a: {  	_ =	shalt  }
0x6b: {  	_ =	shalt  }
0x6c: {  	_ =	shalt  }
0x6d: {  	_ =	shalt  }
0x6e: {  	_ =	shalt  }
0x6f: {  	_ =	shalt  }
0x70: {  	_ =	shalt  }
0x71: {  	_ =	shalt  }
0x72: {  	_ =	shalt  }
0x73: {  	_ =	shalt  }
0x74: {  	_ =	shalt  }
0x75: {  	_ =	shalt  }
0x76: {  	_ =	shalt  }
0x77: {  	_ =	shalt  }
0x78: {  	_ =	shalt  }
0x79: {  	_ =	shalt  }
0x7a: {  	_ =	shalt  }
0x7b: {  	_ =	shalt  }
0x7c: {  	_ =	shalt  }
0x7d: {  	_ =	shalt  }
0x7e: {  	_ =	shalt  }
0x7f: {  	_ =	shalt  }
0x80: {  	_ =	shalt  }
0x81: {  	_ =	shalt  }
0x82: {  	_ =	shalt  }
0x83: {  	_ =	shalt  }
0x84: {  	_ =	shalt  }
0x85: {  	_ =	shalt  }
0x86: {  	_ =	shalt  }
0x87: {  	_ =	shalt  }
.Lfunc_end0:
.L_simem_size_0:
called_computation_lowered:
.L_overlay_start_0:
0x88: {  	s2 =	sld [smem:$0x3FD9]  }
0x89: {  	s3 =	sld [smem:$0x3FFE];
	_ =	sdelay $0x1  }
0x8a: {  	s1 =	srdreg.scid  }
0x8b: {  	s0 =	sand.u32 $0x1, s1  }
0x8c: {  	s17 =	sshll.u32 s0, $0xA;
	s2 =	sadd.s32 s3, s2  }
0x8d: {  	s2 =	sadd.s32 s2, s17  }
0x8e: {  	[smem:$0x3F9D] =	sst s2  }
0x8f: {  	_ = 	snop  }
0x90: {  	s2 =	sld [smem:$0x3FD0];
	(tm) =	ssettm $0x1  }
0x91: {  	s18 =	sld [smem:$0x3FFB];
	_ =	sdelay $0x3  }
0x92: {  	_ =	strace s18  }
0x93: {  	s3 =	sld [smem:$0x3FFC];
	_ =	sdelay $0x3  }
0x94: {  	_ =	strace s3  }
0x95: {  	s3 =	sld [smem:$0x3FFD];
	_ =	sdelay $0x3  }
0x96: {  	_ =	strace s3  }
0x97: {  	_ =	strace $0x8FFFFFFF  }
0x98: {  	s19 =	sld [smem:$0x3FDB];
	_ =	sdelay $0x1  }
0x99: {  	s4 =	simm.s32 $_scs_section_size  }
0x9a: {  	s5 =	simm.s32 $_size__tile_overlayer_lowered;
	s6 =	simm.s32 $_tile_overlayer_lowered  }
0x9b: {  	s22 =	simm.s32 $0x1BFF;
	s21 =	sshll.u32 s6, $0x1;
	s3 =	sadd.s32 s4, s19  }
0x9c: {  	s7 =	simm.s32 $0x0;
	s20 =	sshll.u32 s5, $0x1;
	s5 =	sadd.s32 s21, s3  }
0x9d: {  	[timem:s7], [sflag:s22] =	dma.local [hbm:s5], s20  }
0x9e: {  	_ =	swait.ge [sflag:s22], s20  }
0x9f: {  	s4 =	ssub.s32 $0x0, s20;
	[sflag:s22] =	ssyncset.done $0x0  }
0xa0: {  	[sflag:s22] =	ssyncadd.s32 s4;
	_ =	sdelay $0x1  }
0xa1: {  	s23 =	simm.s32 $0x1B8B  }
0xa2: {  	_ =	swait.ge [sflag:s23], $0x1  }
0xa3: {  	[sflag:s23] =	ssyncset.done $0x0  }
0xa4: {  	s25 =	simm.s32 $0x1B8E;
	s24 =	sld [smem:$0x3FFE];
	[sflag:s23] =	ssyncadd.s32 $0xFFFFFFFF  }
0xa5: {  	s26 =	simm.s32 $execute0_lowered;
	[smem:$0x3FD2] =	sst s25  }
0xa6: {  	s5 =	sshll.u32 s26, $0x1;
	_ =	strace $0x80000046;
	[dreg:$0x1] =	wrdreg $0xFFFFFFFF  }
0xa7: {  	s28 =	simm.s32 $_size_execute0_lowered;
	s3 =	sadd.s32 s3, s5;
	[dreg:$0x0] =	wrdreg $0x0  }
0xa8: {  	s5 =	sshll.u32 s28, $0x1;
	[dreg:$0x2] =	wrdreg s3  }
0xa9: {  	[dreg:$0x3] =	wrdreg s5  }
0xaa: {  	[dreg:$0x4] =	wrdreg $0xC0  }
0xab: {  	_ =	task [dreg:s7], $0x5FFFF  }
0xac: {  	[dreg:$0x1] =	wrdreg $0xFFFFFFFF  }
0xad: {  	[dreg:$0x0] =	wrdreg $0x60  }
0xae: {  	[dreg:$0x2] =	wrdreg s24  }
0xaf: {  	[dreg:$0x3] =	wrdreg s2  }
0xb0: {  	[dreg:$0x4] =	wrdreg $0x9  }
0xb1: {  	_ =	task.clear_ibuf [dreg:s7], $0x5FFFF;
	_ =	strace $0x90000046  }
0xb2: {  	s29 =	simm.s32 $0x9;
	_ =	strace $0x80000048  }
0xb3: {  	_ =	swait.ge [sflag:s29], $0x1  }
0xb4: {  	[sflag:s29] =	ssyncadd.s32 $0xFFFFFFFF  }
0xb5: {  	_ =	strace $0x90000048  }
0xb6: {  	_ =	sfence  }
0xb7: {  	s30 =	sld [smem:$0x0];
	_ =	sdelay $0x2  }
0xb8: {  	s31 =	sshll.u32 s1, $0xD;
	s1 =	sshrl.u32 s1, $0x2  }
0xb9: {  	s3 =	sand.u32 $0x4000, s31;
	s1 =	sadd.s32 s1, s30  }
0xba: {  	s0 =	sor.u32 s3, s0;
	s1 =	sshll.u32 s1, $0x11  }
0xbb: {  	s0 =	sor.u32 s1, s0  }
0xbc: {  	s0 =	sadd.s32 $0x8F2B, s0  }
0xbd: {  	[sflag:s0] =	ssyncadd.remote.s32 $0x1  }
0xbe: {  	_ =	sfence.sel $0xFFFF  }
0xbf: {  	[dreg:$0x0] =	wrdreg $0xFFFFFFFF;
	(pc) =	sbr.abs _section_cstart, $3  }
0xc0: {  	[dreg:$0x1] =	wrdreg $0xFFFFFFFF  }
0xc1: {  	_ =	task.clear_ibuf [dreg:s7], $0x2FFFF;
	_ =	strace $0x9FFFFFFF  }
0xc2: {  	(tm) =	ssettm $0x7FFFFFFF  }
0xc3: {  	_ =	shalt  }
tec
execute0_lowered:
.L_overlay_start_1:
0x0: {  	(tag) =	ssettag $0x1  }
0x1: {  	s1 =	srdreg.scid  }
0x2: {  	s0 =	stileid.u32;
	s12 =	sand.u32 $0x1, s1  }
0x3: {  	s11 =	rddreg [dreg:$0x0];
	s30 =	sshll.u32 s0, $0x6;
	s2 =	sshll.u32 s12, $0x5  }
0x4: {  	s10 =	rddreg [dreg:$0x1];
	s9 =	sor.u32 s2, s30  }
0x5: {  	s1 =	rddreg [dreg:$0x2];
	s2 =	simm.s32 $0x0;
	s13 =	sshrl.u32 s9, $0x3  }
0x6: {  	[smem:$0x7FF] =	sst s2;
	s3 =	sadd.s32 s13, s11  }
0x7: {  	_ =	strace $0x80000047;
	s4 =	sadd.s32 $0x49B800, s3;
	s3 =	simm.s32 $0x2  }
0x8: {  	[tilespmem:s2], [sflag:$0x2] =	stream.linear.gather [hbm4b:s4+s2], $0x20, $0x38;
	[tilespmem:$0x1080] =	vst v63  }
0x9: {  	_ =	swait.ge [sflag:s3], $0x20  }
0xa: {  	s6 =	simm.s32 $0x20;
	s7 =	simm.s32 $0x80;
	[sflag:s3] =	ssyncset.done $0x0  }
0xb: {  	s8 =	simm.s32 $0x1;
	s5 =	sadd.s32 $0x3D8200, s11;
	[sflag:s3] =	ssyncadd.s32 $0xFFFFFFE0  }
0xc: {  	[tilespmem:s7], [sflag:$0x1] =	stream.indirect.gather [hbm4b:s5+s6], $0x80, s2, s6, $0xb8;
	[tilespmem:$0x1080] =	vst v63  }
0xd: {  	s9 =	sshll.u32 s9, $0x4;
	_ =	swait.ge [sflag:s8], $0x1000  }
0xe: {  	s14 =	sadd.s32 s9, s11;
	[sflag:s8] =	ssyncset.done $0x0  }
0xf: {  	s9 =	sadd.s32 $0x49BA00, s14;
	[sflag:s8] =	ssyncadd.s32 $0xFFFFF000  }
0x10: {  	[hbm4b:s9+s2] =	stream.linear.scatter [tilespmem:s7], [sflag:$0x2], $0x1000, $0x38;
	[tilespmem:$0x1080] =	vst v63  }
0x11: {  	_ =	swait.ge [sflag:s3], $0x1000  }
0x12: {  	[sflag:s3] =	ssyncset.done $0x0  }
0x13: {  	s12 =	ssub.s32 $0x2, s12;
	s10 =	sadd.s32 s10, s13;
	[sflag:s3] =	ssyncadd.s32 $0xFFFFF000  }
0x14: {  	[tilespmem:s2], [sflag:$0x2] =	stream.linear.gather [hbm4b:s10+s2], $0x20, $0x38;
	[tilespmem:$0x1080] =	vst v63  }
0x15: {  	s31 =	sshrl.u32 s12, $0x1;
	_ =	swait.ge [sflag:s3], $0x20  }
0x16: {  	s13 =	ssub.s32 s12, s31;
	[sflag:s3] =	ssyncset.done $0x0  }
0x17: {  	s11 =	sadd.s32 $0x18E200, s11;
	s13 =	smax.u32 s13, $0x1;
	[sflag:s3] =	ssyncadd.s32 $0xFFFFFFE0  }
0x18: {  	[tilespmem:s7], [sflag:$0x1] =	stream.indirect.gather [hbm4b:s11+s6], $0x80, s2, s6, $0xb8;
	[tilespmem:$0x1080] =	vst v63  }
0x19: {  	p0 =	sne.s32 s13, $0x1;
	_ =	swait.ge [sflag:s8], $0x1000  }
.Ltmp0:
0x1a: {  	[sflag:s8] =	ssyncset.done $0x0;
	(pc) =	sbr.rel @!p0 .LBB2_2-.Ltmp0, $4  }
0x1b: {  	s12 =	sadd.s32 $0x49FA00, s14;
	[sflag:s8] =	ssyncadd.s32 $0xFFFFF000  }
0x1c: {  	[hbm4b:s12+s2] =	stream.linear.scatter [tilespmem:s7], [sflag:$0x2], $0x1000, $0x38;
	[tilespmem:$0x1080] =	vst v63  }
0x1d: {  	_ =	swait.ge [sflag:s3], $0x1000  }
0x1e: {  	s13 =	sadd.s32 $0xFFFFFFFF, s13;
	[sflag:s3] =	ssyncset.done $0x0  }
.LBB2_1:
0x1f: {  	p0 =	sne.s32 s13, $0x1;
	s13 =	sadd.s32 $0xFFFFFFFF, s13;
	[sflag:s3] =	ssyncadd.s32 $0xFFFFF000  }
0x20: {  	[tilespmem:s2], [sflag:$0x2] =	stream.linear.gather [hbm4b:s4+s2], $0x20, $0x38;
	[tilespmem:$0x1080] =	vst v63  }
0x21: {  	_ =	swait.ge [sflag:s3], $0x20  }
0x22: {  	[sflag:s3] =	ssyncset.done $0x0  }
0x23: {  	[sflag:s3] =	ssyncadd.s32 $0xFFFFFFE0  }
0x24: {  	[tilespmem:s7], [sflag:$0x1] =	stream.indirect.gather [hbm4b:s5+s6], $0x80, s2, s6, $0xb8;
	[tilespmem:$0x1080] =	vst v63  }
0x25: {  	_ =	swait.ge [sflag:s8], $0x1000  }
0x26: {  	[sflag:s8] =	ssyncset.done $0x0  }
0x27: {  	[sflag:s8] =	ssyncadd.s32 $0xFFFFF000  }
0x28: {  	[hbm4b:s9+s2] =	stream.linear.scatter [tilespmem:s7], [sflag:$0x2], $0x1000, $0x38;
	[tilespmem:$0x1080] =	vst v63  }
0x29: {  	_ =	swait.ge [sflag:s3], $0x1000  }
0x2a: {  	[sflag:s3] =	ssyncset.done $0x0  }
0x2b: {  	[sflag:s3] =	ssyncadd.s32 $0xFFFFF000  }
0x2c: {  	[tilespmem:s2], [sflag:$0x2] =	stream.linear.gather [hbm4b:s10+s2], $0x20, $0x38;
	[tilespmem:$0x1080] =	vst v63  }
0x2d: {  	_ =	swait.ge [sflag:s3], $0x20  }
0x2e: {  	[sflag:s3] =	ssyncset.done $0x0  }
0x2f: {  	[sflag:s3] =	ssyncadd.s32 $0xFFFFFFE0  }
0x30: {  	[tilespmem:s7], [sflag:$0x1] =	stream.indirect.gather [hbm4b:s11+s6], $0x80, s2, s6, $0xb8;
	[tilespmem:$0x1080] =	vst v63  }
0x31: {  	_ =	swait.ge [sflag:s8], $0x1000  }
.Ltmp1:
0x32: {  	[sflag:s8] =	ssyncset.done $0x0;
	(pc) =	sbr.rel @p0 .LBB2_1-.Ltmp1, $4  }
0x33: {  	[sflag:s8] =	ssyncadd.s32 $0xFFFFF000  }
0x34: {  	[hbm4b:s12+s2] =	stream.linear.scatter [tilespmem:s7], [sflag:$0x2], $0x1000, $0x38;
	[tilespmem:$0x1080] =	vst v63  }
0x35: {  	_ =	swait.ge [sflag:s3], $0x1000  }
0x36: {  	[sflag:s3] =	ssyncset.done $0x0  }
.LBB2_2:
0x37: {  	[sflag:s3] =	ssyncadd.s32 $0xFFFFF000  }
0x38: {  	_ =	sfence.sel $0x180000  }
0x39: {  	[bflag:$0x0] =	sbarrier.arrive $0xFFFF  }
0x3a: {  	p0 =	sne.s32 s0, $0x0;
	_ =	strace $0x90000047  }
0x3b: {  	s0 =	sadd.s32 @!p0 $0x100000, s1;
	[bflag:$0x2] =	sbarrier.arrive $0xFFFF  }
0x3c: {  	[sflag:s0] =	ssyncadd.tile.s32 @!p0 $0x1;
	_ =	shalt  }
.Lfunc_end2:
_tile_overlayer_lowered:
.L_overlay_start_2:
0x3d: {  	(tag) =	ssettag $0x2  }
0x3e: {  	s0 =	rddreg [dreg:$0x0];
	s2 =	stileid.u32  }
0x3f: {  	s1 =	rddreg [dreg:$0x1];
	p0 =	sne.s32 s2, $0x0  }
0x40: {  	s3 =	rddreg [dreg:$0x2];
	[bflag:$0x3] =	sbarrier.arrive $0xFFFF;
	s2 =	simm.s32 @!p0 $0x1C02  }
0x41: {  	[timem:s3], [sflag:s2] =	dma.local @!p0 [hbm:s0], s1  }
0x42: {  	s0 =	simm.s32 @!p0 $0x2  }
0x43: {  	_ =	swait.ge @!p0 [sflag:s0], s1  }
0x44: {  	s1 =	ssub.s32 @!p0 $0x0, s1;
	[sflag:s0] =	ssyncset.done @!p0 $0x0  }
0x45: {  	[sflag:s0] =	ssyncadd.s32 @!p0 s1  }
0x46: {  	[bflag:$0x3] =	sbarrier.arrive $0xFFFF  }
0x47: {  	_ =	shalt  }

</sc_bundles>
